<compile_context>
chip_gen: v7x
topology: tpu7x:2x2x1
jax: 0.10.2.dev20260603
libtpu: 0.0.44.dev20260713+nightly
codegen_flags: <defaults>
</compile_context>

<pallas_src>
import functools

import jax
import jax.numpy as jnp
from jax import lax
from jax.experimental import pallas as pl
from jax.experimental.pallas import tpu as pltpu
from jax.experimental.pallas import tpu_sc as plsc

_ROWS = 4096
_COLS_P = 1024
_BLK_C = 128
_N_WORKERS = 32
_CLS_PER_W = _COLS_P // _N_WORKERS
_CHUNK = 8
_UNROLL = 8


def _bce(x, z):
    return jnp.maximum(x, 0.0) - x * z + jnp.log1p(jnp.exp(-jnp.abs(x)))


def _order_key(x):
    u = lax.bitcast_convert_type(x, jnp.uint32)
    neg = (u >> 31).astype(jnp.bool_)
    return jnp.where(neg, ~u, u | jnp.uint32(0x80000000))


def _order_key_inv(t):
    u = jnp.where(t >= jnp.uint32(0x80000000), t ^ jnp.uint32(0x80000000), ~t)
    return lax.bitcast_convert_type(u, jnp.float32)


def _keys_and_masks(pred, tgt):
    pos = jnp.sum(tgt, axis=0, keepdims=True)
    pos_gt = (pos >= (_ROWS / 2)).astype(pred.dtype)
    majority = tgt == pos_gt
    g = jnp.where(pos_gt > 0.5, -pred, pred)
    ukey = jnp.where(majority, _order_key(g), jnp.uint32(0))
    return pos_gt, majority, ukey


def _valid_lanes(cols):
    col0 = pl.program_id(0) * _BLK_C
    lane = lax.broadcasted_iota(jnp.int32, (1, _BLK_C), 1)
    return (col0 + lane) < cols


def _stage1_kernel(pred_ref, tgt_ref, keys_ref, kmin_ref, posgt_ref, *,
                   cols):
    pred = pred_ref[...]
    tgt = tgt_ref[...]
    pos_gt, majority, ukey = _keys_and_masks(pred, tgt)
    kmin = jnp.sum(jnp.where(majority, 0, 1), axis=0, keepdims=True)
    kmin = jnp.where(_valid_lanes(cols), kmin, 0)
    keys_ref[...] = ukey.T
    kmin_ref[...] = kmin.reshape(1, 1, _BLK_C)
    posgt_ref[...] = pos_gt.reshape(1, 1, _BLK_C)


def _stage1(pred, tgt):
    return pl.pallas_call(
        functools.partial(_stage1_kernel, cols=pred.shape[1]),
        grid=(_COLS_P // _BLK_C,),
        in_specs=[
            pl.BlockSpec((_ROWS, _BLK_C), lambda i: (0, i)),
            pl.BlockSpec((_ROWS, _BLK_C), lambda i: (0, i)),
        ],
        out_specs=[
            pl.BlockSpec((_BLK_C, _ROWS), lambda i: (i, 0)),
            pl.BlockSpec((1, 1, _BLK_C), lambda i: (i, 0, 0)),
            pl.BlockSpec((1, 1, _BLK_C), lambda i: (i, 0, 0)),
        ],
        out_shape=[
            jax.ShapeDtypeStruct((_COLS_P, _ROWS), jnp.uint32),
            jax.ShapeDtypeStruct((_COLS_P // _BLK_C, 1, _BLK_C), jnp.int32),
            jax.ShapeDtypeStruct((_COLS_P // _BLK_C, 1, _BLK_C), jnp.float32),
        ],
    )(pred, tgt)


def _sc_search_kernel(keys_hbm, kmin_hbm, t_hbm, kbuf0, kbuf1, kminbuf, tbuf,
                      sem0, sem1):
    wid = lax.axis_index("s") * 2 + lax.axis_index("c")
    base = wid * _CLS_PER_W
    pltpu.sync_copy(kmin_hbm.at[pl.ds(base, _CLS_PER_W)], kminbuf)
    bufs = [kbuf0, kbuf1]
    sems = [sem0, sem1]
    n_chunks = _CLS_PER_W // _CHUNK

    def _start(i):
        return pltpu.async_copy(
            keys_hbm.at[pl.ds(base + i * _CHUNK, _CHUNK)],
            bufs[i % 2],
            sems[i % 2],
        )

    pending = {0: _start(0)}
    for grp in range(_CLS_PER_W // 16):
        kvec = kminbuf[pl.ds(grp * 16, 16)]
        tvec = jnp.zeros((16,), jnp.uint32)
        for chunk in range(16 // _CHUNK):
            ci = grp * (16 // _CHUNK) + chunk
            pending.pop(ci).wait()
            if ci + 1 < n_chunks:
                pending[ci + 1] = _start(ci + 1)
            kbuf = bufs[ci % 2]
            for cl in range(_CHUNK):
                lane = chunk * _CHUNK + cl
                kk = kvec[lane]

                def outer(_, lohi, cl=cl):
                    lo, hi = lohi
                    mid = lo + ((hi - lo + jnp.uint32(1)) >> jnp.uint32(1))
                    midv = jnp.full((16,), mid, jnp.uint32)

                    def inner(j, acc, cl=cl, midv=midv):
                        base = j * (16 * _UNROLL)
                        for u in range(_UNROLL):
                            ks = kbuf[cl, pl.ds(base + u * 16, 16)]
                            acc = acc + plsc.all_reduce_population_count(
                                ks >= midv
                            )
                        return acc

                    acc = lax.fori_loop(
                        0,
                        _ROWS // (16 * _UNROLL),
                        inner,
                        jnp.zeros((16,), jnp.int32),
                    )
                    cnt = acc[0]
                    ok = cnt >= kk
                    return (
                        lax.select(ok, mid, lo),
                        lax.select(ok, hi, mid - jnp.uint32(1)),
                    )

                lo, _ = lax.fori_loop(
                    0, 32, outer, (jnp.uint32(0), jnp.uint32(0xFF800000))
                )
                lane_ids = lax.iota(jnp.int32, 16)
                tvec = jnp.where(lane_ids == lane, lo, tvec)
        tbuf[pl.ds(grp * 16, 16)] = tvec
    pltpu.sync_copy(tbuf, t_hbm.at[pl.ds(base, _CLS_PER_W)])


_sc_search = functools.partial(
    pl.kernel,
    mesh=plsc.VectorSubcoreMesh(core_axis_name="c", subcore_axis_name="s"),
    out_type=jax.ShapeDtypeStruct((_COLS_P,), jnp.uint32),
    scratch_types=[
        pltpu.VMEM((_CHUNK, _ROWS), jnp.uint32),
        pltpu.VMEM((_CHUNK, _ROWS), jnp.uint32),
        pltpu.VMEM((_CLS_PER_W,), jnp.int32),
        pltpu.VMEM((_CLS_PER_W,), jnp.uint32),
        pltpu.SemaphoreType.DMA,
        pltpu.SemaphoreType.DMA,
    ],
    compiler_params=pltpu.CompilerParams(needs_layout_passes=False),
)(_sc_search_kernel)


def _stage3_kernel(pred_ref, tgt_ref, posgt_ref, kmin_ref, t_ref, out_ref, *,
                   cols):
    i = pl.program_id(0)
    pred = pred_ref[...]
    tgt = tgt_ref[...]
    pos_gt = posgt_ref[0]
    kmin = kmin_ref[0]
    t = t_ref[0]

    _, majority, ukey = _keys_and_masks(pred, tgt)
    gt = ukey > t
    cnt_gt = jnp.sum(jnp.where(gt, 1, 0), axis=0, keepdims=True)
    loss = _bce(pred, tgt)
    sum_sel = jnp.sum(
        jnp.where(gt | (~majority), loss, 0.0), axis=0, keepdims=True
    )
    gval = _order_key_inv(t)
    pb = jnp.where(pos_gt > 0.5, -gval, gval)
    lossb = _bce(pb, pos_gt)
    tie = (kmin - cnt_gt).astype(jnp.float32)
    keep = jnp.logical_and(kmin > 0, _valid_lanes(cols))
    csum = jnp.where(keep, sum_sel + tie * lossb, 0.0)

    @pl.when(i == 0)
    def _():
        out_ref[0, 0] = 0.0

    out_ref[0, 0] += jnp.sum(csum)


def _stage3(pred, tgt, posgt3, kmin3, t3):
    return pl.pallas_call(
        functools.partial(_stage3_kernel, cols=pred.shape[1]),
        grid=(_COLS_P // _BLK_C,),
        in_specs=[
            pl.BlockSpec((_ROWS, _BLK_C), lambda i: (0, i)),
            pl.BlockSpec((_ROWS, _BLK_C), lambda i: (0, i)),
            pl.BlockSpec((1, 1, _BLK_C), lambda i: (i, 0, 0)),
            pl.BlockSpec((1, 1, _BLK_C), lambda i: (i, 0, 0)),
            pl.BlockSpec((1, 1, _BLK_C), lambda i: (i, 0, 0)),
        ],
        out_specs=pl.BlockSpec(memory_space=pltpu.SMEM),
        out_shape=jax.ShapeDtypeStruct((1, 1), jnp.float32),
        compiler_params=pltpu.CompilerParams(
            dimension_semantics=("arbitrary",)
        ),
    )(pred, tgt, posgt3, kmin3, t3)


@jax.jit
def kernel(pred, target):
    rows, cols = pred.shape
    keys_t, kmin3, posgt3 = _stage1(pred, target)
    t_flat = _sc_search(keys_t, kmin3.reshape(-1))
    t3 = t_flat.reshape(_COLS_P // _BLK_C, 1, _BLK_C)
    total = _stage3(pred, target, posgt3, kmin3, t3)
    return total[0, 0] / (rows * cols)

# --- scband reference (transcript-rebuilt; emitter-appended) ---
"""Pipeline reference for scband-down-sampling-17987323036116 (READ-ONLY COPY).

The authoritative reference and input builder live on the scoring server;
editing this copy changes nothing except your own understanding.
"""

import jax, jax.numpy as jnp
import numpy as np


def bce_with_logits(x, z):
    # numerically stable BCEWithLogitsLoss(reduction='none')
    return jnp.maximum(x, 0.0) - x * z + jnp.log1p(jnp.exp(-jnp.abs(x)))


def setup_inputs(seed: int = 0) -> dict:
    key = jax.random.key(seed)
    k1, k2 = jax.random.split(key)
    B, C = 4096, 1000
    pred = jax.random.normal(k1, (B, C), dtype=jnp.float32)
    target = jax.random.randint(k2, (B, C), 0, 2).astype(jnp.float32)
    return {"pred": pred, "target": target}


def reference(pred, target):
    # loss = BCEWithLogitsLoss(reduction='none')(pred, target)
    loss = bce_with_logits(pred, target)
    B, C = pred.shape

    # per-class positive/negative counts
    pos_sum = target.sum(axis=0)                       # [C]
    neg_sum = B - pos_sum                              # [C]
    pos_gt = (pos_sum >= neg_sum).astype(pred.dtype)   # [C], majority label per class

    # majority / minority sample masks per class (vectorized over the python loop)
    majority = (target == pos_gt[None, :])             # [B, C]
    minority = ~majority                               # [B, C]
    n_min = minority.sum(axis=0)                       # [C]

    # rank majority samples by loss, descending (non-majority pushed to the end)
    masked = jnp.where(majority, loss, -jnp.inf)       # [B, C]
    order = jnp.argsort(-masked, axis=0)               # descending loss order per class
    ranks = jnp.argsort(order, axis=0)                 # rank of each row per class

    # top-|minority| majority samples get weight 1; all minority samples get weight 1
    top_mask = ranks < n_min[None, :]
    weights = jnp.where((majority & top_mask) | minority, 1.0, 0.0).astype(pred.dtype)

    loss2 = bce_with_logits(pred, target) * weights
    return loss2.mean()

if __name__ == "__main__":
    import jax
    _d = setup_inputs()
    print(jax.jit(kernel)(*tuple(_d.values())))

</pallas_src>

<mosaic_0001>
#map = affine_map<(d0, d1) -> (0, 0)>
#map1 = affine_map<(d0, d1) -> (0)>
module attributes {stable_mosaic.version = 14 : i64} {
  func.func @_sc_search_kernel(%arg0: i32, %arg1: i32, %arg2: memref<1024x4096xi32, #tpu.memory_space<hbm>>, %arg3: memref<1024xi32, #tpu.memory_space<hbm>>, %arg4: memref<1024xi32, #tpu.memory_space<hbm>>, %arg5: memref<8x4096xi32, #tpu.memory_space<vmem>>, %arg6: memref<8x4096xi32, #tpu.memory_space<vmem>>, %arg7: memref<32xi32, #tpu.memory_space<vmem>>, %arg8: memref<32xi32, #tpu.memory_space<vmem>>, %arg9: memref<!tpu.dma_semaphore, #tpu.memory_space<semaphore_mem>>, %arg10: memref<!tpu.dma_semaphore, #tpu.memory_space<semaphore_mem>>) attributes {dimension_semantics = [#tpu.dimension_semantics<core_parallel>, #tpu.dimension_semantics<subcore_parallel>], iteration_bounds = array<i64: 2, 16>, scalar_prefetch = 0 : i64, scratch_operands = 6 : i64, tpu.core_type = #tpu.core_type<sc_vector_subcore>, window_params = [{transform_indices = #map}, {transform_indices = #map1}, {transform_indices = #map1}]} {
    %mul3A = arith.constant 2 : i32
    %mul3A_0 = arith.muli %arg1, %mul3A : i32
    %add3A = arith.addi %mul3A_0, %arg0 : i32
    %mul3A_1 = arith.constant 32 : i32
    %mul3A_2 = arith.muli %add3A, %mul3A_1 : i32
    "tpu.region"() ({
      %run_scoped3A = tpu.sem_alloc : memref<!tpu.dma_semaphore, #tpu.memory_space<semaphore_mem>>
      %dma_start3A_556 = tpu.memref_slice %arg3[%mul3A_2] : memref<1024xi32, #tpu.memory_space<hbm>> -> memref<32xi32, #tpu.memory_space<hbm>>
      %dma_start3A_557 = tpu.memref_slice %arg3[%mul3A_2] : memref<1024xi32, #tpu.memory_space<hbm>> -> memref<32xi32, #tpu.memory_space<hbm>>
      tpu.enqueue_dma source(%dma_start3A_557 : memref<32xi32, #tpu.memory_space<hbm>>) target(%arg7 : memref<32xi32, #tpu.memory_space<vmem>>) target_semaphore(%run_scoped3A : memref<!tpu.dma_semaphore, #tpu.memory_space<semaphore_mem>>)
      %dma_wait3A_558 = tpu.memref_slice %arg3[%mul3A_2] : memref<1024xi32, #tpu.memory_space<hbm>> -> memref<32xi32, #tpu.memory_space<hbm>>
      %dma_wait3A_559 = tpu.memref_slice %arg3[%mul3A_2] : memref<1024xi32, #tpu.memory_space<hbm>> -> memref<32xi32, #tpu.memory_space<hbm>>
      tpu.wait_dma2 semaphore(%run_scoped3A : memref<!tpu.dma_semaphore, #tpu.memory_space<semaphore_mem>>) src(%dma_wait3A_559 : memref<32xi32, #tpu.memory_space<hbm>>) dst(%arg7 : memref<32xi32, #tpu.memory_space<vmem>>)
      tpu.yield
    }) : () -> ()
    %add3A_3 = arith.constant 0 : i32
    %add3A_4 = arith.addi %mul3A_2, %add3A_3 : i32
    %dma_start3A = arith.constant 0 : i32
    %dma_start3A_5 = tpu.memref_slice %arg2[%add3A_4, %dma_start3A] : memref<1024x4096xi32, #tpu.memory_space<hbm>> -> memref<8x4096xi32, #tpu.memory_space<hbm>>
    %dma_start3A_6 = arith.constant 0 : i32
    %dma_start3A_7 = tpu.memref_slice %arg2[%add3A_4, %dma_start3A_6] : memref<1024x4096xi32, #tpu.memory_space<hbm>> -> memref<8x4096xi32, #tpu.memory_space<hbm>>
    tpu.enqueue_dma source(%dma_start3A_7 : memref<8x4096xi32, #tpu.memory_space<hbm>>) target(%arg5 : memref<8x4096xi32, #tpu.memory_space<vmem>>) target_semaphore(%arg9 : memref<!tpu.dma_semaphore, #tpu.memory_space<semaphore_mem>>)
    %get3A = arith.constant 0 : index
    %get3A_8 = tpu.vector_load %arg7[%get3A] {strides = array<i32>} : memref<32xi32, #tpu.memory_space<vmem>>, vector<16xi32>,
    %broadcast_in_dim3A = arith.constant 0 : i32
    %broadcast_in_dim3A_9 = vector.broadcast %broadcast_in_dim3A : i32 to vector<16xi32>
    %dma_wait3A = arith.constant 0 : i32
    %dma_wait3A_10 = tpu.memref_slice %arg2[%add3A_4, %dma_wait3A] : memref<1024x4096xi32, #tpu.memory_space<hbm>> -> memref<8x4096xi32, #tpu.memory_space<hbm>>
    %dma_wait3A_11 = arith.constant 0 : i32
    %dma_wait3A_12 = tpu.memref_slice %arg2[%add3A_4, %dma_wait3A_11] : memref<1024x4096xi32, #tpu.memory_space<hbm>> -> memref<8x4096xi32, #tpu.memory_space<hbm>>
    tpu.wait_dma2 semaphore(%arg9 : memref<!tpu.dma_semaphore, #tpu.memory_space<semaphore_mem>>) src(%dma_wait3A_12 : memref<8x4096xi32, #tpu.memory_space<hbm>>) dst(%arg5 : memref<8x4096xi32, #tpu.memory_space<vmem>>)
    %add3A_13 = arith.constant 8 : i32
    %add3A_14 = arith.addi %mul3A_2, %add3A_13 : i32
    %dma_start3A_15 = arith.constant 0 : i32
    %dma_start3A_16 = tpu.memref_slice %arg2[%add3A_14, %dma_start3A_15] : memref<1024x4096xi32, #tpu.memory_space<hbm>> -> memref<8x4096xi32, #tpu.memory_space<hbm>>
    %dma_start3A_17 = arith.constant 0 : i32
    %dma_start3A_18 = tpu.memref_slice %arg2[%add3A_14, %dma_start3A_17] : memref<1024x4096xi32, #tpu.memory_space<hbm>> -> memref<8x4096xi32, #tpu.memory_space<hbm>>
    tpu.enqueue_dma source(%dma_start3A_18 : memref<8x4096xi32, #tpu.memory_space<hbm>>) target(%arg6 : memref<8x4096xi32, #tpu.memory_space<vmem>>) target_semaphore(%arg10 : memref<!tpu.dma_semaphore, #tpu.memory_space<semaphore_mem>>)
    %slice3A = vector.extract_strided_slice %get3A_8 {offsets = [0], sizes = [1], strides = [1]} : vector<16xi32> to vector<1xi32>
    %squeeze3A = vector.extract %slice3A[0] : i32 from vector<1xi32>
    %scan3A = arith.constant 0 : i32
    %scan3A_19 = arith.constant -8388608 : i32
    %scan3A_20 = arith.constant 0 : i32
    %scan3A_21 = arith.constant 32 : i32
    %scan3A_22 = arith.addi %scan3A_20, %scan3A_21 : i32
    %scan3A_23 = arith.constant 1 : i32
    %scan3A_24:2 = scf.for %scan3A_556 = %scan3A_20 to %scan3A_22 step %scan3A_23 iter_args(%scan3A_557 = %scan3A, %scan3A_558 = %scan3A_19) -> (i32, i32)  : i32 {
      %sub3A = arith.subi %scan3A_558, %scan3A_557 : i32
      %add3A_559 = arith.constant 1 : i32
      %add3A_560 = arith.addi %sub3A, %add3A_559 : i32
      %shift_right_logical3A = arith.constant 1 : i32
      %shift_right_logical3A_561 = arith.shrui %add3A_560, %shift_right_logical3A : i32
      %add3A_562 = arith.addi %scan3A_557, %shift_right_logical3A_561 : i32
      %broadcast_in_dim3A_563 = vector.broadcast %add3A_562 : i32 to vector<16xi32>
      %broadcast_in_dim3A_564 = arith.constant 0 : i32
      %broadcast_in_dim3A_565 = vector.broadcast %broadcast_in_dim3A_564 : i32 to vector<16xi32>
      %scan3A_566 = arith.constant 0 : i32
      %scan3A_567 = arith.constant 32 : i32
      %scan3A_568 = arith.addi %scan3A_566, %scan3A_567 : i32
      %scan3A_569 = arith.constant 1 : i32
      %scan3A_570 = scf.for %scan3A_578 = %scan3A_566 to %scan3A_568 step %scan3A_569 iter_args(%scan3A_579 = %broadcast_in_dim3A_565) -> (vector<16xi32>)  : i32 {
        %mul3A_580 = arith.constant 128 : i32
        %mul3A_581 = arith.muli %scan3A_578, %mul3A_580 : i32
        %add3A_582 = arith.constant 0 : i32
        %add3A_583 = arith.addi %mul3A_581, %add3A_582 : i32
        %get3A_584 = arith.constant 0 : i32
        %get3A_585 = arith.index_cast %get3A_584 : i32 to index
        %get3A_586 = arith.index_cast %add3A_583 : i32 to index
        %get3A_587 = tpu.vector_load %arg5[%get3A_585, %get3A_586] {strides = array<i32>} : memref<8x4096xi32, #tpu.memory_space<vmem>>, vector<16xi32>,
        %ge3A_588 = arith.cmpi uge, %get3A_587, %broadcast_in_dim3A_563 : vector<16xi32>
        %all_reduce_population_count3A = tpu.all_reduce %ge3A_588 {dim = 0 : i64, kind = #tpu.reduction_kind<sum>} : vector<16xi1> -> vector<16xi32>
        %add3A_589 = arith.addi %scan3A_579, %all_reduce_population_count3A : vector<16xi32>
        %add3A_590 = arith.constant 16 : i32
        %add3A_591 = arith.addi %mul3A_581, %add3A_590 : i32
        %get3A_592 = arith.constant 0 : i32
        %get3A_593 = arith.index_cast %get3A_592 : i32 to index
        %get3A_594 = arith.index_cast %add3A_591 : i32 to index
        %get3A_595 = tpu.vector_load %arg5[%get3A_593, %get3A_594] {strides = array<i32>} : memref<8x4096xi32, #tpu.memory_space<vmem>>, vector<16xi32>,
        %ge3A_596 = arith.cmpi uge, %get3A_595, %broadcast_in_dim3A_563 : vector<16xi32>
        %all_reduce_population_count3A_597 = tpu.all_reduce %ge3A_596 {dim = 0 : i64, kind = #tpu.reduction_kind<sum>} : vector<16xi1> -> vector<16xi32>
        %add3A_598 = arith.addi %add3A_589, %all_reduce_population_count3A_597 : vector<16xi32>
        %add3A_599 = arith.constant 32 : i32
        %add3A_600 = arith.addi %mul3A_581, %add3A_599 : i32
        %get3A_601 = arith.constant 0 : i32
        %get3A_602 = arith.index_cast %get3A_601 : i32 to index
        %get3A_603 = arith.index_cast %add3A_600 : i32 to index
        %get3A_604 = tpu.vector_load %arg5[%get3A_602, %get3A_603] {strides = array<i32>} : memref<8x4096xi32, #tpu.memory_space<vmem>>, vector<16xi32>,
        %ge3A_605 = arith.cmpi uge, %get3A_604, %broadcast_in_dim3A_563 : vector<16xi32>
        %all_reduce_population_count3A_606 = tpu.all_reduce %ge3A_605 {dim = 0 : i64, kind = #tpu.reduction_kind<sum>} : vector<16xi1> -> vector<16xi32>
        %add3A_607 = arith.addi %add3A_598, %all_reduce_population_count3A_606 : vector<16xi32>
        %add3A_608 = arith.constant 48 : i32
        %add3A_609 = arith.addi %mul3A_581, %add3A_608 : i32
        %get3A_610 = arith.constant 0 : i32
        %get3A_611 = arith.index_cast %get3A_610 : i32 to index
        %get3A_612 = arith.index_cast %add3A_609 : i32 to index
        %get3A_613 = tpu.vector_load %arg5[%get3A_611, %get3A_612] {strides = array<i32>} : memref<8x4096xi32, #tpu.memory_space<vmem>>, vector<16xi32>,
        %ge3A_614 = arith.cmpi uge, %get3A_613, %broadcast_in_dim3A_563 : vector<16xi32>
        %all_reduce_population_count3A_615 = tpu.all_reduce %ge3A_614 {dim = 0 : i64, kind = #tpu.reduction_kind<sum>} : vector<16xi1> -> vector<16xi32>
        %add3A_616 = arith.addi %add3A_607, %all_reduce_population_count3A_615 : vector<16xi32>
        %add3A_617 = arith.constant 64 : i32
        %add3A_618 = arith.addi %mul3A_581, %add3A_617 : i32
        %get3A_619 = arith.constant 0 : i32
        %get3A_620 = arith.index_cast %get3A_619 : i32 to index
        %get3A_621 = arith.index_cast %add3A_618 : i32 to index
        %get3A_622 = tpu.vector_load %arg5[%get3A_620, %get3A_621] {strides = array<i32>} : memref<8x4096xi32, #tpu.memory_space<vmem>>, vector<16xi32>,
        %ge3A_623 = arith.cmpi uge, %get3A_622, %broadcast_in_dim3A_563 : vector<16xi32>
        %all_reduce_population_count3A_624 = tpu.all_reduce %ge3A_623 {dim = 0 : i64, kind = #tpu.reduction_kind<sum>} : vector<16xi1> -> vector<16xi32>
        %add3A_625 = arith.addi %add3A_616, %all_reduce_population_count3A_624 : vector<16xi32>
        %add3A_626 = arith.constant 80 : i32
        %add3A_627 = arith.addi %mul3A_581, %add3A_626 : i32
        %get3A_628 = arith.constant 0 : i32
        %get3A_629 = arith.index_cast %get3A_628 : i32 to index
        %get3A_630 = arith.index_cast %add3A_627 : i32 to index
        %get3A_631 = tpu.vector_load %arg5[%get3A_629, %get3A_630] {strides = array<i32>} : memref<8x4096xi32, #tpu.memory_space<vmem>>, vector<16xi32>,
        %ge3A_632 = arith.cmpi uge, %get3A_631, %broadcast_in_dim3A_563 : vector<16xi32>
        %all_reduce_population_count3A_633 = tpu.all_reduce %ge3A_632 {dim = 0 : i64, kind = #tpu.reduction_kind<sum>} : vector<16xi1> -> vector<16xi32>
        %add3A_634 = arith.addi %add3A_625, %all_reduce_population_count3A_633 : vector<16xi32>
        %add3A_635 = arith.constant 96 : i32
        %add3A_636 = arith.addi %mul3A_581, %add3A_635 : i32
        %get3A_637 = arith.constant 0 : i32
        %get3A_638 = arith.index_cast %get3A_637 : i32 to index
        %get3A_639 = arith.index_cast %add3A_636 : i32 to index
        %get3A_640 = tpu.vector_load %arg5[%get3A_638, %get3A_639] {strides = array<i32>} : memref<8x4096xi32, #tpu.memory_space<vmem>>, vector<16xi32>,
        %ge3A_641 = arith.cmpi uge, %get3A_640, %broadcast_in_dim3A_563 : vector<16xi32>
        %all_reduce_population_count3A_642 = tpu.all_reduce %ge3A_641 {dim = 0 : i64, kind = #tpu.reduction_kind<sum>} : vector<16xi1> -> vector<16xi32>
        %add3A_643 = arith.addi %add3A_634, %all_reduce_population_count3A_642 : vector<16xi32>
        %add3A_644 = arith.constant 112 : i32
        %add3A_645 = arith.addi %mul3A_581, %add3A_644 : i32
        %get3A_646 = arith.constant 0 : i32
        %get3A_647 = arith.index_cast %get3A_646 : i32 to index
        %get3A_648 = arith.index_cast %add3A_645 : i32 to index
        %get3A_649 = tpu.vector_load %arg5[%get3A_647, %get3A_648] {strides = array<i32>} : memref<8x4096xi32, #tpu.memory_space<vmem>>, vector<16xi32>,
        %ge3A_650 = arith.cmpi uge, %get3A_649, %broadcast_in_dim3A_563 : vector<16xi32>
        %all_reduce_population_count3A_651 = tpu.all_reduce %ge3A_650 {dim = 0 : i64, kind = #tpu.reduction_kind<sum>} : vector<16xi1> -> vector<16xi32>
        %add3A_652 = arith.addi %add3A_643, %all_reduce_population_count3A_651 : vector<16xi32>
        scf.yield %add3A_652 : vector<16xi32>
      }
      %scan3A_571 = arith.constant 32 : i32
      %slice3A_572 = vector.extract_strided_slice %scan3A_570 {offsets = [0], sizes = [1], strides = [1]} : vector<16xi32> to vector<1xi32>
      %squeeze3A_573 = vector.extract %slice3A_572[0] : i32 from vector<1xi32>
      %ge3A = arith.cmpi sge, %squeeze3A_573, %squeeze3A : i32
      %select_n3A_574 = arith.select %ge3A, %add3A_562, %scan3A_557 : i32
      %sub3A_575 = arith.constant 1 : i32
      %sub3A_576 = arith.subi %add3A_562, %sub3A_575 : i32
      %select_n3A_577 = arith.select %ge3A, %scan3A_558, %sub3A_576 : i32
      scf.yield %select_n3A_574, %select_n3A_577 : i32, i32
    }
    %scan3A_25 = arith.constant 32 : i32
    %iota3A = tpu.iota {dimensions = array<i32: 0>} : vector<16xi32>
    %eq3A = arith.constant 0 : i32
    %eq3A_26 = vector.broadcast %eq3A : i32 to vector<16xi32>
    %eq3A_27 = arith.cmpi eq, %iota3A, %eq3A_26 : vector<16xi32>
    %broadcast_in_dim3A_28 = vector.broadcast %scan3A_24#0 : i32 to vector<16xi32>
    %select_n3A = arith.select %eq3A_27, %broadcast_in_dim3A_28, %broadcast_in_dim3A_9 : vector<16xi1>, vector<16xi32>
    %slice3A_29 = vector.extract_strided_slice %get3A_8 {offsets = [1], sizes = [1], strides = [1]} : vector<16xi32> to vector<1xi32>
    %squeeze3A_30 = vector.extract %slice3A_29[0] : i32 from vector<1xi32>
    %scan3A_31 = arith.constant 0 : i32
    %scan3A_32 = arith.constant -8388608 : i32
    %scan3A_33 = arith.constant 0 : i32
    %scan3A_34 = arith.constant 32 : i32
    %scan3A_35 = arith.addi %scan3A_33, %scan3A_34 : i32
    %scan3A_36 = arith.constant 1 : i32
    %scan3A_37:2 = scf.for %scan3A_556 = %scan3A_33 to %scan3A_35 step %scan3A_36 iter_args(%scan3A_557 = %scan3A_31, %scan3A_558 = %scan3A_32) -> (i32, i32)  : i32 {
      %sub3A = arith.subi %scan3A_558, %scan3A_557 : i32
      %add3A_559 = arith.constant 1 : i32
      %add3A_560 = arith.addi %sub3A, %add3A_559 : i32
      %shift_right_logical3A = arith.constant 1 : i32
      %shift_right_logical3A_561 = arith.shrui %add3A_560, %shift_right_logical3A : i32
      %add3A_562 = arith.addi %scan3A_557, %shift_right_logical3A_561 : i32
      %broadcast_in_dim3A_563 = vector.broadcast %add3A_562 : i32 to vector<16xi32>
      %broadcast_in_dim3A_564 = arith.constant 0 : i32
      %broadcast_in_dim3A_565 = vector.broadcast %broadcast_in_dim3A_564 : i32 to vector<16xi32>
      %scan3A_566 = arith.constant 0 : i32
      %scan3A_567 = arith.constant 32 : i32
      %scan3A_568 = arith.addi %scan3A_566, %scan3A_567 : i32
      %scan3A_569 = arith.constant 1 : i32
      %scan3A_570 = scf.for %scan3A_578 = %scan3A_566 to %scan3A_568 step %scan3A_569 iter_args(%scan3A_579 = %broadcast_in_dim3A_565) -> (vector<16xi32>)  : i32 {
        %mul3A_580 = arith.constant 128 : i32
        %mul3A_581 = arith.muli %scan3A_578, %mul3A_580 : i32
        %add3A_582 = arith.constant 0 : i32
        %add3A_583 = arith.addi %mul3A_581, %add3A_582 : i32
        %get3A_584 = arith.constant 1 : i32
        %get3A_585 = arith.index_cast %get3A_584 : i32 to index
        %get3A_586 = arith.index_cast %add3A_583 : i32 to index
        %get3A_587 = tpu.vector_load %arg5[%get3A_585, %get3A_586] {strides = array<i32>} : memref<8x4096xi32, #tpu.memory_space<vmem>>, vector<16xi32>,
        %ge3A_588 = arith.cmpi uge, %get3A_587, %broadcast_in_dim3A_563 : vector<16xi32>
        %all_reduce_population_count3A = tpu.all_reduce %ge3A_588 {dim = 0 : i64, kind = #tpu.reduction_kind<sum>} : vector<16xi1> -> vector<16xi32>
        %add3A_589 = arith.addi %scan3A_579, %all_reduce_population_count3A : vector<16xi32>
        %add3A_590 = arith.constant 16 : i32
        %add3A_591 = arith.addi %mul3A_581, %add3A_590 : i32
        %get3A_592 = arith.constant 1 : i32
        %get3A_593 = arith.index_cast %get3A_592 : i32 to index
        %get3A_594 = arith.index_cast %add3A_591 : i32 to index
        %get3A_595 = tpu.vector_load %arg5[%get3A_593, %get3A_594] {strides = array<i32>} : memref<8x4096xi32, #tpu.memory_space<vmem>>, vector<16xi32>,
        %ge3A_596 = arith.cmpi uge, %get3A_595, %broadcast_in_dim3A_563 : vector<16xi32>
        %all_reduce_population_count3A_597 = tpu.all_reduce %ge3A_596 {dim = 0 : i64, kind = #tpu.reduction_kind<sum>} : vector<16xi1> -> vector<16xi32>
        %add3A_598 = arith.addi %add3A_589, %all_reduce_population_count3A_597 : vector<16xi32>
        %add3A_599 = arith.constant 32 : i32
        %add3A_600 = arith.addi %mul3A_581, %add3A_599 : i32
        %get3A_601 = arith.constant 1 : i32
        %get3A_602 = arith.index_cast %get3A_601 : i32 to index
        %get3A_603 = arith.index_cast %add3A_600 : i32 to index
        %get3A_604 = tpu.vector_load %arg5[%get3A_602, %get3A_603] {strides = array<i32>} : memref<8x4096xi32, #tpu.memory_space<vmem>>, vector<16xi32>,
        %ge3A_605 = arith.cmpi uge, %get3A_604, %broadcast_in_dim3A_563 : vector<16xi32>
        %all_reduce_population_count3A_606 = tpu.all_reduce %ge3A_605 {dim = 0 : i64, kind = #tpu.reduction_kind<sum>} : vector<16xi1> -> vector<16xi32>
        %add3A_607 = arith.addi %add3A_598, %all_reduce_population_count3A_606 : vector<16xi32>
        %add3A_608 = arith.constant 48 : i32
        %add3A_609 = arith.addi %mul3A_581, %add3A_608 : i32
        %get3A_610 = arith.constant 1 : i32
        %get3A_611 = arith.index_cast %get3A_610 : i32 to index
        %get3A_612 = arith.index_cast %add3A_609 : i32 to index
        %get3A_613 = tpu.vector_load %arg5[%get3A_611, %get3A_612] {strides = array<i32>} : memref<8x4096xi32, #tpu.memory_space<vmem>>, vector<16xi32>,
        %ge3A_614 = arith.cmpi uge, %get3A_613, %broadcast_in_dim3A_563 : vector<16xi32>
        %all_reduce_population_count3A_615 = tpu.all_reduce %ge3A_614 {dim = 0 : i64, kind = #tpu.reduction_kind<sum>} : vector<16xi1> -> vector<16xi32>
        %add3A_616 = arith.addi %add3A_607, %all_reduce_population_count3A_615 : vector<16xi32>
        %add3A_617 = arith.constant 64 : i32
        %add3A_618 = arith.addi %mul3A_581, %add3A_617 : i32
        %get3A_619 = arith.constant 1 : i32
        %get3A_620 = arith.index_cast %get3A_619 : i32 to index
        %get3A_621 = arith.index_cast %add3A_618 : i32 to index
        %get3A_622 = tpu.vector_load %arg5[%get3A_620, %get3A_621] {strides = array<i32>} : memref<8x4096xi32, #tpu.memory_space<vmem>>, vector<16xi32>,
        %ge3A_623 = arith.cmpi uge, %get3A_622, %broadcast_in_dim3A_563 : vector<16xi32>
        %all_reduce_population_count3A_624 = tpu.all_reduce %ge3A_623 {dim = 0 : i64, kind = #tpu.reduction_kind<sum>} : vector<16xi1> -> vector<16xi32>
        %add3A_625 = arith.addi %add3A_616, %all_reduce_population_count3A_624 : vector<16xi32>
        %add3A_626 = arith.constant 80 : i32
        %add3A_627 = arith.addi %mul3A_581, %add3A_626 : i32
        %get3A_628 = arith.constant 1 : i32
        %get3A_629 = arith.index_cast %get3A_628 : i32 to index
        %get3A_630 = arith.index_cast %add3A_627 : i32 to index
        %get3A_631 = tpu.vector_load %arg5[%get3A_629, %get3A_630] {strides = array<i32>} : memref<8x4096xi32, #tpu.memory_space<vmem>>, vector<16xi32>,
        %ge3A_632 = arith.cmpi uge, %get3A_631, %broadcast_in_dim3A_563 : vector<16xi32>
        %all_reduce_population_count3A_633 = tpu.all_reduce %ge3A_632 {dim = 0 : i64, kind = #tpu.reduction_kind<sum>} : vector<16xi1> -> vector<16xi32>
        %add3A_634 = arith.addi %add3A_625, %all_reduce_population_count3A_633 : vector<16xi32>
        %add3A_635 = arith.constant 96 : i32
        %add3A_636 = arith.addi %mul3A_581, %add3A_635 : i32
        %get3A_637 = arith.constant 1 : i32
        %get3A_638 = arith.index_cast %get3A_637 : i32 to index
        %get3A_639 = arith.index_cast %add3A_636 : i32 to index
        %get3A_640 = tpu.vector_load %arg5[%get3A_638, %get3A_639] {strides = array<i32>} : memref<8x4096xi32, #tpu.memory_space<vmem>>, vector<16xi32>,
        %ge3A_641 = arith.cmpi uge, %get3A_640, %broadcast_in_dim3A_563 : vector<16xi32>
        %all_reduce_population_count3A_642 = tpu.all_reduce %ge3A_641 {dim = 0 : i64, kind = #tpu.reduction_kind<sum>} : vector<16xi1> -> vector<16xi32>
        %add3A_643 = arith.addi %add3A_634, %all_reduce_population_count3A_642 : vector<16xi32>
        %add3A_644 = arith.constant 112 : i32
        %add3A_645 = arith.addi %mul3A_581, %add3A_644 : i32
        %get3A_646 = arith.constant 1 : i32
        %get3A_647 = arith.index_cast %get3A_646 : i32 to index
        %get3A_648 = arith.index_cast %add3A_645 : i32 to index
        %get3A_649 = tpu.vector_load %arg5[%get3A_647, %get3A_648] {strides = array<i32>} : memref<8x4096xi32, #tpu.memory_space<vmem>>, vector<16xi32>,
        %ge3A_650 = arith.cmpi uge, %get3A_649, %broadcast_in_dim3A_563 : vector<16xi32>
        %all_reduce_population_count3A_651 = tpu.all_reduce %ge3A_650 {dim = 0 : i64, kind = #tpu.reduction_kind<sum>} : vector<16xi1> -> vector<16xi32>
        %add3A_652 = arith.addi %add3A_643, %all_reduce_population_count3A_651 : vector<16xi32>
        scf.yield %add3A_652 : vector<16xi32>
      }
      %scan3A_571 = arith.constant 32 : i32
      %slice3A_572 = vector.extract_strided_slice %scan3A_570 {offsets = [0], sizes = [1], strides = [1]} : vector<16xi32> to vector<1xi32>
      %squeeze3A_573 = vector.extract %slice3A_572[0] : i32 from vector<1xi32>
      %ge3A = arith.cmpi sge, %squeeze3A_573, %squeeze3A_30 : i32
      %select_n3A_574 = arith.select %ge3A, %add3A_562, %scan3A_557 : i32
      %sub3A_575 = arith.constant 1 : i32
      %sub3A_576 = arith.subi %add3A_562, %sub3A_575 : i32
      %select_n3A_577 = arith.select %ge3A, %scan3A_558, %sub3A_576 : i32
      scf.yield %select_n3A_574, %select_n3A_577 : i32, i32
    }
    %scan3A_38 = arith.constant 32 : i32
    %iota3A_39 = tpu.iota {dimensions = array<i32: 0>} : vector<16xi32>
    %eq3A_40 = arith.constant 1 : i32
    %eq3A_41 = vector.broadcast %eq3A_40 : i32 to vector<16xi32>
    %eq3A_42 = arith.cmpi eq, %iota3A_39, %eq3A_41 : vector<16xi32>
    %broadcast_in_dim3A_43 = vector.broadcast %scan3A_37#0 : i32 to vector<16xi32>
    %select_n3A_44 = arith.select %eq3A_42, %broadcast_in_dim3A_43, %select_n3A : vector<16xi1>, vector<16xi32>
    %slice3A_45 = vector.extract_strided_slice %get3A_8 {offsets = [2], sizes = [1], strides = [1]} : vector<16xi32> to vector<1xi32>
    %squeeze3A_46 = vector.extract %slice3A_45[0] : i32 from vector<1xi32>
    %scan3A_47 = arith.constant 0 : i32
    %scan3A_48 = arith.constant -8388608 : i32
    %scan3A_49 = arith.constant 0 : i32
    %scan3A_50 = arith.constant 32 : i32
    %scan3A_51 = arith.addi %scan3A_49, %scan3A_50 : i32
    %scan3A_52 = arith.constant 1 : i32
    %scan3A_53:2 = scf.for %scan3A_556 = %scan3A_49 to %scan3A_51 step %scan3A_52 iter_args(%scan3A_557 = %scan3A_47, %scan3A_558 = %scan3A_48) -> (i32, i32)  : i32 {
      %sub3A = arith.subi %scan3A_558, %scan3A_557 : i32
      %add3A_559 = arith.constant 1 : i32
      %add3A_560 = arith.addi %sub3A, %add3A_559 : i32
      %shift_right_logical3A = arith.constant 1 : i32
      %shift_right_logical3A_561 = arith.shrui %add3A_560, %shift_right_logical3A : i32
      %add3A_562 = arith.addi %scan3A_557, %shift_right_logical3A_561 : i32
      %broadcast_in_dim3A_563 = vector.broadcast %add3A_562 : i32 to vector<16xi32>
      %broadcast_in_dim3A_564 = arith.constant 0 : i32
      %broadcast_in_dim3A_565 = vector.broadcast %broadcast_in_dim3A_564 : i32 to vector<16xi32>
      %scan3A_566 = arith.constant 0 : i32
      %scan3A_567 = arith.constant 32 : i32
      %scan3A_568 = arith.addi %scan3A_566, %scan3A_567 : i32
      %scan3A_569 = arith.constant 1 : i32
      %scan3A_570 = scf.for %scan3A_578 = %scan3A_566 to %scan3A_568 step %scan3A_569 iter_args(%scan3A_579 = %broadcast_in_dim3A_565) -> (vector<16xi32>)  : i32 {
        %mul3A_580 = arith.constant 128 : i32
        %mul3A_581 = arith.muli %scan3A_578, %mul3A_580 : i32
        %add3A_582 = arith.constant 0 : i32
        %add3A_583 = arith.addi %mul3A_581, %add3A_582 : i32
        %get3A_584 = arith.constant 2 : i32
        %get3A_585 = arith.index_cast %get3A_584 : i32 to index
        %get3A_586 = arith.index_cast %add3A_583 : i32 to index
        %get3A_587 = tpu.vector_load %arg5[%get3A_585, %get3A_586] {strides = array<i32>} : memref<8x4096xi32, #tpu.memory_space<vmem>>, vector<16xi32>,
        %ge3A_588 = arith.cmpi uge, %get3A_587, %broadcast_in_dim3A_563 : vector<16xi32>
        %all_reduce_population_count3A = tpu.all_reduce %ge3A_588 {dim = 0 : i64, kind = #tpu.reduction_kind<sum>} : vector<16xi1> -> vector<16xi32>
        %add3A_589 = arith.addi %scan3A_579, %all_reduce_population_count3A : vector<16xi32>
        %add3A_590 = arith.constant 16 : i32
        %add3A_591 = arith.addi %mul3A_581, %add3A_590 : i32
        %get3A_592 = arith.constant 2 : i32
        %get3A_593 = arith.index_cast %get3A_592 : i32 to index
        %get3A_594 = arith.index_cast %add3A_591 : i32 to index
        %get3A_595 = tpu.vector_load %arg5[%get3A_593, %get3A_594] {strides = array<i32>} : memref<8x4096xi32, #tpu.memory_space<vmem>>, vector<16xi32>,
        %ge3A_596 = arith.cmpi uge, %get3A_595, %broadcast_in_dim3A_563 : vector<16xi32>
        %all_reduce_population_count3A_597 = tpu.all_reduce %ge3A_596 {dim = 0 : i64, kind = #tpu.reduction_kind<sum>} : vector<16xi1> -> vector<16xi32>
        %add3A_598 = arith.addi %add3A_589, %all_reduce_population_count3A_597 : vector<16xi32>
        %add3A_599 = arith.constant 32 : i32
        %add3A_600 = arith.addi %mul3A_581, %add3A_599 : i32
        %get3A_601 = arith.constant 2 : i32
        %get3A_602 = arith.index_cast %get3A_601 : i32 to index
        %get3A_603 = arith.index_cast %add3A_600 : i32 to index
        %get3A_604 = tpu.vector_load %arg5[%get3A_602, %get3A_603] {strides = array<i32>} : memref<8x4096xi32, #tpu.memory_space<vmem>>, vector<16xi32>,
        %ge3A_605 = arith.cmpi uge, %get3A_604, %broadcast_in_dim3A_563 : vector<16xi32>
        %all_reduce_population_count3A_606 = tpu.all_reduce %ge3A_605 {dim = 0 : i64, kind = #tpu.reduction_kind<sum>} : vector<16xi1> -> vector<16xi32>
        %add3A_607 = arith.addi %add3A_598, %all_reduce_population_count3A_606 : vector<16xi32>
        %add3A_608 = arith.constant 48 : i32
        %add3A_609 = arith.addi %mul3A_581, %add3A_608 : i32
        %get3A_610 = arith.constant 2 : i32
        %get3A_611 = arith.index_cast %get3A_610 : i32 to index
        %get3A_612 = arith.index_cast %add3A_609 : i32 to index
        %get3A_613 = tpu.vector_load %arg5[%get3A_611, %get3A_612] {strides = array<i32>} : memref<8x4096xi32, #tpu.memory_space<vmem>>, vector<16xi32>,
        %ge3A_614 = arith.cmpi uge, %get3A_613, %broadcast_in_dim3A_563 : vector<16xi32>
        %all_reduce_population_count3A_615 = tpu.all_reduce %ge3A_614 {dim = 0 : i64, kind = #tpu.reduction_kind<sum>} : vector<16xi1> -> vector<16xi32>
        %add3A_616 = arith.addi %add3A_607, %all_reduce_population_count3A_615 : vector<16xi32>
        %add3A_617 = arith.constant 64 : i32
        %add3A_618 = arith.addi %mul3A_581, %add3A_617 : i32
        %get3A_619 = arith.constant 2 : i32
        %get3A_620 = arith.index_cast %get3A_619 : i32 to index
        %get3A_621 = arith.index_cast %add3A_618 : i32 to index
        %get3A_622 = tpu.vector_load %arg5[%get3A_620, %get3A_621] {strides = array<i32>} : memref<8x4096xi32, #tpu.memory_space<vmem>>, vector<16xi32>,
        %ge3A_623 = arith.cmpi uge, %get3A_622, %broadcast_in_dim3A_563 : vector<16xi32>
        %all_reduce_population_count3A_624 = tpu.all_reduce %ge3A_623 {dim = 0 : i64, kind = #tpu.reduction_kind<sum>} : vector<16xi1> -> vector<16xi32>
        %add3A_625 = arith.addi %add3A_616, %all_reduce_population_count3A_624 : vector<16xi32>
        %add3A_626 = arith.constant 80 : i32
        %add3A_627 = arith.addi %mul3A_581, %add3A_626 : i32
        %get3A_628 = arith.constant 2 : i32
        %get3A_629 = arith.index_cast %get3A_628 : i32 to index
        %get3A_630 = arith.index_cast %add3A_627 : i32 to index
        %get3A_631 = tpu.vector_load %arg5[%get3A_629, %get3A_630] {strides = array<i32>} : memref<8x4096xi32, #tpu.memory_space<vmem>>, vector<16xi32>,
        %ge3A_632 = arith.cmpi uge, %get3A_631, %broadcast_in_dim3A_563 : vector<16xi32>
        %all_reduce_population_count3A_633 = tpu.all_reduce %ge3A_632 {dim = 0 : i64, kind = #tpu.reduction_kind<sum>} : vector<16xi1> -> vector<16xi32>
        %add3A_634 = arith.addi %add3A_625, %all_reduce_population_count3A_633 : vector<16xi32>
        %add3A_635 = arith.constant 96 : i32
        %add3A_636 = arith.addi %mul3A_581, %add3A_635 : i32
        %get3A_637 = arith.constant 2 : i32
        %get3A_638 = arith.index_cast %get3A_637 : i32 to index
        %get3A_639 = arith.index_cast %add3A_636 : i32 to index
        %get3A_640 = tpu.vector_load %arg5[%get3A_638, %get3A_639] {strides = array<i32>} : memref<8x4096xi32, #tpu.memory_space<vmem>>, vector<16xi32>,
        %ge3A_641 = arith.cmpi uge, %get3A_640, %broadcast_in_dim3A_563 : vector<16xi32>
        %all_reduce_population_count3A_642 = tpu.all_reduce %ge3A_641 {dim = 0 : i64, kind = #tpu.reduction_kind<sum>} : vector<16xi1> -> vector<16xi32>
        %add3A_643 = arith.addi %add3A_634, %all_reduce_population_count3A_642 : vector<16xi32>
        %add3A_644 = arith.constant 112 : i32
        %add3A_645 = arith.addi %mul3A_581, %add3A_644 : i32
        %get3A_646 = arith.constant 2 : i32
        %get3A_647 = arith.index_cast %get3A_646 : i32 to index
        %get3A_648 = arith.index_cast %add3A_645 : i32 to index
        %get3A_649 = tpu.vector_load %arg5[%get3A_647, %get3A_648] {strides = array<i32>} : memref<8x4096xi32, #tpu.memory_space<vmem>>, vector<16xi32>,
        %ge3A_650 = arith.cmpi uge, %get3A_649, %broadcast_in_dim3A_563 : vector<16xi32>
        %all_reduce_population_count3A_651 = tpu.all_reduce %ge3A_650 {dim = 0 : i64, kind = #tpu.reduction_kind<sum>} : vector<16xi1> -> vector<16xi32>
        %add3A_652 = arith.addi %add3A_643, %all_reduce_population_count3A_651 : vector<16xi32>
        scf.yield %add3A_652 : vector<16xi32>
      }
      %scan3A_571 = arith.constant 32 : i32
      %slice3A_572 = vector.extract_strided_slice %scan3A_570 {offsets = [0], sizes = [1], strides = [1]} : vector<16xi32> to vector<1xi32>
      %squeeze3A_573 = vector.extract %slice3A_572[0] : i32 from vector<1xi32>
      %ge3A = arith.cmpi sge, %squeeze3A_573, %squeeze3A_46 : i32
      %select_n3A_574 = arith.select %ge3A, %add3A_562, %scan3A_557 : i32
      %sub3A_575 = arith.constant 1 : i32
      %sub3A_576 = arith.subi %add3A_562, %sub3A_575 : i32
      %select_n3A_577 = arith.select %ge3A, %scan3A_558, %sub3A_576 : i32
      scf.yield %select_n3A_574, %select_n3A_577 : i32, i32
    }
    %scan3A_54 = arith.constant 32 : i32
    %iota3A_55 = tpu.iota {dimensions = array<i32: 0>} : vector<16xi32>
    %eq3A_56 = arith.constant 2 : i32
    %eq3A_57 = vector.broadcast %eq3A_56 : i32 to vector<16xi32>
    %eq3A_58 = arith.cmpi eq, %iota3A_55, %eq3A_57 : vector<16xi32>
    %broadcast_in_dim3A_59 = vector.broadcast %scan3A_53#0 : i32 to vector<16xi32>
    %select_n3A_60 = arith.select %eq3A_58, %broadcast_in_dim3A_59, %select_n3A_44 : vector<16xi1>, vector<16xi32>
    %slice3A_61 = vector.extract_strided_slice %get3A_8 {offsets = [3], sizes = [1], strides = [1]} : vector<16xi32> to vector<1xi32>
    %squeeze3A_62 = vector.extract %slice3A_61[0] : i32 from vector<1xi32>
    %scan3A_63 = arith.constant 0 : i32
    %scan3A_64 = arith.constant -8388608 : i32
    %scan3A_65 = arith.constant 0 : i32
    %scan3A_66 = arith.constant 32 : i32
    %scan3A_67 = arith.addi %scan3A_65, %scan3A_66 : i32
    %scan3A_68 = arith.constant 1 : i32
    %scan3A_69:2 = scf.for %scan3A_556 = %scan3A_65 to %scan3A_67 step %scan3A_68 iter_args(%scan3A_557 = %scan3A_63, %scan3A_558 = %scan3A_64) -> (i32, i32)  : i32 {
      %sub3A = arith.subi %scan3A_558, %scan3A_557 : i32
      %add3A_559 = arith.constant 1 : i32
      %add3A_560 = arith.addi %sub3A, %add3A_559 : i32
      %shift_right_logical3A = arith.constant 1 : i32
      %shift_right_logical3A_561 = arith.shrui %add3A_560, %shift_right_logical3A : i32
      %add3A_562 = arith.addi %scan3A_557, %shift_right_logical3A_561 : i32
      %broadcast_in_dim3A_563 = vector.broadcast %add3A_562 : i32 to vector<16xi32>
      %broadcast_in_dim3A_564 = arith.constant 0 : i32
      %broadcast_in_dim3A_565 = vector.broadcast %broadcast_in_dim3A_564 : i32 to vector<16xi32>
      %scan3A_566 = arith.constant 0 : i32
      %scan3A_567 = arith.constant 32 : i32
      %scan3A_568 = arith.addi %scan3A_566, %scan3A_567 : i32
      %scan3A_569 = arith.constant 1 : i32
      %scan3A_570 = scf.for %scan3A_578 = %scan3A_566 to %scan3A_568 step %scan3A_569 iter_args(%scan3A_579 = %broadcast_in_dim3A_565) -> (vector<16xi32>)  : i32 {
        %mul3A_580 = arith.constant 128 : i32
        %mul3A_581 = arith.muli %scan3A_578, %mul3A_580 : i32
        %add3A_582 = arith.constant 0 : i32
        %add3A_583 = arith.addi %mul3A_581, %add3A_582 : i32
        %get3A_584 = arith.constant 3 : i32
        %get3A_585 = arith.index_cast %get3A_584 : i32 to index
        %get3A_586 = arith.index_cast %add3A_583 : i32 to index
        %get3A_587 = tpu.vector_load %arg5[%get3A_585, %get3A_586] {strides = array<i32>} : memref<8x4096xi32, #tpu.memory_space<vmem>>, vector<16xi32>,
        %ge3A_588 = arith.cmpi uge, %get3A_587, %broadcast_in_dim3A_563 : vector<16xi32>
        %all_reduce_population_count3A = tpu.all_reduce %ge3A_588 {dim = 0 : i64, kind = #tpu.reduction_kind<sum>} : vector<16xi1> -> vector<16xi32>
        %add3A_589 = arith.addi %scan3A_579, %all_reduce_population_count3A : vector<16xi32>
        %add3A_590 = arith.constant 16 : i32
        %add3A_591 = arith.addi %mul3A_581, %add3A_590 : i32
        %get3A_592 = arith.constant 3 : i32
        %get3A_593 = arith.index_cast %get3A_592 : i32 to index
        %get3A_594 = arith.index_cast %add3A_591 : i32 to index
        %get3A_595 = tpu.vector_load %arg5[%get3A_593, %get3A_594] {strides = array<i32>} : memref<8x4096xi32, #tpu.memory_space<vmem>>, vector<16xi32>,
        %ge3A_596 = arith.cmpi uge, %get3A_595, %broadcast_in_dim3A_563 : vector<16xi32>
        %all_reduce_population_count3A_597 = tpu.all_reduce %ge3A_596 {dim = 0 : i64, kind = #tpu.reduction_kind<sum>} : vector<16xi1> -> vector<16xi32>
        %add3A_598 = arith.addi %add3A_589, %all_reduce_population_count3A_597 : vector<16xi32>
        %add3A_599 = arith.constant 32 : i32
        %add3A_600 = arith.addi %mul3A_581, %add3A_599 : i32
        %get3A_601 = arith.constant 3 : i32
        %get3A_602 = arith.index_cast %get3A_601 : i32 to index
        %get3A_603 = arith.index_cast %add3A_600 : i32 to index
        %get3A_604 = tpu.vector_load %arg5[%get3A_602, %get3A_603] {strides = array<i32>} : memref<8x4096xi32, #tpu.memory_space<vmem>>, vector<16xi32>,
        %ge3A_605 = arith.cmpi uge, %get3A_604, %broadcast_in_dim3A_563 : vector<16xi32>
        %all_reduce_population_count3A_606 = tpu.all_reduce %ge3A_605 {dim = 0 : i64, kind = #tpu.reduction_kind<sum>} : vector<16xi1> -> vector<16xi32>
        %add3A_607 = arith.addi %add3A_598, %all_reduce_population_count3A_606 : vector<16xi32>
        %add3A_608 = arith.constant 48 : i32
        %add3A_609 = arith.addi %mul3A_581, %add3A_608 : i32
        %get3A_610 = arith.constant 3 : i32
        %get3A_611 = arith.index_cast %get3A_610 : i32 to index
        %get3A_612 = arith.index_cast %add3A_609 : i32 to index
        %get3A_613 = tpu.vector_load %arg5[%get3A_611, %get3A_612] {strides = array<i32>} : memref<8x4096xi32, #tpu.memory_space<vmem>>, vector<16xi32>,
        %ge3A_614 = arith.cmpi uge, %get3A_613, %broadcast_in_dim3A_563 : vector<16xi32>
        %all_reduce_population_count3A_615 = tpu.all_reduce %ge3A_614 {dim = 0 : i64, kind = #tpu.reduction_kind<sum>} : vector<16xi1> -> vector<16xi32>
        %add3A_616 = arith.addi %add3A_607, %all_reduce_population_count3A_615 : vector<16xi32>
        %add3A_617 = arith.constant 64 : i32
        %add3A_618 = arith.addi %mul3A_581, %add3A_617 : i32
        %get3A_619 = arith.constant 3 : i32
        %get3A_620 = arith.index_cast %get3A_619 : i32 to index
        %get3A_621 = arith.index_cast %add3A_618 : i32 to index
        %get3A_622 = tpu.vector_load %arg5[%get3A_620, %get3A_621] {strides = array<i32>} : memref<8x4096xi32, #tpu.memory_space<vmem>>, vector<16xi32>,
        %ge3A_623 = arith.cmpi uge, %get3A_622, %broadcast_in_dim3A_563 : vector<16xi32>
        %all_reduce_population_count3A_624 = tpu.all_reduce %ge3A_623 {dim = 0 : i64, kind = #tpu.reduction_kind<sum>} : vector<16xi1> -> vector<16xi32>
        %add3A_625 = arith.addi %add3A_616, %all_reduce_population_count3A_624 : vector<16xi32>
        %add3A_626 = arith.constant 80 : i32
        %add3A_627 = arith.addi %mul3A_581, %add3A_626 : i32
        %get3A_628 = arith.constant 3 : i32
        %get3A_629 = arith.index_cast %get3A_628 : i32 to index
        %get3A_630 = arith.index_cast %add3A_627 : i32 to index
        %get3A_631 = tpu.vector_load %arg5[%get3A_629, %get3A_630] {strides = array<i32>} : memref<8x4096xi32, #tpu.memory_space<vmem>>, vector<16xi32>,
        %ge3A_632 = arith.cmpi uge, %get3A_631, %broadcast_in_dim3A_563 : vector<16xi32>
        %all_reduce_population_count3A_633 = tpu.all_reduce %ge3A_632 {dim = 0 : i64, kind = #tpu.reduction_kind<sum>} : vector<16xi1> -> vector<16xi32>
        %add3A_634 = arith.addi %add3A_625, %all_reduce_population_count3A_633 : vector<16xi32>
        %add3A_635 = arith.constant 96 : i32
        %add3A_636 = arith.addi %mul3A_581, %add3A_635 : i32
        %get3A_637 = arith.constant 3 : i32
        %get3A_638 = arith.index_cast %get3A_637 : i32 to index
        %get3A_639 = arith.index_cast %add3A_636 : i32 to index
        %get3A_640 = tpu.vector_load %arg5[%get3A_638, %get3A_639] {strides = array<i32>} : memref<8x4096xi32, #tpu.memory_space<vmem>>, vector<16xi32>,
        %ge3A_641 = arith.cmpi uge, %get3A_640, %broadcast_in_dim3A_563 : vector<16xi32>
        %all_reduce_population_count3A_642 = tpu.all_reduce %ge3A_641 {dim = 0 : i64, kind = #tpu.reduction_kind<sum>} : vector<16xi1> -> vector<16xi32>
        %add3A_643 = arith.addi %add3A_634, %all_reduce_population_count3A_642 : vector<16xi32>
        %add3A_644 = arith.constant 112 : i32
        %add3A_645 = arith.addi %mul3A_581, %add3A_644 : i32
        %get3A_646 = arith.constant 3 : i32
        %get3A_647 = arith.index_cast %get3A_646 : i32 to index
        %get3A_648 = arith.index_cast %add3A_645 : i32 to index
        %get3A_649 = tpu.vector_load %arg5[%get3A_647, %get3A_648] {strides = array<i32>} : memref<8x4096xi32, #tpu.memory_space<vmem>>, vector<16xi32>,
        %ge3A_650 = arith.cmpi uge, %get3A_649, %broadcast_in_dim3A_563 : vector<16xi32>
        %all_reduce_population_count3A_651 = tpu.all_reduce %ge3A_650 {dim = 0 : i64, kind = #tpu.reduction_kind<sum>} : vector<16xi1> -> vector<16xi32>
        %add3A_652 = arith.addi %add3A_643, %all_reduce_population_count3A_651 : vector<16xi32>
        scf.yield %add3A_652 : vector<16xi32>
      }
      %scan3A_571 = arith.constant 32 : i32
      %slice3A_572 = vector.extract_strided_slice %scan3A_570 {offsets = [0], sizes = [1], strides = [1]} : vector<16xi32> to vector<1xi32>
      %squeeze3A_573 = vector.extract %slice3A_572[0] : i32 from vector<1xi32>
      %ge3A = arith.cmpi sge, %squeeze3A_573, %squeeze3A_62 : i32
      %select_n3A_574 = arith.select %ge3A, %add3A_562, %scan3A_557 : i32
      %sub3A_575 = arith.constant 1 : i32
      %sub3A_576 = arith.subi %add3A_562, %sub3A_575 : i32
      %select_n3A_577 = arith.select %ge3A, %scan3A_558, %sub3A_576 : i32
      scf.yield %select_n3A_574, %select_n3A_577 : i32, i32
    }
    %scan3A_70 = arith.constant 32 : i32
    %iota3A_71 = tpu.iota {dimensions = array<i32: 0>} : vector<16xi32>
    %eq3A_72 = arith.constant 3 : i32
    %eq3A_73 = vector.broadcast %eq3A_72 : i32 to vector<16xi32>
    %eq3A_74 = arith.cmpi eq, %iota3A_71, %eq3A_73 : vector<16xi32>
    %broadcast_in_dim3A_75 = vector.broadcast %scan3A_69#0 : i32 to vector<16xi32>
    %select_n3A_76 = arith.select %eq3A_74, %broadcast_in_dim3A_75, %select_n3A_60 : vector<16xi1>, vector<16xi32>
    %slice3A_77 = vector.extract_strided_slice %get3A_8 {offsets = [4], sizes = [1], strides = [1]} : vector<16xi32> to vector<1xi32>
    %squeeze3A_78 = vector.extract %slice3A_77[0] : i32 from vector<1xi32>
    %scan3A_79 = arith.constant 0 : i32
    %scan3A_80 = arith.constant -8388608 : i32
    %scan3A_81 = arith.constant 0 : i32
    %scan3A_82 = arith.constant 32 : i32
    %scan3A_83 = arith.addi %scan3A_81, %scan3A_82 : i32
    %scan3A_84 = arith.constant 1 : i32
    %scan3A_85:2 = scf.for %scan3A_556 = %scan3A_81 to %scan3A_83 step %scan3A_84 iter_args(%scan3A_557 = %scan3A_79, %scan3A_558 = %scan3A_80) -> (i32, i32)  : i32 {
      %sub3A = arith.subi %scan3A_558, %scan3A_557 : i32
      %add3A_559 = arith.constant 1 : i32
      %add3A_560 = arith.addi %sub3A, %add3A_559 : i32
      %shift_right_logical3A = arith.constant 1 : i32
      %shift_right_logical3A_561 = arith.shrui %add3A_560, %shift_right_logical3A : i32
      %add3A_562 = arith.addi %scan3A_557, %shift_right_logical3A_561 : i32
      %broadcast_in_dim3A_563 = vector.broadcast %add3A_562 : i32 to vector<16xi32>
      %broadcast_in_dim3A_564 = arith.constant 0 : i32
      %broadcast_in_dim3A_565 = vector.broadcast %broadcast_in_dim3A_564 : i32 to vector<16xi32>
      %scan3A_566 = arith.constant 0 : i32
      %scan3A_567 = arith.constant 32 : i32
      %scan3A_568 = arith.addi %scan3A_566, %scan3A_567 : i32
      %scan3A_569 = arith.constant 1 : i32
      %scan3A_570 = scf.for %scan3A_578 = %scan3A_566 to %scan3A_568 step %scan3A_569 iter_args(%scan3A_579 = %broadcast_in_dim3A_565) -> (vector<16xi32>)  : i32 {
        %mul3A_580 = arith.constant 128 : i32
        %mul3A_581 = arith.muli %scan3A_578, %mul3A_580 : i32
        %add3A_582 = arith.constant 0 : i32
        %add3A_583 = arith.addi %mul3A_581, %add3A_582 : i32
        %get3A_584 = arith.constant 4 : i32
        %get3A_585 = arith.index_cast %get3A_584 : i32 to index
        %get3A_586 = arith.index_cast %add3A_583 : i32 to index
        %get3A_587 = tpu.vector_load %arg5[%get3A_585, %get3A_586] {strides = array<i32>} : memref<8x4096xi32, #tpu.memory_space<vmem>>, vector<16xi32>,
        %ge3A_588 = arith.cmpi uge, %get3A_587, %broadcast_in_dim3A_563 : vector<16xi32>
        %all_reduce_population_count3A = tpu.all_reduce %ge3A_588 {dim = 0 : i64, kind = #tpu.reduction_kind<sum>} : vector<16xi1> -> vector<16xi32>
        %add3A_589 = arith.addi %scan3A_579, %all_reduce_population_count3A : vector<16xi32>
        %add3A_590 = arith.constant 16 : i32
        %add3A_591 = arith.addi %mul3A_581, %add3A_590 : i32
        %get3A_592 = arith.constant 4 : i32
        %get3A_593 = arith.index_cast %get3A_592 : i32 to index
        %get3A_594 = arith.index_cast %add3A_591 : i32 to index
        %get3A_595 = tpu.vector_load %arg5[%get3A_593, %get3A_594] {strides = array<i32>} : memref<8x4096xi32, #tpu.memory_space<vmem>>, vector<16xi32>,
        %ge3A_596 = arith.cmpi uge, %get3A_595, %broadcast_in_dim3A_563 : vector<16xi32>
        %all_reduce_population_count3A_597 = tpu.all_reduce %ge3A_596 {dim = 0 : i64, kind = #tpu.reduction_kind<sum>} : vector<16xi1> -> vector<16xi32>
        %add3A_598 = arith.addi %add3A_589, %all_reduce_population_count3A_597 : vector<16xi32>
        %add3A_599 = arith.constant 32 : i32
        %add3A_600 = arith.addi %mul3A_581, %add3A_599 : i32
        %get3A_601 = arith.constant 4 : i32
        %get3A_602 = arith.index_cast %get3A_601 : i32 to index
        %get3A_603 = arith.index_cast %add3A_600 : i32 to index
        %get3A_604 = tpu.vector_load %arg5[%get3A_602, %get3A_603] {strides = array<i32>} : memref<8x4096xi32, #tpu.memory_space<vmem>>, vector<16xi32>,
        %ge3A_605 = arith.cmpi uge, %get3A_604, %broadcast_in_dim3A_563 : vector<16xi32>
        %all_reduce_population_count3A_606 = tpu.all_reduce %ge3A_605 {dim = 0 : i64, kind = #tpu.reduction_kind<sum>} : vector<16xi1> -> vector<16xi32>
        %add3A_607 = arith.addi %add3A_598, %all_reduce_population_count3A_606 : vector<16xi32>
        %add3A_608 = arith.constant 48 : i32
        %add3A_609 = arith.addi %mul3A_581, %add3A_608 : i32
        %get3A_610 = arith.constant 4 : i32
        %get3A_611 = arith.index_cast %get3A_610 : i32 to index
        %get3A_612 = arith.index_cast %add3A_609 : i32 to index
        %get3A_613 = tpu.vector_load %arg5[%get3A_611, %get3A_612] {strides = array<i32>} : memref<8x4096xi32, #tpu.memory_space<vmem>>, vector<16xi32>,
        %ge3A_614 = arith.cmpi uge, %get3A_613, %broadcast_in_dim3A_563 : vector<16xi32>
        %all_reduce_population_count3A_615 = tpu.all_reduce %ge3A_614 {dim = 0 : i64, kind = #tpu.reduction_kind<sum>} : vector<16xi1> -> vector<16xi32>
        %add3A_616 = arith.addi %add3A_607, %all_reduce_population_count3A_615 : vector<16xi32>
        %add3A_617 = arith.constant 64 : i32
        %add3A_618 = arith.addi %mul3A_581, %add3A_617 : i32
        %get3A_619 = arith.constant 4 : i32
        %get3A_620 = arith.index_cast %get3A_619 : i32 to index
        %get3A_621 = arith.index_cast %add3A_618 : i32 to index
        %get3A_622 = tpu.vector_load %arg5[%get3A_620, %get3A_621] {strides = array<i32>} : memref<8x4096xi32, #tpu.memory_space<vmem>>, vector<16xi32>,
        %ge3A_623 = arith.cmpi uge, %get3A_622, %broadcast_in_dim3A_563 : vector<16xi32>
        %all_reduce_population_count3A_624 = tpu.all_reduce %ge3A_623 {dim = 0 : i64, kind = #tpu.reduction_kind<sum>} : vector<16xi1> -> vector<16xi32>
        %add3A_625 = arith.addi %add3A_616, %all_reduce_population_count3A_624 : vector<16xi32>
        %add3A_626 = arith.constant 80 : i32
        %add3A_627 = arith.addi %mul3A_581, %add3A_626 : i32
        %get3A_628 = arith.constant 4 : i32
        %get3A_629 = arith.index_cast %get3A_628 : i32 to index
        %get3A_630 = arith.index_cast %add3A_627 : i32 to index
        %get3A_631 = tpu.vector_load %arg5[%get3A_629, %get3A_630] {strides = array<i32>} : memref<8x4096xi32, #tpu.memory_space<vmem>>, vector<16xi32>,
        %ge3A_632 = arith.cmpi uge, %get3A_631, %broadcast_in_dim3A_563 : vector<16xi32>
        %all_reduce_population_count3A_633 = tpu.all_reduce %ge3A_632 {dim = 0 : i64, kind = #tpu.reduction_kind<sum>} : vector<16xi1> -> vector<16xi32>
        %add3A_634 = arith.addi %add3A_625, %all_reduce_population_count3A_633 : vector<16xi32>
        %add3A_635 = arith.constant 96 : i32
        %add3A_636 = arith.addi %mul3A_581, %add3A_635 : i32
        %get3A_637 = arith.constant 4 : i32
        %get3A_638 = arith.index_cast %get3A_637 : i32 to index
        %get3A_639 = arith.index_cast %add3A_636 : i32 to index
        %get3A_640 = tpu.vector_load %arg5[%get3A_638, %get3A_639] {strides = array<i32>} : memref<8x4096xi32, #tpu.memory_space<vmem>>, vector<16xi32>,
        %ge3A_641 = arith.cmpi uge, %get3A_640, %broadcast_in_dim3A_563 : vector<16xi32>
        %all_reduce_population_count3A_642 = tpu.all_reduce %ge3A_641 {dim = 0 : i64, kind = #tpu.reduction_kind<sum>} : vector<16xi1> -> vector<16xi32>
        %add3A_643 = arith.addi %add3A_634, %all_reduce_population_count3A_642 : vector<16xi32>
        %add3A_644 = arith.constant 112 : i32
        %add3A_645 = arith.addi %mul3A_581, %add3A_644 : i32
        %get3A_646 = arith.constant 4 : i32
        %get3A_647 = arith.index_cast %get3A_646 : i32 to index
        %get3A_648 = arith.index_cast %add3A_645 : i32 to index
        %get3A_649 = tpu.vector_load %arg5[%get3A_647, %get3A_648] {strides = array<i32>} : memref<8x4096xi32, #tpu.memory_space<vmem>>, vector<16xi32>,
        %ge3A_650 = arith.cmpi uge, %get3A_649, %broadcast_in_dim3A_563 : vector<16xi32>
        %all_reduce_population_count3A_651 = tpu.all_reduce %ge3A_650 {dim = 0 : i64, kind = #tpu.reduction_kind<sum>} : vector<16xi1> -> vector<16xi32>
        %add3A_652 = arith.addi %add3A_643, %all_reduce_population_count3A_651 : vector<16xi32>
        scf.yield %add3A_652 : vector<16xi32>
      }
      %scan3A_571 = arith.constant 32 : i32
      %slice3A_572 = vector.extract_strided_slice %scan3A_570 {offsets = [0], sizes = [1], strides = [1]} : vector<16xi32> to vector<1xi32>
      %squeeze3A_573 = vector.extract %slice3A_572[0] : i32 from vector<1xi32>
      %ge3A = arith.cmpi sge, %squeeze3A_573, %squeeze3A_78 : i32
      %select_n3A_574 = arith.select %ge3A, %add3A_562, %scan3A_557 : i32
      %sub3A_575 = arith.constant 1 : i32
      %sub3A_576 = arith.subi %add3A_562, %sub3A_575 : i32
      %select_n3A_577 = arith.select %ge3A, %scan3A_558, %sub3A_576 : i32
      scf.yield %select_n3A_574, %select_n3A_577 : i32, i32
    }
    %scan3A_86 = arith.constant 32 : i32
    %iota3A_87 = tpu.iota {dimensions = array<i32: 0>} : vector<16xi32>
    %eq3A_88 = arith.constant 4 : i32
    %eq3A_89 = vector.broadcast %eq3A_88 : i32 to vector<16xi32>
    %eq3A_90 = arith.cmpi eq, %iota3A_87, %eq3A_89 : vector<16xi32>
    %broadcast_in_dim3A_91 = vector.broadcast %scan3A_85#0 : i32 to vector<16xi32>
    %select_n3A_92 = arith.select %eq3A_90, %broadcast_in_dim3A_91, %select_n3A_76 : vector<16xi1>, vector<16xi32>
    %slice3A_93 = vector.extract_strided_slice %get3A_8 {offsets = [5], sizes = [1], strides = [1]} : vector<16xi32> to vector<1xi32>
    %squeeze3A_94 = vector.extract %slice3A_93[0] : i32 from vector<1xi32>
    %scan3A_95 = arith.constant 0 : i32
    %scan3A_96 = arith.constant -8388608 : i32
    %scan3A_97 = arith.constant 0 : i32
    %scan3A_98 = arith.constant 32 : i32
    %scan3A_99 = arith.addi %scan3A_97, %scan3A_98 : i32
    %scan3A_100 = arith.constant 1 : i32
    %scan3A_101:2 = scf.for %scan3A_556 = %scan3A_97 to %scan3A_99 step %scan3A_100 iter_args(%scan3A_557 = %scan3A_95, %scan3A_558 = %scan3A_96) -> (i32, i32)  : i32 {
      %sub3A = arith.subi %scan3A_558, %scan3A_557 : i32
      %add3A_559 = arith.constant 1 : i32
      %add3A_560 = arith.addi %sub3A, %add3A_559 : i32
      %shift_right_logical3A = arith.constant 1 : i32
      %shift_right_logical3A_561 = arith.shrui %add3A_560, %shift_right_logical3A : i32
      %add3A_562 = arith.addi %scan3A_557, %shift_right_logical3A_561 : i32
      %broadcast_in_dim3A_563 = vector.broadcast %add3A_562 : i32 to vector<16xi32>
      %broadcast_in_dim3A_564 = arith.constant 0 : i32
      %broadcast_in_dim3A_565 = vector.broadcast %broadcast_in_dim3A_564 : i32 to vector<16xi32>
      %scan3A_566 = arith.constant 0 : i32
      %scan3A_567 = arith.constant 32 : i32
      %scan3A_568 = arith.addi %scan3A_566, %scan3A_567 : i32
      %scan3A_569 = arith.constant 1 : i32
      %scan3A_570 = scf.for %scan3A_578 = %scan3A_566 to %scan3A_568 step %scan3A_569 iter_args(%scan3A_579 = %broadcast_in_dim3A_565) -> (vector<16xi32>)  : i32 {
        %mul3A_580 = arith.constant 128 : i32
        %mul3A_581 = arith.muli %scan3A_578, %mul3A_580 : i32
        %add3A_582 = arith.constant 0 : i32
        %add3A_583 = arith.addi %mul3A_581, %add3A_582 : i32
        %get3A_584 = arith.constant 5 : i32
        %get3A_585 = arith.index_cast %get3A_584 : i32 to index
        %get3A_586 = arith.index_cast %add3A_583 : i32 to index
        %get3A_587 = tpu.vector_load %arg5[%get3A_585, %get3A_586] {strides = array<i32>} : memref<8x4096xi32, #tpu.memory_space<vmem>>, vector<16xi32>,
        %ge3A_588 = arith.cmpi uge, %get3A_587, %broadcast_in_dim3A_563 : vector<16xi32>
        %all_reduce_population_count3A = tpu.all_reduce %ge3A_588 {dim = 0 : i64, kind = #tpu.reduction_kind<sum>} : vector<16xi1> -> vector<16xi32>
        %add3A_589 = arith.addi %scan3A_579, %all_reduce_population_count3A : vector<16xi32>
        %add3A_590 = arith.constant 16 : i32
        %add3A_591 = arith.addi %mul3A_581, %add3A_590 : i32
        %get3A_592 = arith.constant 5 : i32
        %get3A_593 = arith.index_cast %get3A_592 : i32 to index
        %get3A_594 = arith.index_cast %add3A_591 : i32 to index
        %get3A_595 = tpu.vector_load %arg5[%get3A_593, %get3A_594] {strides = array<i32>} : memref<8x4096xi32, #tpu.memory_space<vmem>>, vector<16xi32>,
        %ge3A_596 = arith.cmpi uge, %get3A_595, %broadcast_in_dim3A_563 : vector<16xi32>
        %all_reduce_population_count3A_597 = tpu.all_reduce %ge3A_596 {dim = 0 : i64, kind = #tpu.reduction_kind<sum>} : vector<16xi1> -> vector<16xi32>
        %add3A_598 = arith.addi %add3A_589, %all_reduce_population_count3A_597 : vector<16xi32>
        %add3A_599 = arith.constant 32 : i32
        %add3A_600 = arith.addi %mul3A_581, %add3A_599 : i32
        %get3A_601 = arith.constant 5 : i32
        %get3A_602 = arith.index_cast %get3A_601 : i32 to index
        %get3A_603 = arith.index_cast %add3A_600 : i32 to index
        %get3A_604 = tpu.vector_load %arg5[%get3A_602, %get3A_603] {strides = array<i32>} : memref<8x4096xi32, #tpu.memory_space<vmem>>, vector<16xi32>,
        %ge3A_605 = arith.cmpi uge, %get3A_604, %broadcast_in_dim3A_563 : vector<16xi32>
        %all_reduce_population_count3A_606 = tpu.all_reduce %ge3A_605 {dim = 0 : i64, kind = #tpu.reduction_kind<sum>} : vector<16xi1> -> vector<16xi32>
        %add3A_607 = arith.addi %add3A_598, %all_reduce_population_count3A_606 : vector<16xi32>
        %add3A_608 = arith.constant 48 : i32
        %add3A_609 = arith.addi %mul3A_581, %add3A_608 : i32
        %get3A_610 = arith.constant 5 : i32
        %get3A_611 = arith.index_cast %get3A_610 : i32 to index
        %get3A_612 = arith.index_cast %add3A_609 : i32 to index
        %get3A_613 = tpu.vector_load %arg5[%get3A_611, %get3A_612] {strides = array<i32>} : memref<8x4096xi32, #tpu.memory_space<vmem>>, vector<16xi32>,
        %ge3A_614 = arith.cmpi uge, %get3A_613, %broadcast_in_dim3A_563 : vector<16xi32>
        %all_reduce_population_count3A_615 = tpu.all_reduce %ge3A_614 {dim = 0 : i64, kind = #tpu.reduction_kind<sum>} : vector<16xi1> -> vector<16xi32>
        %add3A_616 = arith.addi %add3A_607, %all_reduce_population_count3A_615 : vector<16xi32>
        %add3A_617 = arith.constant 64 : i32
        %add3A_618 = arith.addi %mul3A_581, %add3A_617 : i32
        %get3A_619 = arith.constant 5 : i32
        %get3A_620 = arith.index_cast %get3A_619 : i32 to index
        %get3A_621 = arith.index_cast %add3A_618 : i32 to index
        %get3A_622 = tpu.vector_load %arg5[%get3A_620, %get3A_621] {strides = array<i32>} : memref<8x4096xi32, #tpu.memory_space<vmem>>, vector<16xi32>,
        %ge3A_623 = arith.cmpi uge, %get3A_622, %broadcast_in_dim3A_563 : vector<16xi32>
        %all_reduce_population_count3A_624 = tpu.all_reduce %ge3A_623 {dim = 0 : i64, kind = #tpu.reduction_kind<sum>} : vector<16xi1> -> vector<16xi32>
        %add3A_625 = arith.addi %add3A_616, %all_reduce_population_count3A_624 : vector<16xi32>
        %add3A_626 = arith.constant 80 : i32
        %add3A_627 = arith.addi %mul3A_581, %add3A_626 : i32
        %get3A_628 = arith.constant 5 : i32
        %get3A_629 = arith.index_cast %get3A_628 : i32 to index
        %get3A_630 = arith.index_cast %add3A_627 : i32 to index
        %get3A_631 = tpu.vector_load %arg5[%get3A_629, %get3A_630] {strides = array<i32>} : memref<8x4096xi32, #tpu.memory_space<vmem>>, vector<16xi32>,
        %ge3A_632 = arith.cmpi uge, %get3A_631, %broadcast_in_dim3A_563 : vector<16xi32>
        %all_reduce_population_count3A_633 = tpu.all_reduce %ge3A_632 {dim = 0 : i64, kind = #tpu.reduction_kind<sum>} : vector<16xi1> -> vector<16xi32>
        %add3A_634 = arith.addi %add3A_625, %all_reduce_population_count3A_633 : vector<16xi32>
        %add3A_635 = arith.constant 96 : i32
        %add3A_636 = arith.addi %mul3A_581, %add3A_635 : i32
        %get3A_637 = arith.constant 5 : i32
        %get3A_638 = arith.index_cast %get3A_637 : i32 to index
        %get3A_639 = arith.index_cast %add3A_636 : i32 to index
        %get3A_640 = tpu.vector_load %arg5[%get3A_638, %get3A_639] {strides = array<i32>} : memref<8x4096xi32, #tpu.memory_space<vmem>>, vector<16xi32>,
        %ge3A_641 = arith.cmpi uge, %get3A_640, %broadcast_in_dim3A_563 : vector<16xi32>
        %all_reduce_population_count3A_642 = tpu.all_reduce %ge3A_641 {dim = 0 : i64, kind = #tpu.reduction_kind<sum>} : vector<16xi1> -> vector<16xi32>
        %add3A_643 = arith.addi %add3A_634, %all_reduce_population_count3A_642 : vector<16xi32>
        %add3A_644 = arith.constant 112 : i32
        %add3A_645 = arith.addi %mul3A_581, %add3A_644 : i32
        %get3A_646 = arith.constant 5 : i32
        %get3A_647 = arith.index_cast %get3A_646 : i32 to index
        %get3A_648 = arith.index_cast %add3A_645 : i32 to index
        %get3A_649 = tpu.vector_load %arg5[%get3A_647, %get3A_648] {strides = array<i32>} : memref<8x4096xi32, #tpu.memory_space<vmem>>, vector<16xi32>,
        %ge3A_650 = arith.cmpi uge, %get3A_649, %broadcast_in_dim3A_563 : vector<16xi32>
        %all_reduce_population_count3A_651 = tpu.all_reduce %ge3A_650 {dim = 0 : i64, kind = #tpu.reduction_kind<sum>} : vector<16xi1> -> vector<16xi32>
        %add3A_652 = arith.addi %add3A_643, %all_reduce_population_count3A_651 : vector<16xi32>
        scf.yield %add3A_652 : vector<16xi32>
      }
      %scan3A_571 = arith.constant 32 : i32
      %slice3A_572 = vector.extract_strided_slice %scan3A_570 {offsets = [0], sizes = [1], strides = [1]} : vector<16xi32> to vector<1xi32>
      %squeeze3A_573 = vector.extract %slice3A_572[0] : i32 from vector<1xi32>
      %ge3A = arith.cmpi sge, %squeeze3A_573, %squeeze3A_94 : i32
      %select_n3A_574 = arith.select %ge3A, %add3A_562, %scan3A_557 : i32
      %sub3A_575 = arith.constant 1 : i32
      %sub3A_576 = arith.subi %add3A_562, %sub3A_575 : i32
      %select_n3A_577 = arith.select %ge3A, %scan3A_558, %sub3A_576 : i32
      scf.yield %select_n3A_574, %select_n3A_577 : i32, i32
    }
    %scan3A_102 = arith.constant 32 : i32
    %iota3A_103 = tpu.iota {dimensions = array<i32: 0>} : vector<16xi32>
    %eq3A_104 = arith.constant 5 : i32
    %eq3A_105 = vector.broadcast %eq3A_104 : i32 to vector<16xi32>
    %eq3A_106 = arith.cmpi eq, %iota3A_103, %eq3A_105 : vector<16xi32>
    %broadcast_in_dim3A_107 = vector.broadcast %scan3A_101#0 : i32 to vector<16xi32>
    %select_n3A_108 = arith.select %eq3A_106, %broadcast_in_dim3A_107, %select_n3A_92 : vector<16xi1>, vector<16xi32>
    %slice3A_109 = vector.extract_strided_slice %get3A_8 {offsets = [6], sizes = [1], strides = [1]} : vector<16xi32> to vector<1xi32>
    %squeeze3A_110 = vector.extract %slice3A_109[0] : i32 from vector<1xi32>
    %scan3A_111 = arith.constant 0 : i32
    %scan3A_112 = arith.constant -8388608 : i32
    %scan3A_113 = arith.constant 0 : i32
    %scan3A_114 = arith.constant 32 : i32
    %scan3A_115 = arith.addi %scan3A_113, %scan3A_114 : i32
    %scan3A_116 = arith.constant 1 : i32
    %scan3A_117:2 = scf.for %scan3A_556 = %scan3A_113 to %scan3A_115 step %scan3A_116 iter_args(%scan3A_557 = %scan3A_111, %scan3A_558 = %scan3A_112) -> (i32, i32)  : i32 {
      %sub3A = arith.subi %scan3A_558, %scan3A_557 : i32
      %add3A_559 = arith.constant 1 : i32
      %add3A_560 = arith.addi %sub3A, %add3A_559 : i32
      %shift_right_logical3A = arith.constant 1 : i32
      %shift_right_logical3A_561 = arith.shrui %add3A_560, %shift_right_logical3A : i32
      %add3A_562 = arith.addi %scan3A_557, %shift_right_logical3A_561 : i32
      %broadcast_in_dim3A_563 = vector.broadcast %add3A_562 : i32 to vector<16xi32>
      %broadcast_in_dim3A_564 = arith.constant 0 : i32
      %broadcast_in_dim3A_565 = vector.broadcast %broadcast_in_dim3A_564 : i32 to vector<16xi32>
      %scan3A_566 = arith.constant 0 : i32
      %scan3A_567 = arith.constant 32 : i32
      %scan3A_568 = arith.addi %scan3A_566, %scan3A_567 : i32
      %scan3A_569 = arith.constant 1 : i32
      %scan3A_570 = scf.for %scan3A_578 = %scan3A_566 to %scan3A_568 step %scan3A_569 iter_args(%scan3A_579 = %broadcast_in_dim3A_565) -> (vector<16xi32>)  : i32 {
        %mul3A_580 = arith.constant 128 : i32
        %mul3A_581 = arith.muli %scan3A_578, %mul3A_580 : i32
        %add3A_582 = arith.constant 0 : i32
        %add3A_583 = arith.addi %mul3A_581, %add3A_582 : i32
        %get3A_584 = arith.constant 6 : i32
        %get3A_585 = arith.index_cast %get3A_584 : i32 to index
        %get3A_586 = arith.index_cast %add3A_583 : i32 to index
        %get3A_587 = tpu.vector_load %arg5[%get3A_585, %get3A_586] {strides = array<i32>} : memref<8x4096xi32, #tpu.memory_space<vmem>>, vector<16xi32>,
        %ge3A_588 = arith.cmpi uge, %get3A_587, %broadcast_in_dim3A_563 : vector<16xi32>
        %all_reduce_population_count3A = tpu.all_reduce %ge3A_588 {dim = 0 : i64, kind = #tpu.reduction_kind<sum>} : vector<16xi1> -> vector<16xi32>
        %add3A_589 = arith.addi %scan3A_579, %all_reduce_population_count3A : vector<16xi32>
        %add3A_590 = arith.constant 16 : i32
        %add3A_591 = arith.addi %mul3A_581, %add3A_590 : i32
        %get3A_592 = arith.constant 6 : i32
        %get3A_593 = arith.index_cast %get3A_592 : i32 to index
        %get3A_594 = arith.index_cast %add3A_591 : i32 to index
        %get3A_595 = tpu.vector_load %arg5[%get3A_593, %get3A_594] {strides = array<i32>} : memref<8x4096xi32, #tpu.memory_space<vmem>>, vector<16xi32>,
        %ge3A_596 = arith.cmpi uge, %get3A_595, %broadcast_in_dim3A_563 : vector<16xi32>
        %all_reduce_population_count3A_597 = tpu.all_reduce %ge3A_596 {dim = 0 : i64, kind = #tpu.reduction_kind<sum>} : vector<16xi1> -> vector<16xi32>
        %add3A_598 = arith.addi %add3A_589, %all_reduce_population_count3A_597 : vector<16xi32>
        %add3A_599 = arith.constant 32 : i32
        %add3A_600 = arith.addi %mul3A_581, %add3A_599 : i32
        %get3A_601 = arith.constant 6 : i32
        %get3A_602 = arith.index_cast %get3A_601 : i32 to index
        %get3A_603 = arith.index_cast %add3A_600 : i32 to index
        %get3A_604 = tpu.vector_load %arg5[%get3A_602, %get3A_603] {strides = array<i32>} : memref<8x4096xi32, #tpu.memory_space<vmem>>, vector<16xi32>,
        %ge3A_605 = arith.cmpi uge, %get3A_604, %broadcast_in_dim3A_563 : vector<16xi32>
        %all_reduce_population_count3A_606 = tpu.all_reduce %ge3A_605 {dim = 0 : i64, kind = #tpu.reduction_kind<sum>} : vector<16xi1> -> vector<16xi32>
        %add3A_607 = arith.addi %add3A_598, %all_reduce_population_count3A_606 : vector<16xi32>
        %add3A_608 = arith.constant 48 : i32
        %add3A_609 = arith.addi %mul3A_581, %add3A_608 : i32
        %get3A_610 = arith.constant 6 : i32
        %get3A_611 = arith.index_cast %get3A_610 : i32 to index
        %get3A_612 = arith.index_cast %add3A_609 : i32 to index
        %get3A_613 = tpu.vector_load %arg5[%get3A_611, %get3A_612] {strides = array<i32>} : memref<8x4096xi32, #tpu.memory_space<vmem>>, vector<16xi32>,
        %ge3A_614 = arith.cmpi uge, %get3A_613, %broadcast_in_dim3A_563 : vector<16xi32>
        %all_reduce_population_count3A_615 = tpu.all_reduce %ge3A_614 {dim = 0 : i64, kind = #tpu.reduction_kind<sum>} : vector<16xi1> -> vector<16xi32>
        %add3A_616 = arith.addi %add3A_607, %all_reduce_population_count3A_615 : vector<16xi32>
        %add3A_617 = arith.constant 64 : i32
        %add3A_618 = arith.addi %mul3A_581, %add3A_617 : i32
        %get3A_619 = arith.constant 6 : i32
        %get3A_620 = arith.index_cast %get3A_619 : i32 to index
        %get3A_621 = arith.index_cast %add3A_618 : i32 to index
        %get3A_622 = tpu.vector_load %arg5[%get3A_620, %get3A_621] {strides = array<i32>} : memref<8x4096xi32, #tpu.memory_space<vmem>>, vector<16xi32>,
        %ge3A_623 = arith.cmpi uge, %get3A_622, %broadcast_in_dim3A_563 : vector<16xi32>
        %all_reduce_population_count3A_624 = tpu.all_reduce %ge3A_623 {dim = 0 : i64, kind = #tpu.reduction_kind<sum>} : vector<16xi1> -> vector<16xi32>
        %add3A_625 = arith.addi %add3A_616, %all_reduce_population_count3A_624 : vector<16xi32>
        %add3A_626 = arith.constant 80 : i32
        %add3A_627 = arith.addi %mul3A_581, %add3A_626 : i32
        %get3A_628 = arith.constant 6 : i32
        %get3A_629 = arith.index_cast %get3A_628 : i32 to index
        %get3A_630 = arith.index_cast %add3A_627 : i32 to index
        %get3A_631 = tpu.vector_load %arg5[%get3A_629, %get3A_630] {strides = array<i32>} : memref<8x4096xi32, #tpu.memory_space<vmem>>, vector<16xi32>,
        %ge3A_632 = arith.cmpi uge, %get3A_631, %broadcast_in_dim3A_563 : vector<16xi32>
        %all_reduce_population_count3A_633 = tpu.all_reduce %ge3A_632 {dim = 0 : i64, kind = #tpu.reduction_kind<sum>} : vector<16xi1> -> vector<16xi32>
        %add3A_634 = arith.addi %add3A_625, %all_reduce_population_count3A_633 : vector<16xi32>
        %add3A_635 = arith.constant 96 : i32
        %add3A_636 = arith.addi %mul3A_581, %add3A_635 : i32
        %get3A_637 = arith.constant 6 : i32
        %get3A_638 = arith.index_cast %get3A_637 : i32 to index
        %get3A_639 = arith.index_cast %add3A_636 : i32 to index
        %get3A_640 = tpu.vector_load %arg5[%get3A_638, %get3A_639] {strides = array<i32>} : memref<8x4096xi32, #tpu.memory_space<vmem>>, vector<16xi32>,
        %ge3A_641 = arith.cmpi uge, %get3A_640, %broadcast_in_dim3A_563 : vector<16xi32>
        %all_reduce_population_count3A_642 = tpu.all_reduce %ge3A_641 {dim = 0 : i64, kind = #tpu.reduction_kind<sum>} : vector<16xi1> -> vector<16xi32>
        %add3A_643 = arith.addi %add3A_634, %all_reduce_population_count3A_642 : vector<16xi32>
        %add3A_644 = arith.constant 112 : i32
        %add3A_645 = arith.addi %mul3A_581, %add3A_644 : i32
        %get3A_646 = arith.constant 6 : i32
        %get3A_647 = arith.index_cast %get3A_646 : i32 to index
        %get3A_648 = arith.index_cast %add3A_645 : i32 to index
        %get3A_649 = tpu.vector_load %arg5[%get3A_647, %get3A_648] {strides = array<i32>} : memref<8x4096xi32, #tpu.memory_space<vmem>>, vector<16xi32>,
        %ge3A_650 = arith.cmpi uge, %get3A_649, %broadcast_in_dim3A_563 : vector<16xi32>
        %all_reduce_population_count3A_651 = tpu.all_reduce %ge3A_650 {dim = 0 : i64, kind = #tpu.reduction_kind<sum>} : vector<16xi1> -> vector<16xi32>
        %add3A_652 = arith.addi %add3A_643, %all_reduce_population_count3A_651 : vector<16xi32>
        scf.yield %add3A_652 : vector<16xi32>
      }
      %scan3A_571 = arith.constant 32 : i32
      %slice3A_572 = vector.extract_strided_slice %scan3A_570 {offsets = [0], sizes = [1], strides = [1]} : vector<16xi32> to vector<1xi32>
      %squeeze3A_573 = vector.extract %slice3A_572[0] : i32 from vector<1xi32>
      %ge3A = arith.cmpi sge, %squeeze3A_573, %squeeze3A_110 : i32
      %select_n3A_574 = arith.select %ge3A, %add3A_562, %scan3A_557 : i32
      %sub3A_575 = arith.constant 1 : i32
      %sub3A_576 = arith.subi %add3A_562, %sub3A_575 : i32
      %select_n3A_577 = arith.select %ge3A, %scan3A_558, %sub3A_576 : i32
      scf.yield %select_n3A_574, %select_n3A_577 : i32, i32
    }
    %scan3A_118 = arith.constant 32 : i32
    %iota3A_119 = tpu.iota {dimensions = array<i32: 0>} : vector<16xi32>
    %eq3A_120 = arith.constant 6 : i32
    %eq3A_121 = vector.broadcast %eq3A_120 : i32 to vector<16xi32>
    %eq3A_122 = arith.cmpi eq, %iota3A_119, %eq3A_121 : vector<16xi32>
    %broadcast_in_dim3A_123 = vector.broadcast %scan3A_117#0 : i32 to vector<16xi32>
    %select_n3A_124 = arith.select %eq3A_122, %broadcast_in_dim3A_123, %select_n3A_108 : vector<16xi1>, vector<16xi32>
    %slice3A_125 = vector.extract_strided_slice %get3A_8 {offsets = [7], sizes = [1], strides = [1]} : vector<16xi32> to vector<1xi32>
    %squeeze3A_126 = vector.extract %slice3A_125[0] : i32 from vector<1xi32>
    %scan3A_127 = arith.constant 0 : i32
    %scan3A_128 = arith.constant -8388608 : i32
    %scan3A_129 = arith.constant 0 : i32
    %scan3A_130 = arith.constant 32 : i32
    %scan3A_131 = arith.addi %scan3A_129, %scan3A_130 : i32
    %scan3A_132 = arith.constant 1 : i32
    %scan3A_133:2 = scf.for %scan3A_556 = %scan3A_129 to %scan3A_131 step %scan3A_132 iter_args(%scan3A_557 = %scan3A_127, %scan3A_558 = %scan3A_128) -> (i32, i32)  : i32 {
      %sub3A = arith.subi %scan3A_558, %scan3A_557 : i32
      %add3A_559 = arith.constant 1 : i32
      %add3A_560 = arith.addi %sub3A, %add3A_559 : i32
      %shift_right_logical3A = arith.constant 1 : i32
      %shift_right_logical3A_561 = arith.shrui %add3A_560, %shift_right_logical3A : i32
      %add3A_562 = arith.addi %scan3A_557, %shift_right_logical3A_561 : i32
      %broadcast_in_dim3A_563 = vector.broadcast %add3A_562 : i32 to vector<16xi32>
      %broadcast_in_dim3A_564 = arith.constant 0 : i32
      %broadcast_in_dim3A_565 = vector.broadcast %broadcast_in_dim3A_564 : i32 to vector<16xi32>
      %scan3A_566 = arith.constant 0 : i32
      %scan3A_567 = arith.constant 32 : i32
      %scan3A_568 = arith.addi %scan3A_566, %scan3A_567 : i32
      %scan3A_569 = arith.constant 1 : i32
      %scan3A_570 = scf.for %scan3A_578 = %scan3A_566 to %scan3A_568 step %scan3A_569 iter_args(%scan3A_579 = %broadcast_in_dim3A_565) -> (vector<16xi32>)  : i32 {
        %mul3A_580 = arith.constant 128 : i32
        %mul3A_581 = arith.muli %scan3A_578, %mul3A_580 : i32
        %add3A_582 = arith.constant 0 : i32
        %add3A_583 = arith.addi %mul3A_581, %add3A_582 : i32
        %get3A_584 = arith.constant 7 : i32
        %get3A_585 = arith.index_cast %get3A_584 : i32 to index
        %get3A_586 = arith.index_cast %add3A_583 : i32 to index
        %get3A_587 = tpu.vector_load %arg5[%get3A_585, %get3A_586] {strides = array<i32>} : memref<8x4096xi32, #tpu.memory_space<vmem>>, vector<16xi32>,
        %ge3A_588 = arith.cmpi uge, %get3A_587, %broadcast_in_dim3A_563 : vector<16xi32>
        %all_reduce_population_count3A = tpu.all_reduce %ge3A_588 {dim = 0 : i64, kind = #tpu.reduction_kind<sum>} : vector<16xi1> -> vector<16xi32>
        %add3A_589 = arith.addi %scan3A_579, %all_reduce_population_count3A : vector<16xi32>
        %add3A_590 = arith.constant 16 : i32
        %add3A_591 = arith.addi %mul3A_581, %add3A_590 : i32
        %get3A_592 = arith.constant 7 : i32
        %get3A_593 = arith.index_cast %get3A_592 : i32 to index
        %get3A_594 = arith.index_cast %add3A_591 : i32 to index
        %get3A_595 = tpu.vector_load %arg5[%get3A_593, %get3A_594] {strides = array<i32>} : memref<8x4096xi32, #tpu.memory_space<vmem>>, vector<16xi32>,
        %ge3A_596 = arith.cmpi uge, %get3A_595, %broadcast_in_dim3A_563 : vector<16xi32>
        %all_reduce_population_count3A_597 = tpu.all_reduce %ge3A_596 {dim = 0 : i64, kind = #tpu.reduction_kind<sum>} : vector<16xi1> -> vector<16xi32>
        %add3A_598 = arith.addi %add3A_589, %all_reduce_population_count3A_597 : vector<16xi32>
        %add3A_599 = arith.constant 32 : i32
        %add3A_600 = arith.addi %mul3A_581, %add3A_599 : i32
        %get3A_601 = arith.constant 7 : i32
        %get3A_602 = arith.index_cast %get3A_601 : i32 to index
        %get3A_603 = arith.index_cast %add3A_600 : i32 to index
        %get3A_604 = tpu.vector_load %arg5[%get3A_602, %get3A_603] {strides = array<i32>} : memref<8x4096xi32, #tpu.memory_space<vmem>>, vector<16xi32>,
        %ge3A_605 = arith.cmpi uge, %get3A_604, %broadcast_in_dim3A_563 : vector<16xi32>
        %all_reduce_population_count3A_606 = tpu.all_reduce %ge3A_605 {dim = 0 : i64, kind = #tpu.reduction_kind<sum>} : vector<16xi1> -> vector<16xi32>
        %add3A_607 = arith.addi %add3A_598, %all_reduce_population_count3A_606 : vector<16xi32>
        %add3A_608 = arith.constant 48 : i32
        %add3A_609 = arith.addi %mul3A_581, %add3A_608 : i32
        %get3A_610 = arith.constant 7 : i32
        %get3A_611 = arith.index_cast %get3A_610 : i32 to index
        %get3A_612 = arith.index_cast %add3A_609 : i32 to index
        %get3A_613 = tpu.vector_load %arg5[%get3A_611, %get3A_612] {strides = array<i32>} : memref<8x4096xi32, #tpu.memory_space<vmem>>, vector<16xi32>,
        %ge3A_614 = arith.cmpi uge, %get3A_613, %broadcast_in_dim3A_563 : vector<16xi32>
        %all_reduce_population_count3A_615 = tpu.all_reduce %ge3A_614 {dim = 0 : i64, kind = #tpu.reduction_kind<sum>} : vector<16xi1> -> vector<16xi32>
        %add3A_616 = arith.addi %add3A_607, %all_reduce_population_count3A_615 : vector<16xi32>
        %add3A_617 = arith.constant 64 : i32
        %add3A_618 = arith.addi %mul3A_581, %add3A_617 : i32
        %get3A_619 = arith.constant 7 : i32
        %get3A_620 = arith.index_cast %get3A_619 : i32 to index
        %get3A_621 = arith.index_cast %add3A_618 : i32 to index
        %get3A_622 = tpu.vector_load %arg5[%get3A_620, %get3A_621] {strides = array<i32>} : memref<8x4096xi32, #tpu.memory_space<vmem>>, vector<16xi32>,
        %ge3A_623 = arith.cmpi uge, %get3A_622, %broadcast_in_dim3A_563 : vector<16xi32>
        %all_reduce_population_count3A_624 = tpu.all_reduce %ge3A_623 {dim = 0 : i64, kind = #tpu.reduction_kind<sum>} : vector<16xi1> -> vector<16xi32>
        %add3A_625 = arith.addi %add3A_616, %all_reduce_population_count3A_624 : vector<16xi32>
        %add3A_626 = arith.constant 80 : i32
        %add3A_627 = arith.addi %mul3A_581, %add3A_626 : i32
        %get3A_628 = arith.constant 7 : i32
        %get3A_629 = arith.index_cast %get3A_628 : i32 to index
        %get3A_630 = arith.index_cast %add3A_627 : i32 to index
        %get3A_631 = tpu.vector_load %arg5[%get3A_629, %get3A_630] {strides = array<i32>} : memref<8x4096xi32, #tpu.memory_space<vmem>>, vector<16xi32>,
        %ge3A_632 = arith.cmpi uge, %get3A_631, %broadcast_in_dim3A_563 : vector<16xi32>
        %all_reduce_population_count3A_633 = tpu.all_reduce %ge3A_632 {dim = 0 : i64, kind = #tpu.reduction_kind<sum>} : vector<16xi1> -> vector<16xi32>
        %add3A_634 = arith.addi %add3A_625, %all_reduce_population_count3A_633 : vector<16xi32>
        %add3A_635 = arith.constant 96 : i32
        %add3A_636 = arith.addi %mul3A_581, %add3A_635 : i32
        %get3A_637 = arith.constant 7 : i32
        %get3A_638 = arith.index_cast %get3A_637 : i32 to index
        %get3A_639 = arith.index_cast %add3A_636 : i32 to index
        %get3A_640 = tpu.vector_load %arg5[%get3A_638, %get3A_639] {strides = array<i32>} : memref<8x4096xi32, #tpu.memory_space<vmem>>, vector<16xi32>,
        %ge3A_641 = arith.cmpi uge, %get3A_640, %broadcast_in_dim3A_563 : vector<16xi32>
        %all_reduce_population_count3A_642 = tpu.all_reduce %ge3A_641 {dim = 0 : i64, kind = #tpu.reduction_kind<sum>} : vector<16xi1> -> vector<16xi32>
        %add3A_643 = arith.addi %add3A_634, %all_reduce_population_count3A_642 : vector<16xi32>
        %add3A_644 = arith.constant 112 : i32
        %add3A_645 = arith.addi %mul3A_581, %add3A_644 : i32
        %get3A_646 = arith.constant 7 : i32
        %get3A_647 = arith.index_cast %get3A_646 : i32 to index
        %get3A_648 = arith.index_cast %add3A_645 : i32 to index
        %get3A_649 = tpu.vector_load %arg5[%get3A_647, %get3A_648] {strides = array<i32>} : memref<8x4096xi32, #tpu.memory_space<vmem>>, vector<16xi32>,
        %ge3A_650 = arith.cmpi uge, %get3A_649, %broadcast_in_dim3A_563 : vector<16xi32>
        %all_reduce_population_count3A_651 = tpu.all_reduce %ge3A_650 {dim = 0 : i64, kind = #tpu.reduction_kind<sum>} : vector<16xi1> -> vector<16xi32>
        %add3A_652 = arith.addi %add3A_643, %all_reduce_population_count3A_651 : vector<16xi32>
        scf.yield %add3A_652 : vector<16xi32>
      }
      %scan3A_571 = arith.constant 32 : i32
      %slice3A_572 = vector.extract_strided_slice %scan3A_570 {offsets = [0], sizes = [1], strides = [1]} : vector<16xi32> to vector<1xi32>
      %squeeze3A_573 = vector.extract %slice3A_572[0] : i32 from vector<1xi32>
      %ge3A = arith.cmpi sge, %squeeze3A_573, %squeeze3A_126 : i32
      %select_n3A_574 = arith.select %ge3A, %add3A_562, %scan3A_557 : i32
      %sub3A_575 = arith.constant 1 : i32
      %sub3A_576 = arith.subi %add3A_562, %sub3A_575 : i32
      %select_n3A_577 = arith.select %ge3A, %scan3A_558, %sub3A_576 : i32
      scf.yield %select_n3A_574, %select_n3A_577 : i32, i32
    }
    %scan3A_134 = arith.constant 32 : i32
    %iota3A_135 = tpu.iota {dimensions = array<i32: 0>} : vector<16xi32>
    %eq3A_136 = arith.constant 7 : i32
    %eq3A_137 = vector.broadcast %eq3A_136 : i32 to vector<16xi32>
    %eq3A_138 = arith.cmpi eq, %iota3A_135, %eq3A_137 : vector<16xi32>
    %broadcast_in_dim3A_139 = vector.broadcast %scan3A_133#0 : i32 to vector<16xi32>
    %select_n3A_140 = arith.select %eq3A_138, %broadcast_in_dim3A_139, %select_n3A_124 : vector<16xi1>, vector<16xi32>
    %dma_wait3A_141 = arith.constant 0 : i32
    %dma_wait3A_142 = tpu.memref_slice %arg2[%add3A_14, %dma_wait3A_141] : memref<1024x4096xi32, #tpu.memory_space<hbm>> -> memref<8x4096xi32, #tpu.memory_space<hbm>>
    %dma_wait3A_143 = arith.constant 0 : i32
    %dma_wait3A_144 = tpu.memref_slice %arg2[%add3A_14, %dma_wait3A_143] : memref<1024x4096xi32, #tpu.memory_space<hbm>> -> memref<8x4096xi32, #tpu.memory_space<hbm>>
    tpu.wait_dma2 semaphore(%arg10 : memref<!tpu.dma_semaphore, #tpu.memory_space<semaphore_mem>>) src(%dma_wait3A_144 : memref<8x4096xi32, #tpu.memory_space<hbm>>) dst(%arg6 : memref<8x4096xi32, #tpu.memory_space<vmem>>)
    %add3A_145 = arith.constant 16 : i32
    %add3A_146 = arith.addi %mul3A_2, %add3A_145 : i32
    %dma_start3A_147 = arith.constant 0 : i32
    %dma_start3A_148 = tpu.memref_slice %arg2[%add3A_146, %dma_start3A_147] : memref<1024x4096xi32, #tpu.memory_space<hbm>> -> memref<8x4096xi32, #tpu.memory_space<hbm>>
    %dma_start3A_149 = arith.constant 0 : i32
    %dma_start3A_150 = tpu.memref_slice %arg2[%add3A_146, %dma_start3A_149] : memref<1024x4096xi32, #tpu.memory_space<hbm>> -> memref<8x4096xi32, #tpu.memory_space<hbm>>
    tpu.enqueue_dma source(%dma_start3A_150 : memref<8x4096xi32, #tpu.memory_space<hbm>>) target(%arg5 : memref<8x4096xi32, #tpu.memory_space<vmem>>) target_semaphore(%arg9 : memref<!tpu.dma_semaphore, #tpu.memory_space<semaphore_mem>>)
    %slice3A_151 = vector.extract_strided_slice %get3A_8 {offsets = [8], sizes = [1], strides = [1]} : vector<16xi32> to vector<1xi32>
    %squeeze3A_152 = vector.extract %slice3A_151[0] : i32 from vector<1xi32>
    %scan3A_153 = arith.constant 0 : i32
    %scan3A_154 = arith.constant -8388608 : i32
    %scan3A_155 = arith.constant 0 : i32
    %scan3A_156 = arith.constant 32 : i32
    %scan3A_157 = arith.addi %scan3A_155, %scan3A_156 : i32
    %scan3A_158 = arith.constant 1 : i32
    %scan3A_159:2 = scf.for %scan3A_556 = %scan3A_155 to %scan3A_157 step %scan3A_158 iter_args(%scan3A_557 = %scan3A_153, %scan3A_558 = %scan3A_154) -> (i32, i32)  : i32 {
      %sub3A = arith.subi %scan3A_558, %scan3A_557 : i32
      %add3A_559 = arith.constant 1 : i32
      %add3A_560 = arith.addi %sub3A, %add3A_559 : i32
      %shift_right_logical3A = arith.constant 1 : i32
      %shift_right_logical3A_561 = arith.shrui %add3A_560, %shift_right_logical3A : i32
      %add3A_562 = arith.addi %scan3A_557, %shift_right_logical3A_561 : i32
      %broadcast_in_dim3A_563 = vector.broadcast %add3A_562 : i32 to vector<16xi32>
      %broadcast_in_dim3A_564 = arith.constant 0 : i32
      %broadcast_in_dim3A_565 = vector.broadcast %broadcast_in_dim3A_564 : i32 to vector<16xi32>
      %scan3A_566 = arith.constant 0 : i32
      %scan3A_567 = arith.constant 32 : i32
      %scan3A_568 = arith.addi %scan3A_566, %scan3A_567 : i32
      %scan3A_569 = arith.constant 1 : i32
      %scan3A_570 = scf.for %scan3A_578 = %scan3A_566 to %scan3A_568 step %scan3A_569 iter_args(%scan3A_579 = %broadcast_in_dim3A_565) -> (vector<16xi32>)  : i32 {
        %mul3A_580 = arith.constant 128 : i32
        %mul3A_581 = arith.muli %scan3A_578, %mul3A_580 : i32
        %add3A_582 = arith.constant 0 : i32
        %add3A_583 = arith.addi %mul3A_581, %add3A_582 : i32
        %get3A_584 = arith.constant 0 : i32
        %get3A_585 = arith.index_cast %get3A_584 : i32 to index
        %get3A_586 = arith.index_cast %add3A_583 : i32 to index
        %get3A_587 = tpu.vector_load %arg6[%get3A_585, %get3A_586] {strides = array<i32>} : memref<8x4096xi32, #tpu.memory_space<vmem>>, vector<16xi32>,
        %ge3A_588 = arith.cmpi uge, %get3A_587, %broadcast_in_dim3A_563 : vector<16xi32>
        %all_reduce_population_count3A = tpu.all_reduce %ge3A_588 {dim = 0 : i64, kind = #tpu.reduction_kind<sum>} : vector<16xi1> -> vector<16xi32>
        %add3A_589 = arith.addi %scan3A_579, %all_reduce_population_count3A : vector<16xi32>
        %add3A_590 = arith.constant 16 : i32
        %add3A_591 = arith.addi %mul3A_581, %add3A_590 : i32
        %get3A_592 = arith.constant 0 : i32
        %get3A_593 = arith.index_cast %get3A_592 : i32 to index
        %get3A_594 = arith.index_cast %add3A_591 : i32 to index
        %get3A_595 = tpu.vector_load %arg6[%get3A_593, %get3A_594] {strides = array<i32>} : memref<8x4096xi32, #tpu.memory_space<vmem>>, vector<16xi32>,
        %ge3A_596 = arith.cmpi uge, %get3A_595, %broadcast_in_dim3A_563 : vector<16xi32>
        %all_reduce_population_count3A_597 = tpu.all_reduce %ge3A_596 {dim = 0 : i64, kind = #tpu.reduction_kind<sum>} : vector<16xi1> -> vector<16xi32>
        %add3A_598 = arith.addi %add3A_589, %all_reduce_population_count3A_597 : vector<16xi32>
        %add3A_599 = arith.constant 32 : i32
        %add3A_600 = arith.addi %mul3A_581, %add3A_599 : i32
        %get3A_601 = arith.constant 0 : i32
        %get3A_602 = arith.index_cast %get3A_601 : i32 to index
        %get3A_603 = arith.index_cast %add3A_600 : i32 to index
        %get3A_604 = tpu.vector_load %arg6[%get3A_602, %get3A_603] {strides = array<i32>} : memref<8x4096xi32, #tpu.memory_space<vmem>>, vector<16xi32>,
        %ge3A_605 = arith.cmpi uge, %get3A_604, %broadcast_in_dim3A_563 : vector<16xi32>
        %all_reduce_population_count3A_606 = tpu.all_reduce %ge3A_605 {dim = 0 : i64, kind = #tpu.reduction_kind<sum>} : vector<16xi1> -> vector<16xi32>
        %add3A_607 = arith.addi %add3A_598, %all_reduce_population_count3A_606 : vector<16xi32>
        %add3A_608 = arith.constant 48 : i32
        %add3A_609 = arith.addi %mul3A_581, %add3A_608 : i32
        %get3A_610 = arith.constant 0 : i32
        %get3A_611 = arith.index_cast %get3A_610 : i32 to index
        %get3A_612 = arith.index_cast %add3A_609 : i32 to index
        %get3A_613 = tpu.vector_load %arg6[%get3A_611, %get3A_612] {strides = array<i32>} : memref<8x4096xi32, #tpu.memory_space<vmem>>, vector<16xi32>,
        %ge3A_614 = arith.cmpi uge, %get3A_613, %broadcast_in_dim3A_563 : vector<16xi32>
        %all_reduce_population_count3A_615 = tpu.all_reduce %ge3A_614 {dim = 0 : i64, kind = #tpu.reduction_kind<sum>} : vector<16xi1> -> vector<16xi32>
        %add3A_616 = arith.addi %add3A_607, %all_reduce_population_count3A_615 : vector<16xi32>
        %add3A_617 = arith.constant 64 : i32
        %add3A_618 = arith.addi %mul3A_581, %add3A_617 : i32
        %get3A_619 = arith.constant 0 : i32
        %get3A_620 = arith.index_cast %get3A_619 : i32 to index
        %get3A_621 = arith.index_cast %add3A_618 : i32 to index
        %get3A_622 = tpu.vector_load %arg6[%get3A_620, %get3A_621] {strides = array<i32>} : memref<8x4096xi32, #tpu.memory_space<vmem>>, vector<16xi32>,
        %ge3A_623 = arith.cmpi uge, %get3A_622, %broadcast_in_dim3A_563 : vector<16xi32>
        %all_reduce_population_count3A_624 = tpu.all_reduce %ge3A_623 {dim = 0 : i64, kind = #tpu.reduction_kind<sum>} : vector<16xi1> -> vector<16xi32>
        %add3A_625 = arith.addi %add3A_616, %all_reduce_population_count3A_624 : vector<16xi32>
        %add3A_626 = arith.constant 80 : i32
        %add3A_627 = arith.addi %mul3A_581, %add3A_626 : i32
        %get3A_628 = arith.constant 0 : i32
        %get3A_629 = arith.index_cast %get3A_628 : i32 to index
        %get3A_630 = arith.index_cast %add3A_627 : i32 to index
        %get3A_631 = tpu.vector_load %arg6[%get3A_629, %get3A_630] {strides = array<i32>} : memref<8x4096xi32, #tpu.memory_space<vmem>>, vector<16xi32>,
        %ge3A_632 = arith.cmpi uge, %get3A_631, %broadcast_in_dim3A_563 : vector<16xi32>
        %all_reduce_population_count3A_633 = tpu.all_reduce %ge3A_632 {dim = 0 : i64, kind = #tpu.reduction_kind<sum>} : vector<16xi1> -> vector<16xi32>
        %add3A_634 = arith.addi %add3A_625, %all_reduce_population_count3A_633 : vector<16xi32>
        %add3A_635 = arith.constant 96 : i32
        %add3A_636 = arith.addi %mul3A_581, %add3A_635 : i32
        %get3A_637 = arith.constant 0 : i32
        %get3A_638 = arith.index_cast %get3A_637 : i32 to index
        %get3A_639 = arith.index_cast %add3A_636 : i32 to index
        %get3A_640 = tpu.vector_load %arg6[%get3A_638, %get3A_639] {strides = array<i32>} : memref<8x4096xi32, #tpu.memory_space<vmem>>, vector<16xi32>,
        %ge3A_641 = arith.cmpi uge, %get3A_640, %broadcast_in_dim3A_563 : vector<16xi32>
        %all_reduce_population_count3A_642 = tpu.all_reduce %ge3A_641 {dim = 0 : i64, kind = #tpu.reduction_kind<sum>} : vector<16xi1> -> vector<16xi32>
        %add3A_643 = arith.addi %add3A_634, %all_reduce_population_count3A_642 : vector<16xi32>
        %add3A_644 = arith.constant 112 : i32
        %add3A_645 = arith.addi %mul3A_581, %add3A_644 : i32
        %get3A_646 = arith.constant 0 : i32
        %get3A_647 = arith.index_cast %get3A_646 : i32 to index
        %get3A_648 = arith.index_cast %add3A_645 : i32 to index
        %get3A_649 = tpu.vector_load %arg6[%get3A_647, %get3A_648] {strides = array<i32>} : memref<8x4096xi32, #tpu.memory_space<vmem>>, vector<16xi32>,
        %ge3A_650 = arith.cmpi uge, %get3A_649, %broadcast_in_dim3A_563 : vector<16xi32>
        %all_reduce_population_count3A_651 = tpu.all_reduce %ge3A_650 {dim = 0 : i64, kind = #tpu.reduction_kind<sum>} : vector<16xi1> -> vector<16xi32>
        %add3A_652 = arith.addi %add3A_643, %all_reduce_population_count3A_651 : vector<16xi32>
        scf.yield %add3A_652 : vector<16xi32>
      }
      %scan3A_571 = arith.constant 32 : i32
      %slice3A_572 = vector.extract_strided_slice %scan3A_570 {offsets = [0], sizes = [1], strides = [1]} : vector<16xi32> to vector<1xi32>
      %squeeze3A_573 = vector.extract %slice3A_572[0] : i32 from vector<1xi32>
      %ge3A = arith.cmpi sge, %squeeze3A_573, %squeeze3A_152 : i32
      %select_n3A_574 = arith.select %ge3A, %add3A_562, %scan3A_557 : i32
      %sub3A_575 = arith.constant 1 : i32
      %sub3A_576 = arith.subi %add3A_562, %sub3A_575 : i32
      %select_n3A_577 = arith.select %ge3A, %scan3A_558, %sub3A_576 : i32
      scf.yield %select_n3A_574, %select_n3A_577 : i32, i32
    }
    %scan3A_160 = arith.constant 32 : i32
    %iota3A_161 = tpu.iota {dimensions = array<i32: 0>} : vector<16xi32>
    %eq3A_162 = arith.constant 8 : i32
    %eq3A_163 = vector.broadcast %eq3A_162 : i32 to vector<16xi32>
    %eq3A_164 = arith.cmpi eq, %iota3A_161, %eq3A_163 : vector<16xi32>
    %broadcast_in_dim3A_165 = vector.broadcast %scan3A_159#0 : i32 to vector<16xi32>
    %select_n3A_166 = arith.select %eq3A_164, %broadcast_in_dim3A_165, %select_n3A_140 : vector<16xi1>, vector<16xi32>
    %slice3A_167 = vector.extract_strided_slice %get3A_8 {offsets = [9], sizes = [1], strides = [1]} : vector<16xi32> to vector<1xi32>
    %squeeze3A_168 = vector.extract %slice3A_167[0] : i32 from vector<1xi32>
    %scan3A_169 = arith.constant 0 : i32
    %scan3A_170 = arith.constant -8388608 : i32
    %scan3A_171 = arith.constant 0 : i32
    %scan3A_172 = arith.constant 32 : i32
    %scan3A_173 = arith.addi %scan3A_171, %scan3A_172 : i32
    %scan3A_174 = arith.constant 1 : i32
    %scan3A_175:2 = scf.for %scan3A_556 = %scan3A_171 to %scan3A_173 step %scan3A_174 iter_args(%scan3A_557 = %scan3A_169, %scan3A_558 = %scan3A_170) -> (i32, i32)  : i32 {
      %sub3A = arith.subi %scan3A_558, %scan3A_557 : i32
      %add3A_559 = arith.constant 1 : i32
      %add3A_560 = arith.addi %sub3A, %add3A_559 : i32
      %shift_right_logical3A = arith.constant 1 : i32
      %shift_right_logical3A_561 = arith.shrui %add3A_560, %shift_right_logical3A : i32
      %add3A_562 = arith.addi %scan3A_557, %shift_right_logical3A_561 : i32
      %broadcast_in_dim3A_563 = vector.broadcast %add3A_562 : i32 to vector<16xi32>
      %broadcast_in_dim3A_564 = arith.constant 0 : i32
      %broadcast_in_dim3A_565 = vector.broadcast %broadcast_in_dim3A_564 : i32 to vector<16xi32>
      %scan3A_566 = arith.constant 0 : i32
      %scan3A_567 = arith.constant 32 : i32
      %scan3A_568 = arith.addi %scan3A_566, %scan3A_567 : i32
      %scan3A_569 = arith.constant 1 : i32
      %scan3A_570 = scf.for %scan3A_578 = %scan3A_566 to %scan3A_568 step %scan3A_569 iter_args(%scan3A_579 = %broadcast_in_dim3A_565) -> (vector<16xi32>)  : i32 {
        %mul3A_580 = arith.constant 128 : i32
        %mul3A_581 = arith.muli %scan3A_578, %mul3A_580 : i32
        %add3A_582 = arith.constant 0 : i32
        %add3A_583 = arith.addi %mul3A_581, %add3A_582 : i32
        %get3A_584 = arith.constant 1 : i32
        %get3A_585 = arith.index_cast %get3A_584 : i32 to index
        %get3A_586 = arith.index_cast %add3A_583 : i32 to index
        %get3A_587 = tpu.vector_load %arg6[%get3A_585, %get3A_586] {strides = array<i32>} : memref<8x4096xi32, #tpu.memory_space<vmem>>, vector<16xi32>,
        %ge3A_588 = arith.cmpi uge, %get3A_587, %broadcast_in_dim3A_563 : vector<16xi32>
        %all_reduce_population_count3A = tpu.all_reduce %ge3A_588 {dim = 0 : i64, kind = #tpu.reduction_kind<sum>} : vector<16xi1> -> vector<16xi32>
        %add3A_589 = arith.addi %scan3A_579, %all_reduce_population_count3A : vector<16xi32>
        %add3A_590 = arith.constant 16 : i32
        %add3A_591 = arith.addi %mul3A_581, %add3A_590 : i32
        %get3A_592 = arith.constant 1 : i32
        %get3A_593 = arith.index_cast %get3A_592 : i32 to index
        %get3A_594 = arith.index_cast %add3A_591 : i32 to index
        %get3A_595 = tpu.vector_load %arg6[%get3A_593, %get3A_594] {strides = array<i32>} : memref<8x4096xi32, #tpu.memory_space<vmem>>, vector<16xi32>,
        %ge3A_596 = arith.cmpi uge, %get3A_595, %broadcast_in_dim3A_563 : vector<16xi32>
        %all_reduce_population_count3A_597 = tpu.all_reduce %ge3A_596 {dim = 0 : i64, kind = #tpu.reduction_kind<sum>} : vector<16xi1> -> vector<16xi32>
        %add3A_598 = arith.addi %add3A_589, %all_reduce_population_count3A_597 : vector<16xi32>
        %add3A_599 = arith.constant 32 : i32
        %add3A_600 = arith.addi %mul3A_581, %add3A_599 : i32
        %get3A_601 = arith.constant 1 : i32
        %get3A_602 = arith.index_cast %get3A_601 : i32 to index
        %get3A_603 = arith.index_cast %add3A_600 : i32 to index
        %get3A_604 = tpu.vector_load %arg6[%get3A_602, %get3A_603] {strides = array<i32>} : memref<8x4096xi32, #tpu.memory_space<vmem>>, vector<16xi32>,
        %ge3A_605 = arith.cmpi uge, %get3A_604, %broadcast_in_dim3A_563 : vector<16xi32>
        %all_reduce_population_count3A_606 = tpu.all_reduce %ge3A_605 {dim = 0 : i64, kind = #tpu.reduction_kind<sum>} : vector<16xi1> -> vector<16xi32>
        %add3A_607 = arith.addi %add3A_598, %all_reduce_population_count3A_606 : vector<16xi32>
        %add3A_608 = arith.constant 48 : i32
        %add3A_609 = arith.addi %mul3A_581, %add3A_608 : i32
        %get3A_610 = arith.constant 1 : i32
        %get3A_611 = arith.index_cast %get3A_610 : i32 to index
        %get3A_612 = arith.index_cast %add3A_609 : i32 to index
        %get3A_613 = tpu.vector_load %arg6[%get3A_611, %get3A_612] {strides = array<i32>} : memref<8x4096xi32, #tpu.memory_space<vmem>>, vector<16xi32>,
        %ge3A_614 = arith.cmpi uge, %get3A_613, %broadcast_in_dim3A_563 : vector<16xi32>
        %all_reduce_population_count3A_615 = tpu.all_reduce %ge3A_614 {dim = 0 : i64, kind = #tpu.reduction_kind<sum>} : vector<16xi1> -> vector<16xi32>
        %add3A_616 = arith.addi %add3A_607, %all_reduce_population_count3A_615 : vector<16xi32>
        %add3A_617 = arith.constant 64 : i32
        %add3A_618 = arith.addi %mul3A_581, %add3A_617 : i32
        %get3A_619 = arith.constant 1 : i32
        %get3A_620 = arith.index_cast %get3A_619 : i32 to index
        %get3A_621 = arith.index_cast %add3A_618 : i32 to index
        %get3A_622 = tpu.vector_load %arg6[%get3A_620, %get3A_621] {strides = array<i32>} : memref<8x4096xi32, #tpu.memory_space<vmem>>, vector<16xi32>,
        %ge3A_623 = arith.cmpi uge, %get3A_622, %broadcast_in_dim3A_563 : vector<16xi32>
        %all_reduce_population_count3A_624 = tpu.all_reduce %ge3A_623 {dim = 0 : i64, kind = #tpu.reduction_kind<sum>} : vector<16xi1> -> vector<16xi32>
        %add3A_625 = arith.addi %add3A_616, %all_reduce_population_count3A_624 : vector<16xi32>
        %add3A_626 = arith.constant 80 : i32
        %add3A_627 = arith.addi %mul3A_581, %add3A_626 : i32
        %get3A_628 = arith.constant 1 : i32
        %get3A_629 = arith.index_cast %get3A_628 : i32 to index
        %get3A_630 = arith.index_cast %add3A_627 : i32 to index
        %get3A_631 = tpu.vector_load %arg6[%get3A_629, %get3A_630] {strides = array<i32>} : memref<8x4096xi32, #tpu.memory_space<vmem>>, vector<16xi32>,
        %ge3A_632 = arith.cmpi uge, %get3A_631, %broadcast_in_dim3A_563 : vector<16xi32>
        %all_reduce_population_count3A_633 = tpu.all_reduce %ge3A_632 {dim = 0 : i64, kind = #tpu.reduction_kind<sum>} : vector<16xi1> -> vector<16xi32>
        %add3A_634 = arith.addi %add3A_625, %all_reduce_population_count3A_633 : vector<16xi32>
        %add3A_635 = arith.constant 96 : i32
        %add3A_636 = arith.addi %mul3A_581, %add3A_635 : i32
        %get3A_637 = arith.constant 1 : i32
        %get3A_638 = arith.index_cast %get3A_637 : i32 to index
        %get3A_639 = arith.index_cast %add3A_636 : i32 to index
        %get3A_640 = tpu.vector_load %arg6[%get3A_638, %get3A_639] {strides = array<i32>} : memref<8x4096xi32, #tpu.memory_space<vmem>>, vector<16xi32>,
        %ge3A_641 = arith.cmpi uge, %get3A_640, %broadcast_in_dim3A_563 : vector<16xi32>
        %all_reduce_population_count3A_642 = tpu.all_reduce %ge3A_641 {dim = 0 : i64, kind = #tpu.reduction_kind<sum>} : vector<16xi1> -> vector<16xi32>
        %add3A_643 = arith.addi %add3A_634, %all_reduce_population_count3A_642 : vector<16xi32>
        %add3A_644 = arith.constant 112 : i32
        %add3A_645 = arith.addi %mul3A_581, %add3A_644 : i32
        %get3A_646 = arith.constant 1 : i32
        %get3A_647 = arith.index_cast %get3A_646 : i32 to index
        %get3A_648 = arith.index_cast %add3A_645 : i32 to index
        %get3A_649 = tpu.vector_load %arg6[%get3A_647, %get3A_648] {strides = array<i32>} : memref<8x4096xi32, #tpu.memory_space<vmem>>, vector<16xi32>,
        %ge3A_650 = arith.cmpi uge, %get3A_649, %broadcast_in_dim3A_563 : vector<16xi32>
        %all_reduce_population_count3A_651 = tpu.all_reduce %ge3A_650 {dim = 0 : i64, kind = #tpu.reduction_kind<sum>} : vector<16xi1> -> vector<16xi32>
        %add3A_652 = arith.addi %add3A_643, %all_reduce_population_count3A_651 : vector<16xi32>
        scf.yield %add3A_652 : vector<16xi32>
      }
      %scan3A_571 = arith.constant 32 : i32
      %slice3A_572 = vector.extract_strided_slice %scan3A_570 {offsets = [0], sizes = [1], strides = [1]} : vector<16xi32> to vector<1xi32>
      %squeeze3A_573 = vector.extract %slice3A_572[0] : i32 from vector<1xi32>
      %ge3A = arith.cmpi sge, %squeeze3A_573, %squeeze3A_168 : i32
      %select_n3A_574 = arith.select %ge3A, %add3A_562, %scan3A_557 : i32
      %sub3A_575 = arith.constant 1 : i32
      %sub3A_576 = arith.subi %add3A_562, %sub3A_575 : i32
      %select_n3A_577 = arith.select %ge3A, %scan3A_558, %sub3A_576 : i32
      scf.yield %select_n3A_574, %select_n3A_577 : i32, i32
    }
    %scan3A_176 = arith.constant 32 : i32
    %iota3A_177 = tpu.iota {dimensions = array<i32: 0>} : vector<16xi32>
    %eq3A_178 = arith.constant 9 : i32
    %eq3A_179 = vector.broadcast %eq3A_178 : i32 to vector<16xi32>
    %eq3A_180 = arith.cmpi eq, %iota3A_177, %eq3A_179 : vector<16xi32>
    %broadcast_in_dim3A_181 = vector.broadcast %scan3A_175#0 : i32 to vector<16xi32>
    %select_n3A_182 = arith.select %eq3A_180, %broadcast_in_dim3A_181, %select_n3A_166 : vector<16xi1>, vector<16xi32>
    %slice3A_183 = vector.extract_strided_slice %get3A_8 {offsets = [10], sizes = [1], strides = [1]} : vector<16xi32> to vector<1xi32>
    %squeeze3A_184 = vector.extract %slice3A_183[0] : i32 from vector<1xi32>
    %scan3A_185 = arith.constant 0 : i32
    %scan3A_186 = arith.constant -8388608 : i32
    %scan3A_187 = arith.constant 0 : i32
    %scan3A_188 = arith.constant 32 : i32
    %scan3A_189 = arith.addi %scan3A_187, %scan3A_188 : i32
    %scan3A_190 = arith.constant 1 : i32
    %scan3A_191:2 = scf.for %scan3A_556 = %scan3A_187 to %scan3A_189 step %scan3A_190 iter_args(%scan3A_557 = %scan3A_185, %scan3A_558 = %scan3A_186) -> (i32, i32)  : i32 {
      %sub3A = arith.subi %scan3A_558, %scan3A_557 : i32
      %add3A_559 = arith.constant 1 : i32
      %add3A_560 = arith.addi %sub3A, %add3A_559 : i32
      %shift_right_logical3A = arith.constant 1 : i32
      %shift_right_logical3A_561 = arith.shrui %add3A_560, %shift_right_logical3A : i32
      %add3A_562 = arith.addi %scan3A_557, %shift_right_logical3A_561 : i32
      %broadcast_in_dim3A_563 = vector.broadcast %add3A_562 : i32 to vector<16xi32>
      %broadcast_in_dim3A_564 = arith.constant 0 : i32
      %broadcast_in_dim3A_565 = vector.broadcast %broadcast_in_dim3A_564 : i32 to vector<16xi32>
      %scan3A_566 = arith.constant 0 : i32
      %scan3A_567 = arith.constant 32 : i32
      %scan3A_568 = arith.addi %scan3A_566, %scan3A_567 : i32
      %scan3A_569 = arith.constant 1 : i32
      %scan3A_570 = scf.for %scan3A_578 = %scan3A_566 to %scan3A_568 step %scan3A_569 iter_args(%scan3A_579 = %broadcast_in_dim3A_565) -> (vector<16xi32>)  : i32 {
        %mul3A_580 = arith.constant 128 : i32
        %mul3A_581 = arith.muli %scan3A_578, %mul3A_580 : i32
        %add3A_582 = arith.constant 0 : i32
        %add3A_583 = arith.addi %mul3A_581, %add3A_582 : i32
        %get3A_584 = arith.constant 2 : i32
        %get3A_585 = arith.index_cast %get3A_584 : i32 to index
        %get3A_586 = arith.index_cast %add3A_583 : i32 to index
        %get3A_587 = tpu.vector_load %arg6[%get3A_585, %get3A_586] {strides = array<i32>} : memref<8x4096xi32, #tpu.memory_space<vmem>>, vector<16xi32>,
        %ge3A_588 = arith.cmpi uge, %get3A_587, %broadcast_in_dim3A_563 : vector<16xi32>
        %all_reduce_population_count3A = tpu.all_reduce %ge3A_588 {dim = 0 : i64, kind = #tpu.reduction_kind<sum>} : vector<16xi1> -> vector<16xi32>
        %add3A_589 = arith.addi %scan3A_579, %all_reduce_population_count3A : vector<16xi32>
        %add3A_590 = arith.constant 16 : i32
        %add3A_591 = arith.addi %mul3A_581, %add3A_590 : i32
        %get3A_592 = arith.constant 2 : i32
        %get3A_593 = arith.index_cast %get3A_592 : i32 to index
        %get3A_594 = arith.index_cast %add3A_591 : i32 to index
        %get3A_595 = tpu.vector_load %arg6[%get3A_593, %get3A_594] {strides = array<i32>} : memref<8x4096xi32, #tpu.memory_space<vmem>>, vector<16xi32>,
        %ge3A_596 = arith.cmpi uge, %get3A_595, %broadcast_in_dim3A_563 : vector<16xi32>
        %all_reduce_population_count3A_597 = tpu.all_reduce %ge3A_596 {dim = 0 : i64, kind = #tpu.reduction_kind<sum>} : vector<16xi1> -> vector<16xi32>
        %add3A_598 = arith.addi %add3A_589, %all_reduce_population_count3A_597 : vector<16xi32>
        %add3A_599 = arith.constant 32 : i32
        %add3A_600 = arith.addi %mul3A_581, %add3A_599 : i32
        %get3A_601 = arith.constant 2 : i32
        %get3A_602 = arith.index_cast %get3A_601 : i32 to index
        %get3A_603 = arith.index_cast %add3A_600 : i32 to index
        %get3A_604 = tpu.vector_load %arg6[%get3A_602, %get3A_603] {strides = array<i32>} : memref<8x4096xi32, #tpu.memory_space<vmem>>, vector<16xi32>,
        %ge3A_605 = arith.cmpi uge, %get3A_604, %broadcast_in_dim3A_563 : vector<16xi32>
        %all_reduce_population_count3A_606 = tpu.all_reduce %ge3A_605 {dim = 0 : i64, kind = #tpu.reduction_kind<sum>} : vector<16xi1> -> vector<16xi32>
        %add3A_607 = arith.addi %add3A_598, %all_reduce_population_count3A_606 : vector<16xi32>
        %add3A_608 = arith.constant 48 : i32
        %add3A_609 = arith.addi %mul3A_581, %add3A_608 : i32
        %get3A_610 = arith.constant 2 : i32
        %get3A_611 = arith.index_cast %get3A_610 : i32 to index
        %get3A_612 = arith.index_cast %add3A_609 : i32 to index
        %get3A_613 = tpu.vector_load %arg6[%get3A_611, %get3A_612] {strides = array<i32>} : memref<8x4096xi32, #tpu.memory_space<vmem>>, vector<16xi32>,
        %ge3A_614 = arith.cmpi uge, %get3A_613, %broadcast_in_dim3A_563 : vector<16xi32>
        %all_reduce_population_count3A_615 = tpu.all_reduce %ge3A_614 {dim = 0 : i64, kind = #tpu.reduction_kind<sum>} : vector<16xi1> -> vector<16xi32>
        %add3A_616 = arith.addi %add3A_607, %all_reduce_population_count3A_615 : vector<16xi32>
        %add3A_617 = arith.constant 64 : i32
        %add3A_618 = arith.addi %mul3A_581, %add3A_617 : i32
        %get3A_619 = arith.constant 2 : i32
        %get3A_620 = arith.index_cast %get3A_619 : i32 to index
        %get3A_621 = arith.index_cast %add3A_618 : i32 to index
        %get3A_622 = tpu.vector_load %arg6[%get3A_620, %get3A_621] {strides = array<i32>} : memref<8x4096xi32, #tpu.memory_space<vmem>>, vector<16xi32>,
        %ge3A_623 = arith.cmpi uge, %get3A_622, %broadcast_in_dim3A_563 : vector<16xi32>
        %all_reduce_population_count3A_624 = tpu.all_reduce %ge3A_623 {dim = 0 : i64, kind = #tpu.reduction_kind<sum>} : vector<16xi1> -> vector<16xi32>
        %add3A_625 = arith.addi %add3A_616, %all_reduce_population_count3A_624 : vector<16xi32>
        %add3A_626 = arith.constant 80 : i32
        %add3A_627 = arith.addi %mul3A_581, %add3A_626 : i32
        %get3A_628 = arith.constant 2 : i32
        %get3A_629 = arith.index_cast %get3A_628 : i32 to index
        %get3A_630 = arith.index_cast %add3A_627 : i32 to index
        %get3A_631 = tpu.vector_load %arg6[%get3A_629, %get3A_630] {strides = array<i32>} : memref<8x4096xi32, #tpu.memory_space<vmem>>, vector<16xi32>,
        %ge3A_632 = arith.cmpi uge, %get3A_631, %broadcast_in_dim3A_563 : vector<16xi32>
        %all_reduce_population_count3A_633 = tpu.all_reduce %ge3A_632 {dim = 0 : i64, kind = #tpu.reduction_kind<sum>} : vector<16xi1> -> vector<16xi32>
        %add3A_634 = arith.addi %add3A_625, %all_reduce_population_count3A_633 : vector<16xi32>
        %add3A_635 = arith.constant 96 : i32
        %add3A_636 = arith.addi %mul3A_581, %add3A_635 : i32
        %get3A_637 = arith.constant 2 : i32
        %get3A_638 = arith.index_cast %get3A_637 : i32 to index
        %get3A_639 = arith.index_cast %add3A_636 : i32 to index
        %get3A_640 = tpu.vector_load %arg6[%get3A_638, %get3A_639] {strides = array<i32>} : memref<8x4096xi32, #tpu.memory_space<vmem>>, vector<16xi32>,
        %ge3A_641 = arith.cmpi uge, %get3A_640, %broadcast_in_dim3A_563 : vector<16xi32>
        %all_reduce_population_count3A_642 = tpu.all_reduce %ge3A_641 {dim = 0 : i64, kind = #tpu.reduction_kind<sum>} : vector<16xi1> -> vector<16xi32>
        %add3A_643 = arith.addi %add3A_634, %all_reduce_population_count3A_642 : vector<16xi32>
        %add3A_644 = arith.constant 112 : i32
        %add3A_645 = arith.addi %mul3A_581, %add3A_644 : i32
        %get3A_646 = arith.constant 2 : i32
        %get3A_647 = arith.index_cast %get3A_646 : i32 to index
        %get3A_648 = arith.index_cast %add3A_645 : i32 to index
        %get3A_649 = tpu.vector_load %arg6[%get3A_647, %get3A_648] {strides = array<i32>} : memref<8x4096xi32, #tpu.memory_space<vmem>>, vector<16xi32>,
        %ge3A_650 = arith.cmpi uge, %get3A_649, %broadcast_in_dim3A_563 : vector<16xi32>
        %all_reduce_population_count3A_651 = tpu.all_reduce %ge3A_650 {dim = 0 : i64, kind = #tpu.reduction_kind<sum>} : vector<16xi1> -> vector<16xi32>
        %add3A_652 = arith.addi %add3A_643, %all_reduce_population_count3A_651 : vector<16xi32>
        scf.yield %add3A_652 : vector<16xi32>
      }
      %scan3A_571 = arith.constant 32 : i32
      %slice3A_572 = vector.extract_strided_slice %scan3A_570 {offsets = [0], sizes = [1], strides = [1]} : vector<16xi32> to vector<1xi32>
      %squeeze3A_573 = vector.extract %slice3A_572[0] : i32 from vector<1xi32>
      %ge3A = arith.cmpi sge, %squeeze3A_573, %squeeze3A_184 : i32
      %select_n3A_574 = arith.select %ge3A, %add3A_562, %scan3A_557 : i32
      %sub3A_575 = arith.constant 1 : i32
      %sub3A_576 = arith.subi %add3A_562, %sub3A_575 : i32
      %select_n3A_577 = arith.select %ge3A, %scan3A_558, %sub3A_576 : i32
      scf.yield %select_n3A_574, %select_n3A_577 : i32, i32
    }
    %scan3A_192 = arith.constant 32 : i32
    %iota3A_193 = tpu.iota {dimensions = array<i32: 0>} : vector<16xi32>
    %eq3A_194 = arith.constant 10 : i32
    %eq3A_195 = vector.broadcast %eq3A_194 : i32 to vector<16xi32>
    %eq3A_196 = arith.cmpi eq, %iota3A_193, %eq3A_195 : vector<16xi32>
    %broadcast_in_dim3A_197 = vector.broadcast %scan3A_191#0 : i32 to vector<16xi32>
    %select_n3A_198 = arith.select %eq3A_196, %broadcast_in_dim3A_197, %select_n3A_182 : vector<16xi1>, vector<16xi32>
    %slice3A_199 = vector.extract_strided_slice %get3A_8 {offsets = [11], sizes = [1], strides = [1]} : vector<16xi32> to vector<1xi32>
    %squeeze3A_200 = vector.extract %slice3A_199[0] : i32 from vector<1xi32>
    %scan3A_201 = arith.constant 0 : i32
    %scan3A_202 = arith.constant -8388608 : i32
    %scan3A_203 = arith.constant 0 : i32
    %scan3A_204 = arith.constant 32 : i32
    %scan3A_205 = arith.addi %scan3A_203, %scan3A_204 : i32
    %scan3A_206 = arith.constant 1 : i32
    %scan3A_207:2 = scf.for %scan3A_556 = %scan3A_203 to %scan3A_205 step %scan3A_206 iter_args(%scan3A_557 = %scan3A_201, %scan3A_558 = %scan3A_202) -> (i32, i32)  : i32 {
      %sub3A = arith.subi %scan3A_558, %scan3A_557 : i32
      %add3A_559 = arith.constant 1 : i32
      %add3A_560 = arith.addi %sub3A, %add3A_559 : i32
      %shift_right_logical3A = arith.constant 1 : i32
      %shift_right_logical3A_561 = arith.shrui %add3A_560, %shift_right_logical3A : i32
      %add3A_562 = arith.addi %scan3A_557, %shift_right_logical3A_561 : i32
      %broadcast_in_dim3A_563 = vector.broadcast %add3A_562 : i32 to vector<16xi32>
      %broadcast_in_dim3A_564 = arith.constant 0 : i32
      %broadcast_in_dim3A_565 = vector.broadcast %broadcast_in_dim3A_564 : i32 to vector<16xi32>
      %scan3A_566 = arith.constant 0 : i32
      %scan3A_567 = arith.constant 32 : i32
      %scan3A_568 = arith.addi %scan3A_566, %scan3A_567 : i32
      %scan3A_569 = arith.constant 1 : i32
      %scan3A_570 = scf.for %scan3A_578 = %scan3A_566 to %scan3A_568 step %scan3A_569 iter_args(%scan3A_579 = %broadcast_in_dim3A_565) -> (vector<16xi32>)  : i32 {
        %mul3A_580 = arith.constant 128 : i32
        %mul3A_581 = arith.muli %scan3A_578, %mul3A_580 : i32
        %add3A_582 = arith.constant 0 : i32
        %add3A_583 = arith.addi %mul3A_581, %add3A_582 : i32
        %get3A_584 = arith.constant 3 : i32
        %get3A_585 = arith.index_cast %get3A_584 : i32 to index
        %get3A_586 = arith.index_cast %add3A_583 : i32 to index
        %get3A_587 = tpu.vector_load %arg6[%get3A_585, %get3A_586] {strides = array<i32>} : memref<8x4096xi32, #tpu.memory_space<vmem>>, vector<16xi32>,
        %ge3A_588 = arith.cmpi uge, %get3A_587, %broadcast_in_dim3A_563 : vector<16xi32>
        %all_reduce_population_count3A = tpu.all_reduce %ge3A_588 {dim = 0 : i64, kind = #tpu.reduction_kind<sum>} : vector<16xi1> -> vector<16xi32>
        %add3A_589 = arith.addi %scan3A_579, %all_reduce_population_count3A : vector<16xi32>
        %add3A_590 = arith.constant 16 : i32
        %add3A_591 = arith.addi %mul3A_581, %add3A_590 : i32
        %get3A_592 = arith.constant 3 : i32
        %get3A_593 = arith.index_cast %get3A_592 : i32 to index
        %get3A_594 = arith.index_cast %add3A_591 : i32 to index
        %get3A_595 = tpu.vector_load %arg6[%get3A_593, %get3A_594] {strides = array<i32>} : memref<8x4096xi32, #tpu.memory_space<vmem>>, vector<16xi32>,
        %ge3A_596 = arith.cmpi uge, %get3A_595, %broadcast_in_dim3A_563 : vector<16xi32>
        %all_reduce_population_count3A_597 = tpu.all_reduce %ge3A_596 {dim = 0 : i64, kind = #tpu.reduction_kind<sum>} : vector<16xi1> -> vector<16xi32>
        %add3A_598 = arith.addi %add3A_589, %all_reduce_population_count3A_597 : vector<16xi32>
        %add3A_599 = arith.constant 32 : i32
        %add3A_600 = arith.addi %mul3A_581, %add3A_599 : i32
        %get3A_601 = arith.constant 3 : i32
        %get3A_602 = arith.index_cast %get3A_601 : i32 to index
        %get3A_603 = arith.index_cast %add3A_600 : i32 to index
        %get3A_604 = tpu.vector_load %arg6[%get3A_602, %get3A_603] {strides = array<i32>} : memref<8x4096xi32, #tpu.memory_space<vmem>>, vector<16xi32>,
        %ge3A_605 = arith.cmpi uge, %get3A_604, %broadcast_in_dim3A_563 : vector<16xi32>
        %all_reduce_population_count3A_606 = tpu.all_reduce %ge3A_605 {dim = 0 : i64, kind = #tpu.reduction_kind<sum>} : vector<16xi1> -> vector<16xi32>
        %add3A_607 = arith.addi %add3A_598, %all_reduce_population_count3A_606 : vector<16xi32>
        %add3A_608 = arith.constant 48 : i32
        %add3A_609 = arith.addi %mul3A_581, %add3A_608 : i32
        %get3A_610 = arith.constant 3 : i32
        %get3A_611 = arith.index_cast %get3A_610 : i32 to index
        %get3A_612 = arith.index_cast %add3A_609 : i32 to index
        %get3A_613 = tpu.vector_load %arg6[%get3A_611, %get3A_612] {strides = array<i32>} : memref<8x4096xi32, #tpu.memory_space<vmem>>, vector<16xi32>,
        %ge3A_614 = arith.cmpi uge, %get3A_613, %broadcast_in_dim3A_563 : vector<16xi32>
        %all_reduce_population_count3A_615 = tpu.all_reduce %ge3A_614 {dim = 0 : i64, kind = #tpu.reduction_kind<sum>} : vector<16xi1> -> vector<16xi32>
        %add3A_616 = arith.addi %add3A_607, %all_reduce_population_count3A_615 : vector<16xi32>
        %add3A_617 = arith.constant 64 : i32
        %add3A_618 = arith.addi %mul3A_581, %add3A_617 : i32
        %get3A_619 = arith.constant 3 : i32
        %get3A_620 = arith.index_cast %get3A_619 : i32 to index
        %get3A_621 = arith.index_cast %add3A_618 : i32 to index
        %get3A_622 = tpu.vector_load %arg6[%get3A_620, %get3A_621] {strides = array<i32>} : memref<8x4096xi32, #tpu.memory_space<vmem>>, vector<16xi32>,
        %ge3A_623 = arith.cmpi uge, %get3A_622, %broadcast_in_dim3A_563 : vector<16xi32>
        %all_reduce_population_count3A_624 = tpu.all_reduce %ge3A_623 {dim = 0 : i64, kind = #tpu.reduction_kind<sum>} : vector<16xi1> -> vector<16xi32>
        %add3A_625 = arith.addi %add3A_616, %all_reduce_population_count3A_624 : vector<16xi32>
        %add3A_626 = arith.constant 80 : i32
        %add3A_627 = arith.addi %mul3A_581, %add3A_626 : i32
        %get3A_628 = arith.constant 3 : i32
        %get3A_629 = arith.index_cast %get3A_628 : i32 to index
        %get3A_630 = arith.index_cast %add3A_627 : i32 to index
        %get3A_631 = tpu.vector_load %arg6[%get3A_629, %get3A_630] {strides = array<i32>} : memref<8x4096xi32, #tpu.memory_space<vmem>>, vector<16xi32>,
        %ge3A_632 = arith.cmpi uge, %get3A_631, %broadcast_in_dim3A_563 : vector<16xi32>
        %all_reduce_population_count3A_633 = tpu.all_reduce %ge3A_632 {dim = 0 : i64, kind = #tpu.reduction_kind<sum>} : vector<16xi1> -> vector<16xi32>
        %add3A_634 = arith.addi %add3A_625, %all_reduce_population_count3A_633 : vector<16xi32>
        %add3A_635 = arith.constant 96 : i32
        %add3A_636 = arith.addi %mul3A_581, %add3A_635 : i32
        %get3A_637 = arith.constant 3 : i32
        %get3A_638 = arith.index_cast %get3A_637 : i32 to index
        %get3A_639 = arith.index_cast %add3A_636 : i32 to index
        %get3A_640 = tpu.vector_load %arg6[%get3A_638, %get3A_639] {strides = array<i32>} : memref<8x4096xi32, #tpu.memory_space<vmem>>, vector<16xi32>,
        %ge3A_641 = arith.cmpi uge, %get3A_640, %broadcast_in_dim3A_563 : vector<16xi32>
        %all_reduce_population_count3A_642 = tpu.all_reduce %ge3A_641 {dim = 0 : i64, kind = #tpu.reduction_kind<sum>} : vector<16xi1> -> vector<16xi32>
        %add3A_643 = arith.addi %add3A_634, %all_reduce_population_count3A_642 : vector<16xi32>
        %add3A_644 = arith.constant 112 : i32
        %add3A_645 = arith.addi %mul3A_581, %add3A_644 : i32
        %get3A_646 = arith.constant 3 : i32
        %get3A_647 = arith.index_cast %get3A_646 : i32 to index
        %get3A_648 = arith.index_cast %add3A_645 : i32 to index
        %get3A_649 = tpu.vector_load %arg6[%get3A_647, %get3A_648] {strides = array<i32>} : memref<8x4096xi32, #tpu.memory_space<vmem>>, vector<16xi32>,
        %ge3A_650 = arith.cmpi uge, %get3A_649, %broadcast_in_dim3A_563 : vector<16xi32>
        %all_reduce_population_count3A_651 = tpu.all_reduce %ge3A_650 {dim = 0 : i64, kind = #tpu.reduction_kind<sum>} : vector<16xi1> -> vector<16xi32>
        %add3A_652 = arith.addi %add3A_643, %all_reduce_population_count3A_651 : vector<16xi32>
        scf.yield %add3A_652 : vector<16xi32>
      }
      %scan3A_571 = arith.constant 32 : i32
      %slice3A_572 = vector.extract_strided_slice %scan3A_570 {offsets = [0], sizes = [1], strides = [1]} : vector<16xi32> to vector<1xi32>
      %squeeze3A_573 = vector.extract %slice3A_572[0] : i32 from vector<1xi32>
      %ge3A = arith.cmpi sge, %squeeze3A_573, %squeeze3A_200 : i32
      %select_n3A_574 = arith.select %ge3A, %add3A_562, %scan3A_557 : i32
      %sub3A_575 = arith.constant 1 : i32
      %sub3A_576 = arith.subi %add3A_562, %sub3A_575 : i32
      %select_n3A_577 = arith.select %ge3A, %scan3A_558, %sub3A_576 : i32
      scf.yield %select_n3A_574, %select_n3A_577 : i32, i32
    }
    %scan3A_208 = arith.constant 32 : i32
    %iota3A_209 = tpu.iota {dimensions = array<i32: 0>} : vector<16xi32>
    %eq3A_210 = arith.constant 11 : i32
    %eq3A_211 = vector.broadcast %eq3A_210 : i32 to vector<16xi32>
    %eq3A_212 = arith.cmpi eq, %iota3A_209, %eq3A_211 : vector<16xi32>
    %broadcast_in_dim3A_213 = vector.broadcast %scan3A_207#0 : i32 to vector<16xi32>
    %select_n3A_214 = arith.select %eq3A_212, %broadcast_in_dim3A_213, %select_n3A_198 : vector<16xi1>, vector<16xi32>
    %slice3A_215 = vector.extract_strided_slice %get3A_8 {offsets = [12], sizes = [1], strides = [1]} : vector<16xi32> to vector<1xi32>
    %squeeze3A_216 = vector.extract %slice3A_215[0] : i32 from vector<1xi32>
    %scan3A_217 = arith.constant 0 : i32
    %scan3A_218 = arith.constant -8388608 : i32
    %scan3A_219 = arith.constant 0 : i32
    %scan3A_220 = arith.constant 32 : i32
    %scan3A_221 = arith.addi %scan3A_219, %scan3A_220 : i32
    %scan3A_222 = arith.constant 1 : i32
    %scan3A_223:2 = scf.for %scan3A_556 = %scan3A_219 to %scan3A_221 step %scan3A_222 iter_args(%scan3A_557 = %scan3A_217, %scan3A_558 = %scan3A_218) -> (i32, i32)  : i32 {
      %sub3A = arith.subi %scan3A_558, %scan3A_557 : i32
      %add3A_559 = arith.constant 1 : i32
      %add3A_560 = arith.addi %sub3A, %add3A_559 : i32
      %shift_right_logical3A = arith.constant 1 : i32
      %shift_right_logical3A_561 = arith.shrui %add3A_560, %shift_right_logical3A : i32
      %add3A_562 = arith.addi %scan3A_557, %shift_right_logical3A_561 : i32
      %broadcast_in_dim3A_563 = vector.broadcast %add3A_562 : i32 to vector<16xi32>
      %broadcast_in_dim3A_564 = arith.constant 0 : i32
      %broadcast_in_dim3A_565 = vector.broadcast %broadcast_in_dim3A_564 : i32 to vector<16xi32>
      %scan3A_566 = arith.constant 0 : i32
      %scan3A_567 = arith.constant 32 : i32
      %scan3A_568 = arith.addi %scan3A_566, %scan3A_567 : i32
      %scan3A_569 = arith.constant 1 : i32
      %scan3A_570 = scf.for %scan3A_578 = %scan3A_566 to %scan3A_568 step %scan3A_569 iter_args(%scan3A_579 = %broadcast_in_dim3A_565) -> (vector<16xi32>)  : i32 {
        %mul3A_580 = arith.constant 128 : i32
        %mul3A_581 = arith.muli %scan3A_578, %mul3A_580 : i32
        %add3A_582 = arith.constant 0 : i32
        %add3A_583 = arith.addi %mul3A_581, %add3A_582 : i32
        %get3A_584 = arith.constant 4 : i32
        %get3A_585 = arith.index_cast %get3A_584 : i32 to index
        %get3A_586 = arith.index_cast %add3A_583 : i32 to index
        %get3A_587 = tpu.vector_load %arg6[%get3A_585, %get3A_586] {strides = array<i32>} : memref<8x4096xi32, #tpu.memory_space<vmem>>, vector<16xi32>,
        %ge3A_588 = arith.cmpi uge, %get3A_587, %broadcast_in_dim3A_563 : vector<16xi32>
        %all_reduce_population_count3A = tpu.all_reduce %ge3A_588 {dim = 0 : i64, kind = #tpu.reduction_kind<sum>} : vector<16xi1> -> vector<16xi32>
        %add3A_589 = arith.addi %scan3A_579, %all_reduce_population_count3A : vector<16xi32>
        %add3A_590 = arith.constant 16 : i32
        %add3A_591 = arith.addi %mul3A_581, %add3A_590 : i32
        %get3A_592 = arith.constant 4 : i32
        %get3A_593 = arith.index_cast %get3A_592 : i32 to index
        %get3A_594 = arith.index_cast %add3A_591 : i32 to index
        %get3A_595 = tpu.vector_load %arg6[%get3A_593, %get3A_594] {strides = array<i32>} : memref<8x4096xi32, #tpu.memory_space<vmem>>, vector<16xi32>,
        %ge3A_596 = arith.cmpi uge, %get3A_595, %broadcast_in_dim3A_563 : vector<16xi32>
        %all_reduce_population_count3A_597 = tpu.all_reduce %ge3A_596 {dim = 0 : i64, kind = #tpu.reduction_kind<sum>} : vector<16xi1> -> vector<16xi32>
        %add3A_598 = arith.addi %add3A_589, %all_reduce_population_count3A_597 : vector<16xi32>
        %add3A_599 = arith.constant 32 : i32
        %add3A_600 = arith.addi %mul3A_581, %add3A_599 : i32
        %get3A_601 = arith.constant 4 : i32
        %get3A_602 = arith.index_cast %get3A_601 : i32 to index
        %get3A_603 = arith.index_cast %add3A_600 : i32 to index
        %get3A_604 = tpu.vector_load %arg6[%get3A_602, %get3A_603] {strides = array<i32>} : memref<8x4096xi32, #tpu.memory_space<vmem>>, vector<16xi32>,
        %ge3A_605 = arith.cmpi uge, %get3A_604, %broadcast_in_dim3A_563 : vector<16xi32>
        %all_reduce_population_count3A_606 = tpu.all_reduce %ge3A_605 {dim = 0 : i64, kind = #tpu.reduction_kind<sum>} : vector<16xi1> -> vector<16xi32>
        %add3A_607 = arith.addi %add3A_598, %all_reduce_population_count3A_606 : vector<16xi32>
        %add3A_608 = arith.constant 48 : i32
        %add3A_609 = arith.addi %mul3A_581, %add3A_608 : i32
        %get3A_610 = arith.constant 4 : i32
        %get3A_611 = arith.index_cast %get3A_610 : i32 to index
        %get3A_612 = arith.index_cast %add3A_609 : i32 to index
        %get3A_613 = tpu.vector_load %arg6[%get3A_611, %get3A_612] {strides = array<i32>} : memref<8x4096xi32, #tpu.memory_space<vmem>>, vector<16xi32>,
        %ge3A_614 = arith.cmpi uge, %get3A_613, %broadcast_in_dim3A_563 : vector<16xi32>
        %all_reduce_population_count3A_615 = tpu.all_reduce %ge3A_614 {dim = 0 : i64, kind = #tpu.reduction_kind<sum>} : vector<16xi1> -> vector<16xi32>
        %add3A_616 = arith.addi %add3A_607, %all_reduce_population_count3A_615 : vector<16xi32>
        %add3A_617 = arith.constant 64 : i32
        %add3A_618 = arith.addi %mul3A_581, %add3A_617 : i32
        %get3A_619 = arith.constant 4 : i32
        %get3A_620 = arith.index_cast %get3A_619 : i32 to index
        %get3A_621 = arith.index_cast %add3A_618 : i32 to index
        %get3A_622 = tpu.vector_load %arg6[%get3A_620, %get3A_621] {strides = array<i32>} : memref<8x4096xi32, #tpu.memory_space<vmem>>, vector<16xi32>,
        %ge3A_623 = arith.cmpi uge, %get3A_622, %broadcast_in_dim3A_563 : vector<16xi32>
        %all_reduce_population_count3A_624 = tpu.all_reduce %ge3A_623 {dim = 0 : i64, kind = #tpu.reduction_kind<sum>} : vector<16xi1> -> vector<16xi32>
        %add3A_625 = arith.addi %add3A_616, %all_reduce_population_count3A_624 : vector<16xi32>
        %add3A_626 = arith.constant 80 : i32
        %add3A_627 = arith.addi %mul3A_581, %add3A_626 : i32
        %get3A_628 = arith.constant 4 : i32
        %get3A_629 = arith.index_cast %get3A_628 : i32 to index
        %get3A_630 = arith.index_cast %add3A_627 : i32 to index
        %get3A_631 = tpu.vector_load %arg6[%get3A_629, %get3A_630] {strides = array<i32>} : memref<8x4096xi32, #tpu.memory_space<vmem>>, vector<16xi32>,
        %ge3A_632 = arith.cmpi uge, %get3A_631, %broadcast_in_dim3A_563 : vector<16xi32>
        %all_reduce_population_count3A_633 = tpu.all_reduce %ge3A_632 {dim = 0 : i64, kind = #tpu.reduction_kind<sum>} : vector<16xi1> -> vector<16xi32>
        %add3A_634 = arith.addi %add3A_625, %all_reduce_population_count3A_633 : vector<16xi32>
        %add3A_635 = arith.constant 96 : i32
        %add3A_636 = arith.addi %mul3A_581, %add3A_635 : i32
        %get3A_637 = arith.constant 4 : i32
        %get3A_638 = arith.index_cast %get3A_637 : i32 to index
        %get3A_639 = arith.index_cast %add3A_636 : i32 to index
        %get3A_640 = tpu.vector_load %arg6[%get3A_638, %get3A_639] {strides = array<i32>} : memref<8x4096xi32, #tpu.memory_space<vmem>>, vector<16xi32>,
        %ge3A_641 = arith.cmpi uge, %get3A_640, %broadcast_in_dim3A_563 : vector<16xi32>
        %all_reduce_population_count3A_642 = tpu.all_reduce %ge3A_641 {dim = 0 : i64, kind = #tpu.reduction_kind<sum>} : vector<16xi1> -> vector<16xi32>
        %add3A_643 = arith.addi %add3A_634, %all_reduce_population_count3A_642 : vector<16xi32>
        %add3A_644 = arith.constant 112 : i32
        %add3A_645 = arith.addi %mul3A_581, %add3A_644 : i32
        %get3A_646 = arith.constant 4 : i32
        %get3A_647 = arith.index_cast %get3A_646 : i32 to index
        %get3A_648 = arith.index_cast %add3A_645 : i32 to index
        %get3A_649 = tpu.vector_load %arg6[%get3A_647, %get3A_648] {strides = array<i32>} : memref<8x4096xi32, #tpu.memory_space<vmem>>, vector<16xi32>,
        %ge3A_650 = arith.cmpi uge, %get3A_649, %broadcast_in_dim3A_563 : vector<16xi32>
        %all_reduce_population_count3A_651 = tpu.all_reduce %ge3A_650 {dim = 0 : i64, kind = #tpu.reduction_kind<sum>} : vector<16xi1> -> vector<16xi32>
        %add3A_652 = arith.addi %add3A_643, %all_reduce_population_count3A_651 : vector<16xi32>
        scf.yield %add3A_652 : vector<16xi32>
      }
      %scan3A_571 = arith.constant 32 : i32
      %slice3A_572 = vector.extract_strided_slice %scan3A_570 {offsets = [0], sizes = [1], strides = [1]} : vector<16xi32> to vector<1xi32>
      %squeeze3A_573 = vector.extract %slice3A_572[0] : i32 from vector<1xi32>
      %ge3A = arith.cmpi sge, %squeeze3A_573, %squeeze3A_216 : i32
      %select_n3A_574 = arith.select %ge3A, %add3A_562, %scan3A_557 : i32
      %sub3A_575 = arith.constant 1 : i32
      %sub3A_576 = arith.subi %add3A_562, %sub3A_575 : i32
      %select_n3A_577 = arith.select %ge3A, %scan3A_558, %sub3A_576 : i32
      scf.yield %select_n3A_574, %select_n3A_577 : i32, i32
    }
    %scan3A_224 = arith.constant 32 : i32
    %iota3A_225 = tpu.iota {dimensions = array<i32: 0>} : vector<16xi32>
    %eq3A_226 = arith.constant 12 : i32
    %eq3A_227 = vector.broadcast %eq3A_226 : i32 to vector<16xi32>
    %eq3A_228 = arith.cmpi eq, %iota3A_225, %eq3A_227 : vector<16xi32>
    %broadcast_in_dim3A_229 = vector.broadcast %scan3A_223#0 : i32 to vector<16xi32>
    %select_n3A_230 = arith.select %eq3A_228, %broadcast_in_dim3A_229, %select_n3A_214 : vector<16xi1>, vector<16xi32>
    %slice3A_231 = vector.extract_strided_slice %get3A_8 {offsets = [13], sizes = [1], strides = [1]} : vector<16xi32> to vector<1xi32>
    %squeeze3A_232 = vector.extract %slice3A_231[0] : i32 from vector<1xi32>
    %scan3A_233 = arith.constant 0 : i32
    %scan3A_234 = arith.constant -8388608 : i32
    %scan3A_235 = arith.constant 0 : i32
    %scan3A_236 = arith.constant 32 : i32
    %scan3A_237 = arith.addi %scan3A_235, %scan3A_236 : i32
    %scan3A_238 = arith.constant 1 : i32
    %scan3A_239:2 = scf.for %scan3A_556 = %scan3A_235 to %scan3A_237 step %scan3A_238 iter_args(%scan3A_557 = %scan3A_233, %scan3A_558 = %scan3A_234) -> (i32, i32)  : i32 {
      %sub3A = arith.subi %scan3A_558, %scan3A_557 : i32
      %add3A_559 = arith.constant 1 : i32
      %add3A_560 = arith.addi %sub3A, %add3A_559 : i32
      %shift_right_logical3A = arith.constant 1 : i32
      %shift_right_logical3A_561 = arith.shrui %add3A_560, %shift_right_logical3A : i32
      %add3A_562 = arith.addi %scan3A_557, %shift_right_logical3A_561 : i32
      %broadcast_in_dim3A_563 = vector.broadcast %add3A_562 : i32 to vector<16xi32>
      %broadcast_in_dim3A_564 = arith.constant 0 : i32
      %broadcast_in_dim3A_565 = vector.broadcast %broadcast_in_dim3A_564 : i32 to vector<16xi32>
      %scan3A_566 = arith.constant 0 : i32
      %scan3A_567 = arith.constant 32 : i32
      %scan3A_568 = arith.addi %scan3A_566, %scan3A_567 : i32
      %scan3A_569 = arith.constant 1 : i32
      %scan3A_570 = scf.for %scan3A_578 = %scan3A_566 to %scan3A_568 step %scan3A_569 iter_args(%scan3A_579 = %broadcast_in_dim3A_565) -> (vector<16xi32>)  : i32 {
        %mul3A_580 = arith.constant 128 : i32
        %mul3A_581 = arith.muli %scan3A_578, %mul3A_580 : i32
        %add3A_582 = arith.constant 0 : i32
        %add3A_583 = arith.addi %mul3A_581, %add3A_582 : i32
        %get3A_584 = arith.constant 5 : i32
        %get3A_585 = arith.index_cast %get3A_584 : i32 to index
        %get3A_586 = arith.index_cast %add3A_583 : i32 to index
        %get3A_587 = tpu.vector_load %arg6[%get3A_585, %get3A_586] {strides = array<i32>} : memref<8x4096xi32, #tpu.memory_space<vmem>>, vector<16xi32>,
        %ge3A_588 = arith.cmpi uge, %get3A_587, %broadcast_in_dim3A_563 : vector<16xi32>
        %all_reduce_population_count3A = tpu.all_reduce %ge3A_588 {dim = 0 : i64, kind = #tpu.reduction_kind<sum>} : vector<16xi1> -> vector<16xi32>
        %add3A_589 = arith.addi %scan3A_579, %all_reduce_population_count3A : vector<16xi32>
        %add3A_590 = arith.constant 16 : i32
        %add3A_591 = arith.addi %mul3A_581, %add3A_590 : i32
        %get3A_592 = arith.constant 5 : i32
        %get3A_593 = arith.index_cast %get3A_592 : i32 to index
        %get3A_594 = arith.index_cast %add3A_591 : i32 to index
        %get3A_595 = tpu.vector_load %arg6[%get3A_593, %get3A_594] {strides = array<i32>} : memref<8x4096xi32, #tpu.memory_space<vmem>>, vector<16xi32>,
        %ge3A_596 = arith.cmpi uge, %get3A_595, %broadcast_in_dim3A_563 : vector<16xi32>
        %all_reduce_population_count3A_597 = tpu.all_reduce %ge3A_596 {dim = 0 : i64, kind = #tpu.reduction_kind<sum>} : vector<16xi1> -> vector<16xi32>
        %add3A_598 = arith.addi %add3A_589, %all_reduce_population_count3A_597 : vector<16xi32>
        %add3A_599 = arith.constant 32 : i32
        %add3A_600 = arith.addi %mul3A_581, %add3A_599 : i32
        %get3A_601 = arith.constant 5 : i32
        %get3A_602 = arith.index_cast %get3A_601 : i32 to index
        %get3A_603 = arith.index_cast %add3A_600 : i32 to index
        %get3A_604 = tpu.vector_load %arg6[%get3A_602, %get3A_603] {strides = array<i32>} : memref<8x4096xi32, #tpu.memory_space<vmem>>, vector<16xi32>,
        %ge3A_605 = arith.cmpi uge, %get3A_604, %broadcast_in_dim3A_563 : vector<16xi32>
        %all_reduce_population_count3A_606 = tpu.all_reduce %ge3A_605 {dim = 0 : i64, kind = #tpu.reduction_kind<sum>} : vector<16xi1> -> vector<16xi32>
        %add3A_607 = arith.addi %add3A_598, %all_reduce_population_count3A_606 : vector<16xi32>
        %add3A_608 = arith.constant 48 : i32
        %add3A_609 = arith.addi %mul3A_581, %add3A_608 : i32
        %get3A_610 = arith.constant 5 : i32
        %get3A_611 = arith.index_cast %get3A_610 : i32 to index
        %get3A_612 = arith.index_cast %add3A_609 : i32 to index
        %get3A_613 = tpu.vector_load %arg6[%get3A_611, %get3A_612] {strides = array<i32>} : memref<8x4096xi32, #tpu.memory_space<vmem>>, vector<16xi32>,
        %ge3A_614 = arith.cmpi uge, %get3A_613, %broadcast_in_dim3A_563 : vector<16xi32>
        %all_reduce_population_count3A_615 = tpu.all_reduce %ge3A_614 {dim = 0 : i64, kind = #tpu.reduction_kind<sum>} : vector<16xi1> -> vector<16xi32>
        %add3A_616 = arith.addi %add3A_607, %all_reduce_population_count3A_615 : vector<16xi32>
        %add3A_617 = arith.constant 64 : i32
        %add3A_618 = arith.addi %mul3A_581, %add3A_617 : i32
        %get3A_619 = arith.constant 5 : i32
        %get3A_620 = arith.index_cast %get3A_619 : i32 to index
        %get3A_621 = arith.index_cast %add3A_618 : i32 to index
        %get3A_622 = tpu.vector_load %arg6[%get3A_620, %get3A_621] {strides = array<i32>} : memref<8x4096xi32, #tpu.memory_space<vmem>>, vector<16xi32>,
        %ge3A_623 = arith.cmpi uge, %get3A_622, %broadcast_in_dim3A_563 : vector<16xi32>
        %all_reduce_population_count3A_624 = tpu.all_reduce %ge3A_623 {dim = 0 : i64, kind = #tpu.reduction_kind<sum>} : vector<16xi1> -> vector<16xi32>
        %add3A_625 = arith.addi %add3A_616, %all_reduce_population_count3A_624 : vector<16xi32>
        %add3A_626 = arith.constant 80 : i32
        %add3A_627 = arith.addi %mul3A_581, %add3A_626 : i32
        %get3A_628 = arith.constant 5 : i32
        %get3A_629 = arith.index_cast %get3A_628 : i32 to index
        %get3A_630 = arith.index_cast %add3A_627 : i32 to index
        %get3A_631 = tpu.vector_load %arg6[%get3A_629, %get3A_630] {strides = array<i32>} : memref<8x4096xi32, #tpu.memory_space<vmem>>, vector<16xi32>,
        %ge3A_632 = arith.cmpi uge, %get3A_631, %broadcast_in_dim3A_563 : vector<16xi32>
        %all_reduce_population_count3A_633 = tpu.all_reduce %ge3A_632 {dim = 0 : i64, kind = #tpu.reduction_kind<sum>} : vector<16xi1> -> vector<16xi32>
        %add3A_634 = arith.addi %add3A_625, %all_reduce_population_count3A_633 : vector<16xi32>
        %add3A_635 = arith.constant 96 : i32
        %add3A_636 = arith.addi %mul3A_581, %add3A_635 : i32
        %get3A_637 = arith.constant 5 : i32
        %get3A_638 = arith.index_cast %get3A_637 : i32 to index
        %get3A_639 = arith.index_cast %add3A_636 : i32 to index
        %get3A_640 = tpu.vector_load %arg6[%get3A_638, %get3A_639] {strides = array<i32>} : memref<8x4096xi32, #tpu.memory_space<vmem>>, vector<16xi32>,
        %ge3A_641 = arith.cmpi uge, %get3A_640, %broadcast_in_dim3A_563 : vector<16xi32>
        %all_reduce_population_count3A_642 = tpu.all_reduce %ge3A_641 {dim = 0 : i64, kind = #tpu.reduction_kind<sum>} : vector<16xi1> -> vector<16xi32>
        %add3A_643 = arith.addi %add3A_634, %all_reduce_population_count3A_642 : vector<16xi32>
        %add3A_644 = arith.constant 112 : i32
        %add3A_645 = arith.addi %mul3A_581, %add3A_644 : i32
        %get3A_646 = arith.constant 5 : i32
        %get3A_647 = arith.index_cast %get3A_646 : i32 to index
        %get3A_648 = arith.index_cast %add3A_645 : i32 to index
        %get3A_649 = tpu.vector_load %arg6[%get3A_647, %get3A_648] {strides = array<i32>} : memref<8x4096xi32, #tpu.memory_space<vmem>>, vector<16xi32>,
        %ge3A_650 = arith.cmpi uge, %get3A_649, %broadcast_in_dim3A_563 : vector<16xi32>
        %all_reduce_population_count3A_651 = tpu.all_reduce %ge3A_650 {dim = 0 : i64, kind = #tpu.reduction_kind<sum>} : vector<16xi1> -> vector<16xi32>
        %add3A_652 = arith.addi %add3A_643, %all_reduce_population_count3A_651 : vector<16xi32>
        scf.yield %add3A_652 : vector<16xi32>
      }
      %scan3A_571 = arith.constant 32 : i32
      %slice3A_572 = vector.extract_strided_slice %scan3A_570 {offsets = [0], sizes = [1], strides = [1]} : vector<16xi32> to vector<1xi32>
      %squeeze3A_573 = vector.extract %slice3A_572[0] : i32 from vector<1xi32>
      %ge3A = arith.cmpi sge, %squeeze3A_573, %squeeze3A_232 : i32
      %select_n3A_574 = arith.select %ge3A, %add3A_562, %scan3A_557 : i32
      %sub3A_575 = arith.constant 1 : i32
      %sub3A_576 = arith.subi %add3A_562, %sub3A_575 : i32
      %select_n3A_577 = arith.select %ge3A, %scan3A_558, %sub3A_576 : i32
      scf.yield %select_n3A_574, %select_n3A_577 : i32, i32
    }
    %scan3A_240 = arith.constant 32 : i32
    %iota3A_241 = tpu.iota {dimensions = array<i32: 0>} : vector<16xi32>
    %eq3A_242 = arith.constant 13 : i32
    %eq3A_243 = vector.broadcast %eq3A_242 : i32 to vector<16xi32>
    %eq3A_244 = arith.cmpi eq, %iota3A_241, %eq3A_243 : vector<16xi32>
    %broadcast_in_dim3A_245 = vector.broadcast %scan3A_239#0 : i32 to vector<16xi32>
    %select_n3A_246 = arith.select %eq3A_244, %broadcast_in_dim3A_245, %select_n3A_230 : vector<16xi1>, vector<16xi32>
    %slice3A_247 = vector.extract_strided_slice %get3A_8 {offsets = [14], sizes = [1], strides = [1]} : vector<16xi32> to vector<1xi32>
    %squeeze3A_248 = vector.extract %slice3A_247[0] : i32 from vector<1xi32>
    %scan3A_249 = arith.constant 0 : i32
    %scan3A_250 = arith.constant -8388608 : i32
    %scan3A_251 = arith.constant 0 : i32
    %scan3A_252 = arith.constant 32 : i32
    %scan3A_253 = arith.addi %scan3A_251, %scan3A_252 : i32
    %scan3A_254 = arith.constant 1 : i32
    %scan3A_255:2 = scf.for %scan3A_556 = %scan3A_251 to %scan3A_253 step %scan3A_254 iter_args(%scan3A_557 = %scan3A_249, %scan3A_558 = %scan3A_250) -> (i32, i32)  : i32 {
      %sub3A = arith.subi %scan3A_558, %scan3A_557 : i32
      %add3A_559 = arith.constant 1 : i32
      %add3A_560 = arith.addi %sub3A, %add3A_559 : i32
      %shift_right_logical3A = arith.constant 1 : i32
      %shift_right_logical3A_561 = arith.shrui %add3A_560, %shift_right_logical3A : i32
      %add3A_562 = arith.addi %scan3A_557, %shift_right_logical3A_561 : i32
      %broadcast_in_dim3A_563 = vector.broadcast %add3A_562 : i32 to vector<16xi32>
      %broadcast_in_dim3A_564 = arith.constant 0 : i32
      %broadcast_in_dim3A_565 = vector.broadcast %broadcast_in_dim3A_564 : i32 to vector<16xi32>
      %scan3A_566 = arith.constant 0 : i32
      %scan3A_567 = arith.constant 32 : i32
      %scan3A_568 = arith.addi %scan3A_566, %scan3A_567 : i32
      %scan3A_569 = arith.constant 1 : i32
      %scan3A_570 = scf.for %scan3A_578 = %scan3A_566 to %scan3A_568 step %scan3A_569 iter_args(%scan3A_579 = %broadcast_in_dim3A_565) -> (vector<16xi32>)  : i32 {
        %mul3A_580 = arith.constant 128 : i32
        %mul3A_581 = arith.muli %scan3A_578, %mul3A_580 : i32
        %add3A_582 = arith.constant 0 : i32
        %add3A_583 = arith.addi %mul3A_581, %add3A_582 : i32
        %get3A_584 = arith.constant 6 : i32
        %get3A_585 = arith.index_cast %get3A_584 : i32 to index
        %get3A_586 = arith.index_cast %add3A_583 : i32 to index
        %get3A_587 = tpu.vector_load %arg6[%get3A_585, %get3A_586] {strides = array<i32>} : memref<8x4096xi32, #tpu.memory_space<vmem>>, vector<16xi32>,
        %ge3A_588 = arith.cmpi uge, %get3A_587, %broadcast_in_dim3A_563 : vector<16xi32>
        %all_reduce_population_count3A = tpu.all_reduce %ge3A_588 {dim = 0 : i64, kind = #tpu.reduction_kind<sum>} : vector<16xi1> -> vector<16xi32>
        %add3A_589 = arith.addi %scan3A_579, %all_reduce_population_count3A : vector<16xi32>
        %add3A_590 = arith.constant 16 : i32
        %add3A_591 = arith.addi %mul3A_581, %add3A_590 : i32
        %get3A_592 = arith.constant 6 : i32
        %get3A_593 = arith.index_cast %get3A_592 : i32 to index
        %get3A_594 = arith.index_cast %add3A_591 : i32 to index
        %get3A_595 = tpu.vector_load %arg6[%get3A_593, %get3A_594] {strides = array<i32>} : memref<8x4096xi32, #tpu.memory_space<vmem>>, vector<16xi32>,
        %ge3A_596 = arith.cmpi uge, %get3A_595, %broadcast_in_dim3A_563 : vector<16xi32>
        %all_reduce_population_count3A_597 = tpu.all_reduce %ge3A_596 {dim = 0 : i64, kind = #tpu.reduction_kind<sum>} : vector<16xi1> -> vector<16xi32>
        %add3A_598 = arith.addi %add3A_589, %all_reduce_population_count3A_597 : vector<16xi32>
        %add3A_599 = arith.constant 32 : i32
        %add3A_600 = arith.addi %mul3A_581, %add3A_599 : i32
        %get3A_601 = arith.constant 6 : i32
        %get3A_602 = arith.index_cast %get3A_601 : i32 to index
        %get3A_603 = arith.index_cast %add3A_600 : i32 to index
        %get3A_604 = tpu.vector_load %arg6[%get3A_602, %get3A_603] {strides = array<i32>} : memref<8x4096xi32, #tpu.memory_space<vmem>>, vector<16xi32>,
        %ge3A_605 = arith.cmpi uge, %get3A_604, %broadcast_in_dim3A_563 : vector<16xi32>
        %all_reduce_population_count3A_606 = tpu.all_reduce %ge3A_605 {dim = 0 : i64, kind = #tpu.reduction_kind<sum>} : vector<16xi1> -> vector<16xi32>
        %add3A_607 = arith.addi %add3A_598, %all_reduce_population_count3A_606 : vector<16xi32>
        %add3A_608 = arith.constant 48 : i32
        %add3A_609 = arith.addi %mul3A_581, %add3A_608 : i32
        %get3A_610 = arith.constant 6 : i32
        %get3A_611 = arith.index_cast %get3A_610 : i32 to index
        %get3A_612 = arith.index_cast %add3A_609 : i32 to index
        %get3A_613 = tpu.vector_load %arg6[%get3A_611, %get3A_612] {strides = array<i32>} : memref<8x4096xi32, #tpu.memory_space<vmem>>, vector<16xi32>,
        %ge3A_614 = arith.cmpi uge, %get3A_613, %broadcast_in_dim3A_563 : vector<16xi32>
        %all_reduce_population_count3A_615 = tpu.all_reduce %ge3A_614 {dim = 0 : i64, kind = #tpu.reduction_kind<sum>} : vector<16xi1> -> vector<16xi32>
        %add3A_616 = arith.addi %add3A_607, %all_reduce_population_count3A_615 : vector<16xi32>
        %add3A_617 = arith.constant 64 : i32
        %add3A_618 = arith.addi %mul3A_581, %add3A_617 : i32
        %get3A_619 = arith.constant 6 : i32
        %get3A_620 = arith.index_cast %get3A_619 : i32 to index
        %get3A_621 = arith.index_cast %add3A_618 : i32 to index
        %get3A_622 = tpu.vector_load %arg6[%get3A_620, %get3A_621] {strides = array<i32>} : memref<8x4096xi32, #tpu.memory_space<vmem>>, vector<16xi32>,
        %ge3A_623 = arith.cmpi uge, %get3A_622, %broadcast_in_dim3A_563 : vector<16xi32>
        %all_reduce_population_count3A_624 = tpu.all_reduce %ge3A_623 {dim = 0 : i64, kind = #tpu.reduction_kind<sum>} : vector<16xi1> -> vector<16xi32>
        %add3A_625 = arith.addi %add3A_616, %all_reduce_population_count3A_624 : vector<16xi32>
        %add3A_626 = arith.constant 80 : i32
        %add3A_627 = arith.addi %mul3A_581, %add3A_626 : i32
        %get3A_628 = arith.constant 6 : i32
        %get3A_629 = arith.index_cast %get3A_628 : i32 to index
        %get3A_630 = arith.index_cast %add3A_627 : i32 to index
        %get3A_631 = tpu.vector_load %arg6[%get3A_629, %get3A_630] {strides = array<i32>} : memref<8x4096xi32, #tpu.memory_space<vmem>>, vector<16xi32>,
        %ge3A_632 = arith.cmpi uge, %get3A_631, %broadcast_in_dim3A_563 : vector<16xi32>
        %all_reduce_population_count3A_633 = tpu.all_reduce %ge3A_632 {dim = 0 : i64, kind = #tpu.reduction_kind<sum>} : vector<16xi1> -> vector<16xi32>
        %add3A_634 = arith.addi %add3A_625, %all_reduce_population_count3A_633 : vector<16xi32>
        %add3A_635 = arith.constant 96 : i32
        %add3A_636 = arith.addi %mul3A_581, %add3A_635 : i32
        %get3A_637 = arith.constant 6 : i32
        %get3A_638 = arith.index_cast %get3A_637 : i32 to index
        %get3A_639 = arith.index_cast %add3A_636 : i32 to index
        %get3A_640 = tpu.vector_load %arg6[%get3A_638, %get3A_639] {strides = array<i32>} : memref<8x4096xi32, #tpu.memory_space<vmem>>, vector<16xi32>,
        %ge3A_641 = arith.cmpi uge, %get3A_640, %broadcast_in_dim3A_563 : vector<16xi32>
        %all_reduce_population_count3A_642 = tpu.all_reduce %ge3A_641 {dim = 0 : i64, kind = #tpu.reduction_kind<sum>} : vector<16xi1> -> vector<16xi32>
        %add3A_643 = arith.addi %add3A_634, %all_reduce_population_count3A_642 : vector<16xi32>
        %add3A_644 = arith.constant 112 : i32
        %add3A_645 = arith.addi %mul3A_581, %add3A_644 : i32
        %get3A_646 = arith.constant 6 : i32
        %get3A_647 = arith.index_cast %get3A_646 : i32 to index
        %get3A_648 = arith.index_cast %add3A_645 : i32 to index
        %get3A_649 = tpu.vector_load %arg6[%get3A_647, %get3A_648] {strides = array<i32>} : memref<8x4096xi32, #tpu.memory_space<vmem>>, vector<16xi32>,
        %ge3A_650 = arith.cmpi uge, %get3A_649, %broadcast_in_dim3A_563 : vector<16xi32>
        %all_reduce_population_count3A_651 = tpu.all_reduce %ge3A_650 {dim = 0 : i64, kind = #tpu.reduction_kind<sum>} : vector<16xi1> -> vector<16xi32>
        %add3A_652 = arith.addi %add3A_643, %all_reduce_population_count3A_651 : vector<16xi32>
        scf.yield %add3A_652 : vector<16xi32>
      }
      %scan3A_571 = arith.constant 32 : i32
      %slice3A_572 = vector.extract_strided_slice %scan3A_570 {offsets = [0], sizes = [1], strides = [1]} : vector<16xi32> to vector<1xi32>
      %squeeze3A_573 = vector.extract %slice3A_572[0] : i32 from vector<1xi32>
      %ge3A = arith.cmpi sge, %squeeze3A_573, %squeeze3A_248 : i32
      %select_n3A_574 = arith.select %ge3A, %add3A_562, %scan3A_557 : i32
      %sub3A_575 = arith.constant 1 : i32
      %sub3A_576 = arith.subi %add3A_562, %sub3A_575 : i32
      %select_n3A_577 = arith.select %ge3A, %scan3A_558, %sub3A_576 : i32
      scf.yield %select_n3A_574, %select_n3A_577 : i32, i32
    }
    %scan3A_256 = arith.constant 32 : i32
    %iota3A_257 = tpu.iota {dimensions = array<i32: 0>} : vector<16xi32>
    %eq3A_258 = arith.constant 14 : i32
    %eq3A_259 = vector.broadcast %eq3A_258 : i32 to vector<16xi32>
    %eq3A_260 = arith.cmpi eq, %iota3A_257, %eq3A_259 : vector<16xi32>
    %broadcast_in_dim3A_261 = vector.broadcast %scan3A_255#0 : i32 to vector<16xi32>
    %select_n3A_262 = arith.select %eq3A_260, %broadcast_in_dim3A_261, %select_n3A_246 : vector<16xi1>, vector<16xi32>
    %slice3A_263 = vector.extract_strided_slice %get3A_8 {offsets = [15], sizes = [1], strides = [1]} : vector<16xi32> to vector<1xi32>
    %squeeze3A_264 = vector.extract %slice3A_263[0] : i32 from vector<1xi32>
    %scan3A_265 = arith.constant 0 : i32
    %scan3A_266 = arith.constant -8388608 : i32
    %scan3A_267 = arith.constant 0 : i32
    %scan3A_268 = arith.constant 32 : i32
    %scan3A_269 = arith.addi %scan3A_267, %scan3A_268 : i32
    %scan3A_270 = arith.constant 1 : i32
    %scan3A_271:2 = scf.for %scan3A_556 = %scan3A_267 to %scan3A_269 step %scan3A_270 iter_args(%scan3A_557 = %scan3A_265, %scan3A_558 = %scan3A_266) -> (i32, i32)  : i32 {
      %sub3A = arith.subi %scan3A_558, %scan3A_557 : i32
      %add3A_559 = arith.constant 1 : i32
      %add3A_560 = arith.addi %sub3A, %add3A_559 : i32
      %shift_right_logical3A = arith.constant 1 : i32
      %shift_right_logical3A_561 = arith.shrui %add3A_560, %shift_right_logical3A : i32
      %add3A_562 = arith.addi %scan3A_557, %shift_right_logical3A_561 : i32
      %broadcast_in_dim3A_563 = vector.broadcast %add3A_562 : i32 to vector<16xi32>
      %broadcast_in_dim3A_564 = arith.constant 0 : i32
      %broadcast_in_dim3A_565 = vector.broadcast %broadcast_in_dim3A_564 : i32 to vector<16xi32>
      %scan3A_566 = arith.constant 0 : i32
      %scan3A_567 = arith.constant 32 : i32
      %scan3A_568 = arith.addi %scan3A_566, %scan3A_567 : i32
      %scan3A_569 = arith.constant 1 : i32
      %scan3A_570 = scf.for %scan3A_578 = %scan3A_566 to %scan3A_568 step %scan3A_569 iter_args(%scan3A_579 = %broadcast_in_dim3A_565) -> (vector<16xi32>)  : i32 {
        %mul3A_580 = arith.constant 128 : i32
        %mul3A_581 = arith.muli %scan3A_578, %mul3A_580 : i32
        %add3A_582 = arith.constant 0 : i32
        %add3A_583 = arith.addi %mul3A_581, %add3A_582 : i32
        %get3A_584 = arith.constant 7 : i32
        %get3A_585 = arith.index_cast %get3A_584 : i32 to index
        %get3A_586 = arith.index_cast %add3A_583 : i32 to index
        %get3A_587 = tpu.vector_load %arg6[%get3A_585, %get3A_586] {strides = array<i32>} : memref<8x4096xi32, #tpu.memory_space<vmem>>, vector<16xi32>,
        %ge3A_588 = arith.cmpi uge, %get3A_587, %broadcast_in_dim3A_563 : vector<16xi32>
        %all_reduce_population_count3A = tpu.all_reduce %ge3A_588 {dim = 0 : i64, kind = #tpu.reduction_kind<sum>} : vector<16xi1> -> vector<16xi32>
        %add3A_589 = arith.addi %scan3A_579, %all_reduce_population_count3A : vector<16xi32>
        %add3A_590 = arith.constant 16 : i32
        %add3A_591 = arith.addi %mul3A_581, %add3A_590 : i32
        %get3A_592 = arith.constant 7 : i32
        %get3A_593 = arith.index_cast %get3A_592 : i32 to index
        %get3A_594 = arith.index_cast %add3A_591 : i32 to index
        %get3A_595 = tpu.vector_load %arg6[%get3A_593, %get3A_594] {strides = array<i32>} : memref<8x4096xi32, #tpu.memory_space<vmem>>, vector<16xi32>,
        %ge3A_596 = arith.cmpi uge, %get3A_595, %broadcast_in_dim3A_563 : vector<16xi32>
        %all_reduce_population_count3A_597 = tpu.all_reduce %ge3A_596 {dim = 0 : i64, kind = #tpu.reduction_kind<sum>} : vector<16xi1> -> vector<16xi32>
        %add3A_598 = arith.addi %add3A_589, %all_reduce_population_count3A_597 : vector<16xi32>
        %add3A_599 = arith.constant 32 : i32
        %add3A_600 = arith.addi %mul3A_581, %add3A_599 : i32
        %get3A_601 = arith.constant 7 : i32
        %get3A_602 = arith.index_cast %get3A_601 : i32 to index
        %get3A_603 = arith.index_cast %add3A_600 : i32 to index
        %get3A_604 = tpu.vector_load %arg6[%get3A_602, %get3A_603] {strides = array<i32>} : memref<8x4096xi32, #tpu.memory_space<vmem>>, vector<16xi32>,
        %ge3A_605 = arith.cmpi uge, %get3A_604, %broadcast_in_dim3A_563 : vector<16xi32>
        %all_reduce_population_count3A_606 = tpu.all_reduce %ge3A_605 {dim = 0 : i64, kind = #tpu.reduction_kind<sum>} : vector<16xi1> -> vector<16xi32>
        %add3A_607 = arith.addi %add3A_598, %all_reduce_population_count3A_606 : vector<16xi32>
        %add3A_608 = arith.constant 48 : i32
        %add3A_609 = arith.addi %mul3A_581, %add3A_608 : i32
        %get3A_610 = arith.constant 7 : i32
        %get3A_611 = arith.index_cast %get3A_610 : i32 to index
        %get3A_612 = arith.index_cast %add3A_609 : i32 to index
        %get3A_613 = tpu.vector_load %arg6[%get3A_611, %get3A_612] {strides = array<i32>} : memref<8x4096xi32, #tpu.memory_space<vmem>>, vector<16xi32>,
        %ge3A_614 = arith.cmpi uge, %get3A_613, %broadcast_in_dim3A_563 : vector<16xi32>
        %all_reduce_population_count3A_615 = tpu.all_reduce %ge3A_614 {dim = 0 : i64, kind = #tpu.reduction_kind<sum>} : vector<16xi1> -> vector<16xi32>
        %add3A_616 = arith.addi %add3A_607, %all_reduce_population_count3A_615 : vector<16xi32>
        %add3A_617 = arith.constant 64 : i32
        %add3A_618 = arith.addi %mul3A_581, %add3A_617 : i32
        %get3A_619 = arith.constant 7 : i32
        %get3A_620 = arith.index_cast %get3A_619 : i32 to index
        %get3A_621 = arith.index_cast %add3A_618 : i32 to index
        %get3A_622 = tpu.vector_load %arg6[%get3A_620, %get3A_621] {strides = array<i32>} : memref<8x4096xi32, #tpu.memory_space<vmem>>, vector<16xi32>,
        %ge3A_623 = arith.cmpi uge, %get3A_622, %broadcast_in_dim3A_563 : vector<16xi32>
        %all_reduce_population_count3A_624 = tpu.all_reduce %ge3A_623 {dim = 0 : i64, kind = #tpu.reduction_kind<sum>} : vector<16xi1> -> vector<16xi32>
        %add3A_625 = arith.addi %add3A_616, %all_reduce_population_count3A_624 : vector<16xi32>
        %add3A_626 = arith.constant 80 : i32
        %add3A_627 = arith.addi %mul3A_581, %add3A_626 : i32
        %get3A_628 = arith.constant 7 : i32
        %get3A_629 = arith.index_cast %get3A_628 : i32 to index
        %get3A_630 = arith.index_cast %add3A_627 : i32 to index
        %get3A_631 = tpu.vector_load %arg6[%get3A_629, %get3A_630] {strides = array<i32>} : memref<8x4096xi32, #tpu.memory_space<vmem>>, vector<16xi32>,
        %ge3A_632 = arith.cmpi uge, %get3A_631, %broadcast_in_dim3A_563 : vector<16xi32>
        %all_reduce_population_count3A_633 = tpu.all_reduce %ge3A_632 {dim = 0 : i64, kind = #tpu.reduction_kind<sum>} : vector<16xi1> -> vector<16xi32>
        %add3A_634 = arith.addi %add3A_625, %all_reduce_population_count3A_633 : vector<16xi32>
        %add3A_635 = arith.constant 96 : i32
        %add3A_636 = arith.addi %mul3A_581, %add3A_635 : i32
        %get3A_637 = arith.constant 7 : i32
        %get3A_638 = arith.index_cast %get3A_637 : i32 to index
        %get3A_639 = arith.index_cast %add3A_636 : i32 to index
        %get3A_640 = tpu.vector_load %arg6[%get3A_638, %get3A_639] {strides = array<i32>} : memref<8x4096xi32, #tpu.memory_space<vmem>>, vector<16xi32>,
        %ge3A_641 = arith.cmpi uge, %get3A_640, %broadcast_in_dim3A_563 : vector<16xi32>
        %all_reduce_population_count3A_642 = tpu.all_reduce %ge3A_641 {dim = 0 : i64, kind = #tpu.reduction_kind<sum>} : vector<16xi1> -> vector<16xi32>
        %add3A_643 = arith.addi %add3A_634, %all_reduce_population_count3A_642 : vector<16xi32>
        %add3A_644 = arith.constant 112 : i32
        %add3A_645 = arith.addi %mul3A_581, %add3A_644 : i32
        %get3A_646 = arith.constant 7 : i32
        %get3A_647 = arith.index_cast %get3A_646 : i32 to index
        %get3A_648 = arith.index_cast %add3A_645 : i32 to index
        %get3A_649 = tpu.vector_load %arg6[%get3A_647, %get3A_648] {strides = array<i32>} : memref<8x4096xi32, #tpu.memory_space<vmem>>, vector<16xi32>,
        %ge3A_650 = arith.cmpi uge, %get3A_649, %broadcast_in_dim3A_563 : vector<16xi32>
        %all_reduce_population_count3A_651 = tpu.all_reduce %ge3A_650 {dim = 0 : i64, kind = #tpu.reduction_kind<sum>} : vector<16xi1> -> vector<16xi32>
        %add3A_652 = arith.addi %add3A_643, %all_reduce_population_count3A_651 : vector<16xi32>
        scf.yield %add3A_652 : vector<16xi32>
      }
      %scan3A_571 = arith.constant 32 : i32
      %slice3A_572 = vector.extract_strided_slice %scan3A_570 {offsets = [0], sizes = [1], strides = [1]} : vector<16xi32> to vector<1xi32>
      %squeeze3A_573 = vector.extract %slice3A_572[0] : i32 from vector<1xi32>
      %ge3A = arith.cmpi sge, %squeeze3A_573, %squeeze3A_264 : i32
      %select_n3A_574 = arith.select %ge3A, %add3A_562, %scan3A_557 : i32
      %sub3A_575 = arith.constant 1 : i32
      %sub3A_576 = arith.subi %add3A_562, %sub3A_575 : i32
      %select_n3A_577 = arith.select %ge3A, %scan3A_558, %sub3A_576 : i32
      scf.yield %select_n3A_574, %select_n3A_577 : i32, i32
    }
    %scan3A_272 = arith.constant 32 : i32
    %iota3A_273 = tpu.iota {dimensions = array<i32: 0>} : vector<16xi32>
    %eq3A_274 = arith.constant 15 : i32
    %eq3A_275 = vector.broadcast %eq3A_274 : i32 to vector<16xi32>
    %eq3A_276 = arith.cmpi eq, %iota3A_273, %eq3A_275 : vector<16xi32>
    %broadcast_in_dim3A_277 = vector.broadcast %scan3A_271#0 : i32 to vector<16xi32>
    %select_n3A_278 = arith.select %eq3A_276, %broadcast_in_dim3A_277, %select_n3A_262 : vector<16xi1>, vector<16xi32>
    %swap3A = arith.constant 0 : index
    %swap3A_279 = tpu.vector_load %arg8[%swap3A] {strides = array<i32>} : memref<32xi32, #tpu.memory_space<vmem>>, vector<16xi32>,
    tpu.vector_store %arg8[%swap3A], %select_n3A_278 {strides = array<i32>} : memref<32xi32, #tpu.memory_space<vmem>>, vector<16xi32>,
    %get3A_280 = arith.constant 16 : index
    %get3A_281 = tpu.vector_load %arg7[%get3A_280] {strides = array<i32>} : memref<32xi32, #tpu.memory_space<vmem>>, vector<16xi32>,
    %broadcast_in_dim3A_282 = arith.constant 0 : i32
    %broadcast_in_dim3A_283 = vector.broadcast %broadcast_in_dim3A_282 : i32 to vector<16xi32>
    %dma_wait3A_284 = arith.constant 0 : i32
    %dma_wait3A_285 = tpu.memref_slice %arg2[%add3A_146, %dma_wait3A_284] : memref<1024x4096xi32, #tpu.memory_space<hbm>> -> memref<8x4096xi32, #tpu.memory_space<hbm>>
    %dma_wait3A_286 = arith.constant 0 : i32
    %dma_wait3A_287 = tpu.memref_slice %arg2[%add3A_146, %dma_wait3A_286] : memref<1024x4096xi32, #tpu.memory_space<hbm>> -> memref<8x4096xi32, #tpu.memory_space<hbm>>
    tpu.wait_dma2 semaphore(%arg9 : memref<!tpu.dma_semaphore, #tpu.memory_space<semaphore_mem>>) src(%dma_wait3A_287 : memref<8x4096xi32, #tpu.memory_space<hbm>>) dst(%arg5 : memref<8x4096xi32, #tpu.memory_space<vmem>>)
    %add3A_288 = arith.constant 24 : i32
    %add3A_289 = arith.addi %mul3A_2, %add3A_288 : i32
    %dma_start3A_290 = arith.constant 0 : i32
    %dma_start3A_291 = tpu.memref_slice %arg2[%add3A_289, %dma_start3A_290] : memref<1024x4096xi32, #tpu.memory_space<hbm>> -> memref<8x4096xi32, #tpu.memory_space<hbm>>
    %dma_start3A_292 = arith.constant 0 : i32
    %dma_start3A_293 = tpu.memref_slice %arg2[%add3A_289, %dma_start3A_292] : memref<1024x4096xi32, #tpu.memory_space<hbm>> -> memref<8x4096xi32, #tpu.memory_space<hbm>>
    tpu.enqueue_dma source(%dma_start3A_293 : memref<8x4096xi32, #tpu.memory_space<hbm>>) target(%arg6 : memref<8x4096xi32, #tpu.memory_space<vmem>>) target_semaphore(%arg10 : memref<!tpu.dma_semaphore, #tpu.memory_space<semaphore_mem>>)
    %slice3A_294 = vector.extract_strided_slice %get3A_281 {offsets = [0], sizes = [1], strides = [1]} : vector<16xi32> to vector<1xi32>
    %squeeze3A_295 = vector.extract %slice3A_294[0] : i32 from vector<1xi32>
    %scan3A_296 = arith.constant 0 : i32
    %scan3A_297 = arith.constant -8388608 : i32
    %scan3A_298 = arith.constant 0 : i32
    %scan3A_299 = arith.constant 32 : i32
    %scan3A_300 = arith.addi %scan3A_298, %scan3A_299 : i32
    %scan3A_301 = arith.constant 1 : i32
    %scan3A_302:2 = scf.for %scan3A_556 = %scan3A_298 to %scan3A_300 step %scan3A_301 iter_args(%scan3A_557 = %scan3A_296, %scan3A_558 = %scan3A_297) -> (i32, i32)  : i32 {
      %sub3A = arith.subi %scan3A_558, %scan3A_557 : i32
      %add3A_559 = arith.constant 1 : i32
      %add3A_560 = arith.addi %sub3A, %add3A_559 : i32
      %shift_right_logical3A = arith.constant 1 : i32
      %shift_right_logical3A_561 = arith.shrui %add3A_560, %shift_right_logical3A : i32
      %add3A_562 = arith.addi %scan3A_557, %shift_right_logical3A_561 : i32
      %broadcast_in_dim3A_563 = vector.broadcast %add3A_562 : i32 to vector<16xi32>
      %broadcast_in_dim3A_564 = arith.constant 0 : i32
      %broadcast_in_dim3A_565 = vector.broadcast %broadcast_in_dim3A_564 : i32 to vector<16xi32>
      %scan3A_566 = arith.constant 0 : i32
      %scan3A_567 = arith.constant 32 : i32
      %scan3A_568 = arith.addi %scan3A_566, %scan3A_567 : i32
      %scan3A_569 = arith.constant 1 : i32
      %scan3A_570 = scf.for %scan3A_578 = %scan3A_566 to %scan3A_568 step %scan3A_569 iter_args(%scan3A_579 = %broadcast_in_dim3A_565) -> (vector<16xi32>)  : i32 {
        %mul3A_580 = arith.constant 128 : i32
        %mul3A_581 = arith.muli %scan3A_578, %mul3A_580 : i32
        %add3A_582 = arith.constant 0 : i32
        %add3A_583 = arith.addi %mul3A_581, %add3A_582 : i32
        %get3A_584 = arith.constant 0 : i32
        %get3A_585 = arith.index_cast %get3A_584 : i32 to index
        %get3A_586 = arith.index_cast %add3A_583 : i32 to index
        %get3A_587 = tpu.vector_load %arg5[%get3A_585, %get3A_586] {strides = array<i32>} : memref<8x4096xi32, #tpu.memory_space<vmem>>, vector<16xi32>,
        %ge3A_588 = arith.cmpi uge, %get3A_587, %broadcast_in_dim3A_563 : vector<16xi32>
        %all_reduce_population_count3A = tpu.all_reduce %ge3A_588 {dim = 0 : i64, kind = #tpu.reduction_kind<sum>} : vector<16xi1> -> vector<16xi32>
        %add3A_589 = arith.addi %scan3A_579, %all_reduce_population_count3A : vector<16xi32>
        %add3A_590 = arith.constant 16 : i32
        %add3A_591 = arith.addi %mul3A_581, %add3A_590 : i32
        %get3A_592 = arith.constant 0 : i32
        %get3A_593 = arith.index_cast %get3A_592 : i32 to index
        %get3A_594 = arith.index_cast %add3A_591 : i32 to index
        %get3A_595 = tpu.vector_load %arg5[%get3A_593, %get3A_594] {strides = array<i32>} : memref<8x4096xi32, #tpu.memory_space<vmem>>, vector<16xi32>,
        %ge3A_596 = arith.cmpi uge, %get3A_595, %broadcast_in_dim3A_563 : vector<16xi32>
        %all_reduce_population_count3A_597 = tpu.all_reduce %ge3A_596 {dim = 0 : i64, kind = #tpu.reduction_kind<sum>} : vector<16xi1> -> vector<16xi32>
        %add3A_598 = arith.addi %add3A_589, %all_reduce_population_count3A_597 : vector<16xi32>
        %add3A_599 = arith.constant 32 : i32
        %add3A_600 = arith.addi %mul3A_581, %add3A_599 : i32
        %get3A_601 = arith.constant 0 : i32
        %get3A_602 = arith.index_cast %get3A_601 : i32 to index
        %get3A_603 = arith.index_cast %add3A_600 : i32 to index
        %get3A_604 = tpu.vector_load %arg5[%get3A_602, %get3A_603] {strides = array<i32>} : memref<8x4096xi32, #tpu.memory_space<vmem>>, vector<16xi32>,
        %ge3A_605 = arith.cmpi uge, %get3A_604, %broadcast_in_dim3A_563 : vector<16xi32>
        %all_reduce_population_count3A_606 = tpu.all_reduce %ge3A_605 {dim = 0 : i64, kind = #tpu.reduction_kind<sum>} : vector<16xi1> -> vector<16xi32>
        %add3A_607 = arith.addi %add3A_598, %all_reduce_population_count3A_606 : vector<16xi32>
        %add3A_608 = arith.constant 48 : i32
        %add3A_609 = arith.addi %mul3A_581, %add3A_608 : i32
        %get3A_610 = arith.constant 0 : i32
        %get3A_611 = arith.index_cast %get3A_610 : i32 to index
        %get3A_612 = arith.index_cast %add3A_609 : i32 to index
        %get3A_613 = tpu.vector_load %arg5[%get3A_611, %get3A_612] {strides = array<i32>} : memref<8x4096xi32, #tpu.memory_space<vmem>>, vector<16xi32>,
        %ge3A_614 = arith.cmpi uge, %get3A_613, %broadcast_in_dim3A_563 : vector<16xi32>
        %all_reduce_population_count3A_615 = tpu.all_reduce %ge3A_614 {dim = 0 : i64, kind = #tpu.reduction_kind<sum>} : vector<16xi1> -> vector<16xi32>
        %add3A_616 = arith.addi %add3A_607, %all_reduce_population_count3A_615 : vector<16xi32>
        %add3A_617 = arith.constant 64 : i32
        %add3A_618 = arith.addi %mul3A_581, %add3A_617 : i32
        %get3A_619 = arith.constant 0 : i32
        %get3A_620 = arith.index_cast %get3A_619 : i32 to index
        %get3A_621 = arith.index_cast %add3A_618 : i32 to index
        %get3A_622 = tpu.vector_load %arg5[%get3A_620, %get3A_621] {strides = array<i32>} : memref<8x4096xi32, #tpu.memory_space<vmem>>, vector<16xi32>,
        %ge3A_623 = arith.cmpi uge, %get3A_622, %broadcast_in_dim3A_563 : vector<16xi32>
        %all_reduce_population_count3A_624 = tpu.all_reduce %ge3A_623 {dim = 0 : i64, kind = #tpu.reduction_kind<sum>} : vector<16xi1> -> vector<16xi32>
        %add3A_625 = arith.addi %add3A_616, %all_reduce_population_count3A_624 : vector<16xi32>
        %add3A_626 = arith.constant 80 : i32
        %add3A_627 = arith.addi %mul3A_581, %add3A_626 : i32
        %get3A_628 = arith.constant 0 : i32
        %get3A_629 = arith.index_cast %get3A_628 : i32 to index
        %get3A_630 = arith.index_cast %add3A_627 : i32 to index
        %get3A_631 = tpu.vector_load %arg5[%get3A_629, %get3A_630] {strides = array<i32>} : memref<8x4096xi32, #tpu.memory_space<vmem>>, vector<16xi32>,
        %ge3A_632 = arith.cmpi uge, %get3A_631, %broadcast_in_dim3A_563 : vector<16xi32>
        %all_reduce_population_count3A_633 = tpu.all_reduce %ge3A_632 {dim = 0 : i64, kind = #tpu.reduction_kind<sum>} : vector<16xi1> -> vector<16xi32>
        %add3A_634 = arith.addi %add3A_625, %all_reduce_population_count3A_633 : vector<16xi32>
        %add3A_635 = arith.constant 96 : i32
        %add3A_636 = arith.addi %mul3A_581, %add3A_635 : i32
        %get3A_637 = arith.constant 0 : i32
        %get3A_638 = arith.index_cast %get3A_637 : i32 to index
        %get3A_639 = arith.index_cast %add3A_636 : i32 to index
        %get3A_640 = tpu.vector_load %arg5[%get3A_638, %get3A_639] {strides = array<i32>} : memref<8x4096xi32, #tpu.memory_space<vmem>>, vector<16xi32>,
        %ge3A_641 = arith.cmpi uge, %get3A_640, %broadcast_in_dim3A_563 : vector<16xi32>
        %all_reduce_population_count3A_642 = tpu.all_reduce %ge3A_641 {dim = 0 : i64, kind = #tpu.reduction_kind<sum>} : vector<16xi1> -> vector<16xi32>
        %add3A_643 = arith.addi %add3A_634, %all_reduce_population_count3A_642 : vector<16xi32>
        %add3A_644 = arith.constant 112 : i32
        %add3A_645 = arith.addi %mul3A_581, %add3A_644 : i32
        %get3A_646 = arith.constant 0 : i32
        %get3A_647 = arith.index_cast %get3A_646 : i32 to index
        %get3A_648 = arith.index_cast %add3A_645 : i32 to index
        %get3A_649 = tpu.vector_load %arg5[%get3A_647, %get3A_648] {strides = array<i32>} : memref<8x4096xi32, #tpu.memory_space<vmem>>, vector<16xi32>,
        %ge3A_650 = arith.cmpi uge, %get3A_649, %broadcast_in_dim3A_563 : vector<16xi32>
        %all_reduce_population_count3A_651 = tpu.all_reduce %ge3A_650 {dim = 0 : i64, kind = #tpu.reduction_kind<sum>} : vector<16xi1> -> vector<16xi32>
        %add3A_652 = arith.addi %add3A_643, %all_reduce_population_count3A_651 : vector<16xi32>
        scf.yield %add3A_652 : vector<16xi32>
      }
      %scan3A_571 = arith.constant 32 : i32
      %slice3A_572 = vector.extract_strided_slice %scan3A_570 {offsets = [0], sizes = [1], strides = [1]} : vector<16xi32> to vector<1xi32>
      %squeeze3A_573 = vector.extract %slice3A_572[0] : i32 from vector<1xi32>
      %ge3A = arith.cmpi sge, %squeeze3A_573, %squeeze3A_295 : i32
      %select_n3A_574 = arith.select %ge3A, %add3A_562, %scan3A_557 : i32
      %sub3A_575 = arith.constant 1 : i32
      %sub3A_576 = arith.subi %add3A_562, %sub3A_575 : i32
      %select_n3A_577 = arith.select %ge3A, %scan3A_558, %sub3A_576 : i32
      scf.yield %select_n3A_574, %select_n3A_577 : i32, i32
    }
    %scan3A_303 = arith.constant 32 : i32
    %iota3A_304 = tpu.iota {dimensions = array<i32: 0>} : vector<16xi32>
    %eq3A_305 = arith.constant 0 : i32
    %eq3A_306 = vector.broadcast %eq3A_305 : i32 to vector<16xi32>
    %eq3A_307 = arith.cmpi eq, %iota3A_304, %eq3A_306 : vector<16xi32>
    %broadcast_in_dim3A_308 = vector.broadcast %scan3A_302#0 : i32 to vector<16xi32>
    %select_n3A_309 = arith.select %eq3A_307, %broadcast_in_dim3A_308, %broadcast_in_dim3A_283 : vector<16xi1>, vector<16xi32>
    %slice3A_310 = vector.extract_strided_slice %get3A_281 {offsets = [1], sizes = [1], strides = [1]} : vector<16xi32> to vector<1xi32>
    %squeeze3A_311 = vector.extract %slice3A_310[0] : i32 from vector<1xi32>
    %scan3A_312 = arith.constant 0 : i32
    %scan3A_313 = arith.constant -8388608 : i32
    %scan3A_314 = arith.constant 0 : i32
    %scan3A_315 = arith.constant 32 : i32
    %scan3A_316 = arith.addi %scan3A_314, %scan3A_315 : i32
    %scan3A_317 = arith.constant 1 : i32
    %scan3A_318:2 = scf.for %scan3A_556 = %scan3A_314 to %scan3A_316 step %scan3A_317 iter_args(%scan3A_557 = %scan3A_312, %scan3A_558 = %scan3A_313) -> (i32, i32)  : i32 {
      %sub3A = arith.subi %scan3A_558, %scan3A_557 : i32
      %add3A_559 = arith.constant 1 : i32
      %add3A_560 = arith.addi %sub3A, %add3A_559 : i32
      %shift_right_logical3A = arith.constant 1 : i32
      %shift_right_logical3A_561 = arith.shrui %add3A_560, %shift_right_logical3A : i32
      %add3A_562 = arith.addi %scan3A_557, %shift_right_logical3A_561 : i32
      %broadcast_in_dim3A_563 = vector.broadcast %add3A_562 : i32 to vector<16xi32>
      %broadcast_in_dim3A_564 = arith.constant 0 : i32
      %broadcast_in_dim3A_565 = vector.broadcast %broadcast_in_dim3A_564 : i32 to vector<16xi32>
      %scan3A_566 = arith.constant 0 : i32
      %scan3A_567 = arith.constant 32 : i32
      %scan3A_568 = arith.addi %scan3A_566, %scan3A_567 : i32
      %scan3A_569 = arith.constant 1 : i32
      %scan3A_570 = scf.for %scan3A_578 = %scan3A_566 to %scan3A_568 step %scan3A_569 iter_args(%scan3A_579 = %broadcast_in_dim3A_565) -> (vector<16xi32>)  : i32 {
        %mul3A_580 = arith.constant 128 : i32
        %mul3A_581 = arith.muli %scan3A_578, %mul3A_580 : i32
        %add3A_582 = arith.constant 0 : i32
        %add3A_583 = arith.addi %mul3A_581, %add3A_582 : i32
        %get3A_584 = arith.constant 1 : i32
        %get3A_585 = arith.index_cast %get3A_584 : i32 to index
        %get3A_586 = arith.index_cast %add3A_583 : i32 to index
        %get3A_587 = tpu.vector_load %arg5[%get3A_585, %get3A_586] {strides = array<i32>} : memref<8x4096xi32, #tpu.memory_space<vmem>>, vector<16xi32>,
        %ge3A_588 = arith.cmpi uge, %get3A_587, %broadcast_in_dim3A_563 : vector<16xi32>
        %all_reduce_population_count3A = tpu.all_reduce %ge3A_588 {dim = 0 : i64, kind = #tpu.reduction_kind<sum>} : vector<16xi1> -> vector<16xi32>
        %add3A_589 = arith.addi %scan3A_579, %all_reduce_population_count3A : vector<16xi32>
        %add3A_590 = arith.constant 16 : i32
        %add3A_591 = arith.addi %mul3A_581, %add3A_590 : i32
        %get3A_592 = arith.constant 1 : i32
        %get3A_593 = arith.index_cast %get3A_592 : i32 to index
        %get3A_594 = arith.index_cast %add3A_591 : i32 to index
        %get3A_595 = tpu.vector_load %arg5[%get3A_593, %get3A_594] {strides = array<i32>} : memref<8x4096xi32, #tpu.memory_space<vmem>>, vector<16xi32>,
        %ge3A_596 = arith.cmpi uge, %get3A_595, %broadcast_in_dim3A_563 : vector<16xi32>
        %all_reduce_population_count3A_597 = tpu.all_reduce %ge3A_596 {dim = 0 : i64, kind = #tpu.reduction_kind<sum>} : vector<16xi1> -> vector<16xi32>
        %add3A_598 = arith.addi %add3A_589, %all_reduce_population_count3A_597 : vector<16xi32>
        %add3A_599 = arith.constant 32 : i32
        %add3A_600 = arith.addi %mul3A_581, %add3A_599 : i32
        %get3A_601 = arith.constant 1 : i32
        %get3A_602 = arith.index_cast %get3A_601 : i32 to index
        %get3A_603 = arith.index_cast %add3A_600 : i32 to index
        %get3A_604 = tpu.vector_load %arg5[%get3A_602, %get3A_603] {strides = array<i32>} : memref<8x4096xi32, #tpu.memory_space<vmem>>, vector<16xi32>,
        %ge3A_605 = arith.cmpi uge, %get3A_604, %broadcast_in_dim3A_563 : vector<16xi32>
        %all_reduce_population_count3A_606 = tpu.all_reduce %ge3A_605 {dim = 0 : i64, kind = #tpu.reduction_kind<sum>} : vector<16xi1> -> vector<16xi32>
        %add3A_607 = arith.addi %add3A_598, %all_reduce_population_count3A_606 : vector<16xi32>
        %add3A_608 = arith.constant 48 : i32
        %add3A_609 = arith.addi %mul3A_581, %add3A_608 : i32
        %get3A_610 = arith.constant 1 : i32
        %get3A_611 = arith.index_cast %get3A_610 : i32 to index
        %get3A_612 = arith.index_cast %add3A_609 : i32 to index
        %get3A_613 = tpu.vector_load %arg5[%get3A_611, %get3A_612] {strides = array<i32>} : memref<8x4096xi32, #tpu.memory_space<vmem>>, vector<16xi32>,
        %ge3A_614 = arith.cmpi uge, %get3A_613, %broadcast_in_dim3A_563 : vector<16xi32>
        %all_reduce_population_count3A_615 = tpu.all_reduce %ge3A_614 {dim = 0 : i64, kind = #tpu.reduction_kind<sum>} : vector<16xi1> -> vector<16xi32>
        %add3A_616 = arith.addi %add3A_607, %all_reduce_population_count3A_615 : vector<16xi32>
        %add3A_617 = arith.constant 64 : i32
        %add3A_618 = arith.addi %mul3A_581, %add3A_617 : i32
        %get3A_619 = arith.constant 1 : i32
        %get3A_620 = arith.index_cast %get3A_619 : i32 to index
        %get3A_621 = arith.index_cast %add3A_618 : i32 to index
        %get3A_622 = tpu.vector_load %arg5[%get3A_620, %get3A_621] {strides = array<i32>} : memref<8x4096xi32, #tpu.memory_space<vmem>>, vector<16xi32>,
        %ge3A_623 = arith.cmpi uge, %get3A_622, %broadcast_in_dim3A_563 : vector<16xi32>
        %all_reduce_population_count3A_624 = tpu.all_reduce %ge3A_623 {dim = 0 : i64, kind = #tpu.reduction_kind<sum>} : vector<16xi1> -> vector<16xi32>
        %add3A_625 = arith.addi %add3A_616, %all_reduce_population_count3A_624 : vector<16xi32>
        %add3A_626 = arith.constant 80 : i32
        %add3A_627 = arith.addi %mul3A_581, %add3A_626 : i32
        %get3A_628 = arith.constant 1 : i32
        %get3A_629 = arith.index_cast %get3A_628 : i32 to index
        %get3A_630 = arith.index_cast %add3A_627 : i32 to index
        %get3A_631 = tpu.vector_load %arg5[%get3A_629, %get3A_630] {strides = array<i32>} : memref<8x4096xi32, #tpu.memory_space<vmem>>, vector<16xi32>,
        %ge3A_632 = arith.cmpi uge, %get3A_631, %broadcast_in_dim3A_563 : vector<16xi32>
        %all_reduce_population_count3A_633 = tpu.all_reduce %ge3A_632 {dim = 0 : i64, kind = #tpu.reduction_kind<sum>} : vector<16xi1> -> vector<16xi32>
        %add3A_634 = arith.addi %add3A_625, %all_reduce_population_count3A_633 : vector<16xi32>
        %add3A_635 = arith.constant 96 : i32
        %add3A_636 = arith.addi %mul3A_581, %add3A_635 : i32
        %get3A_637 = arith.constant 1 : i32
        %get3A_638 = arith.index_cast %get3A_637 : i32 to index
        %get3A_639 = arith.index_cast %add3A_636 : i32 to index
        %get3A_640 = tpu.vector_load %arg5[%get3A_638, %get3A_639] {strides = array<i32>} : memref<8x4096xi32, #tpu.memory_space<vmem>>, vector<16xi32>,
        %ge3A_641 = arith.cmpi uge, %get3A_640, %broadcast_in_dim3A_563 : vector<16xi32>
        %all_reduce_population_count3A_642 = tpu.all_reduce %ge3A_641 {dim = 0 : i64, kind = #tpu.reduction_kind<sum>} : vector<16xi1> -> vector<16xi32>
        %add3A_643 = arith.addi %add3A_634, %all_reduce_population_count3A_642 : vector<16xi32>
        %add3A_644 = arith.constant 112 : i32
        %add3A_645 = arith.addi %mul3A_581, %add3A_644 : i32
        %get3A_646 = arith.constant 1 : i32
        %get3A_647 = arith.index_cast %get3A_646 : i32 to index
        %get3A_648 = arith.index_cast %add3A_645 : i32 to index
        %get3A_649 = tpu.vector_load %arg5[%get3A_647, %get3A_648] {strides = array<i32>} : memref<8x4096xi32, #tpu.memory_space<vmem>>, vector<16xi32>,
        %ge3A_650 = arith.cmpi uge, %get3A_649, %broadcast_in_dim3A_563 : vector<16xi32>
        %all_reduce_population_count3A_651 = tpu.all_reduce %ge3A_650 {dim = 0 : i64, kind = #tpu.reduction_kind<sum>} : vector<16xi1> -> vector<16xi32>
        %add3A_652 = arith.addi %add3A_643, %all_reduce_population_count3A_651 : vector<16xi32>
        scf.yield %add3A_652 : vector<16xi32>
      }
      %scan3A_571 = arith.constant 32 : i32
      %slice3A_572 = vector.extract_strided_slice %scan3A_570 {offsets = [0], sizes = [1], strides = [1]} : vector<16xi32> to vector<1xi32>
      %squeeze3A_573 = vector.extract %slice3A_572[0] : i32 from vector<1xi32>
      %ge3A = arith.cmpi sge, %squeeze3A_573, %squeeze3A_311 : i32
      %select_n3A_574 = arith.select %ge3A, %add3A_562, %scan3A_557 : i32
      %sub3A_575 = arith.constant 1 : i32
      %sub3A_576 = arith.subi %add3A_562, %sub3A_575 : i32
      %select_n3A_577 = arith.select %ge3A, %scan3A_558, %sub3A_576 : i32
      scf.yield %select_n3A_574, %select_n3A_577 : i32, i32
    }
    %scan3A_319 = arith.constant 32 : i32
    %iota3A_320 = tpu.iota {dimensions = array<i32: 0>} : vector<16xi32>
    %eq3A_321 = arith.constant 1 : i32
    %eq3A_322 = vector.broadcast %eq3A_321 : i32 to vector<16xi32>
    %eq3A_323 = arith.cmpi eq, %iota3A_320, %eq3A_322 : vector<16xi32>
    %broadcast_in_dim3A_324 = vector.broadcast %scan3A_318#0 : i32 to vector<16xi32>
    %select_n3A_325 = arith.select %eq3A_323, %broadcast_in_dim3A_324, %select_n3A_309 : vector<16xi1>, vector<16xi32>
    %slice3A_326 = vector.extract_strided_slice %get3A_281 {offsets = [2], sizes = [1], strides = [1]} : vector<16xi32> to vector<1xi32>
    %squeeze3A_327 = vector.extract %slice3A_326[0] : i32 from vector<1xi32>
    %scan3A_328 = arith.constant 0 : i32
    %scan3A_329 = arith.constant -8388608 : i32
    %scan3A_330 = arith.constant 0 : i32
    %scan3A_331 = arith.constant 32 : i32
    %scan3A_332 = arith.addi %scan3A_330, %scan3A_331 : i32
    %scan3A_333 = arith.constant 1 : i32
    %scan3A_334:2 = scf.for %scan3A_556 = %scan3A_330 to %scan3A_332 step %scan3A_333 iter_args(%scan3A_557 = %scan3A_328, %scan3A_558 = %scan3A_329) -> (i32, i32)  : i32 {
      %sub3A = arith.subi %scan3A_558, %scan3A_557 : i32
      %add3A_559 = arith.constant 1 : i32
      %add3A_560 = arith.addi %sub3A, %add3A_559 : i32
      %shift_right_logical3A = arith.constant 1 : i32
      %shift_right_logical3A_561 = arith.shrui %add3A_560, %shift_right_logical3A : i32
      %add3A_562 = arith.addi %scan3A_557, %shift_right_logical3A_561 : i32
      %broadcast_in_dim3A_563 = vector.broadcast %add3A_562 : i32 to vector<16xi32>
      %broadcast_in_dim3A_564 = arith.constant 0 : i32
      %broadcast_in_dim3A_565 = vector.broadcast %broadcast_in_dim3A_564 : i32 to vector<16xi32>
      %scan3A_566 = arith.constant 0 : i32
      %scan3A_567 = arith.constant 32 : i32
      %scan3A_568 = arith.addi %scan3A_566, %scan3A_567 : i32
      %scan3A_569 = arith.constant 1 : i32
      %scan3A_570 = scf.for %scan3A_578 = %scan3A_566 to %scan3A_568 step %scan3A_569 iter_args(%scan3A_579 = %broadcast_in_dim3A_565) -> (vector<16xi32>)  : i32 {
        %mul3A_580 = arith.constant 128 : i32
        %mul3A_581 = arith.muli %scan3A_578, %mul3A_580 : i32
        %add3A_582 = arith.constant 0 : i32
        %add3A_583 = arith.addi %mul3A_581, %add3A_582 : i32
        %get3A_584 = arith.constant 2 : i32
        %get3A_585 = arith.index_cast %get3A_584 : i32 to index
        %get3A_586 = arith.index_cast %add3A_583 : i32 to index
        %get3A_587 = tpu.vector_load %arg5[%get3A_585, %get3A_586] {strides = array<i32>} : memref<8x4096xi32, #tpu.memory_space<vmem>>, vector<16xi32>,
        %ge3A_588 = arith.cmpi uge, %get3A_587, %broadcast_in_dim3A_563 : vector<16xi32>
        %all_reduce_population_count3A = tpu.all_reduce %ge3A_588 {dim = 0 : i64, kind = #tpu.reduction_kind<sum>} : vector<16xi1> -> vector<16xi32>
        %add3A_589 = arith.addi %scan3A_579, %all_reduce_population_count3A : vector<16xi32>
        %add3A_590 = arith.constant 16 : i32
        %add3A_591 = arith.addi %mul3A_581, %add3A_590 : i32
        %get3A_592 = arith.constant 2 : i32
        %get3A_593 = arith.index_cast %get3A_592 : i32 to index
        %get3A_594 = arith.index_cast %add3A_591 : i32 to index
        %get3A_595 = tpu.vector_load %arg5[%get3A_593, %get3A_594] {strides = array<i32>} : memref<8x4096xi32, #tpu.memory_space<vmem>>, vector<16xi32>,
        %ge3A_596 = arith.cmpi uge, %get3A_595, %broadcast_in_dim3A_563 : vector<16xi32>
        %all_reduce_population_count3A_597 = tpu.all_reduce %ge3A_596 {dim = 0 : i64, kind = #tpu.reduction_kind<sum>} : vector<16xi1> -> vector<16xi32>
        %add3A_598 = arith.addi %add3A_589, %all_reduce_population_count3A_597 : vector<16xi32>
        %add3A_599 = arith.constant 32 : i32
        %add3A_600 = arith.addi %mul3A_581, %add3A_599 : i32
        %get3A_601 = arith.constant 2 : i32
        %get3A_602 = arith.index_cast %get3A_601 : i32 to index
        %get3A_603 = arith.index_cast %add3A_600 : i32 to index
        %get3A_604 = tpu.vector_load %arg5[%get3A_602, %get3A_603] {strides = array<i32>} : memref<8x4096xi32, #tpu.memory_space<vmem>>, vector<16xi32>,
        %ge3A_605 = arith.cmpi uge, %get3A_604, %broadcast_in_dim3A_563 : vector<16xi32>
        %all_reduce_population_count3A_606 = tpu.all_reduce %ge3A_605 {dim = 0 : i64, kind = #tpu.reduction_kind<sum>} : vector<16xi1> -> vector<16xi32>
        %add3A_607 = arith.addi %add3A_598, %all_reduce_population_count3A_606 : vector<16xi32>
        %add3A_608 = arith.constant 48 : i32
        %add3A_609 = arith.addi %mul3A_581, %add3A_608 : i32
        %get3A_610 = arith.constant 2 : i32
        %get3A_611 = arith.index_cast %get3A_610 : i32 to index
        %get3A_612 = arith.index_cast %add3A_609 : i32 to index
        %get3A_613 = tpu.vector_load %arg5[%get3A_611, %get3A_612] {strides = array<i32>} : memref<8x4096xi32, #tpu.memory_space<vmem>>, vector<16xi32>,
        %ge3A_614 = arith.cmpi uge, %get3A_613, %broadcast_in_dim3A_563 : vector<16xi32>
        %all_reduce_population_count3A_615 = tpu.all_reduce %ge3A_614 {dim = 0 : i64, kind = #tpu.reduction_kind<sum>} : vector<16xi1> -> vector<16xi32>
        %add3A_616 = arith.addi %add3A_607, %all_reduce_population_count3A_615 : vector<16xi32>
        %add3A_617 = arith.constant 64 : i32
        %add3A_618 = arith.addi %mul3A_581, %add3A_617 : i32
        %get3A_619 = arith.constant 2 : i32
        %get3A_620 = arith.index_cast %get3A_619 : i32 to index
        %get3A_621 = arith.index_cast %add3A_618 : i32 to index
        %get3A_622 = tpu.vector_load %arg5[%get3A_620, %get3A_621] {strides = array<i32>} : memref<8x4096xi32, #tpu.memory_space<vmem>>, vector<16xi32>,
        %ge3A_623 = arith.cmpi uge, %get3A_622, %broadcast_in_dim3A_563 : vector<16xi32>
        %all_reduce_population_count3A_624 = tpu.all_reduce %ge3A_623 {dim = 0 : i64, kind = #tpu.reduction_kind<sum>} : vector<16xi1> -> vector<16xi32>
        %add3A_625 = arith.addi %add3A_616, %all_reduce_population_count3A_624 : vector<16xi32>
        %add3A_626 = arith.constant 80 : i32
        %add3A_627 = arith.addi %mul3A_581, %add3A_626 : i32
        %get3A_628 = arith.constant 2 : i32
        %get3A_629 = arith.index_cast %get3A_628 : i32 to index
        %get3A_630 = arith.index_cast %add3A_627 : i32 to index
        %get3A_631 = tpu.vector_load %arg5[%get3A_629, %get3A_630] {strides = array<i32>} : memref<8x4096xi32, #tpu.memory_space<vmem>>, vector<16xi32>,
        %ge3A_632 = arith.cmpi uge, %get3A_631, %broadcast_in_dim3A_563 : vector<16xi32>
        %all_reduce_population_count3A_633 = tpu.all_reduce %ge3A_632 {dim = 0 : i64, kind = #tpu.reduction_kind<sum>} : vector<16xi1> -> vector<16xi32>
        %add3A_634 = arith.addi %add3A_625, %all_reduce_population_count3A_633 : vector<16xi32>
        %add3A_635 = arith.constant 96 : i32
        %add3A_636 = arith.addi %mul3A_581, %add3A_635 : i32
        %get3A_637 = arith.constant 2 : i32
        %get3A_638 = arith.index_cast %get3A_637 : i32 to index
        %get3A_639 = arith.index_cast %add3A_636 : i32 to index
        %get3A_640 = tpu.vector_load %arg5[%get3A_638, %get3A_639] {strides = array<i32>} : memref<8x4096xi32, #tpu.memory_space<vmem>>, vector<16xi32>,
        %ge3A_641 = arith.cmpi uge, %get3A_640, %broadcast_in_dim3A_563 : vector<16xi32>
        %all_reduce_population_count3A_642 = tpu.all_reduce %ge3A_641 {dim = 0 : i64, kind = #tpu.reduction_kind<sum>} : vector<16xi1> -> vector<16xi32>
        %add3A_643 = arith.addi %add3A_634, %all_reduce_population_count3A_642 : vector<16xi32>
        %add3A_644 = arith.constant 112 : i32
        %add3A_645 = arith.addi %mul3A_581, %add3A_644 : i32
        %get3A_646 = arith.constant 2 : i32
        %get3A_647 = arith.index_cast %get3A_646 : i32 to index
        %get3A_648 = arith.index_cast %add3A_645 : i32 to index
        %get3A_649 = tpu.vector_load %arg5[%get3A_647, %get3A_648] {strides = array<i32>} : memref<8x4096xi32, #tpu.memory_space<vmem>>, vector<16xi32>,
        %ge3A_650 = arith.cmpi uge, %get3A_649, %broadcast_in_dim3A_563 : vector<16xi32>
        %all_reduce_population_count3A_651 = tpu.all_reduce %ge3A_650 {dim = 0 : i64, kind = #tpu.reduction_kind<sum>} : vector<16xi1> -> vector<16xi32>
        %add3A_652 = arith.addi %add3A_643, %all_reduce_population_count3A_651 : vector<16xi32>
        scf.yield %add3A_652 : vector<16xi32>
      }
      %scan3A_571 = arith.constant 32 : i32
      %slice3A_572 = vector.extract_strided_slice %scan3A_570 {offsets = [0], sizes = [1], strides = [1]} : vector<16xi32> to vector<1xi32>
      %squeeze3A_573 = vector.extract %slice3A_572[0] : i32 from vector<1xi32>
      %ge3A = arith.cmpi sge, %squeeze3A_573, %squeeze3A_327 : i32
      %select_n3A_574 = arith.select %ge3A, %add3A_562, %scan3A_557 : i32
      %sub3A_575 = arith.constant 1 : i32
      %sub3A_576 = arith.subi %add3A_562, %sub3A_575 : i32
      %select_n3A_577 = arith.select %ge3A, %scan3A_558, %sub3A_576 : i32
      scf.yield %select_n3A_574, %select_n3A_577 : i32, i32
    }
    %scan3A_335 = arith.constant 32 : i32
    %iota3A_336 = tpu.iota {dimensions = array<i32: 0>} : vector<16xi32>
    %eq3A_337 = arith.constant 2 : i32
    %eq3A_338 = vector.broadcast %eq3A_337 : i32 to vector<16xi32>
    %eq3A_339 = arith.cmpi eq, %iota3A_336, %eq3A_338 : vector<16xi32>
    %broadcast_in_dim3A_340 = vector.broadcast %scan3A_334#0 : i32 to vector<16xi32>
    %select_n3A_341 = arith.select %eq3A_339, %broadcast_in_dim3A_340, %select_n3A_325 : vector<16xi1>, vector<16xi32>
    %slice3A_342 = vector.extract_strided_slice %get3A_281 {offsets = [3], sizes = [1], strides = [1]} : vector<16xi32> to vector<1xi32>
    %squeeze3A_343 = vector.extract %slice3A_342[0] : i32 from vector<1xi32>
    %scan3A_344 = arith.constant 0 : i32
    %scan3A_345 = arith.constant -8388608 : i32
    %scan3A_346 = arith.constant 0 : i32
    %scan3A_347 = arith.constant 32 : i32
    %scan3A_348 = arith.addi %scan3A_346, %scan3A_347 : i32
    %scan3A_349 = arith.constant 1 : i32
    %scan3A_350:2 = scf.for %scan3A_556 = %scan3A_346 to %scan3A_348 step %scan3A_349 iter_args(%scan3A_557 = %scan3A_344, %scan3A_558 = %scan3A_345) -> (i32, i32)  : i32 {
      %sub3A = arith.subi %scan3A_558, %scan3A_557 : i32
      %add3A_559 = arith.constant 1 : i32
      %add3A_560 = arith.addi %sub3A, %add3A_559 : i32
      %shift_right_logical3A = arith.constant 1 : i32
      %shift_right_logical3A_561 = arith.shrui %add3A_560, %shift_right_logical3A : i32
      %add3A_562 = arith.addi %scan3A_557, %shift_right_logical3A_561 : i32
      %broadcast_in_dim3A_563 = vector.broadcast %add3A_562 : i32 to vector<16xi32>
      %broadcast_in_dim3A_564 = arith.constant 0 : i32
      %broadcast_in_dim3A_565 = vector.broadcast %broadcast_in_dim3A_564 : i32 to vector<16xi32>
      %scan3A_566 = arith.constant 0 : i32
      %scan3A_567 = arith.constant 32 : i32
      %scan3A_568 = arith.addi %scan3A_566, %scan3A_567 : i32
      %scan3A_569 = arith.constant 1 : i32
      %scan3A_570 = scf.for %scan3A_578 = %scan3A_566 to %scan3A_568 step %scan3A_569 iter_args(%scan3A_579 = %broadcast_in_dim3A_565) -> (vector<16xi32>)  : i32 {
        %mul3A_580 = arith.constant 128 : i32
        %mul3A_581 = arith.muli %scan3A_578, %mul3A_580 : i32
        %add3A_582 = arith.constant 0 : i32
        %add3A_583 = arith.addi %mul3A_581, %add3A_582 : i32
        %get3A_584 = arith.constant 3 : i32
        %get3A_585 = arith.index_cast %get3A_584 : i32 to index
        %get3A_586 = arith.index_cast %add3A_583 : i32 to index
        %get3A_587 = tpu.vector_load %arg5[%get3A_585, %get3A_586] {strides = array<i32>} : memref<8x4096xi32, #tpu.memory_space<vmem>>, vector<16xi32>,
        %ge3A_588 = arith.cmpi uge, %get3A_587, %broadcast_in_dim3A_563 : vector<16xi32>
        %all_reduce_population_count3A = tpu.all_reduce %ge3A_588 {dim = 0 : i64, kind = #tpu.reduction_kind<sum>} : vector<16xi1> -> vector<16xi32>
        %add3A_589 = arith.addi %scan3A_579, %all_reduce_population_count3A : vector<16xi32>
        %add3A_590 = arith.constant 16 : i32
        %add3A_591 = arith.addi %mul3A_581, %add3A_590 : i32
        %get3A_592 = arith.constant 3 : i32
        %get3A_593 = arith.index_cast %get3A_592 : i32 to index
        %get3A_594 = arith.index_cast %add3A_591 : i32 to index
        %get3A_595 = tpu.vector_load %arg5[%get3A_593, %get3A_594] {strides = array<i32>} : memref<8x4096xi32, #tpu.memory_space<vmem>>, vector<16xi32>,
        %ge3A_596 = arith.cmpi uge, %get3A_595, %broadcast_in_dim3A_563 : vector<16xi32>
        %all_reduce_population_count3A_597 = tpu.all_reduce %ge3A_596 {dim = 0 : i64, kind = #tpu.reduction_kind<sum>} : vector<16xi1> -> vector<16xi32>
        %add3A_598 = arith.addi %add3A_589, %all_reduce_population_count3A_597 : vector<16xi32>
        %add3A_599 = arith.constant 32 : i32
        %add3A_600 = arith.addi %mul3A_581, %add3A_599 : i32
        %get3A_601 = arith.constant 3 : i32
        %get3A_602 = arith.index_cast %get3A_601 : i32 to index
        %get3A_603 = arith.index_cast %add3A_600 : i32 to index
        %get3A_604 = tpu.vector_load %arg5[%get3A_602, %get3A_603] {strides = array<i32>} : memref<8x4096xi32, #tpu.memory_space<vmem>>, vector<16xi32>,
        %ge3A_605 = arith.cmpi uge, %get3A_604, %broadcast_in_dim3A_563 : vector<16xi32>
        %all_reduce_population_count3A_606 = tpu.all_reduce %ge3A_605 {dim = 0 : i64, kind = #tpu.reduction_kind<sum>} : vector<16xi1> -> vector<16xi32>
        %add3A_607 = arith.addi %add3A_598, %all_reduce_population_count3A_606 : vector<16xi32>
        %add3A_608 = arith.constant 48 : i32
        %add3A_609 = arith.addi %mul3A_581, %add3A_608 : i32
        %get3A_610 = arith.constant 3 : i32
        %get3A_611 = arith.index_cast %get3A_610 : i32 to index
        %get3A_612 = arith.index_cast %add3A_609 : i32 to index
        %get3A_613 = tpu.vector_load %arg5[%get3A_611, %get3A_612] {strides = array<i32>} : memref<8x4096xi32, #tpu.memory_space<vmem>>, vector<16xi32>,
        %ge3A_614 = arith.cmpi uge, %get3A_613, %broadcast_in_dim3A_563 : vector<16xi32>
        %all_reduce_population_count3A_615 = tpu.all_reduce %ge3A_614 {dim = 0 : i64, kind = #tpu.reduction_kind<sum>} : vector<16xi1> -> vector<16xi32>
        %add3A_616 = arith.addi %add3A_607, %all_reduce_population_count3A_615 : vector<16xi32>
        %add3A_617 = arith.constant 64 : i32
        %add3A_618 = arith.addi %mul3A_581, %add3A_617 : i32
        %get3A_619 = arith.constant 3 : i32
        %get3A_620 = arith.index_cast %get3A_619 : i32 to index
        %get3A_621 = arith.index_cast %add3A_618 : i32 to index
        %get3A_622 = tpu.vector_load %arg5[%get3A_620, %get3A_621] {strides = array<i32>} : memref<8x4096xi32, #tpu.memory_space<vmem>>, vector<16xi32>,
        %ge3A_623 = arith.cmpi uge, %get3A_622, %broadcast_in_dim3A_563 : vector<16xi32>
        %all_reduce_population_count3A_624 = tpu.all_reduce %ge3A_623 {dim = 0 : i64, kind = #tpu.reduction_kind<sum>} : vector<16xi1> -> vector<16xi32>
        %add3A_625 = arith.addi %add3A_616, %all_reduce_population_count3A_624 : vector<16xi32>
        %add3A_626 = arith.constant 80 : i32
        %add3A_627 = arith.addi %mul3A_581, %add3A_626 : i32
        %get3A_628 = arith.constant 3 : i32
        %get3A_629 = arith.index_cast %get3A_628 : i32 to index
        %get3A_630 = arith.index_cast %add3A_627 : i32 to index
        %get3A_631 = tpu.vector_load %arg5[%get3A_629, %get3A_630] {strides = array<i32>} : memref<8x4096xi32, #tpu.memory_space<vmem>>, vector<16xi32>,
        %ge3A_632 = arith.cmpi uge, %get3A_631, %broadcast_in_dim3A_563 : vector<16xi32>
        %all_reduce_population_count3A_633 = tpu.all_reduce %ge3A_632 {dim = 0 : i64, kind = #tpu.reduction_kind<sum>} : vector<16xi1> -> vector<16xi32>
        %add3A_634 = arith.addi %add3A_625, %all_reduce_population_count3A_633 : vector<16xi32>
        %add3A_635 = arith.constant 96 : i32
        %add3A_636 = arith.addi %mul3A_581, %add3A_635 : i32
        %get3A_637 = arith.constant 3 : i32
        %get3A_638 = arith.index_cast %get3A_637 : i32 to index
        %get3A_639 = arith.index_cast %add3A_636 : i32 to index
        %get3A_640 = tpu.vector_load %arg5[%get3A_638, %get3A_639] {strides = array<i32>} : memref<8x4096xi32, #tpu.memory_space<vmem>>, vector<16xi32>,
        %ge3A_641 = arith.cmpi uge, %get3A_640, %broadcast_in_dim3A_563 : vector<16xi32>
        %all_reduce_population_count3A_642 = tpu.all_reduce %ge3A_641 {dim = 0 : i64, kind = #tpu.reduction_kind<sum>} : vector<16xi1> -> vector<16xi32>
        %add3A_643 = arith.addi %add3A_634, %all_reduce_population_count3A_642 : vector<16xi32>
        %add3A_644 = arith.constant 112 : i32
        %add3A_645 = arith.addi %mul3A_581, %add3A_644 : i32
        %get3A_646 = arith.constant 3 : i32
        %get3A_647 = arith.index_cast %get3A_646 : i32 to index
        %get3A_648 = arith.index_cast %add3A_645 : i32 to index
        %get3A_649 = tpu.vector_load %arg5[%get3A_647, %get3A_648] {strides = array<i32>} : memref<8x4096xi32, #tpu.memory_space<vmem>>, vector<16xi32>,
        %ge3A_650 = arith.cmpi uge, %get3A_649, %broadcast_in_dim3A_563 : vector<16xi32>
        %all_reduce_population_count3A_651 = tpu.all_reduce %ge3A_650 {dim = 0 : i64, kind = #tpu.reduction_kind<sum>} : vector<16xi1> -> vector<16xi32>
        %add3A_652 = arith.addi %add3A_643, %all_reduce_population_count3A_651 : vector<16xi32>
        scf.yield %add3A_652 : vector<16xi32>
      }
      %scan3A_571 = arith.constant 32 : i32
      %slice3A_572 = vector.extract_strided_slice %scan3A_570 {offsets = [0], sizes = [1], strides = [1]} : vector<16xi32> to vector<1xi32>
      %squeeze3A_573 = vector.extract %slice3A_572[0] : i32 from vector<1xi32>
      %ge3A = arith.cmpi sge, %squeeze3A_573, %squeeze3A_343 : i32
      %select_n3A_574 = arith.select %ge3A, %add3A_562, %scan3A_557 : i32
      %sub3A_575 = arith.constant 1 : i32
      %sub3A_576 = arith.subi %add3A_562, %sub3A_575 : i32
      %select_n3A_577 = arith.select %ge3A, %scan3A_558, %sub3A_576 : i32
      scf.yield %select_n3A_574, %select_n3A_577 : i32, i32
    }
    %scan3A_351 = arith.constant 32 : i32
    %iota3A_352 = tpu.iota {dimensions = array<i32: 0>} : vector<16xi32>
    %eq3A_353 = arith.constant 3 : i32
    %eq3A_354 = vector.broadcast %eq3A_353 : i32 to vector<16xi32>
    %eq3A_355 = arith.cmpi eq, %iota3A_352, %eq3A_354 : vector<16xi32>
    %broadcast_in_dim3A_356 = vector.broadcast %scan3A_350#0 : i32 to vector<16xi32>
    %select_n3A_357 = arith.select %eq3A_355, %broadcast_in_dim3A_356, %select_n3A_341 : vector<16xi1>, vector<16xi32>
    %slice3A_358 = vector.extract_strided_slice %get3A_281 {offsets = [4], sizes = [1], strides = [1]} : vector<16xi32> to vector<1xi32>
    %squeeze3A_359 = vector.extract %slice3A_358[0] : i32 from vector<1xi32>
    %scan3A_360 = arith.constant 0 : i32
    %scan3A_361 = arith.constant -8388608 : i32
    %scan3A_362 = arith.constant 0 : i32
    %scan3A_363 = arith.constant 32 : i32
    %scan3A_364 = arith.addi %scan3A_362, %scan3A_363 : i32
    %scan3A_365 = arith.constant 1 : i32
    %scan3A_366:2 = scf.for %scan3A_556 = %scan3A_362 to %scan3A_364 step %scan3A_365 iter_args(%scan3A_557 = %scan3A_360, %scan3A_558 = %scan3A_361) -> (i32, i32)  : i32 {
      %sub3A = arith.subi %scan3A_558, %scan3A_557 : i32
      %add3A_559 = arith.constant 1 : i32
      %add3A_560 = arith.addi %sub3A, %add3A_559 : i32
      %shift_right_logical3A = arith.constant 1 : i32
      %shift_right_logical3A_561 = arith.shrui %add3A_560, %shift_right_logical3A : i32
      %add3A_562 = arith.addi %scan3A_557, %shift_right_logical3A_561 : i32
      %broadcast_in_dim3A_563 = vector.broadcast %add3A_562 : i32 to vector<16xi32>
      %broadcast_in_dim3A_564 = arith.constant 0 : i32
      %broadcast_in_dim3A_565 = vector.broadcast %broadcast_in_dim3A_564 : i32 to vector<16xi32>
      %scan3A_566 = arith.constant 0 : i32
      %scan3A_567 = arith.constant 32 : i32
      %scan3A_568 = arith.addi %scan3A_566, %scan3A_567 : i32
      %scan3A_569 = arith.constant 1 : i32
      %scan3A_570 = scf.for %scan3A_578 = %scan3A_566 to %scan3A_568 step %scan3A_569 iter_args(%scan3A_579 = %broadcast_in_dim3A_565) -> (vector<16xi32>)  : i32 {
        %mul3A_580 = arith.constant 128 : i32
        %mul3A_581 = arith.muli %scan3A_578, %mul3A_580 : i32
        %add3A_582 = arith.constant 0 : i32
        %add3A_583 = arith.addi %mul3A_581, %add3A_582 : i32
        %get3A_584 = arith.constant 4 : i32
        %get3A_585 = arith.index_cast %get3A_584 : i32 to index
        %get3A_586 = arith.index_cast %add3A_583 : i32 to index
        %get3A_587 = tpu.vector_load %arg5[%get3A_585, %get3A_586] {strides = array<i32>} : memref<8x4096xi32, #tpu.memory_space<vmem>>, vector<16xi32>,
        %ge3A_588 = arith.cmpi uge, %get3A_587, %broadcast_in_dim3A_563 : vector<16xi32>
        %all_reduce_population_count3A = tpu.all_reduce %ge3A_588 {dim = 0 : i64, kind = #tpu.reduction_kind<sum>} : vector<16xi1> -> vector<16xi32>
        %add3A_589 = arith.addi %scan3A_579, %all_reduce_population_count3A : vector<16xi32>
        %add3A_590 = arith.constant 16 : i32
        %add3A_591 = arith.addi %mul3A_581, %add3A_590 : i32
        %get3A_592 = arith.constant 4 : i32
        %get3A_593 = arith.index_cast %get3A_592 : i32 to index
        %get3A_594 = arith.index_cast %add3A_591 : i32 to index
        %get3A_595 = tpu.vector_load %arg5[%get3A_593, %get3A_594] {strides = array<i32>} : memref<8x4096xi32, #tpu.memory_space<vmem>>, vector<16xi32>,
        %ge3A_596 = arith.cmpi uge, %get3A_595, %broadcast_in_dim3A_563 : vector<16xi32>
        %all_reduce_population_count3A_597 = tpu.all_reduce %ge3A_596 {dim = 0 : i64, kind = #tpu.reduction_kind<sum>} : vector<16xi1> -> vector<16xi32>
        %add3A_598 = arith.addi %add3A_589, %all_reduce_population_count3A_597 : vector<16xi32>
        %add3A_599 = arith.constant 32 : i32
        %add3A_600 = arith.addi %mul3A_581, %add3A_599 : i32
        %get3A_601 = arith.constant 4 : i32
        %get3A_602 = arith.index_cast %get3A_601 : i32 to index
        %get3A_603 = arith.index_cast %add3A_600 : i32 to index
        %get3A_604 = tpu.vector_load %arg5[%get3A_602, %get3A_603] {strides = array<i32>} : memref<8x4096xi32, #tpu.memory_space<vmem>>, vector<16xi32>,
        %ge3A_605 = arith.cmpi uge, %get3A_604, %broadcast_in_dim3A_563 : vector<16xi32>
        %all_reduce_population_count3A_606 = tpu.all_reduce %ge3A_605 {dim = 0 : i64, kind = #tpu.reduction_kind<sum>} : vector<16xi1> -> vector<16xi32>
        %add3A_607 = arith.addi %add3A_598, %all_reduce_population_count3A_606 : vector<16xi32>
        %add3A_608 = arith.constant 48 : i32
        %add3A_609 = arith.addi %mul3A_581, %add3A_608 : i32
        %get3A_610 = arith.constant 4 : i32
        %get3A_611 = arith.index_cast %get3A_610 : i32 to index
        %get3A_612 = arith.index_cast %add3A_609 : i32 to index
        %get3A_613 = tpu.vector_load %arg5[%get3A_611, %get3A_612] {strides = array<i32>} : memref<8x4096xi32, #tpu.memory_space<vmem>>, vector<16xi32>,
        %ge3A_614 = arith.cmpi uge, %get3A_613, %broadcast_in_dim3A_563 : vector<16xi32>
        %all_reduce_population_count3A_615 = tpu.all_reduce %ge3A_614 {dim = 0 : i64, kind = #tpu.reduction_kind<sum>} : vector<16xi1> -> vector<16xi32>
        %add3A_616 = arith.addi %add3A_607, %all_reduce_population_count3A_615 : vector<16xi32>
        %add3A_617 = arith.constant 64 : i32
        %add3A_618 = arith.addi %mul3A_581, %add3A_617 : i32
        %get3A_619 = arith.constant 4 : i32
        %get3A_620 = arith.index_cast %get3A_619 : i32 to index
        %get3A_621 = arith.index_cast %add3A_618 : i32 to index
        %get3A_622 = tpu.vector_load %arg5[%get3A_620, %get3A_621] {strides = array<i32>} : memref<8x4096xi32, #tpu.memory_space<vmem>>, vector<16xi32>,
        %ge3A_623 = arith.cmpi uge, %get3A_622, %broadcast_in_dim3A_563 : vector<16xi32>
        %all_reduce_population_count3A_624 = tpu.all_reduce %ge3A_623 {dim = 0 : i64, kind = #tpu.reduction_kind<sum>} : vector<16xi1> -> vector<16xi32>
        %add3A_625 = arith.addi %add3A_616, %all_reduce_population_count3A_624 : vector<16xi32>
        %add3A_626 = arith.constant 80 : i32
        %add3A_627 = arith.addi %mul3A_581, %add3A_626 : i32
        %get3A_628 = arith.constant 4 : i32
        %get3A_629 = arith.index_cast %get3A_628 : i32 to index
        %get3A_630 = arith.index_cast %add3A_627 : i32 to index
        %get3A_631 = tpu.vector_load %arg5[%get3A_629, %get3A_630] {strides = array<i32>} : memref<8x4096xi32, #tpu.memory_space<vmem>>, vector<16xi32>,
        %ge3A_632 = arith.cmpi uge, %get3A_631, %broadcast_in_dim3A_563 : vector<16xi32>
        %all_reduce_population_count3A_633 = tpu.all_reduce %ge3A_632 {dim = 0 : i64, kind = #tpu.reduction_kind<sum>} : vector<16xi1> -> vector<16xi32>
        %add3A_634 = arith.addi %add3A_625, %all_reduce_population_count3A_633 : vector<16xi32>
        %add3A_635 = arith.constant 96 : i32
        %add3A_636 = arith.addi %mul3A_581, %add3A_635 : i32
        %get3A_637 = arith.constant 4 : i32
        %get3A_638 = arith.index_cast %get3A_637 : i32 to index
        %get3A_639 = arith.index_cast %add3A_636 : i32 to index
        %get3A_640 = tpu.vector_load %arg5[%get3A_638, %get3A_639] {strides = array<i32>} : memref<8x4096xi32, #tpu.memory_space<vmem>>, vector<16xi32>,
        %ge3A_641 = arith.cmpi uge, %get3A_640, %broadcast_in_dim3A_563 : vector<16xi32>
        %all_reduce_population_count3A_642 = tpu.all_reduce %ge3A_641 {dim = 0 : i64, kind = #tpu.reduction_kind<sum>} : vector<16xi1> -> vector<16xi32>
        %add3A_643 = arith.addi %add3A_634, %all_reduce_population_count3A_642 : vector<16xi32>
        %add3A_644 = arith.constant 112 : i32
        %add3A_645 = arith.addi %mul3A_581, %add3A_644 : i32
        %get3A_646 = arith.constant 4 : i32
        %get3A_647 = arith.index_cast %get3A_646 : i32 to index
        %get3A_648 = arith.index_cast %add3A_645 : i32 to index
        %get3A_649 = tpu.vector_load %arg5[%get3A_647, %get3A_648] {strides = array<i32>} : memref<8x4096xi32, #tpu.memory_space<vmem>>, vector<16xi32>,
        %ge3A_650 = arith.cmpi uge, %get3A_649, %broadcast_in_dim3A_563 : vector<16xi32>
        %all_reduce_population_count3A_651 = tpu.all_reduce %ge3A_650 {dim = 0 : i64, kind = #tpu.reduction_kind<sum>} : vector<16xi1> -> vector<16xi32>
        %add3A_652 = arith.addi %add3A_643, %all_reduce_population_count3A_651 : vector<16xi32>
        scf.yield %add3A_652 : vector<16xi32>
      }
      %scan3A_571 = arith.constant 32 : i32
      %slice3A_572 = vector.extract_strided_slice %scan3A_570 {offsets = [0], sizes = [1], strides = [1]} : vector<16xi32> to vector<1xi32>
      %squeeze3A_573 = vector.extract %slice3A_572[0] : i32 from vector<1xi32>
      %ge3A = arith.cmpi sge, %squeeze3A_573, %squeeze3A_359 : i32
      %select_n3A_574 = arith.select %ge3A, %add3A_562, %scan3A_557 : i32
      %sub3A_575 = arith.constant 1 : i32
      %sub3A_576 = arith.subi %add3A_562, %sub3A_575 : i32
      %select_n3A_577 = arith.select %ge3A, %scan3A_558, %sub3A_576 : i32
      scf.yield %select_n3A_574, %select_n3A_577 : i32, i32
    }
    %scan3A_367 = arith.constant 32 : i32
    %iota3A_368 = tpu.iota {dimensions = array<i32: 0>} : vector<16xi32>
    %eq3A_369 = arith.constant 4 : i32
    %eq3A_370 = vector.broadcast %eq3A_369 : i32 to vector<16xi32>
    %eq3A_371 = arith.cmpi eq, %iota3A_368, %eq3A_370 : vector<16xi32>
    %broadcast_in_dim3A_372 = vector.broadcast %scan3A_366#0 : i32 to vector<16xi32>
    %select_n3A_373 = arith.select %eq3A_371, %broadcast_in_dim3A_372, %select_n3A_357 : vector<16xi1>, vector<16xi32>
    %slice3A_374 = vector.extract_strided_slice %get3A_281 {offsets = [5], sizes = [1], strides = [1]} : vector<16xi32> to vector<1xi32>
    %squeeze3A_375 = vector.extract %slice3A_374[0] : i32 from vector<1xi32>
    %scan3A_376 = arith.constant 0 : i32
    %scan3A_377 = arith.constant -8388608 : i32
    %scan3A_378 = arith.constant 0 : i32
    %scan3A_379 = arith.constant 32 : i32
    %scan3A_380 = arith.addi %scan3A_378, %scan3A_379 : i32
    %scan3A_381 = arith.constant 1 : i32
    %scan3A_382:2 = scf.for %scan3A_556 = %scan3A_378 to %scan3A_380 step %scan3A_381 iter_args(%scan3A_557 = %scan3A_376, %scan3A_558 = %scan3A_377) -> (i32, i32)  : i32 {
      %sub3A = arith.subi %scan3A_558, %scan3A_557 : i32
      %add3A_559 = arith.constant 1 : i32
      %add3A_560 = arith.addi %sub3A, %add3A_559 : i32
      %shift_right_logical3A = arith.constant 1 : i32
      %shift_right_logical3A_561 = arith.shrui %add3A_560, %shift_right_logical3A : i32
      %add3A_562 = arith.addi %scan3A_557, %shift_right_logical3A_561 : i32
      %broadcast_in_dim3A_563 = vector.broadcast %add3A_562 : i32 to vector<16xi32>
      %broadcast_in_dim3A_564 = arith.constant 0 : i32
      %broadcast_in_dim3A_565 = vector.broadcast %broadcast_in_dim3A_564 : i32 to vector<16xi32>
      %scan3A_566 = arith.constant 0 : i32
      %scan3A_567 = arith.constant 32 : i32
      %scan3A_568 = arith.addi %scan3A_566, %scan3A_567 : i32
      %scan3A_569 = arith.constant 1 : i32
      %scan3A_570 = scf.for %scan3A_578 = %scan3A_566 to %scan3A_568 step %scan3A_569 iter_args(%scan3A_579 = %broadcast_in_dim3A_565) -> (vector<16xi32>)  : i32 {
        %mul3A_580 = arith.constant 128 : i32
        %mul3A_581 = arith.muli %scan3A_578, %mul3A_580 : i32
        %add3A_582 = arith.constant 0 : i32
        %add3A_583 = arith.addi %mul3A_581, %add3A_582 : i32
        %get3A_584 = arith.constant 5 : i32
        %get3A_585 = arith.index_cast %get3A_584 : i32 to index
        %get3A_586 = arith.index_cast %add3A_583 : i32 to index
        %get3A_587 = tpu.vector_load %arg5[%get3A_585, %get3A_586] {strides = array<i32>} : memref<8x4096xi32, #tpu.memory_space<vmem>>, vector<16xi32>,
        %ge3A_588 = arith.cmpi uge, %get3A_587, %broadcast_in_dim3A_563 : vector<16xi32>
        %all_reduce_population_count3A = tpu.all_reduce %ge3A_588 {dim = 0 : i64, kind = #tpu.reduction_kind<sum>} : vector<16xi1> -> vector<16xi32>
        %add3A_589 = arith.addi %scan3A_579, %all_reduce_population_count3A : vector<16xi32>
        %add3A_590 = arith.constant 16 : i32
        %add3A_591 = arith.addi %mul3A_581, %add3A_590 : i32
        %get3A_592 = arith.constant 5 : i32
        %get3A_593 = arith.index_cast %get3A_592 : i32 to index
        %get3A_594 = arith.index_cast %add3A_591 : i32 to index
        %get3A_595 = tpu.vector_load %arg5[%get3A_593, %get3A_594] {strides = array<i32>} : memref<8x4096xi32, #tpu.memory_space<vmem>>, vector<16xi32>,
        %ge3A_596 = arith.cmpi uge, %get3A_595, %broadcast_in_dim3A_563 : vector<16xi32>
        %all_reduce_population_count3A_597 = tpu.all_reduce %ge3A_596 {dim = 0 : i64, kind = #tpu.reduction_kind<sum>} : vector<16xi1> -> vector<16xi32>
        %add3A_598 = arith.addi %add3A_589, %all_reduce_population_count3A_597 : vector<16xi32>
        %add3A_599 = arith.constant 32 : i32
        %add3A_600 = arith.addi %mul3A_581, %add3A_599 : i32
        %get3A_601 = arith.constant 5 : i32
        %get3A_602 = arith.index_cast %get3A_601 : i32 to index
        %get3A_603 = arith.index_cast %add3A_600 : i32 to index
        %get3A_604 = tpu.vector_load %arg5[%get3A_602, %get3A_603] {strides = array<i32>} : memref<8x4096xi32, #tpu.memory_space<vmem>>, vector<16xi32>,
        %ge3A_605 = arith.cmpi uge, %get3A_604, %broadcast_in_dim3A_563 : vector<16xi32>
        %all_reduce_population_count3A_606 = tpu.all_reduce %ge3A_605 {dim = 0 : i64, kind = #tpu.reduction_kind<sum>} : vector<16xi1> -> vector<16xi32>
        %add3A_607 = arith.addi %add3A_598, %all_reduce_population_count3A_606 : vector<16xi32>
        %add3A_608 = arith.constant 48 : i32
        %add3A_609 = arith.addi %mul3A_581, %add3A_608 : i32
        %get3A_610 = arith.constant 5 : i32
        %get3A_611 = arith.index_cast %get3A_610 : i32 to index
        %get3A_612 = arith.index_cast %add3A_609 : i32 to index
        %get3A_613 = tpu.vector_load %arg5[%get3A_611, %get3A_612] {strides = array<i32>} : memref<8x4096xi32, #tpu.memory_space<vmem>>, vector<16xi32>,
        %ge3A_614 = arith.cmpi uge, %get3A_613, %broadcast_in_dim3A_563 : vector<16xi32>
        %all_reduce_population_count3A_615 = tpu.all_reduce %ge3A_614 {dim = 0 : i64, kind = #tpu.reduction_kind<sum>} : vector<16xi1> -> vector<16xi32>
        %add3A_616 = arith.addi %add3A_607, %all_reduce_population_count3A_615 : vector<16xi32>
        %add3A_617 = arith.constant 64 : i32
        %add3A_618 = arith.addi %mul3A_581, %add3A_617 : i32
        %get3A_619 = arith.constant 5 : i32
        %get3A_620 = arith.index_cast %get3A_619 : i32 to index
        %get3A_621 = arith.index_cast %add3A_618 : i32 to index
        %get3A_622 = tpu.vector_load %arg5[%get3A_620, %get3A_621] {strides = array<i32>} : memref<8x4096xi32, #tpu.memory_space<vmem>>, vector<16xi32>,
        %ge3A_623 = arith.cmpi uge, %get3A_622, %broadcast_in_dim3A_563 : vector<16xi32>
        %all_reduce_population_count3A_624 = tpu.all_reduce %ge3A_623 {dim = 0 : i64, kind = #tpu.reduction_kind<sum>} : vector<16xi1> -> vector<16xi32>
        %add3A_625 = arith.addi %add3A_616, %all_reduce_population_count3A_624 : vector<16xi32>
        %add3A_626 = arith.constant 80 : i32
        %add3A_627 = arith.addi %mul3A_581, %add3A_626 : i32
        %get3A_628 = arith.constant 5 : i32
        %get3A_629 = arith.index_cast %get3A_628 : i32 to index
        %get3A_630 = arith.index_cast %add3A_627 : i32 to index
        %get3A_631 = tpu.vector_load %arg5[%get3A_629, %get3A_630] {strides = array<i32>} : memref<8x4096xi32, #tpu.memory_space<vmem>>, vector<16xi32>,
        %ge3A_632 = arith.cmpi uge, %get3A_631, %broadcast_in_dim3A_563 : vector<16xi32>
        %all_reduce_population_count3A_633 = tpu.all_reduce %ge3A_632 {dim = 0 : i64, kind = #tpu.reduction_kind<sum>} : vector<16xi1> -> vector<16xi32>
        %add3A_634 = arith.addi %add3A_625, %all_reduce_population_count3A_633 : vector<16xi32>
        %add3A_635 = arith.constant 96 : i32
        %add3A_636 = arith.addi %mul3A_581, %add3A_635 : i32
        %get3A_637 = arith.constant 5 : i32
        %get3A_638 = arith.index_cast %get3A_637 : i32 to index
        %get3A_639 = arith.index_cast %add3A_636 : i32 to index
        %get3A_640 = tpu.vector_load %arg5[%get3A_638, %get3A_639] {strides = array<i32>} : memref<8x4096xi32, #tpu.memory_space<vmem>>, vector<16xi32>,
        %ge3A_641 = arith.cmpi uge, %get3A_640, %broadcast_in_dim3A_563 : vector<16xi32>
        %all_reduce_population_count3A_642 = tpu.all_reduce %ge3A_641 {dim = 0 : i64, kind = #tpu.reduction_kind<sum>} : vector<16xi1> -> vector<16xi32>
        %add3A_643 = arith.addi %add3A_634, %all_reduce_population_count3A_642 : vector<16xi32>
        %add3A_644 = arith.constant 112 : i32
        %add3A_645 = arith.addi %mul3A_581, %add3A_644 : i32
        %get3A_646 = arith.constant 5 : i32
        %get3A_647 = arith.index_cast %get3A_646 : i32 to index
        %get3A_648 = arith.index_cast %add3A_645 : i32 to index
        %get3A_649 = tpu.vector_load %arg5[%get3A_647, %get3A_648] {strides = array<i32>} : memref<8x4096xi32, #tpu.memory_space<vmem>>, vector<16xi32>,
        %ge3A_650 = arith.cmpi uge, %get3A_649, %broadcast_in_dim3A_563 : vector<16xi32>
        %all_reduce_population_count3A_651 = tpu.all_reduce %ge3A_650 {dim = 0 : i64, kind = #tpu.reduction_kind<sum>} : vector<16xi1> -> vector<16xi32>
        %add3A_652 = arith.addi %add3A_643, %all_reduce_population_count3A_651 : vector<16xi32>
        scf.yield %add3A_652 : vector<16xi32>
      }
      %scan3A_571 = arith.constant 32 : i32
      %slice3A_572 = vector.extract_strided_slice %scan3A_570 {offsets = [0], sizes = [1], strides = [1]} : vector<16xi32> to vector<1xi32>
      %squeeze3A_573 = vector.extract %slice3A_572[0] : i32 from vector<1xi32>
      %ge3A = arith.cmpi sge, %squeeze3A_573, %squeeze3A_375 : i32
      %select_n3A_574 = arith.select %ge3A, %add3A_562, %scan3A_557 : i32
      %sub3A_575 = arith.constant 1 : i32
      %sub3A_576 = arith.subi %add3A_562, %sub3A_575 : i32
      %select_n3A_577 = arith.select %ge3A, %scan3A_558, %sub3A_576 : i32
      scf.yield %select_n3A_574, %select_n3A_577 : i32, i32
    }
    %scan3A_383 = arith.constant 32 : i32
    %iota3A_384 = tpu.iota {dimensions = array<i32: 0>} : vector<16xi32>
    %eq3A_385 = arith.constant 5 : i32
    %eq3A_386 = vector.broadcast %eq3A_385 : i32 to vector<16xi32>
    %eq3A_387 = arith.cmpi eq, %iota3A_384, %eq3A_386 : vector<16xi32>
    %broadcast_in_dim3A_388 = vector.broadcast %scan3A_382#0 : i32 to vector<16xi32>
    %select_n3A_389 = arith.select %eq3A_387, %broadcast_in_dim3A_388, %select_n3A_373 : vector<16xi1>, vector<16xi32>
    %slice3A_390 = vector.extract_strided_slice %get3A_281 {offsets = [6], sizes = [1], strides = [1]} : vector<16xi32> to vector<1xi32>
    %squeeze3A_391 = vector.extract %slice3A_390[0] : i32 from vector<1xi32>
    %scan3A_392 = arith.constant 0 : i32
    %scan3A_393 = arith.constant -8388608 : i32
    %scan3A_394 = arith.constant 0 : i32
    %scan3A_395 = arith.constant 32 : i32
    %scan3A_396 = arith.addi %scan3A_394, %scan3A_395 : i32
    %scan3A_397 = arith.constant 1 : i32
    %scan3A_398:2 = scf.for %scan3A_556 = %scan3A_394 to %scan3A_396 step %scan3A_397 iter_args(%scan3A_557 = %scan3A_392, %scan3A_558 = %scan3A_393) -> (i32, i32)  : i32 {
      %sub3A = arith.subi %scan3A_558, %scan3A_557 : i32
      %add3A_559 = arith.constant 1 : i32
      %add3A_560 = arith.addi %sub3A, %add3A_559 : i32
      %shift_right_logical3A = arith.constant 1 : i32
      %shift_right_logical3A_561 = arith.shrui %add3A_560, %shift_right_logical3A : i32
      %add3A_562 = arith.addi %scan3A_557, %shift_right_logical3A_561 : i32
      %broadcast_in_dim3A_563 = vector.broadcast %add3A_562 : i32 to vector<16xi32>
      %broadcast_in_dim3A_564 = arith.constant 0 : i32
      %broadcast_in_dim3A_565 = vector.broadcast %broadcast_in_dim3A_564 : i32 to vector<16xi32>
      %scan3A_566 = arith.constant 0 : i32
      %scan3A_567 = arith.constant 32 : i32
      %scan3A_568 = arith.addi %scan3A_566, %scan3A_567 : i32
      %scan3A_569 = arith.constant 1 : i32
      %scan3A_570 = scf.for %scan3A_578 = %scan3A_566 to %scan3A_568 step %scan3A_569 iter_args(%scan3A_579 = %broadcast_in_dim3A_565) -> (vector<16xi32>)  : i32 {
        %mul3A_580 = arith.constant 128 : i32
        %mul3A_581 = arith.muli %scan3A_578, %mul3A_580 : i32
        %add3A_582 = arith.constant 0 : i32
        %add3A_583 = arith.addi %mul3A_581, %add3A_582 : i32
        %get3A_584 = arith.constant 6 : i32
        %get3A_585 = arith.index_cast %get3A_584 : i32 to index
        %get3A_586 = arith.index_cast %add3A_583 : i32 to index
        %get3A_587 = tpu.vector_load %arg5[%get3A_585, %get3A_586] {strides = array<i32>} : memref<8x4096xi32, #tpu.memory_space<vmem>>, vector<16xi32>,
        %ge3A_588 = arith.cmpi uge, %get3A_587, %broadcast_in_dim3A_563 : vector<16xi32>
        %all_reduce_population_count3A = tpu.all_reduce %ge3A_588 {dim = 0 : i64, kind = #tpu.reduction_kind<sum>} : vector<16xi1> -> vector<16xi32>
        %add3A_589 = arith.addi %scan3A_579, %all_reduce_population_count3A : vector<16xi32>
        %add3A_590 = arith.constant 16 : i32
        %add3A_591 = arith.addi %mul3A_581, %add3A_590 : i32
        %get3A_592 = arith.constant 6 : i32
        %get3A_593 = arith.index_cast %get3A_592 : i32 to index
        %get3A_594 = arith.index_cast %add3A_591 : i32 to index
        %get3A_595 = tpu.vector_load %arg5[%get3A_593, %get3A_594] {strides = array<i32>} : memref<8x4096xi32, #tpu.memory_space<vmem>>, vector<16xi32>,
        %ge3A_596 = arith.cmpi uge, %get3A_595, %broadcast_in_dim3A_563 : vector<16xi32>
        %all_reduce_population_count3A_597 = tpu.all_reduce %ge3A_596 {dim = 0 : i64, kind = #tpu.reduction_kind<sum>} : vector<16xi1> -> vector<16xi32>
        %add3A_598 = arith.addi %add3A_589, %all_reduce_population_count3A_597 : vector<16xi32>
        %add3A_599 = arith.constant 32 : i32
        %add3A_600 = arith.addi %mul3A_581, %add3A_599 : i32
        %get3A_601 = arith.constant 6 : i32
        %get3A_602 = arith.index_cast %get3A_601 : i32 to index
        %get3A_603 = arith.index_cast %add3A_600 : i32 to index
        %get3A_604 = tpu.vector_load %arg5[%get3A_602, %get3A_603] {strides = array<i32>} : memref<8x4096xi32, #tpu.memory_space<vmem>>, vector<16xi32>,
        %ge3A_605 = arith.cmpi uge, %get3A_604, %broadcast_in_dim3A_563 : vector<16xi32>
        %all_reduce_population_count3A_606 = tpu.all_reduce %ge3A_605 {dim = 0 : i64, kind = #tpu.reduction_kind<sum>} : vector<16xi1> -> vector<16xi32>
        %add3A_607 = arith.addi %add3A_598, %all_reduce_population_count3A_606 : vector<16xi32>
        %add3A_608 = arith.constant 48 : i32
        %add3A_609 = arith.addi %mul3A_581, %add3A_608 : i32
        %get3A_610 = arith.constant 6 : i32
        %get3A_611 = arith.index_cast %get3A_610 : i32 to index
        %get3A_612 = arith.index_cast %add3A_609 : i32 to index
        %get3A_613 = tpu.vector_load %arg5[%get3A_611, %get3A_612] {strides = array<i32>} : memref<8x4096xi32, #tpu.memory_space<vmem>>, vector<16xi32>,
        %ge3A_614 = arith.cmpi uge, %get3A_613, %broadcast_in_dim3A_563 : vector<16xi32>
        %all_reduce_population_count3A_615 = tpu.all_reduce %ge3A_614 {dim = 0 : i64, kind = #tpu.reduction_kind<sum>} : vector<16xi1> -> vector<16xi32>
        %add3A_616 = arith.addi %add3A_607, %all_reduce_population_count3A_615 : vector<16xi32>
        %add3A_617 = arith.constant 64 : i32
        %add3A_618 = arith.addi %mul3A_581, %add3A_617 : i32
        %get3A_619 = arith.constant 6 : i32
        %get3A_620 = arith.index_cast %get3A_619 : i32 to index
        %get3A_621 = arith.index_cast %add3A_618 : i32 to index
        %get3A_622 = tpu.vector_load %arg5[%get3A_620, %get3A_621] {strides = array<i32>} : memref<8x4096xi32, #tpu.memory_space<vmem>>, vector<16xi32>,
        %ge3A_623 = arith.cmpi uge, %get3A_622, %broadcast_in_dim3A_563 : vector<16xi32>
        %all_reduce_population_count3A_624 = tpu.all_reduce %ge3A_623 {dim = 0 : i64, kind = #tpu.reduction_kind<sum>} : vector<16xi1> -> vector<16xi32>
        %add3A_625 = arith.addi %add3A_616, %all_reduce_population_count3A_624 : vector<16xi32>
        %add3A_626 = arith.constant 80 : i32
        %add3A_627 = arith.addi %mul3A_581, %add3A_626 : i32
        %get3A_628 = arith.constant 6 : i32
        %get3A_629 = arith.index_cast %get3A_628 : i32 to index
        %get3A_630 = arith.index_cast %add3A_627 : i32 to index
        %get3A_631 = tpu.vector_load %arg5[%get3A_629, %get3A_630] {strides = array<i32>} : memref<8x4096xi32, #tpu.memory_space<vmem>>, vector<16xi32>,
        %ge3A_632 = arith.cmpi uge, %get3A_631, %broadcast_in_dim3A_563 : vector<16xi32>
        %all_reduce_population_count3A_633 = tpu.all_reduce %ge3A_632 {dim = 0 : i64, kind = #tpu.reduction_kind<sum>} : vector<16xi1> -> vector<16xi32>
        %add3A_634 = arith.addi %add3A_625, %all_reduce_population_count3A_633 : vector<16xi32>
        %add3A_635 = arith.constant 96 : i32
        %add3A_636 = arith.addi %mul3A_581, %add3A_635 : i32
        %get3A_637 = arith.constant 6 : i32
        %get3A_638 = arith.index_cast %get3A_637 : i32 to index
        %get3A_639 = arith.index_cast %add3A_636 : i32 to index
        %get3A_640 = tpu.vector_load %arg5[%get3A_638, %get3A_639] {strides = array<i32>} : memref<8x4096xi32, #tpu.memory_space<vmem>>, vector<16xi32>,
        %ge3A_641 = arith.cmpi uge, %get3A_640, %broadcast_in_dim3A_563 : vector<16xi32>
        %all_reduce_population_count3A_642 = tpu.all_reduce %ge3A_641 {dim = 0 : i64, kind = #tpu.reduction_kind<sum>} : vector<16xi1> -> vector<16xi32>
        %add3A_643 = arith.addi %add3A_634, %all_reduce_population_count3A_642 : vector<16xi32>
        %add3A_644 = arith.constant 112 : i32
        %add3A_645 = arith.addi %mul3A_581, %add3A_644 : i32
        %get3A_646 = arith.constant 6 : i32
        %get3A_647 = arith.index_cast %get3A_646 : i32 to index
        %get3A_648 = arith.index_cast %add3A_645 : i32 to index
        %get3A_649 = tpu.vector_load %arg5[%get3A_647, %get3A_648] {strides = array<i32>} : memref<8x4096xi32, #tpu.memory_space<vmem>>, vector<16xi32>,
        %ge3A_650 = arith.cmpi uge, %get3A_649, %broadcast_in_dim3A_563 : vector<16xi32>
        %all_reduce_population_count3A_651 = tpu.all_reduce %ge3A_650 {dim = 0 : i64, kind = #tpu.reduction_kind<sum>} : vector<16xi1> -> vector<16xi32>
        %add3A_652 = arith.addi %add3A_643, %all_reduce_population_count3A_651 : vector<16xi32>
        scf.yield %add3A_652 : vector<16xi32>
      }
      %scan3A_571 = arith.constant 32 : i32
      %slice3A_572 = vector.extract_strided_slice %scan3A_570 {offsets = [0], sizes = [1], strides = [1]} : vector<16xi32> to vector<1xi32>
      %squeeze3A_573 = vector.extract %slice3A_572[0] : i32 from vector<1xi32>
      %ge3A = arith.cmpi sge, %squeeze3A_573, %squeeze3A_391 : i32
      %select_n3A_574 = arith.select %ge3A, %add3A_562, %scan3A_557 : i32
      %sub3A_575 = arith.constant 1 : i32
      %sub3A_576 = arith.subi %add3A_562, %sub3A_575 : i32
      %select_n3A_577 = arith.select %ge3A, %scan3A_558, %sub3A_576 : i32
      scf.yield %select_n3A_574, %select_n3A_577 : i32, i32
    }
    %scan3A_399 = arith.constant 32 : i32
    %iota3A_400 = tpu.iota {dimensions = array<i32: 0>} : vector<16xi32>
    %eq3A_401 = arith.constant 6 : i32
    %eq3A_402 = vector.broadcast %eq3A_401 : i32 to vector<16xi32>
    %eq3A_403 = arith.cmpi eq, %iota3A_400, %eq3A_402 : vector<16xi32>
    %broadcast_in_dim3A_404 = vector.broadcast %scan3A_398#0 : i32 to vector<16xi32>
    %select_n3A_405 = arith.select %eq3A_403, %broadcast_in_dim3A_404, %select_n3A_389 : vector<16xi1>, vector<16xi32>
    %slice3A_406 = vector.extract_strided_slice %get3A_281 {offsets = [7], sizes = [1], strides = [1]} : vector<16xi32> to vector<1xi32>
    %squeeze3A_407 = vector.extract %slice3A_406[0] : i32 from vector<1xi32>
    %scan3A_408 = arith.constant 0 : i32
    %scan3A_409 = arith.constant -8388608 : i32
    %scan3A_410 = arith.constant 0 : i32
    %scan3A_411 = arith.constant 32 : i32
    %scan3A_412 = arith.addi %scan3A_410, %scan3A_411 : i32
    %scan3A_413 = arith.constant 1 : i32
    %scan3A_414:2 = scf.for %scan3A_556 = %scan3A_410 to %scan3A_412 step %scan3A_413 iter_args(%scan3A_557 = %scan3A_408, %scan3A_558 = %scan3A_409) -> (i32, i32)  : i32 {
      %sub3A = arith.subi %scan3A_558, %scan3A_557 : i32
      %add3A_559 = arith.constant 1 : i32
      %add3A_560 = arith.addi %sub3A, %add3A_559 : i32
      %shift_right_logical3A = arith.constant 1 : i32
      %shift_right_logical3A_561 = arith.shrui %add3A_560, %shift_right_logical3A : i32
      %add3A_562 = arith.addi %scan3A_557, %shift_right_logical3A_561 : i32
      %broadcast_in_dim3A_563 = vector.broadcast %add3A_562 : i32 to vector<16xi32>
      %broadcast_in_dim3A_564 = arith.constant 0 : i32
      %broadcast_in_dim3A_565 = vector.broadcast %broadcast_in_dim3A_564 : i32 to vector<16xi32>
      %scan3A_566 = arith.constant 0 : i32
      %scan3A_567 = arith.constant 32 : i32
      %scan3A_568 = arith.addi %scan3A_566, %scan3A_567 : i32
      %scan3A_569 = arith.constant 1 : i32
      %scan3A_570 = scf.for %scan3A_578 = %scan3A_566 to %scan3A_568 step %scan3A_569 iter_args(%scan3A_579 = %broadcast_in_dim3A_565) -> (vector<16xi32>)  : i32 {
        %mul3A_580 = arith.constant 128 : i32
        %mul3A_581 = arith.muli %scan3A_578, %mul3A_580 : i32
        %add3A_582 = arith.constant 0 : i32
        %add3A_583 = arith.addi %mul3A_581, %add3A_582 : i32
        %get3A_584 = arith.constant 7 : i32
        %get3A_585 = arith.index_cast %get3A_584 : i32 to index
        %get3A_586 = arith.index_cast %add3A_583 : i32 to index
        %get3A_587 = tpu.vector_load %arg5[%get3A_585, %get3A_586] {strides = array<i32>} : memref<8x4096xi32, #tpu.memory_space<vmem>>, vector<16xi32>,
        %ge3A_588 = arith.cmpi uge, %get3A_587, %broadcast_in_dim3A_563 : vector<16xi32>
        %all_reduce_population_count3A = tpu.all_reduce %ge3A_588 {dim = 0 : i64, kind = #tpu.reduction_kind<sum>} : vector<16xi1> -> vector<16xi32>
        %add3A_589 = arith.addi %scan3A_579, %all_reduce_population_count3A : vector<16xi32>
        %add3A_590 = arith.constant 16 : i32
        %add3A_591 = arith.addi %mul3A_581, %add3A_590 : i32
        %get3A_592 = arith.constant 7 : i32
        %get3A_593 = arith.index_cast %get3A_592 : i32 to index
        %get3A_594 = arith.index_cast %add3A_591 : i32 to index
        %get3A_595 = tpu.vector_load %arg5[%get3A_593, %get3A_594] {strides = array<i32>} : memref<8x4096xi32, #tpu.memory_space<vmem>>, vector<16xi32>,
        %ge3A_596 = arith.cmpi uge, %get3A_595, %broadcast_in_dim3A_563 : vector<16xi32>
        %all_reduce_population_count3A_597 = tpu.all_reduce %ge3A_596 {dim = 0 : i64, kind = #tpu.reduction_kind<sum>} : vector<16xi1> -> vector<16xi32>
        %add3A_598 = arith.addi %add3A_589, %all_reduce_population_count3A_597 : vector<16xi32>
        %add3A_599 = arith.constant 32 : i32
        %add3A_600 = arith.addi %mul3A_581, %add3A_599 : i32
        %get3A_601 = arith.constant 7 : i32
        %get3A_602 = arith.index_cast %get3A_601 : i32 to index
        %get3A_603 = arith.index_cast %add3A_600 : i32 to index
        %get3A_604 = tpu.vector_load %arg5[%get3A_602, %get3A_603] {strides = array<i32>} : memref<8x4096xi32, #tpu.memory_space<vmem>>, vector<16xi32>,
        %ge3A_605 = arith.cmpi uge, %get3A_604, %broadcast_in_dim3A_563 : vector<16xi32>
        %all_reduce_population_count3A_606 = tpu.all_reduce %ge3A_605 {dim = 0 : i64, kind = #tpu.reduction_kind<sum>} : vector<16xi1> -> vector<16xi32>
        %add3A_607 = arith.addi %add3A_598, %all_reduce_population_count3A_606 : vector<16xi32>
        %add3A_608 = arith.constant 48 : i32
        %add3A_609 = arith.addi %mul3A_581, %add3A_608 : i32
        %get3A_610 = arith.constant 7 : i32
        %get3A_611 = arith.index_cast %get3A_610 : i32 to index
        %get3A_612 = arith.index_cast %add3A_609 : i32 to index
        %get3A_613 = tpu.vector_load %arg5[%get3A_611, %get3A_612] {strides = array<i32>} : memref<8x4096xi32, #tpu.memory_space<vmem>>, vector<16xi32>,
        %ge3A_614 = arith.cmpi uge, %get3A_613, %broadcast_in_dim3A_563 : vector<16xi32>
        %all_reduce_population_count3A_615 = tpu.all_reduce %ge3A_614 {dim = 0 : i64, kind = #tpu.reduction_kind<sum>} : vector<16xi1> -> vector<16xi32>
        %add3A_616 = arith.addi %add3A_607, %all_reduce_population_count3A_615 : vector<16xi32>
        %add3A_617 = arith.constant 64 : i32
        %add3A_618 = arith.addi %mul3A_581, %add3A_617 : i32
        %get3A_619 = arith.constant 7 : i32
        %get3A_620 = arith.index_cast %get3A_619 : i32 to index
        %get3A_621 = arith.index_cast %add3A_618 : i32 to index
        %get3A_622 = tpu.vector_load %arg5[%get3A_620, %get3A_621] {strides = array<i32>} : memref<8x4096xi32, #tpu.memory_space<vmem>>, vector<16xi32>,
        %ge3A_623 = arith.cmpi uge, %get3A_622, %broadcast_in_dim3A_563 : vector<16xi32>
        %all_reduce_population_count3A_624 = tpu.all_reduce %ge3A_623 {dim = 0 : i64, kind = #tpu.reduction_kind<sum>} : vector<16xi1> -> vector<16xi32>
        %add3A_625 = arith.addi %add3A_616, %all_reduce_population_count3A_624 : vector<16xi32>
        %add3A_626 = arith.constant 80 : i32
        %add3A_627 = arith.addi %mul3A_581, %add3A_626 : i32
        %get3A_628 = arith.constant 7 : i32
        %get3A_629 = arith.index_cast %get3A_628 : i32 to index
        %get3A_630 = arith.index_cast %add3A_627 : i32 to index
        %get3A_631 = tpu.vector_load %arg5[%get3A_629, %get3A_630] {strides = array<i32>} : memref<8x4096xi32, #tpu.memory_space<vmem>>, vector<16xi32>,
        %ge3A_632 = arith.cmpi uge, %get3A_631, %broadcast_in_dim3A_563 : vector<16xi32>
        %all_reduce_population_count3A_633 = tpu.all_reduce %ge3A_632 {dim = 0 : i64, kind = #tpu.reduction_kind<sum>} : vector<16xi1> -> vector<16xi32>
        %add3A_634 = arith.addi %add3A_625, %all_reduce_population_count3A_633 : vector<16xi32>
        %add3A_635 = arith.constant 96 : i32
        %add3A_636 = arith.addi %mul3A_581, %add3A_635 : i32
        %get3A_637 = arith.constant 7 : i32
        %get3A_638 = arith.index_cast %get3A_637 : i32 to index
        %get3A_639 = arith.index_cast %add3A_636 : i32 to index
        %get3A_640 = tpu.vector_load %arg5[%get3A_638, %get3A_639] {strides = array<i32>} : memref<8x4096xi32, #tpu.memory_space<vmem>>, vector<16xi32>,
        %ge3A_641 = arith.cmpi uge, %get3A_640, %broadcast_in_dim3A_563 : vector<16xi32>
        %all_reduce_population_count3A_642 = tpu.all_reduce %ge3A_641 {dim = 0 : i64, kind = #tpu.reduction_kind<sum>} : vector<16xi1> -> vector<16xi32>
        %add3A_643 = arith.addi %add3A_634, %all_reduce_population_count3A_642 : vector<16xi32>
        %add3A_644 = arith.constant 112 : i32
        %add3A_645 = arith.addi %mul3A_581, %add3A_644 : i32
        %get3A_646 = arith.constant 7 : i32
        %get3A_647 = arith.index_cast %get3A_646 : i32 to index
        %get3A_648 = arith.index_cast %add3A_645 : i32 to index
        %get3A_649 = tpu.vector_load %arg5[%get3A_647, %get3A_648] {strides = array<i32>} : memref<8x4096xi32, #tpu.memory_space<vmem>>, vector<16xi32>,
        %ge3A_650 = arith.cmpi uge, %get3A_649, %broadcast_in_dim3A_563 : vector<16xi32>
        %all_reduce_population_count3A_651 = tpu.all_reduce %ge3A_650 {dim = 0 : i64, kind = #tpu.reduction_kind<sum>} : vector<16xi1> -> vector<16xi32>
        %add3A_652 = arith.addi %add3A_643, %all_reduce_population_count3A_651 : vector<16xi32>
        scf.yield %add3A_652 : vector<16xi32>
      }
      %scan3A_571 = arith.constant 32 : i32
      %slice3A_572 = vector.extract_strided_slice %scan3A_570 {offsets = [0], sizes = [1], strides = [1]} : vector<16xi32> to vector<1xi32>
      %squeeze3A_573 = vector.extract %slice3A_572[0] : i32 from vector<1xi32>
      %ge3A = arith.cmpi sge, %squeeze3A_573, %squeeze3A_407 : i32
      %select_n3A_574 = arith.select %ge3A, %add3A_562, %scan3A_557 : i32
      %sub3A_575 = arith.constant 1 : i32
      %sub3A_576 = arith.subi %add3A_562, %sub3A_575 : i32
      %select_n3A_577 = arith.select %ge3A, %scan3A_558, %sub3A_576 : i32
      scf.yield %select_n3A_574, %select_n3A_577 : i32, i32
    }
    %scan3A_415 = arith.constant 32 : i32
    %iota3A_416 = tpu.iota {dimensions = array<i32: 0>} : vector<16xi32>
    %eq3A_417 = arith.constant 7 : i32
    %eq3A_418 = vector.broadcast %eq3A_417 : i32 to vector<16xi32>
    %eq3A_419 = arith.cmpi eq, %iota3A_416, %eq3A_418 : vector<16xi32>
    %broadcast_in_dim3A_420 = vector.broadcast %scan3A_414#0 : i32 to vector<16xi32>
    %select_n3A_421 = arith.select %eq3A_419, %broadcast_in_dim3A_420, %select_n3A_405 : vector<16xi1>, vector<16xi32>
    %dma_wait3A_422 = arith.constant 0 : i32
    %dma_wait3A_423 = tpu.memref_slice %arg2[%add3A_289, %dma_wait3A_422] : memref<1024x4096xi32, #tpu.memory_space<hbm>> -> memref<8x4096xi32, #tpu.memory_space<hbm>>
    %dma_wait3A_424 = arith.constant 0 : i32
    %dma_wait3A_425 = tpu.memref_slice %arg2[%add3A_289, %dma_wait3A_424] : memref<1024x4096xi32, #tpu.memory_space<hbm>> -> memref<8x4096xi32, #tpu.memory_space<hbm>>
    tpu.wait_dma2 semaphore(%arg10 : memref<!tpu.dma_semaphore, #tpu.memory_space<semaphore_mem>>) src(%dma_wait3A_425 : memref<8x4096xi32, #tpu.memory_space<hbm>>) dst(%arg6 : memref<8x4096xi32, #tpu.memory_space<vmem>>)
    %slice3A_426 = vector.extract_strided_slice %get3A_281 {offsets = [8], sizes = [1], strides = [1]} : vector<16xi32> to vector<1xi32>
    %squeeze3A_427 = vector.extract %slice3A_426[0] : i32 from vector<1xi32>
    %scan3A_428 = arith.constant 0 : i32
    %scan3A_429 = arith.constant -8388608 : i32
    %scan3A_430 = arith.constant 0 : i32
    %scan3A_431 = arith.constant 32 : i32
    %scan3A_432 = arith.addi %scan3A_430, %scan3A_431 : i32
    %scan3A_433 = arith.constant 1 : i32
    %scan3A_434:2 = scf.for %scan3A_556 = %scan3A_430 to %scan3A_432 step %scan3A_433 iter_args(%scan3A_557 = %scan3A_428, %scan3A_558 = %scan3A_429) -> (i32, i32)  : i32 {
      %sub3A = arith.subi %scan3A_558, %scan3A_557 : i32
      %add3A_559 = arith.constant 1 : i32
      %add3A_560 = arith.addi %sub3A, %add3A_559 : i32
      %shift_right_logical3A = arith.constant 1 : i32
      %shift_right_logical3A_561 = arith.shrui %add3A_560, %shift_right_logical3A : i32
      %add3A_562 = arith.addi %scan3A_557, %shift_right_logical3A_561 : i32
      %broadcast_in_dim3A_563 = vector.broadcast %add3A_562 : i32 to vector<16xi32>
      %broadcast_in_dim3A_564 = arith.constant 0 : i32
      %broadcast_in_dim3A_565 = vector.broadcast %broadcast_in_dim3A_564 : i32 to vector<16xi32>
      %scan3A_566 = arith.constant 0 : i32
      %scan3A_567 = arith.constant 32 : i32
      %scan3A_568 = arith.addi %scan3A_566, %scan3A_567 : i32
      %scan3A_569 = arith.constant 1 : i32
      %scan3A_570 = scf.for %scan3A_578 = %scan3A_566 to %scan3A_568 step %scan3A_569 iter_args(%scan3A_579 = %broadcast_in_dim3A_565) -> (vector<16xi32>)  : i32 {
        %mul3A_580 = arith.constant 128 : i32
        %mul3A_581 = arith.muli %scan3A_578, %mul3A_580 : i32
        %add3A_582 = arith.constant 0 : i32
        %add3A_583 = arith.addi %mul3A_581, %add3A_582 : i32
        %get3A_584 = arith.constant 0 : i32
        %get3A_585 = arith.index_cast %get3A_584 : i32 to index
        %get3A_586 = arith.index_cast %add3A_583 : i32 to index
        %get3A_587 = tpu.vector_load %arg6[%get3A_585, %get3A_586] {strides = array<i32>} : memref<8x4096xi32, #tpu.memory_space<vmem>>, vector<16xi32>,
        %ge3A_588 = arith.cmpi uge, %get3A_587, %broadcast_in_dim3A_563 : vector<16xi32>
        %all_reduce_population_count3A = tpu.all_reduce %ge3A_588 {dim = 0 : i64, kind = #tpu.reduction_kind<sum>} : vector<16xi1> -> vector<16xi32>
        %add3A_589 = arith.addi %scan3A_579, %all_reduce_population_count3A : vector<16xi32>
        %add3A_590 = arith.constant 16 : i32
        %add3A_591 = arith.addi %mul3A_581, %add3A_590 : i32
        %get3A_592 = arith.constant 0 : i32
        %get3A_593 = arith.index_cast %get3A_592 : i32 to index
        %get3A_594 = arith.index_cast %add3A_591 : i32 to index
        %get3A_595 = tpu.vector_load %arg6[%get3A_593, %get3A_594] {strides = array<i32>} : memref<8x4096xi32, #tpu.memory_space<vmem>>, vector<16xi32>,
        %ge3A_596 = arith.cmpi uge, %get3A_595, %broadcast_in_dim3A_563 : vector<16xi32>
        %all_reduce_population_count3A_597 = tpu.all_reduce %ge3A_596 {dim = 0 : i64, kind = #tpu.reduction_kind<sum>} : vector<16xi1> -> vector<16xi32>
        %add3A_598 = arith.addi %add3A_589, %all_reduce_population_count3A_597 : vector<16xi32>
        %add3A_599 = arith.constant 32 : i32
        %add3A_600 = arith.addi %mul3A_581, %add3A_599 : i32
        %get3A_601 = arith.constant 0 : i32
        %get3A_602 = arith.index_cast %get3A_601 : i32 to index
        %get3A_603 = arith.index_cast %add3A_600 : i32 to index
        %get3A_604 = tpu.vector_load %arg6[%get3A_602, %get3A_603] {strides = array<i32>} : memref<8x4096xi32, #tpu.memory_space<vmem>>, vector<16xi32>,
        %ge3A_605 = arith.cmpi uge, %get3A_604, %broadcast_in_dim3A_563 : vector<16xi32>
        %all_reduce_population_count3A_606 = tpu.all_reduce %ge3A_605 {dim = 0 : i64, kind = #tpu.reduction_kind<sum>} : vector<16xi1> -> vector<16xi32>
        %add3A_607 = arith.addi %add3A_598, %all_reduce_population_count3A_606 : vector<16xi32>
        %add3A_608 = arith.constant 48 : i32
        %add3A_609 = arith.addi %mul3A_581, %add3A_608 : i32
        %get3A_610 = arith.constant 0 : i32
        %get3A_611 = arith.index_cast %get3A_610 : i32 to index
        %get3A_612 = arith.index_cast %add3A_609 : i32 to index
        %get3A_613 = tpu.vector_load %arg6[%get3A_611, %get3A_612] {strides = array<i32>} : memref<8x4096xi32, #tpu.memory_space<vmem>>, vector<16xi32>,
        %ge3A_614 = arith.cmpi uge, %get3A_613, %broadcast_in_dim3A_563 : vector<16xi32>
        %all_reduce_population_count3A_615 = tpu.all_reduce %ge3A_614 {dim = 0 : i64, kind = #tpu.reduction_kind<sum>} : vector<16xi1> -> vector<16xi32>
        %add3A_616 = arith.addi %add3A_607, %all_reduce_population_count3A_615 : vector<16xi32>
        %add3A_617 = arith.constant 64 : i32
        %add3A_618 = arith.addi %mul3A_581, %add3A_617 : i32
        %get3A_619 = arith.constant 0 : i32
        %get3A_620 = arith.index_cast %get3A_619 : i32 to index
        %get3A_621 = arith.index_cast %add3A_618 : i32 to index
        %get3A_622 = tpu.vector_load %arg6[%get3A_620, %get3A_621] {strides = array<i32>} : memref<8x4096xi32, #tpu.memory_space<vmem>>, vector<16xi32>,
        %ge3A_623 = arith.cmpi uge, %get3A_622, %broadcast_in_dim3A_563 : vector<16xi32>
        %all_reduce_population_count3A_624 = tpu.all_reduce %ge3A_623 {dim = 0 : i64, kind = #tpu.reduction_kind<sum>} : vector<16xi1> -> vector<16xi32>
        %add3A_625 = arith.addi %add3A_616, %all_reduce_population_count3A_624 : vector<16xi32>
        %add3A_626 = arith.constant 80 : i32
        %add3A_627 = arith.addi %mul3A_581, %add3A_626 : i32
        %get3A_628 = arith.constant 0 : i32
        %get3A_629 = arith.index_cast %get3A_628 : i32 to index
        %get3A_630 = arith.index_cast %add3A_627 : i32 to index
        %get3A_631 = tpu.vector_load %arg6[%get3A_629, %get3A_630] {strides = array<i32>} : memref<8x4096xi32, #tpu.memory_space<vmem>>, vector<16xi32>,
        %ge3A_632 = arith.cmpi uge, %get3A_631, %broadcast_in_dim3A_563 : vector<16xi32>
        %all_reduce_population_count3A_633 = tpu.all_reduce %ge3A_632 {dim = 0 : i64, kind = #tpu.reduction_kind<sum>} : vector<16xi1> -> vector<16xi32>
        %add3A_634 = arith.addi %add3A_625, %all_reduce_population_count3A_633 : vector<16xi32>
        %add3A_635 = arith.constant 96 : i32
        %add3A_636 = arith.addi %mul3A_581, %add3A_635 : i32
        %get3A_637 = arith.constant 0 : i32
        %get3A_638 = arith.index_cast %get3A_637 : i32 to index
        %get3A_639 = arith.index_cast %add3A_636 : i32 to index
        %get3A_640 = tpu.vector_load %arg6[%get3A_638, %get3A_639] {strides = array<i32>} : memref<8x4096xi32, #tpu.memory_space<vmem>>, vector<16xi32>,
        %ge3A_641 = arith.cmpi uge, %get3A_640, %broadcast_in_dim3A_563 : vector<16xi32>
        %all_reduce_population_count3A_642 = tpu.all_reduce %ge3A_641 {dim = 0 : i64, kind = #tpu.reduction_kind<sum>} : vector<16xi1> -> vector<16xi32>
        %add3A_643 = arith.addi %add3A_634, %all_reduce_population_count3A_642 : vector<16xi32>
        %add3A_644 = arith.constant 112 : i32
        %add3A_645 = arith.addi %mul3A_581, %add3A_644 : i32
        %get3A_646 = arith.constant 0 : i32
        %get3A_647 = arith.index_cast %get3A_646 : i32 to index
        %get3A_648 = arith.index_cast %add3A_645 : i32 to index
        %get3A_649 = tpu.vector_load %arg6[%get3A_647, %get3A_648] {strides = array<i32>} : memref<8x4096xi32, #tpu.memory_space<vmem>>, vector<16xi32>,
        %ge3A_650 = arith.cmpi uge, %get3A_649, %broadcast_in_dim3A_563 : vector<16xi32>
        %all_reduce_population_count3A_651 = tpu.all_reduce %ge3A_650 {dim = 0 : i64, kind = #tpu.reduction_kind<sum>} : vector<16xi1> -> vector<16xi32>
        %add3A_652 = arith.addi %add3A_643, %all_reduce_population_count3A_651 : vector<16xi32>
        scf.yield %add3A_652 : vector<16xi32>
      }
      %scan3A_571 = arith.constant 32 : i32
      %slice3A_572 = vector.extract_strided_slice %scan3A_570 {offsets = [0], sizes = [1], strides = [1]} : vector<16xi32> to vector<1xi32>
      %squeeze3A_573 = vector.extract %slice3A_572[0] : i32 from vector<1xi32>
      %ge3A = arith.cmpi sge, %squeeze3A_573, %squeeze3A_427 : i32
      %select_n3A_574 = arith.select %ge3A, %add3A_562, %scan3A_557 : i32
      %sub3A_575 = arith.constant 1 : i32
      %sub3A_576 = arith.subi %add3A_562, %sub3A_575 : i32
      %select_n3A_577 = arith.select %ge3A, %scan3A_558, %sub3A_576 : i32
      scf.yield %select_n3A_574, %select_n3A_577 : i32, i32
    }
    %scan3A_435 = arith.constant 32 : i32
    %iota3A_436 = tpu.iota {dimensions = array<i32: 0>} : vector<16xi32>
    %eq3A_437 = arith.constant 8 : i32
    %eq3A_438 = vector.broadcast %eq3A_437 : i32 to vector<16xi32>
    %eq3A_439 = arith.cmpi eq, %iota3A_436, %eq3A_438 : vector<16xi32>
    %broadcast_in_dim3A_440 = vector.broadcast %scan3A_434#0 : i32 to vector<16xi32>
    %select_n3A_441 = arith.select %eq3A_439, %broadcast_in_dim3A_440, %select_n3A_421 : vector<16xi1>, vector<16xi32>
    %slice3A_442 = vector.extract_strided_slice %get3A_281 {offsets = [9], sizes = [1], strides = [1]} : vector<16xi32> to vector<1xi32>
    %squeeze3A_443 = vector.extract %slice3A_442[0] : i32 from vector<1xi32>
    %scan3A_444 = arith.constant 0 : i32
    %scan3A_445 = arith.constant -8388608 : i32
    %scan3A_446 = arith.constant 0 : i32
    %scan3A_447 = arith.constant 32 : i32
    %scan3A_448 = arith.addi %scan3A_446, %scan3A_447 : i32
    %scan3A_449 = arith.constant 1 : i32
    %scan3A_450:2 = scf.for %scan3A_556 = %scan3A_446 to %scan3A_448 step %scan3A_449 iter_args(%scan3A_557 = %scan3A_444, %scan3A_558 = %scan3A_445) -> (i32, i32)  : i32 {
      %sub3A = arith.subi %scan3A_558, %scan3A_557 : i32
      %add3A_559 = arith.constant 1 : i32
      %add3A_560 = arith.addi %sub3A, %add3A_559 : i32
      %shift_right_logical3A = arith.constant 1 : i32
      %shift_right_logical3A_561 = arith.shrui %add3A_560, %shift_right_logical3A : i32
      %add3A_562 = arith.addi %scan3A_557, %shift_right_logical3A_561 : i32
      %broadcast_in_dim3A_563 = vector.broadcast %add3A_562 : i32 to vector<16xi32>
      %broadcast_in_dim3A_564 = arith.constant 0 : i32
      %broadcast_in_dim3A_565 = vector.broadcast %broadcast_in_dim3A_564 : i32 to vector<16xi32>
      %scan3A_566 = arith.constant 0 : i32
      %scan3A_567 = arith.constant 32 : i32
      %scan3A_568 = arith.addi %scan3A_566, %scan3A_567 : i32
      %scan3A_569 = arith.constant 1 : i32
      %scan3A_570 = scf.for %scan3A_578 = %scan3A_566 to %scan3A_568 step %scan3A_569 iter_args(%scan3A_579 = %broadcast_in_dim3A_565) -> (vector<16xi32>)  : i32 {
        %mul3A_580 = arith.constant 128 : i32
        %mul3A_581 = arith.muli %scan3A_578, %mul3A_580 : i32
        %add3A_582 = arith.constant 0 : i32
        %add3A_583 = arith.addi %mul3A_581, %add3A_582 : i32
        %get3A_584 = arith.constant 1 : i32
        %get3A_585 = arith.index_cast %get3A_584 : i32 to index
        %get3A_586 = arith.index_cast %add3A_583 : i32 to index
        %get3A_587 = tpu.vector_load %arg6[%get3A_585, %get3A_586] {strides = array<i32>} : memref<8x4096xi32, #tpu.memory_space<vmem>>, vector<16xi32>,
        %ge3A_588 = arith.cmpi uge, %get3A_587, %broadcast_in_dim3A_563 : vector<16xi32>
        %all_reduce_population_count3A = tpu.all_reduce %ge3A_588 {dim = 0 : i64, kind = #tpu.reduction_kind<sum>} : vector<16xi1> -> vector<16xi32>
        %add3A_589 = arith.addi %scan3A_579, %all_reduce_population_count3A : vector<16xi32>
        %add3A_590 = arith.constant 16 : i32
        %add3A_591 = arith.addi %mul3A_581, %add3A_590 : i32
        %get3A_592 = arith.constant 1 : i32
        %get3A_593 = arith.index_cast %get3A_592 : i32 to index
        %get3A_594 = arith.index_cast %add3A_591 : i32 to index
        %get3A_595 = tpu.vector_load %arg6[%get3A_593, %get3A_594] {strides = array<i32>} : memref<8x4096xi32, #tpu.memory_space<vmem>>, vector<16xi32>,
        %ge3A_596 = arith.cmpi uge, %get3A_595, %broadcast_in_dim3A_563 : vector<16xi32>
        %all_reduce_population_count3A_597 = tpu.all_reduce %ge3A_596 {dim = 0 : i64, kind = #tpu.reduction_kind<sum>} : vector<16xi1> -> vector<16xi32>
        %add3A_598 = arith.addi %add3A_589, %all_reduce_population_count3A_597 : vector<16xi32>
        %add3A_599 = arith.constant 32 : i32
        %add3A_600 = arith.addi %mul3A_581, %add3A_599 : i32
        %get3A_601 = arith.constant 1 : i32
        %get3A_602 = arith.index_cast %get3A_601 : i32 to index
        %get3A_603 = arith.index_cast %add3A_600 : i32 to index
        %get3A_604 = tpu.vector_load %arg6[%get3A_602, %get3A_603] {strides = array<i32>} : memref<8x4096xi32, #tpu.memory_space<vmem>>, vector<16xi32>,
        %ge3A_605 = arith.cmpi uge, %get3A_604, %broadcast_in_dim3A_563 : vector<16xi32>
        %all_reduce_population_count3A_606 = tpu.all_reduce %ge3A_605 {dim = 0 : i64, kind = #tpu.reduction_kind<sum>} : vector<16xi1> -> vector<16xi32>
        %add3A_607 = arith.addi %add3A_598, %all_reduce_population_count3A_606 : vector<16xi32>
        %add3A_608 = arith.constant 48 : i32
        %add3A_609 = arith.addi %mul3A_581, %add3A_608 : i32
        %get3A_610 = arith.constant 1 : i32
        %get3A_611 = arith.index_cast %get3A_610 : i32 to index
        %get3A_612 = arith.index_cast %add3A_609 : i32 to index
        %get3A_613 = tpu.vector_load %arg6[%get3A_611, %get3A_612] {strides = array<i32>} : memref<8x4096xi32, #tpu.memory_space<vmem>>, vector<16xi32>,
        %ge3A_614 = arith.cmpi uge, %get3A_613, %broadcast_in_dim3A_563 : vector<16xi32>
        %all_reduce_population_count3A_615 = tpu.all_reduce %ge3A_614 {dim = 0 : i64, kind = #tpu.reduction_kind<sum>} : vector<16xi1> -> vector<16xi32>
        %add3A_616 = arith.addi %add3A_607, %all_reduce_population_count3A_615 : vector<16xi32>
        %add3A_617 = arith.constant 64 : i32
        %add3A_618 = arith.addi %mul3A_581, %add3A_617 : i32
        %get3A_619 = arith.constant 1 : i32
        %get3A_620 = arith.index_cast %get3A_619 : i32 to index
        %get3A_621 = arith.index_cast %add3A_618 : i32 to index
        %get3A_622 = tpu.vector_load %arg6[%get3A_620, %get3A_621] {strides = array<i32>} : memref<8x4096xi32, #tpu.memory_space<vmem>>, vector<16xi32>,
        %ge3A_623 = arith.cmpi uge, %get3A_622, %broadcast_in_dim3A_563 : vector<16xi32>
        %all_reduce_population_count3A_624 = tpu.all_reduce %ge3A_623 {dim = 0 : i64, kind = #tpu.reduction_kind<sum>} : vector<16xi1> -> vector<16xi32>
        %add3A_625 = arith.addi %add3A_616, %all_reduce_population_count3A_624 : vector<16xi32>
        %add3A_626 = arith.constant 80 : i32
        %add3A_627 = arith.addi %mul3A_581, %add3A_626 : i32
        %get3A_628 = arith.constant 1 : i32
        %get3A_629 = arith.index_cast %get3A_628 : i32 to index
        %get3A_630 = arith.index_cast %add3A_627 : i32 to index
        %get3A_631 = tpu.vector_load %arg6[%get3A_629, %get3A_630] {strides = array<i32>} : memref<8x4096xi32, #tpu.memory_space<vmem>>, vector<16xi32>,
        %ge3A_632 = arith.cmpi uge, %get3A_631, %broadcast_in_dim3A_563 : vector<16xi32>
        %all_reduce_population_count3A_633 = tpu.all_reduce %ge3A_632 {dim = 0 : i64, kind = #tpu.reduction_kind<sum>} : vector<16xi1> -> vector<16xi32>
        %add3A_634 = arith.addi %add3A_625, %all_reduce_population_count3A_633 : vector<16xi32>
        %add3A_635 = arith.constant 96 : i32
        %add3A_636 = arith.addi %mul3A_581, %add3A_635 : i32
        %get3A_637 = arith.constant 1 : i32
        %get3A_638 = arith.index_cast %get3A_637 : i32 to index
        %get3A_639 = arith.index_cast %add3A_636 : i32 to index
        %get3A_640 = tpu.vector_load %arg6[%get3A_638, %get3A_639] {strides = array<i32>} : memref<8x4096xi32, #tpu.memory_space<vmem>>, vector<16xi32>,
        %ge3A_641 = arith.cmpi uge, %get3A_640, %broadcast_in_dim3A_563 : vector<16xi32>
        %all_reduce_population_count3A_642 = tpu.all_reduce %ge3A_641 {dim = 0 : i64, kind = #tpu.reduction_kind<sum>} : vector<16xi1> -> vector<16xi32>
        %add3A_643 = arith.addi %add3A_634, %all_reduce_population_count3A_642 : vector<16xi32>
        %add3A_644 = arith.constant 112 : i32
        %add3A_645 = arith.addi %mul3A_581, %add3A_644 : i32
        %get3A_646 = arith.constant 1 : i32
        %get3A_647 = arith.index_cast %get3A_646 : i32 to index
        %get3A_648 = arith.index_cast %add3A_645 : i32 to index
        %get3A_649 = tpu.vector_load %arg6[%get3A_647, %get3A_648] {strides = array<i32>} : memref<8x4096xi32, #tpu.memory_space<vmem>>, vector<16xi32>,
        %ge3A_650 = arith.cmpi uge, %get3A_649, %broadcast_in_dim3A_563 : vector<16xi32>
        %all_reduce_population_count3A_651 = tpu.all_reduce %ge3A_650 {dim = 0 : i64, kind = #tpu.reduction_kind<sum>} : vector<16xi1> -> vector<16xi32>
        %add3A_652 = arith.addi %add3A_643, %all_reduce_population_count3A_651 : vector<16xi32>
        scf.yield %add3A_652 : vector<16xi32>
      }
      %scan3A_571 = arith.constant 32 : i32
      %slice3A_572 = vector.extract_strided_slice %scan3A_570 {offsets = [0], sizes = [1], strides = [1]} : vector<16xi32> to vector<1xi32>
      %squeeze3A_573 = vector.extract %slice3A_572[0] : i32 from vector<1xi32>
      %ge3A = arith.cmpi sge, %squeeze3A_573, %squeeze3A_443 : i32
      %select_n3A_574 = arith.select %ge3A, %add3A_562, %scan3A_557 : i32
      %sub3A_575 = arith.constant 1 : i32
      %sub3A_576 = arith.subi %add3A_562, %sub3A_575 : i32
      %select_n3A_577 = arith.select %ge3A, %scan3A_558, %sub3A_576 : i32
      scf.yield %select_n3A_574, %select_n3A_577 : i32, i32
    }
    %scan3A_451 = arith.constant 32 : i32
    %iota3A_452 = tpu.iota {dimensions = array<i32: 0>} : vector<16xi32>
    %eq3A_453 = arith.constant 9 : i32
    %eq3A_454 = vector.broadcast %eq3A_453 : i32 to vector<16xi32>
    %eq3A_455 = arith.cmpi eq, %iota3A_452, %eq3A_454 : vector<16xi32>
    %broadcast_in_dim3A_456 = vector.broadcast %scan3A_450#0 : i32 to vector<16xi32>
    %select_n3A_457 = arith.select %eq3A_455, %broadcast_in_dim3A_456, %select_n3A_441 : vector<16xi1>, vector<16xi32>
    %slice3A_458 = vector.extract_strided_slice %get3A_281 {offsets = [10], sizes = [1], strides = [1]} : vector<16xi32> to vector<1xi32>
    %squeeze3A_459 = vector.extract %slice3A_458[0] : i32 from vector<1xi32>
    %scan3A_460 = arith.constant 0 : i32
    %scan3A_461 = arith.constant -8388608 : i32
    %scan3A_462 = arith.constant 0 : i32
    %scan3A_463 = arith.constant 32 : i32
    %scan3A_464 = arith.addi %scan3A_462, %scan3A_463 : i32
    %scan3A_465 = arith.constant 1 : i32
    %scan3A_466:2 = scf.for %scan3A_556 = %scan3A_462 to %scan3A_464 step %scan3A_465 iter_args(%scan3A_557 = %scan3A_460, %scan3A_558 = %scan3A_461) -> (i32, i32)  : i32 {
      %sub3A = arith.subi %scan3A_558, %scan3A_557 : i32
      %add3A_559 = arith.constant 1 : i32
      %add3A_560 = arith.addi %sub3A, %add3A_559 : i32
      %shift_right_logical3A = arith.constant 1 : i32
      %shift_right_logical3A_561 = arith.shrui %add3A_560, %shift_right_logical3A : i32
      %add3A_562 = arith.addi %scan3A_557, %shift_right_logical3A_561 : i32
      %broadcast_in_dim3A_563 = vector.broadcast %add3A_562 : i32 to vector<16xi32>
      %broadcast_in_dim3A_564 = arith.constant 0 : i32
      %broadcast_in_dim3A_565 = vector.broadcast %broadcast_in_dim3A_564 : i32 to vector<16xi32>
      %scan3A_566 = arith.constant 0 : i32
      %scan3A_567 = arith.constant 32 : i32
      %scan3A_568 = arith.addi %scan3A_566, %scan3A_567 : i32
      %scan3A_569 = arith.constant 1 : i32
      %scan3A_570 = scf.for %scan3A_578 = %scan3A_566 to %scan3A_568 step %scan3A_569 iter_args(%scan3A_579 = %broadcast_in_dim3A_565) -> (vector<16xi32>)  : i32 {
        %mul3A_580 = arith.constant 128 : i32
        %mul3A_581 = arith.muli %scan3A_578, %mul3A_580 : i32
        %add3A_582 = arith.constant 0 : i32
        %add3A_583 = arith.addi %mul3A_581, %add3A_582 : i32
        %get3A_584 = arith.constant 2 : i32
        %get3A_585 = arith.index_cast %get3A_584 : i32 to index
        %get3A_586 = arith.index_cast %add3A_583 : i32 to index
        %get3A_587 = tpu.vector_load %arg6[%get3A_585, %get3A_586] {strides = array<i32>} : memref<8x4096xi32, #tpu.memory_space<vmem>>, vector<16xi32>,
        %ge3A_588 = arith.cmpi uge, %get3A_587, %broadcast_in_dim3A_563 : vector<16xi32>
        %all_reduce_population_count3A = tpu.all_reduce %ge3A_588 {dim = 0 : i64, kind = #tpu.reduction_kind<sum>} : vector<16xi1> -> vector<16xi32>
        %add3A_589 = arith.addi %scan3A_579, %all_reduce_population_count3A : vector<16xi32>
        %add3A_590 = arith.constant 16 : i32
        %add3A_591 = arith.addi %mul3A_581, %add3A_590 : i32
        %get3A_592 = arith.constant 2 : i32
        %get3A_593 = arith.index_cast %get3A_592 : i32 to index
        %get3A_594 = arith.index_cast %add3A_591 : i32 to index
        %get3A_595 = tpu.vector_load %arg6[%get3A_593, %get3A_594] {strides = array<i32>} : memref<8x4096xi32, #tpu.memory_space<vmem>>, vector<16xi32>,
        %ge3A_596 = arith.cmpi uge, %get3A_595, %broadcast_in_dim3A_563 : vector<16xi32>
        %all_reduce_population_count3A_597 = tpu.all_reduce %ge3A_596 {dim = 0 : i64, kind = #tpu.reduction_kind<sum>} : vector<16xi1> -> vector<16xi32>
        %add3A_598 = arith.addi %add3A_589, %all_reduce_population_count3A_597 : vector<16xi32>
        %add3A_599 = arith.constant 32 : i32
        %add3A_600 = arith.addi %mul3A_581, %add3A_599 : i32
        %get3A_601 = arith.constant 2 : i32
        %get3A_602 = arith.index_cast %get3A_601 : i32 to index
        %get3A_603 = arith.index_cast %add3A_600 : i32 to index
        %get3A_604 = tpu.vector_load %arg6[%get3A_602, %get3A_603] {strides = array<i32>} : memref<8x4096xi32, #tpu.memory_space<vmem>>, vector<16xi32>,
        %ge3A_605 = arith.cmpi uge, %get3A_604, %broadcast_in_dim3A_563 : vector<16xi32>
        %all_reduce_population_count3A_606 = tpu.all_reduce %ge3A_605 {dim = 0 : i64, kind = #tpu.reduction_kind<sum>} : vector<16xi1> -> vector<16xi32>
        %add3A_607 = arith.addi %add3A_598, %all_reduce_population_count3A_606 : vector<16xi32>
        %add3A_608 = arith.constant 48 : i32
        %add3A_609 = arith.addi %mul3A_581, %add3A_608 : i32
        %get3A_610 = arith.constant 2 : i32
        %get3A_611 = arith.index_cast %get3A_610 : i32 to index
        %get3A_612 = arith.index_cast %add3A_609 : i32 to index
        %get3A_613 = tpu.vector_load %arg6[%get3A_611, %get3A_612] {strides = array<i32>} : memref<8x4096xi32, #tpu.memory_space<vmem>>, vector<16xi32>,
        %ge3A_614 = arith.cmpi uge, %get3A_613, %broadcast_in_dim3A_563 : vector<16xi32>
        %all_reduce_population_count3A_615 = tpu.all_reduce %ge3A_614 {dim = 0 : i64, kind = #tpu.reduction_kind<sum>} : vector<16xi1> -> vector<16xi32>
        %add3A_616 = arith.addi %add3A_607, %all_reduce_population_count3A_615 : vector<16xi32>
        %add3A_617 = arith.constant 64 : i32
        %add3A_618 = arith.addi %mul3A_581, %add3A_617 : i32
        %get3A_619 = arith.constant 2 : i32
        %get3A_620 = arith.index_cast %get3A_619 : i32 to index
        %get3A_621 = arith.index_cast %add3A_618 : i32 to index
        %get3A_622 = tpu.vector_load %arg6[%get3A_620, %get3A_621] {strides = array<i32>} : memref<8x4096xi32, #tpu.memory_space<vmem>>, vector<16xi32>,
        %ge3A_623 = arith.cmpi uge, %get3A_622, %broadcast_in_dim3A_563 : vector<16xi32>
        %all_reduce_population_count3A_624 = tpu.all_reduce %ge3A_623 {dim = 0 : i64, kind = #tpu.reduction_kind<sum>} : vector<16xi1> -> vector<16xi32>
        %add3A_625 = arith.addi %add3A_616, %all_reduce_population_count3A_624 : vector<16xi32>
        %add3A_626 = arith.constant 80 : i32
        %add3A_627 = arith.addi %mul3A_581, %add3A_626 : i32
        %get3A_628 = arith.constant 2 : i32
        %get3A_629 = arith.index_cast %get3A_628 : i32 to index
        %get3A_630 = arith.index_cast %add3A_627 : i32 to index
        %get3A_631 = tpu.vector_load %arg6[%get3A_629, %get3A_630] {strides = array<i32>} : memref<8x4096xi32, #tpu.memory_space<vmem>>, vector<16xi32>,
        %ge3A_632 = arith.cmpi uge, %get3A_631, %broadcast_in_dim3A_563 : vector<16xi32>
        %all_reduce_population_count3A_633 = tpu.all_reduce %ge3A_632 {dim = 0 : i64, kind = #tpu.reduction_kind<sum>} : vector<16xi1> -> vector<16xi32>
        %add3A_634 = arith.addi %add3A_625, %all_reduce_population_count3A_633 : vector<16xi32>
        %add3A_635 = arith.constant 96 : i32
        %add3A_636 = arith.addi %mul3A_581, %add3A_635 : i32
        %get3A_637 = arith.constant 2 : i32
        %get3A_638 = arith.index_cast %get3A_637 : i32 to index
        %get3A_639 = arith.index_cast %add3A_636 : i32 to index
        %get3A_640 = tpu.vector_load %arg6[%get3A_638, %get3A_639] {strides = array<i32>} : memref<8x4096xi32, #tpu.memory_space<vmem>>, vector<16xi32>,
        %ge3A_641 = arith.cmpi uge, %get3A_640, %broadcast_in_dim3A_563 : vector<16xi32>
        %all_reduce_population_count3A_642 = tpu.all_reduce %ge3A_641 {dim = 0 : i64, kind = #tpu.reduction_kind<sum>} : vector<16xi1> -> vector<16xi32>
        %add3A_643 = arith.addi %add3A_634, %all_reduce_population_count3A_642 : vector<16xi32>
        %add3A_644 = arith.constant 112 : i32
        %add3A_645 = arith.addi %mul3A_581, %add3A_644 : i32
        %get3A_646 = arith.constant 2 : i32
        %get3A_647 = arith.index_cast %get3A_646 : i32 to index
        %get3A_648 = arith.index_cast %add3A_645 : i32 to index
        %get3A_649 = tpu.vector_load %arg6[%get3A_647, %get3A_648] {strides = array<i32>} : memref<8x4096xi32, #tpu.memory_space<vmem>>, vector<16xi32>,
        %ge3A_650 = arith.cmpi uge, %get3A_649, %broadcast_in_dim3A_563 : vector<16xi32>
        %all_reduce_population_count3A_651 = tpu.all_reduce %ge3A_650 {dim = 0 : i64, kind = #tpu.reduction_kind<sum>} : vector<16xi1> -> vector<16xi32>
        %add3A_652 = arith.addi %add3A_643, %all_reduce_population_count3A_651 : vector<16xi32>
        scf.yield %add3A_652 : vector<16xi32>
      }
      %scan3A_571 = arith.constant 32 : i32
      %slice3A_572 = vector.extract_strided_slice %scan3A_570 {offsets = [0], sizes = [1], strides = [1]} : vector<16xi32> to vector<1xi32>
      %squeeze3A_573 = vector.extract %slice3A_572[0] : i32 from vector<1xi32>
      %ge3A = arith.cmpi sge, %squeeze3A_573, %squeeze3A_459 : i32
      %select_n3A_574 = arith.select %ge3A, %add3A_562, %scan3A_557 : i32
      %sub3A_575 = arith.constant 1 : i32
      %sub3A_576 = arith.subi %add3A_562, %sub3A_575 : i32
      %select_n3A_577 = arith.select %ge3A, %scan3A_558, %sub3A_576 : i32
      scf.yield %select_n3A_574, %select_n3A_577 : i32, i32
    }
    %scan3A_467 = arith.constant 32 : i32
    %iota3A_468 = tpu.iota {dimensions = array<i32: 0>} : vector<16xi32>
    %eq3A_469 = arith.constant 10 : i32
    %eq3A_470 = vector.broadcast %eq3A_469 : i32 to vector<16xi32>
    %eq3A_471 = arith.cmpi eq, %iota3A_468, %eq3A_470 : vector<16xi32>
    %broadcast_in_dim3A_472 = vector.broadcast %scan3A_466#0 : i32 to vector<16xi32>
    %select_n3A_473 = arith.select %eq3A_471, %broadcast_in_dim3A_472, %select_n3A_457 : vector<16xi1>, vector<16xi32>
    %slice3A_474 = vector.extract_strided_slice %get3A_281 {offsets = [11], sizes = [1], strides = [1]} : vector<16xi32> to vector<1xi32>
    %squeeze3A_475 = vector.extract %slice3A_474[0] : i32 from vector<1xi32>
    %scan3A_476 = arith.constant 0 : i32
    %scan3A_477 = arith.constant -8388608 : i32
    %scan3A_478 = arith.constant 0 : i32
    %scan3A_479 = arith.constant 32 : i32
    %scan3A_480 = arith.addi %scan3A_478, %scan3A_479 : i32
    %scan3A_481 = arith.constant 1 : i32
    %scan3A_482:2 = scf.for %scan3A_556 = %scan3A_478 to %scan3A_480 step %scan3A_481 iter_args(%scan3A_557 = %scan3A_476, %scan3A_558 = %scan3A_477) -> (i32, i32)  : i32 {
      %sub3A = arith.subi %scan3A_558, %scan3A_557 : i32
      %add3A_559 = arith.constant 1 : i32
      %add3A_560 = arith.addi %sub3A, %add3A_559 : i32
      %shift_right_logical3A = arith.constant 1 : i32
      %shift_right_logical3A_561 = arith.shrui %add3A_560, %shift_right_logical3A : i32
      %add3A_562 = arith.addi %scan3A_557, %shift_right_logical3A_561 : i32
      %broadcast_in_dim3A_563 = vector.broadcast %add3A_562 : i32 to vector<16xi32>
      %broadcast_in_dim3A_564 = arith.constant 0 : i32
      %broadcast_in_dim3A_565 = vector.broadcast %broadcast_in_dim3A_564 : i32 to vector<16xi32>
      %scan3A_566 = arith.constant 0 : i32
      %scan3A_567 = arith.constant 32 : i32
      %scan3A_568 = arith.addi %scan3A_566, %scan3A_567 : i32
      %scan3A_569 = arith.constant 1 : i32
      %scan3A_570 = scf.for %scan3A_578 = %scan3A_566 to %scan3A_568 step %scan3A_569 iter_args(%scan3A_579 = %broadcast_in_dim3A_565) -> (vector<16xi32>)  : i32 {
        %mul3A_580 = arith.constant 128 : i32
        %mul3A_581 = arith.muli %scan3A_578, %mul3A_580 : i32
        %add3A_582 = arith.constant 0 : i32
        %add3A_583 = arith.addi %mul3A_581, %add3A_582 : i32
        %get3A_584 = arith.constant 3 : i32
        %get3A_585 = arith.index_cast %get3A_584 : i32 to index
        %get3A_586 = arith.index_cast %add3A_583 : i32 to index
        %get3A_587 = tpu.vector_load %arg6[%get3A_585, %get3A_586] {strides = array<i32>} : memref<8x4096xi32, #tpu.memory_space<vmem>>, vector<16xi32>,
        %ge3A_588 = arith.cmpi uge, %get3A_587, %broadcast_in_dim3A_563 : vector<16xi32>
        %all_reduce_population_count3A = tpu.all_reduce %ge3A_588 {dim = 0 : i64, kind = #tpu.reduction_kind<sum>} : vector<16xi1> -> vector<16xi32>
        %add3A_589 = arith.addi %scan3A_579, %all_reduce_population_count3A : vector<16xi32>
        %add3A_590 = arith.constant 16 : i32
        %add3A_591 = arith.addi %mul3A_581, %add3A_590 : i32
        %get3A_592 = arith.constant 3 : i32
        %get3A_593 = arith.index_cast %get3A_592 : i32 to index
        %get3A_594 = arith.index_cast %add3A_591 : i32 to index
        %get3A_595 = tpu.vector_load %arg6[%get3A_593, %get3A_594] {strides = array<i32>} : memref<8x4096xi32, #tpu.memory_space<vmem>>, vector<16xi32>,
        %ge3A_596 = arith.cmpi uge, %get3A_595, %broadcast_in_dim3A_563 : vector<16xi32>
        %all_reduce_population_count3A_597 = tpu.all_reduce %ge3A_596 {dim = 0 : i64, kind = #tpu.reduction_kind<sum>} : vector<16xi1> -> vector<16xi32>
        %add3A_598 = arith.addi %add3A_589, %all_reduce_population_count3A_597 : vector<16xi32>
        %add3A_599 = arith.constant 32 : i32
        %add3A_600 = arith.addi %mul3A_581, %add3A_599 : i32
        %get3A_601 = arith.constant 3 : i32
        %get3A_602 = arith.index_cast %get3A_601 : i32 to index
        %get3A_603 = arith.index_cast %add3A_600 : i32 to index
        %get3A_604 = tpu.vector_load %arg6[%get3A_602, %get3A_603] {strides = array<i32>} : memref<8x4096xi32, #tpu.memory_space<vmem>>, vector<16xi32>,
        %ge3A_605 = arith.cmpi uge, %get3A_604, %broadcast_in_dim3A_563 : vector<16xi32>
        %all_reduce_population_count3A_606 = tpu.all_reduce %ge3A_605 {dim = 0 : i64, kind = #tpu.reduction_kind<sum>} : vector<16xi1> -> vector<16xi32>
        %add3A_607 = arith.addi %add3A_598, %all_reduce_population_count3A_606 : vector<16xi32>
        %add3A_608 = arith.constant 48 : i32
        %add3A_609 = arith.addi %mul3A_581, %add3A_608 : i32
        %get3A_610 = arith.constant 3 : i32
        %get3A_611 = arith.index_cast %get3A_610 : i32 to index
        %get3A_612 = arith.index_cast %add3A_609 : i32 to index
        %get3A_613 = tpu.vector_load %arg6[%get3A_611, %get3A_612] {strides = array<i32>} : memref<8x4096xi32, #tpu.memory_space<vmem>>, vector<16xi32>,
        %ge3A_614 = arith.cmpi uge, %get3A_613, %broadcast_in_dim3A_563 : vector<16xi32>
        %all_reduce_population_count3A_615 = tpu.all_reduce %ge3A_614 {dim = 0 : i64, kind = #tpu.reduction_kind<sum>} : vector<16xi1> -> vector<16xi32>
        %add3A_616 = arith.addi %add3A_607, %all_reduce_population_count3A_615 : vector<16xi32>
        %add3A_617 = arith.constant 64 : i32
        %add3A_618 = arith.addi %mul3A_581, %add3A_617 : i32
        %get3A_619 = arith.constant 3 : i32
        %get3A_620 = arith.index_cast %get3A_619 : i32 to index
        %get3A_621 = arith.index_cast %add3A_618 : i32 to index
        %get3A_622 = tpu.vector_load %arg6[%get3A_620, %get3A_621] {strides = array<i32>} : memref<8x4096xi32, #tpu.memory_space<vmem>>, vector<16xi32>,
        %ge3A_623 = arith.cmpi uge, %get3A_622, %broadcast_in_dim3A_563 : vector<16xi32>
        %all_reduce_population_count3A_624 = tpu.all_reduce %ge3A_623 {dim = 0 : i64, kind = #tpu.reduction_kind<sum>} : vector<16xi1> -> vector<16xi32>
        %add3A_625 = arith.addi %add3A_616, %all_reduce_population_count3A_624 : vector<16xi32>
        %add3A_626 = arith.constant 80 : i32
        %add3A_627 = arith.addi %mul3A_581, %add3A_626 : i32
        %get3A_628 = arith.constant 3 : i32
        %get3A_629 = arith.index_cast %get3A_628 : i32 to index
        %get3A_630 = arith.index_cast %add3A_627 : i32 to index
        %get3A_631 = tpu.vector_load %arg6[%get3A_629, %get3A_630] {strides = array<i32>} : memref<8x4096xi32, #tpu.memory_space<vmem>>, vector<16xi32>,
        %ge3A_632 = arith.cmpi uge, %get3A_631, %broadcast_in_dim3A_563 : vector<16xi32>
        %all_reduce_population_count3A_633 = tpu.all_reduce %ge3A_632 {dim = 0 : i64, kind = #tpu.reduction_kind<sum>} : vector<16xi1> -> vector<16xi32>
        %add3A_634 = arith.addi %add3A_625, %all_reduce_population_count3A_633 : vector<16xi32>
        %add3A_635 = arith.constant 96 : i32
        %add3A_636 = arith.addi %mul3A_581, %add3A_635 : i32
        %get3A_637 = arith.constant 3 : i32
        %get3A_638 = arith.index_cast %get3A_637 : i32 to index
        %get3A_639 = arith.index_cast %add3A_636 : i32 to index
        %get3A_640 = tpu.vector_load %arg6[%get3A_638, %get3A_639] {strides = array<i32>} : memref<8x4096xi32, #tpu.memory_space<vmem>>, vector<16xi32>,
        %ge3A_641 = arith.cmpi uge, %get3A_640, %broadcast_in_dim3A_563 : vector<16xi32>
        %all_reduce_population_count3A_642 = tpu.all_reduce %ge3A_641 {dim = 0 : i64, kind = #tpu.reduction_kind<sum>} : vector<16xi1> -> vector<16xi32>
        %add3A_643 = arith.addi %add3A_634, %all_reduce_population_count3A_642 : vector<16xi32>
        %add3A_644 = arith.constant 112 : i32
        %add3A_645 = arith.addi %mul3A_581, %add3A_644 : i32
        %get3A_646 = arith.constant 3 : i32
        %get3A_647 = arith.index_cast %get3A_646 : i32 to index
        %get3A_648 = arith.index_cast %add3A_645 : i32 to index
        %get3A_649 = tpu.vector_load %arg6[%get3A_647, %get3A_648] {strides = array<i32>} : memref<8x4096xi32, #tpu.memory_space<vmem>>, vector<16xi32>,
        %ge3A_650 = arith.cmpi uge, %get3A_649, %broadcast_in_dim3A_563 : vector<16xi32>
        %all_reduce_population_count3A_651 = tpu.all_reduce %ge3A_650 {dim = 0 : i64, kind = #tpu.reduction_kind<sum>} : vector<16xi1> -> vector<16xi32>
        %add3A_652 = arith.addi %add3A_643, %all_reduce_population_count3A_651 : vector<16xi32>
        scf.yield %add3A_652 : vector<16xi32>
      }
      %scan3A_571 = arith.constant 32 : i32
      %slice3A_572 = vector.extract_strided_slice %scan3A_570 {offsets = [0], sizes = [1], strides = [1]} : vector<16xi32> to vector<1xi32>
      %squeeze3A_573 = vector.extract %slice3A_572[0] : i32 from vector<1xi32>
      %ge3A = arith.cmpi sge, %squeeze3A_573, %squeeze3A_475 : i32
      %select_n3A_574 = arith.select %ge3A, %add3A_562, %scan3A_557 : i32
      %sub3A_575 = arith.constant 1 : i32
      %sub3A_576 = arith.subi %add3A_562, %sub3A_575 : i32
      %select_n3A_577 = arith.select %ge3A, %scan3A_558, %sub3A_576 : i32
      scf.yield %select_n3A_574, %select_n3A_577 : i32, i32
    }
    %scan3A_483 = arith.constant 32 : i32
    %iota3A_484 = tpu.iota {dimensions = array<i32: 0>} : vector<16xi32>
    %eq3A_485 = arith.constant 11 : i32
    %eq3A_486 = vector.broadcast %eq3A_485 : i32 to vector<16xi32>
    %eq3A_487 = arith.cmpi eq, %iota3A_484, %eq3A_486 : vector<16xi32>
    %broadcast_in_dim3A_488 = vector.broadcast %scan3A_482#0 : i32 to vector<16xi32>
    %select_n3A_489 = arith.select %eq3A_487, %broadcast_in_dim3A_488, %select_n3A_473 : vector<16xi1>, vector<16xi32>
    %slice3A_490 = vector.extract_strided_slice %get3A_281 {offsets = [12], sizes = [1], strides = [1]} : vector<16xi32> to vector<1xi32>
    %squeeze3A_491 = vector.extract %slice3A_490[0] : i32 from vector<1xi32>
    %scan3A_492 = arith.constant 0 : i32
    %scan3A_493 = arith.constant -8388608 : i32
    %scan3A_494 = arith.constant 0 : i32
    %scan3A_495 = arith.constant 32 : i32
    %scan3A_496 = arith.addi %scan3A_494, %scan3A_495 : i32
    %scan3A_497 = arith.constant 1 : i32
    %scan3A_498:2 = scf.for %scan3A_556 = %scan3A_494 to %scan3A_496 step %scan3A_497 iter_args(%scan3A_557 = %scan3A_492, %scan3A_558 = %scan3A_493) -> (i32, i32)  : i32 {
      %sub3A = arith.subi %scan3A_558, %scan3A_557 : i32
      %add3A_559 = arith.constant 1 : i32
      %add3A_560 = arith.addi %sub3A, %add3A_559 : i32
      %shift_right_logical3A = arith.constant 1 : i32
      %shift_right_logical3A_561 = arith.shrui %add3A_560, %shift_right_logical3A : i32
      %add3A_562 = arith.addi %scan3A_557, %shift_right_logical3A_561 : i32
      %broadcast_in_dim3A_563 = vector.broadcast %add3A_562 : i32 to vector<16xi32>
      %broadcast_in_dim3A_564 = arith.constant 0 : i32
      %broadcast_in_dim3A_565 = vector.broadcast %broadcast_in_dim3A_564 : i32 to vector<16xi32>
      %scan3A_566 = arith.constant 0 : i32
      %scan3A_567 = arith.constant 32 : i32
      %scan3A_568 = arith.addi %scan3A_566, %scan3A_567 : i32
      %scan3A_569 = arith.constant 1 : i32
      %scan3A_570 = scf.for %scan3A_578 = %scan3A_566 to %scan3A_568 step %scan3A_569 iter_args(%scan3A_579 = %broadcast_in_dim3A_565) -> (vector<16xi32>)  : i32 {
        %mul3A_580 = arith.constant 128 : i32
        %mul3A_581 = arith.muli %scan3A_578, %mul3A_580 : i32
        %add3A_582 = arith.constant 0 : i32
        %add3A_583 = arith.addi %mul3A_581, %add3A_582 : i32
        %get3A_584 = arith.constant 4 : i32
        %get3A_585 = arith.index_cast %get3A_584 : i32 to index
        %get3A_586 = arith.index_cast %add3A_583 : i32 to index
        %get3A_587 = tpu.vector_load %arg6[%get3A_585, %get3A_586] {strides = array<i32>} : memref<8x4096xi32, #tpu.memory_space<vmem>>, vector<16xi32>,
        %ge3A_588 = arith.cmpi uge, %get3A_587, %broadcast_in_dim3A_563 : vector<16xi32>
        %all_reduce_population_count3A = tpu.all_reduce %ge3A_588 {dim = 0 : i64, kind = #tpu.reduction_kind<sum>} : vector<16xi1> -> vector<16xi32>
        %add3A_589 = arith.addi %scan3A_579, %all_reduce_population_count3A : vector<16xi32>
        %add3A_590 = arith.constant 16 : i32
        %add3A_591 = arith.addi %mul3A_581, %add3A_590 : i32
        %get3A_592 = arith.constant 4 : i32
        %get3A_593 = arith.index_cast %get3A_592 : i32 to index
        %get3A_594 = arith.index_cast %add3A_591 : i32 to index
        %get3A_595 = tpu.vector_load %arg6[%get3A_593, %get3A_594] {strides = array<i32>} : memref<8x4096xi32, #tpu.memory_space<vmem>>, vector<16xi32>,
        %ge3A_596 = arith.cmpi uge, %get3A_595, %broadcast_in_dim3A_563 : vector<16xi32>
        %all_reduce_population_count3A_597 = tpu.all_reduce %ge3A_596 {dim = 0 : i64, kind = #tpu.reduction_kind<sum>} : vector<16xi1> -> vector<16xi32>
        %add3A_598 = arith.addi %add3A_589, %all_reduce_population_count3A_597 : vector<16xi32>
        %add3A_599 = arith.constant 32 : i32
        %add3A_600 = arith.addi %mul3A_581, %add3A_599 : i32
        %get3A_601 = arith.constant 4 : i32
        %get3A_602 = arith.index_cast %get3A_601 : i32 to index
        %get3A_603 = arith.index_cast %add3A_600 : i32 to index
        %get3A_604 = tpu.vector_load %arg6[%get3A_602, %get3A_603] {strides = array<i32>} : memref<8x4096xi32, #tpu.memory_space<vmem>>, vector<16xi32>,
        %ge3A_605 = arith.cmpi uge, %get3A_604, %broadcast_in_dim3A_563 : vector<16xi32>
        %all_reduce_population_count3A_606 = tpu.all_reduce %ge3A_605 {dim = 0 : i64, kind = #tpu.reduction_kind<sum>} : vector<16xi1> -> vector<16xi32>
        %add3A_607 = arith.addi %add3A_598, %all_reduce_population_count3A_606 : vector<16xi32>
        %add3A_608 = arith.constant 48 : i32
        %add3A_609 = arith.addi %mul3A_581, %add3A_608 : i32
        %get3A_610 = arith.constant 4 : i32
        %get3A_611 = arith.index_cast %get3A_610 : i32 to index
        %get3A_612 = arith.index_cast %add3A_609 : i32 to index
        %get3A_613 = tpu.vector_load %arg6[%get3A_611, %get3A_612] {strides = array<i32>} : memref<8x4096xi32, #tpu.memory_space<vmem>>, vector<16xi32>,
        %ge3A_614 = arith.cmpi uge, %get3A_613, %broadcast_in_dim3A_563 : vector<16xi32>
        %all_reduce_population_count3A_615 = tpu.all_reduce %ge3A_614 {dim = 0 : i64, kind = #tpu.reduction_kind<sum>} : vector<16xi1> -> vector<16xi32>
        %add3A_616 = arith.addi %add3A_607, %all_reduce_population_count3A_615 : vector<16xi32>
        %add3A_617 = arith.constant 64 : i32
        %add3A_618 = arith.addi %mul3A_581, %add3A_617 : i32
        %get3A_619 = arith.constant 4 : i32
        %get3A_620 = arith.index_cast %get3A_619 : i32 to index
        %get3A_621 = arith.index_cast %add3A_618 : i32 to index
        %get3A_622 = tpu.vector_load %arg6[%get3A_620, %get3A_621] {strides = array<i32>} : memref<8x4096xi32, #tpu.memory_space<vmem>>, vector<16xi32>,
        %ge3A_623 = arith.cmpi uge, %get3A_622, %broadcast_in_dim3A_563 : vector<16xi32>
        %all_reduce_population_count3A_624 = tpu.all_reduce %ge3A_623 {dim = 0 : i64, kind = #tpu.reduction_kind<sum>} : vector<16xi1> -> vector<16xi32>
        %add3A_625 = arith.addi %add3A_616, %all_reduce_population_count3A_624 : vector<16xi32>
        %add3A_626 = arith.constant 80 : i32
        %add3A_627 = arith.addi %mul3A_581, %add3A_626 : i32
        %get3A_628 = arith.constant 4 : i32
        %get3A_629 = arith.index_cast %get3A_628 : i32 to index
        %get3A_630 = arith.index_cast %add3A_627 : i32 to index
        %get3A_631 = tpu.vector_load %arg6[%get3A_629, %get3A_630] {strides = array<i32>} : memref<8x4096xi32, #tpu.memory_space<vmem>>, vector<16xi32>,
        %ge3A_632 = arith.cmpi uge, %get3A_631, %broadcast_in_dim3A_563 : vector<16xi32>
        %all_reduce_population_count3A_633 = tpu.all_reduce %ge3A_632 {dim = 0 : i64, kind = #tpu.reduction_kind<sum>} : vector<16xi1> -> vector<16xi32>
        %add3A_634 = arith.addi %add3A_625, %all_reduce_population_count3A_633 : vector<16xi32>
        %add3A_635 = arith.constant 96 : i32
        %add3A_636 = arith.addi %mul3A_581, %add3A_635 : i32
        %get3A_637 = arith.constant 4 : i32
        %get3A_638 = arith.index_cast %get3A_637 : i32 to index
        %get3A_639 = arith.index_cast %add3A_636 : i32 to index
        %get3A_640 = tpu.vector_load %arg6[%get3A_638, %get3A_639] {strides = array<i32>} : memref<8x4096xi32, #tpu.memory_space<vmem>>, vector<16xi32>,
        %ge3A_641 = arith.cmpi uge, %get3A_640, %broadcast_in_dim3A_563 : vector<16xi32>
        %all_reduce_population_count3A_642 = tpu.all_reduce %ge3A_641 {dim = 0 : i64, kind = #tpu.reduction_kind<sum>} : vector<16xi1> -> vector<16xi32>
        %add3A_643 = arith.addi %add3A_634, %all_reduce_population_count3A_642 : vector<16xi32>
        %add3A_644 = arith.constant 112 : i32
        %add3A_645 = arith.addi %mul3A_581, %add3A_644 : i32
        %get3A_646 = arith.constant 4 : i32
        %get3A_647 = arith.index_cast %get3A_646 : i32 to index
        %get3A_648 = arith.index_cast %add3A_645 : i32 to index
        %get3A_649 = tpu.vector_load %arg6[%get3A_647, %get3A_648] {strides = array<i32>} : memref<8x4096xi32, #tpu.memory_space<vmem>>, vector<16xi32>,
        %ge3A_650 = arith.cmpi uge, %get3A_649, %broadcast_in_dim3A_563 : vector<16xi32>
        %all_reduce_population_count3A_651 = tpu.all_reduce %ge3A_650 {dim = 0 : i64, kind = #tpu.reduction_kind<sum>} : vector<16xi1> -> vector<16xi32>
        %add3A_652 = arith.addi %add3A_643, %all_reduce_population_count3A_651 : vector<16xi32>
        scf.yield %add3A_652 : vector<16xi32>
      }
      %scan3A_571 = arith.constant 32 : i32
      %slice3A_572 = vector.extract_strided_slice %scan3A_570 {offsets = [0], sizes = [1], strides = [1]} : vector<16xi32> to vector<1xi32>
      %squeeze3A_573 = vector.extract %slice3A_572[0] : i32 from vector<1xi32>
      %ge3A = arith.cmpi sge, %squeeze3A_573, %squeeze3A_491 : i32
      %select_n3A_574 = arith.select %ge3A, %add3A_562, %scan3A_557 : i32
      %sub3A_575 = arith.constant 1 : i32
      %sub3A_576 = arith.subi %add3A_562, %sub3A_575 : i32
      %select_n3A_577 = arith.select %ge3A, %scan3A_558, %sub3A_576 : i32
      scf.yield %select_n3A_574, %select_n3A_577 : i32, i32
    }
    %scan3A_499 = arith.constant 32 : i32
    %iota3A_500 = tpu.iota {dimensions = array<i32: 0>} : vector<16xi32>
    %eq3A_501 = arith.constant 12 : i32
    %eq3A_502 = vector.broadcast %eq3A_501 : i32 to vector<16xi32>
    %eq3A_503 = arith.cmpi eq, %iota3A_500, %eq3A_502 : vector<16xi32>
    %broadcast_in_dim3A_504 = vector.broadcast %scan3A_498#0 : i32 to vector<16xi32>
    %select_n3A_505 = arith.select %eq3A_503, %broadcast_in_dim3A_504, %select_n3A_489 : vector<16xi1>, vector<16xi32>
    %slice3A_506 = vector.extract_strided_slice %get3A_281 {offsets = [13], sizes = [1], strides = [1]} : vector<16xi32> to vector<1xi32>
    %squeeze3A_507 = vector.extract %slice3A_506[0] : i32 from vector<1xi32>
    %scan3A_508 = arith.constant 0 : i32
    %scan3A_509 = arith.constant -8388608 : i32
    %scan3A_510 = arith.constant 0 : i32
    %scan3A_511 = arith.constant 32 : i32
    %scan3A_512 = arith.addi %scan3A_510, %scan3A_511 : i32
    %scan3A_513 = arith.constant 1 : i32
    %scan3A_514:2 = scf.for %scan3A_556 = %scan3A_510 to %scan3A_512 step %scan3A_513 iter_args(%scan3A_557 = %scan3A_508, %scan3A_558 = %scan3A_509) -> (i32, i32)  : i32 {
      %sub3A = arith.subi %scan3A_558, %scan3A_557 : i32
      %add3A_559 = arith.constant 1 : i32
      %add3A_560 = arith.addi %sub3A, %add3A_559 : i32
      %shift_right_logical3A = arith.constant 1 : i32
      %shift_right_logical3A_561 = arith.shrui %add3A_560, %shift_right_logical3A : i32
      %add3A_562 = arith.addi %scan3A_557, %shift_right_logical3A_561 : i32
      %broadcast_in_dim3A_563 = vector.broadcast %add3A_562 : i32 to vector<16xi32>
      %broadcast_in_dim3A_564 = arith.constant 0 : i32
      %broadcast_in_dim3A_565 = vector.broadcast %broadcast_in_dim3A_564 : i32 to vector<16xi32>
      %scan3A_566 = arith.constant 0 : i32
      %scan3A_567 = arith.constant 32 : i32
      %scan3A_568 = arith.addi %scan3A_566, %scan3A_567 : i32
      %scan3A_569 = arith.constant 1 : i32
      %scan3A_570 = scf.for %scan3A_578 = %scan3A_566 to %scan3A_568 step %scan3A_569 iter_args(%scan3A_579 = %broadcast_in_dim3A_565) -> (vector<16xi32>)  : i32 {
        %mul3A_580 = arith.constant 128 : i32
        %mul3A_581 = arith.muli %scan3A_578, %mul3A_580 : i32
        %add3A_582 = arith.constant 0 : i32
        %add3A_583 = arith.addi %mul3A_581, %add3A_582 : i32
        %get3A_584 = arith.constant 5 : i32
        %get3A_585 = arith.index_cast %get3A_584 : i32 to index
        %get3A_586 = arith.index_cast %add3A_583 : i32 to index
        %get3A_587 = tpu.vector_load %arg6[%get3A_585, %get3A_586] {strides = array<i32>} : memref<8x4096xi32, #tpu.memory_space<vmem>>, vector<16xi32>,
        %ge3A_588 = arith.cmpi uge, %get3A_587, %broadcast_in_dim3A_563 : vector<16xi32>
        %all_reduce_population_count3A = tpu.all_reduce %ge3A_588 {dim = 0 : i64, kind = #tpu.reduction_kind<sum>} : vector<16xi1> -> vector<16xi32>
        %add3A_589 = arith.addi %scan3A_579, %all_reduce_population_count3A : vector<16xi32>
        %add3A_590 = arith.constant 16 : i32
        %add3A_591 = arith.addi %mul3A_581, %add3A_590 : i32
        %get3A_592 = arith.constant 5 : i32
        %get3A_593 = arith.index_cast %get3A_592 : i32 to index
        %get3A_594 = arith.index_cast %add3A_591 : i32 to index
        %get3A_595 = tpu.vector_load %arg6[%get3A_593, %get3A_594] {strides = array<i32>} : memref<8x4096xi32, #tpu.memory_space<vmem>>, vector<16xi32>,
        %ge3A_596 = arith.cmpi uge, %get3A_595, %broadcast_in_dim3A_563 : vector<16xi32>
        %all_reduce_population_count3A_597 = tpu.all_reduce %ge3A_596 {dim = 0 : i64, kind = #tpu.reduction_kind<sum>} : vector<16xi1> -> vector<16xi32>
        %add3A_598 = arith.addi %add3A_589, %all_reduce_population_count3A_597 : vector<16xi32>
        %add3A_599 = arith.constant 32 : i32
        %add3A_600 = arith.addi %mul3A_581, %add3A_599 : i32
        %get3A_601 = arith.constant 5 : i32
        %get3A_602 = arith.index_cast %get3A_601 : i32 to index
        %get3A_603 = arith.index_cast %add3A_600 : i32 to index
        %get3A_604 = tpu.vector_load %arg6[%get3A_602, %get3A_603] {strides = array<i32>} : memref<8x4096xi32, #tpu.memory_space<vmem>>, vector<16xi32>,
        %ge3A_605 = arith.cmpi uge, %get3A_604, %broadcast_in_dim3A_563 : vector<16xi32>
        %all_reduce_population_count3A_606 = tpu.all_reduce %ge3A_605 {dim = 0 : i64, kind = #tpu.reduction_kind<sum>} : vector<16xi1> -> vector<16xi32>
        %add3A_607 = arith.addi %add3A_598, %all_reduce_population_count3A_606 : vector<16xi32>
        %add3A_608 = arith.constant 48 : i32
        %add3A_609 = arith.addi %mul3A_581, %add3A_608 : i32
        %get3A_610 = arith.constant 5 : i32
        %get3A_611 = arith.index_cast %get3A_610 : i32 to index
        %get3A_612 = arith.index_cast %add3A_609 : i32 to index
        %get3A_613 = tpu.vector_load %arg6[%get3A_611, %get3A_612] {strides = array<i32>} : memref<8x4096xi32, #tpu.memory_space<vmem>>, vector<16xi32>,
        %ge3A_614 = arith.cmpi uge, %get3A_613, %broadcast_in_dim3A_563 : vector<16xi32>
        %all_reduce_population_count3A_615 = tpu.all_reduce %ge3A_614 {dim = 0 : i64, kind = #tpu.reduction_kind<sum>} : vector<16xi1> -> vector<16xi32>
        %add3A_616 = arith.addi %add3A_607, %all_reduce_population_count3A_615 : vector<16xi32>
        %add3A_617 = arith.constant 64 : i32
        %add3A_618 = arith.addi %mul3A_581, %add3A_617 : i32
        %get3A_619 = arith.constant 5 : i32
        %get3A_620 = arith.index_cast %get3A_619 : i32 to index
        %get3A_621 = arith.index_cast %add3A_618 : i32 to index
        %get3A_622 = tpu.vector_load %arg6[%get3A_620, %get3A_621] {strides = array<i32>} : memref<8x4096xi32, #tpu.memory_space<vmem>>, vector<16xi32>,
        %ge3A_623 = arith.cmpi uge, %get3A_622, %broadcast_in_dim3A_563 : vector<16xi32>
        %all_reduce_population_count3A_624 = tpu.all_reduce %ge3A_623 {dim = 0 : i64, kind = #tpu.reduction_kind<sum>} : vector<16xi1> -> vector<16xi32>
        %add3A_625 = arith.addi %add3A_616, %all_reduce_population_count3A_624 : vector<16xi32>
        %add3A_626 = arith.constant 80 : i32
        %add3A_627 = arith.addi %mul3A_581, %add3A_626 : i32
        %get3A_628 = arith.constant 5 : i32
        %get3A_629 = arith.index_cast %get3A_628 : i32 to index
        %get3A_630 = arith.index_cast %add3A_627 : i32 to index
        %get3A_631 = tpu.vector_load %arg6[%get3A_629, %get3A_630] {strides = array<i32>} : memref<8x4096xi32, #tpu.memory_space<vmem>>, vector<16xi32>,
        %ge3A_632 = arith.cmpi uge, %get3A_631, %broadcast_in_dim3A_563 : vector<16xi32>
        %all_reduce_population_count3A_633 = tpu.all_reduce %ge3A_632 {dim = 0 : i64, kind = #tpu.reduction_kind<sum>} : vector<16xi1> -> vector<16xi32>
        %add3A_634 = arith.addi %add3A_625, %all_reduce_population_count3A_633 : vector<16xi32>
        %add3A_635 = arith.constant 96 : i32
        %add3A_636 = arith.addi %mul3A_581, %add3A_635 : i32
        %get3A_637 = arith.constant 5 : i32
        %get3A_638 = arith.index_cast %get3A_637 : i32 to index
        %get3A_639 = arith.index_cast %add3A_636 : i32 to index
        %get3A_640 = tpu.vector_load %arg6[%get3A_638, %get3A_639] {strides = array<i32>} : memref<8x4096xi32, #tpu.memory_space<vmem>>, vector<16xi32>,
        %ge3A_641 = arith.cmpi uge, %get3A_640, %broadcast_in_dim3A_563 : vector<16xi32>
        %all_reduce_population_count3A_642 = tpu.all_reduce %ge3A_641 {dim = 0 : i64, kind = #tpu.reduction_kind<sum>} : vector<16xi1> -> vector<16xi32>
        %add3A_643 = arith.addi %add3A_634, %all_reduce_population_count3A_642 : vector<16xi32>
        %add3A_644 = arith.constant 112 : i32
        %add3A_645 = arith.addi %mul3A_581, %add3A_644 : i32
        %get3A_646 = arith.constant 5 : i32
        %get3A_647 = arith.index_cast %get3A_646 : i32 to index
        %get3A_648 = arith.index_cast %add3A_645 : i32 to index
        %get3A_649 = tpu.vector_load %arg6[%get3A_647, %get3A_648] {strides = array<i32>} : memref<8x4096xi32, #tpu.memory_space<vmem>>, vector<16xi32>,
        %ge3A_650 = arith.cmpi uge, %get3A_649, %broadcast_in_dim3A_563 : vector<16xi32>
        %all_reduce_population_count3A_651 = tpu.all_reduce %ge3A_650 {dim = 0 : i64, kind = #tpu.reduction_kind<sum>} : vector<16xi1> -> vector<16xi32>
        %add3A_652 = arith.addi %add3A_643, %all_reduce_population_count3A_651 : vector<16xi32>
        scf.yield %add3A_652 : vector<16xi32>
      }
      %scan3A_571 = arith.constant 32 : i32
      %slice3A_572 = vector.extract_strided_slice %scan3A_570 {offsets = [0], sizes = [1], strides = [1]} : vector<16xi32> to vector<1xi32>
      %squeeze3A_573 = vector.extract %slice3A_572[0] : i32 from vector<1xi32>
      %ge3A = arith.cmpi sge, %squeeze3A_573, %squeeze3A_507 : i32
      %select_n3A_574 = arith.select %ge3A, %add3A_562, %scan3A_557 : i32
      %sub3A_575 = arith.constant 1 : i32
      %sub3A_576 = arith.subi %add3A_562, %sub3A_575 : i32
      %select_n3A_577 = arith.select %ge3A, %scan3A_558, %sub3A_576 : i32
      scf.yield %select_n3A_574, %select_n3A_577 : i32, i32
    }
    %scan3A_515 = arith.constant 32 : i32
    %iota3A_516 = tpu.iota {dimensions = array<i32: 0>} : vector<16xi32>
    %eq3A_517 = arith.constant 13 : i32
    %eq3A_518 = vector.broadcast %eq3A_517 : i32 to vector<16xi32>
    %eq3A_519 = arith.cmpi eq, %iota3A_516, %eq3A_518 : vector<16xi32>
    %broadcast_in_dim3A_520 = vector.broadcast %scan3A_514#0 : i32 to vector<16xi32>
    %select_n3A_521 = arith.select %eq3A_519, %broadcast_in_dim3A_520, %select_n3A_505 : vector<16xi1>, vector<16xi32>
    %slice3A_522 = vector.extract_strided_slice %get3A_281 {offsets = [14], sizes = [1], strides = [1]} : vector<16xi32> to vector<1xi32>
    %squeeze3A_523 = vector.extract %slice3A_522[0] : i32 from vector<1xi32>
    %scan3A_524 = arith.constant 0 : i32
    %scan3A_525 = arith.constant -8388608 : i32
    %scan3A_526 = arith.constant 0 : i32
    %scan3A_527 = arith.constant 32 : i32
    %scan3A_528 = arith.addi %scan3A_526, %scan3A_527 : i32
    %scan3A_529 = arith.constant 1 : i32
    %scan3A_530:2 = scf.for %scan3A_556 = %scan3A_526 to %scan3A_528 step %scan3A_529 iter_args(%scan3A_557 = %scan3A_524, %scan3A_558 = %scan3A_525) -> (i32, i32)  : i32 {
      %sub3A = arith.subi %scan3A_558, %scan3A_557 : i32
      %add3A_559 = arith.constant 1 : i32
      %add3A_560 = arith.addi %sub3A, %add3A_559 : i32
      %shift_right_logical3A = arith.constant 1 : i32
      %shift_right_logical3A_561 = arith.shrui %add3A_560, %shift_right_logical3A : i32
      %add3A_562 = arith.addi %scan3A_557, %shift_right_logical3A_561 : i32
      %broadcast_in_dim3A_563 = vector.broadcast %add3A_562 : i32 to vector<16xi32>
      %broadcast_in_dim3A_564 = arith.constant 0 : i32
      %broadcast_in_dim3A_565 = vector.broadcast %broadcast_in_dim3A_564 : i32 to vector<16xi32>
      %scan3A_566 = arith.constant 0 : i32
      %scan3A_567 = arith.constant 32 : i32
      %scan3A_568 = arith.addi %scan3A_566, %scan3A_567 : i32
      %scan3A_569 = arith.constant 1 : i32
      %scan3A_570 = scf.for %scan3A_578 = %scan3A_566 to %scan3A_568 step %scan3A_569 iter_args(%scan3A_579 = %broadcast_in_dim3A_565) -> (vector<16xi32>)  : i32 {
        %mul3A_580 = arith.constant 128 : i32
        %mul3A_581 = arith.muli %scan3A_578, %mul3A_580 : i32
        %add3A_582 = arith.constant 0 : i32
        %add3A_583 = arith.addi %mul3A_581, %add3A_582 : i32
        %get3A_584 = arith.constant 6 : i32
        %get3A_585 = arith.index_cast %get3A_584 : i32 to index
        %get3A_586 = arith.index_cast %add3A_583 : i32 to index
        %get3A_587 = tpu.vector_load %arg6[%get3A_585, %get3A_586] {strides = array<i32>} : memref<8x4096xi32, #tpu.memory_space<vmem>>, vector<16xi32>,
        %ge3A_588 = arith.cmpi uge, %get3A_587, %broadcast_in_dim3A_563 : vector<16xi32>
        %all_reduce_population_count3A = tpu.all_reduce %ge3A_588 {dim = 0 : i64, kind = #tpu.reduction_kind<sum>} : vector<16xi1> -> vector<16xi32>
        %add3A_589 = arith.addi %scan3A_579, %all_reduce_population_count3A : vector<16xi32>
        %add3A_590 = arith.constant 16 : i32
        %add3A_591 = arith.addi %mul3A_581, %add3A_590 : i32
        %get3A_592 = arith.constant 6 : i32
        %get3A_593 = arith.index_cast %get3A_592 : i32 to index
        %get3A_594 = arith.index_cast %add3A_591 : i32 to index
        %get3A_595 = tpu.vector_load %arg6[%get3A_593, %get3A_594] {strides = array<i32>} : memref<8x4096xi32, #tpu.memory_space<vmem>>, vector<16xi32>,
        %ge3A_596 = arith.cmpi uge, %get3A_595, %broadcast_in_dim3A_563 : vector<16xi32>
        %all_reduce_population_count3A_597 = tpu.all_reduce %ge3A_596 {dim = 0 : i64, kind = #tpu.reduction_kind<sum>} : vector<16xi1> -> vector<16xi32>
        %add3A_598 = arith.addi %add3A_589, %all_reduce_population_count3A_597 : vector<16xi32>
        %add3A_599 = arith.constant 32 : i32
        %add3A_600 = arith.addi %mul3A_581, %add3A_599 : i32
        %get3A_601 = arith.constant 6 : i32
        %get3A_602 = arith.index_cast %get3A_601 : i32 to index
        %get3A_603 = arith.index_cast %add3A_600 : i32 to index
        %get3A_604 = tpu.vector_load %arg6[%get3A_602, %get3A_603] {strides = array<i32>} : memref<8x4096xi32, #tpu.memory_space<vmem>>, vector<16xi32>,
        %ge3A_605 = arith.cmpi uge, %get3A_604, %broadcast_in_dim3A_563 : vector<16xi32>
        %all_reduce_population_count3A_606 = tpu.all_reduce %ge3A_605 {dim = 0 : i64, kind = #tpu.reduction_kind<sum>} : vector<16xi1> -> vector<16xi32>
        %add3A_607 = arith.addi %add3A_598, %all_reduce_population_count3A_606 : vector<16xi32>
        %add3A_608 = arith.constant 48 : i32
        %add3A_609 = arith.addi %mul3A_581, %add3A_608 : i32
        %get3A_610 = arith.constant 6 : i32
        %get3A_611 = arith.index_cast %get3A_610 : i32 to index
        %get3A_612 = arith.index_cast %add3A_609 : i32 to index
        %get3A_613 = tpu.vector_load %arg6[%get3A_611, %get3A_612] {strides = array<i32>} : memref<8x4096xi32, #tpu.memory_space<vmem>>, vector<16xi32>,
        %ge3A_614 = arith.cmpi uge, %get3A_613, %broadcast_in_dim3A_563 : vector<16xi32>
        %all_reduce_population_count3A_615 = tpu.all_reduce %ge3A_614 {dim = 0 : i64, kind = #tpu.reduction_kind<sum>} : vector<16xi1> -> vector<16xi32>
        %add3A_616 = arith.addi %add3A_607, %all_reduce_population_count3A_615 : vector<16xi32>
        %add3A_617 = arith.constant 64 : i32
        %add3A_618 = arith.addi %mul3A_581, %add3A_617 : i32
        %get3A_619 = arith.constant 6 : i32
        %get3A_620 = arith.index_cast %get3A_619 : i32 to index
        %get3A_621 = arith.index_cast %add3A_618 : i32 to index
        %get3A_622 = tpu.vector_load %arg6[%get3A_620, %get3A_621] {strides = array<i32>} : memref<8x4096xi32, #tpu.memory_space<vmem>>, vector<16xi32>,
        %ge3A_623 = arith.cmpi uge, %get3A_622, %broadcast_in_dim3A_563 : vector<16xi32>
        %all_reduce_population_count3A_624 = tpu.all_reduce %ge3A_623 {dim = 0 : i64, kind = #tpu.reduction_kind<sum>} : vector<16xi1> -> vector<16xi32>
        %add3A_625 = arith.addi %add3A_616, %all_reduce_population_count3A_624 : vector<16xi32>
        %add3A_626 = arith.constant 80 : i32
        %add3A_627 = arith.addi %mul3A_581, %add3A_626 : i32
        %get3A_628 = arith.constant 6 : i32
        %get3A_629 = arith.index_cast %get3A_628 : i32 to index
        %get3A_630 = arith.index_cast %add3A_627 : i32 to index
        %get3A_631 = tpu.vector_load %arg6[%get3A_629, %get3A_630] {strides = array<i32>} : memref<8x4096xi32, #tpu.memory_space<vmem>>, vector<16xi32>,
        %ge3A_632 = arith.cmpi uge, %get3A_631, %broadcast_in_dim3A_563 : vector<16xi32>
        %all_reduce_population_count3A_633 = tpu.all_reduce %ge3A_632 {dim = 0 : i64, kind = #tpu.reduction_kind<sum>} : vector<16xi1> -> vector<16xi32>
        %add3A_634 = arith.addi %add3A_625, %all_reduce_population_count3A_633 : vector<16xi32>
        %add3A_635 = arith.constant 96 : i32
        %add3A_636 = arith.addi %mul3A_581, %add3A_635 : i32
        %get3A_637 = arith.constant 6 : i32
        %get3A_638 = arith.index_cast %get3A_637 : i32 to index
        %get3A_639 = arith.index_cast %add3A_636 : i32 to index
        %get3A_640 = tpu.vector_load %arg6[%get3A_638, %get3A_639] {strides = array<i32>} : memref<8x4096xi32, #tpu.memory_space<vmem>>, vector<16xi32>,
        %ge3A_641 = arith.cmpi uge, %get3A_640, %broadcast_in_dim3A_563 : vector<16xi32>
        %all_reduce_population_count3A_642 = tpu.all_reduce %ge3A_641 {dim = 0 : i64, kind = #tpu.reduction_kind<sum>} : vector<16xi1> -> vector<16xi32>
        %add3A_643 = arith.addi %add3A_634, %all_reduce_population_count3A_642 : vector<16xi32>
        %add3A_644 = arith.constant 112 : i32
        %add3A_645 = arith.addi %mul3A_581, %add3A_644 : i32
        %get3A_646 = arith.constant 6 : i32
        %get3A_647 = arith.index_cast %get3A_646 : i32 to index
        %get3A_648 = arith.index_cast %add3A_645 : i32 to index
        %get3A_649 = tpu.vector_load %arg6[%get3A_647, %get3A_648] {strides = array<i32>} : memref<8x4096xi32, #tpu.memory_space<vmem>>, vector<16xi32>,
        %ge3A_650 = arith.cmpi uge, %get3A_649, %broadcast_in_dim3A_563 : vector<16xi32>
        %all_reduce_population_count3A_651 = tpu.all_reduce %ge3A_650 {dim = 0 : i64, kind = #tpu.reduction_kind<sum>} : vector<16xi1> -> vector<16xi32>
        %add3A_652 = arith.addi %add3A_643, %all_reduce_population_count3A_651 : vector<16xi32>
        scf.yield %add3A_652 : vector<16xi32>
      }
      %scan3A_571 = arith.constant 32 : i32
      %slice3A_572 = vector.extract_strided_slice %scan3A_570 {offsets = [0], sizes = [1], strides = [1]} : vector<16xi32> to vector<1xi32>
      %squeeze3A_573 = vector.extract %slice3A_572[0] : i32 from vector<1xi32>
      %ge3A = arith.cmpi sge, %squeeze3A_573, %squeeze3A_523 : i32
      %select_n3A_574 = arith.select %ge3A, %add3A_562, %scan3A_557 : i32
      %sub3A_575 = arith.constant 1 : i32
      %sub3A_576 = arith.subi %add3A_562, %sub3A_575 : i32
      %select_n3A_577 = arith.select %ge3A, %scan3A_558, %sub3A_576 : i32
      scf.yield %select_n3A_574, %select_n3A_577 : i32, i32
    }
    %scan3A_531 = arith.constant 32 : i32
    %iota3A_532 = tpu.iota {dimensions = array<i32: 0>} : vector<16xi32>
    %eq3A_533 = arith.constant 14 : i32
    %eq3A_534 = vector.broadcast %eq3A_533 : i32 to vector<16xi32>
    %eq3A_535 = arith.cmpi eq, %iota3A_532, %eq3A_534 : vector<16xi32>
    %broadcast_in_dim3A_536 = vector.broadcast %scan3A_530#0 : i32 to vector<16xi32>
    %select_n3A_537 = arith.select %eq3A_535, %broadcast_in_dim3A_536, %select_n3A_521 : vector<16xi1>, vector<16xi32>
    %slice3A_538 = vector.extract_strided_slice %get3A_281 {offsets = [15], sizes = [1], strides = [1]} : vector<16xi32> to vector<1xi32>
    %squeeze3A_539 = vector.extract %slice3A_538[0] : i32 from vector<1xi32>
    %scan3A_540 = arith.constant 0 : i32
    %scan3A_541 = arith.constant -8388608 : i32
    %scan3A_542 = arith.constant 0 : i32
    %scan3A_543 = arith.constant 32 : i32
    %scan3A_544 = arith.addi %scan3A_542, %scan3A_543 : i32
    %scan3A_545 = arith.constant 1 : i32
    %scan3A_546:2 = scf.for %scan3A_556 = %scan3A_542 to %scan3A_544 step %scan3A_545 iter_args(%scan3A_557 = %scan3A_540, %scan3A_558 = %scan3A_541) -> (i32, i32)  : i32 {
      %sub3A = arith.subi %scan3A_558, %scan3A_557 : i32
      %add3A_559 = arith.constant 1 : i32
      %add3A_560 = arith.addi %sub3A, %add3A_559 : i32
      %shift_right_logical3A = arith.constant 1 : i32
      %shift_right_logical3A_561 = arith.shrui %add3A_560, %shift_right_logical3A : i32
      %add3A_562 = arith.addi %scan3A_557, %shift_right_logical3A_561 : i32
      %broadcast_in_dim3A_563 = vector.broadcast %add3A_562 : i32 to vector<16xi32>
      %broadcast_in_dim3A_564 = arith.constant 0 : i32
      %broadcast_in_dim3A_565 = vector.broadcast %broadcast_in_dim3A_564 : i32 to vector<16xi32>
      %scan3A_566 = arith.constant 0 : i32
      %scan3A_567 = arith.constant 32 : i32
      %scan3A_568 = arith.addi %scan3A_566, %scan3A_567 : i32
      %scan3A_569 = arith.constant 1 : i32
      %scan3A_570 = scf.for %scan3A_578 = %scan3A_566 to %scan3A_568 step %scan3A_569 iter_args(%scan3A_579 = %broadcast_in_dim3A_565) -> (vector<16xi32>)  : i32 {
        %mul3A_580 = arith.constant 128 : i32
        %mul3A_581 = arith.muli %scan3A_578, %mul3A_580 : i32
        %add3A_582 = arith.constant 0 : i32
        %add3A_583 = arith.addi %mul3A_581, %add3A_582 : i32
        %get3A_584 = arith.constant 7 : i32
        %get3A_585 = arith.index_cast %get3A_584 : i32 to index
        %get3A_586 = arith.index_cast %add3A_583 : i32 to index
        %get3A_587 = tpu.vector_load %arg6[%get3A_585, %get3A_586] {strides = array<i32>} : memref<8x4096xi32, #tpu.memory_space<vmem>>, vector<16xi32>,
        %ge3A_588 = arith.cmpi uge, %get3A_587, %broadcast_in_dim3A_563 : vector<16xi32>
        %all_reduce_population_count3A = tpu.all_reduce %ge3A_588 {dim = 0 : i64, kind = #tpu.reduction_kind<sum>} : vector<16xi1> -> vector<16xi32>
        %add3A_589 = arith.addi %scan3A_579, %all_reduce_population_count3A : vector<16xi32>
        %add3A_590 = arith.constant 16 : i32
        %add3A_591 = arith.addi %mul3A_581, %add3A_590 : i32
        %get3A_592 = arith.constant 7 : i32
        %get3A_593 = arith.index_cast %get3A_592 : i32 to index
        %get3A_594 = arith.index_cast %add3A_591 : i32 to index
        %get3A_595 = tpu.vector_load %arg6[%get3A_593, %get3A_594] {strides = array<i32>} : memref<8x4096xi32, #tpu.memory_space<vmem>>, vector<16xi32>,
        %ge3A_596 = arith.cmpi uge, %get3A_595, %broadcast_in_dim3A_563 : vector<16xi32>
        %all_reduce_population_count3A_597 = tpu.all_reduce %ge3A_596 {dim = 0 : i64, kind = #tpu.reduction_kind<sum>} : vector<16xi1> -> vector<16xi32>
        %add3A_598 = arith.addi %add3A_589, %all_reduce_population_count3A_597 : vector<16xi32>
        %add3A_599 = arith.constant 32 : i32
        %add3A_600 = arith.addi %mul3A_581, %add3A_599 : i32
        %get3A_601 = arith.constant 7 : i32
        %get3A_602 = arith.index_cast %get3A_601 : i32 to index
        %get3A_603 = arith.index_cast %add3A_600 : i32 to index
        %get3A_604 = tpu.vector_load %arg6[%get3A_602, %get3A_603] {strides = array<i32>} : memref<8x4096xi32, #tpu.memory_space<vmem>>, vector<16xi32>,
        %ge3A_605 = arith.cmpi uge, %get3A_604, %broadcast_in_dim3A_563 : vector<16xi32>
        %all_reduce_population_count3A_606 = tpu.all_reduce %ge3A_605 {dim = 0 : i64, kind = #tpu.reduction_kind<sum>} : vector<16xi1> -> vector<16xi32>
        %add3A_607 = arith.addi %add3A_598, %all_reduce_population_count3A_606 : vector<16xi32>
        %add3A_608 = arith.constant 48 : i32
        %add3A_609 = arith.addi %mul3A_581, %add3A_608 : i32
        %get3A_610 = arith.constant 7 : i32
        %get3A_611 = arith.index_cast %get3A_610 : i32 to index
        %get3A_612 = arith.index_cast %add3A_609 : i32 to index
        %get3A_613 = tpu.vector_load %arg6[%get3A_611, %get3A_612] {strides = array<i32>} : memref<8x4096xi32, #tpu.memory_space<vmem>>, vector<16xi32>,
        %ge3A_614 = arith.cmpi uge, %get3A_613, %broadcast_in_dim3A_563 : vector<16xi32>
        %all_reduce_population_count3A_615 = tpu.all_reduce %ge3A_614 {dim = 0 : i64, kind = #tpu.reduction_kind<sum>} : vector<16xi1> -> vector<16xi32>
        %add3A_616 = arith.addi %add3A_607, %all_reduce_population_count3A_615 : vector<16xi32>
        %add3A_617 = arith.constant 64 : i32
        %add3A_618 = arith.addi %mul3A_581, %add3A_617 : i32
        %get3A_619 = arith.constant 7 : i32
        %get3A_620 = arith.index_cast %get3A_619 : i32 to index
        %get3A_621 = arith.index_cast %add3A_618 : i32 to index
        %get3A_622 = tpu.vector_load %arg6[%get3A_620, %get3A_621] {strides = array<i32>} : memref<8x4096xi32, #tpu.memory_space<vmem>>, vector<16xi32>,
        %ge3A_623 = arith.cmpi uge, %get3A_622, %broadcast_in_dim3A_563 : vector<16xi32>
        %all_reduce_population_count3A_624 = tpu.all_reduce %ge3A_623 {dim = 0 : i64, kind = #tpu.reduction_kind<sum>} : vector<16xi1> -> vector<16xi32>
        %add3A_625 = arith.addi %add3A_616, %all_reduce_population_count3A_624 : vector<16xi32>
        %add3A_626 = arith.constant 80 : i32
        %add3A_627 = arith.addi %mul3A_581, %add3A_626 : i32
        %get3A_628 = arith.constant 7 : i32
        %get3A_629 = arith.index_cast %get3A_628 : i32 to index
        %get3A_630 = arith.index_cast %add3A_627 : i32 to index
        %get3A_631 = tpu.vector_load %arg6[%get3A_629, %get3A_630] {strides = array<i32>} : memref<8x4096xi32, #tpu.memory_space<vmem>>, vector<16xi32>,
        %ge3A_632 = arith.cmpi uge, %get3A_631, %broadcast_in_dim3A_563 : vector<16xi32>
        %all_reduce_population_count3A_633 = tpu.all_reduce %ge3A_632 {dim = 0 : i64, kind = #tpu.reduction_kind<sum>} : vector<16xi1> -> vector<16xi32>
        %add3A_634 = arith.addi %add3A_625, %all_reduce_population_count3A_633 : vector<16xi32>
        %add3A_635 = arith.constant 96 : i32
        %add3A_636 = arith.addi %mul3A_581, %add3A_635 : i32
        %get3A_637 = arith.constant 7 : i32
        %get3A_638 = arith.index_cast %get3A_637 : i32 to index
        %get3A_639 = arith.index_cast %add3A_636 : i32 to index
        %get3A_640 = tpu.vector_load %arg6[%get3A_638, %get3A_639] {strides = array<i32>} : memref<8x4096xi32, #tpu.memory_space<vmem>>, vector<16xi32>,
        %ge3A_641 = arith.cmpi uge, %get3A_640, %broadcast_in_dim3A_563 : vector<16xi32>
        %all_reduce_population_count3A_642 = tpu.all_reduce %ge3A_641 {dim = 0 : i64, kind = #tpu.reduction_kind<sum>} : vector<16xi1> -> vector<16xi32>
        %add3A_643 = arith.addi %add3A_634, %all_reduce_population_count3A_642 : vector<16xi32>
        %add3A_644 = arith.constant 112 : i32
        %add3A_645 = arith.addi %mul3A_581, %add3A_644 : i32
        %get3A_646 = arith.constant 7 : i32
        %get3A_647 = arith.index_cast %get3A_646 : i32 to index
        %get3A_648 = arith.index_cast %add3A_645 : i32 to index
        %get3A_649 = tpu.vector_load %arg6[%get3A_647, %get3A_648] {strides = array<i32>} : memref<8x4096xi32, #tpu.memory_space<vmem>>, vector<16xi32>,
        %ge3A_650 = arith.cmpi uge, %get3A_649, %broadcast_in_dim3A_563 : vector<16xi32>
        %all_reduce_population_count3A_651 = tpu.all_reduce %ge3A_650 {dim = 0 : i64, kind = #tpu.reduction_kind<sum>} : vector<16xi1> -> vector<16xi32>
        %add3A_652 = arith.addi %add3A_643, %all_reduce_population_count3A_651 : vector<16xi32>
        scf.yield %add3A_652 : vector<16xi32>
      }
      %scan3A_571 = arith.constant 32 : i32
      %slice3A_572 = vector.extract_strided_slice %scan3A_570 {offsets = [0], sizes = [1], strides = [1]} : vector<16xi32> to vector<1xi32>
      %squeeze3A_573 = vector.extract %slice3A_572[0] : i32 from vector<1xi32>
      %ge3A = arith.cmpi sge, %squeeze3A_573, %squeeze3A_539 : i32
      %select_n3A_574 = arith.select %ge3A, %add3A_562, %scan3A_557 : i32
      %sub3A_575 = arith.constant 1 : i32
      %sub3A_576 = arith.subi %add3A_562, %sub3A_575 : i32
      %select_n3A_577 = arith.select %ge3A, %scan3A_558, %sub3A_576 : i32
      scf.yield %select_n3A_574, %select_n3A_577 : i32, i32
    }
    %scan3A_547 = arith.constant 32 : i32
    %iota3A_548 = tpu.iota {dimensions = array<i32: 0>} : vector<16xi32>
    %eq3A_549 = arith.constant 15 : i32
    %eq3A_550 = vector.broadcast %eq3A_549 : i32 to vector<16xi32>
    %eq3A_551 = arith.cmpi eq, %iota3A_548, %eq3A_550 : vector<16xi32>
    %broadcast_in_dim3A_552 = vector.broadcast %scan3A_546#0 : i32 to vector<16xi32>
    %select_n3A_553 = arith.select %eq3A_551, %broadcast_in_dim3A_552, %select_n3A_537 : vector<16xi1>, vector<16xi32>
    %swap3A_554 = arith.constant 16 : index
    %swap3A_555 = tpu.vector_load %arg8[%swap3A_554] {strides = array<i32>} : memref<32xi32, #tpu.memory_space<vmem>>, vector<16xi32>,
    tpu.vector_store %arg8[%swap3A_554], %select_n3A_553 {strides = array<i32>} : memref<32xi32, #tpu.memory_space<vmem>>, vector<16xi32>,
    "tpu.region"() ({
      %run_scoped3A = tpu.sem_alloc : memref<!tpu.dma_semaphore, #tpu.memory_space<semaphore_mem>>
      %dma_start3A_556 = tpu.memref_slice %arg4[%mul3A_2] : memref<1024xi32, #tpu.memory_space<hbm>> -> memref<32xi32, #tpu.memory_space<hbm>>
      %dma_start3A_557 = tpu.memref_slice %arg4[%mul3A_2] : memref<1024xi32, #tpu.memory_space<hbm>> -> memref<32xi32, #tpu.memory_space<hbm>>
      tpu.enqueue_dma source(%arg8 : memref<32xi32, #tpu.memory_space<vmem>>) target(%dma_start3A_557 : memref<32xi32, #tpu.memory_space<hbm>>) target_semaphore(%run_scoped3A : memref<!tpu.dma_semaphore, #tpu.memory_space<semaphore_mem>>)
      %dma_wait3A_558 = tpu.memref_slice %arg4[%mul3A_2] : memref<1024xi32, #tpu.memory_space<hbm>> -> memref<32xi32, #tpu.memory_space<hbm>>
      %dma_wait3A_559 = tpu.memref_slice %arg4[%mul3A_2] : memref<1024xi32, #tpu.memory_space<hbm>> -> memref<32xi32, #tpu.memory_space<hbm>>
      tpu.wait_dma2 semaphore(%run_scoped3A : memref<!tpu.dma_semaphore, #tpu.memory_space<semaphore_mem>>) src(%arg8 : memref<32xi32, #tpu.memory_space<vmem>>) dst(%dma_wait3A_559 : memref<32xi32, #tpu.memory_space<hbm>>)
      tpu.yield
    }) : () -> ()
    return
  }
}

module attributes {stable_mosaic.version = 14 : i64} {
  func.func @_stage3_kernel(%arg0: i32, %arg1: memref<4096x128xf32, #tpu.memory_space<vmem>>, %arg2: memref<4096x128xf32, #tpu.memory_space<vmem>>, %arg3: memref<1x1x128xf32, #tpu.memory_space<vmem>>, %arg4: memref<1x1x128xi32, #tpu.memory_space<vmem>>, %arg5: memref<1x1x128xi32, #tpu.memory_space<vmem>>, %arg6: memref<1x1xf32, #tpu.memory_space<smem>>) attributes {dimension_semantics = [#tpu.dimension_semantics<arbitrary>], iteration_bounds = array<i64: 8>, scalar_prefetch = 0 : i64, scratch_operands = 0 : i64, tpu.core_type = #tpu.core_type<tc>, window_params = [{transform_indices = @transform_0, window_bounds = array<i64: 4096, 128>}, {transform_indices = @transform_1, window_bounds = array<i64: 4096, 128>}, {transform_indices = @transform_2, window_bounds = array<i64: 1, 1, 128>}, {transform_indices = @transform_3, window_bounds = array<i64: 1, 1, 128>}, {transform_indices = @transform_4, window_bounds = array<i64: 1, 1, 128>}, {transform_indices = @transform_5, window_bounds = array<i64: 1, 1>}]} {
    %get3A = arith.constant 0 : index
    %get3A_0 = arith.constant 0 : index
    %get3A_1 = vector.load %arg1[%get3A, %get3A_0] : memref<4096x128xf32, #tpu.memory_space<vmem>>, vector<4096x128xf32>
    %get3A_2 = arith.constant 0 : index
    %get3A_3 = arith.constant 0 : index
    %get3A_4 = vector.load %arg2[%get3A_2, %get3A_3] : memref<4096x128xf32, #tpu.memory_space<vmem>>, vector<4096x128xf32>
    %get3A_5 = arith.constant 0 : index
    %get3A_6 = arith.constant 0 : index
    %get3A_7 = arith.constant 0 : index
    %get3A_8 = vector.load %arg3[%get3A_5, %get3A_6, %get3A_7] : memref<1x1x128xf32, #tpu.memory_space<vmem>>, vector<1x1x128xf32>
    %get3A_9 = vector.shape_cast %get3A_8 : vector<1x1x128xf32> to vector<1x128xf32>
    %get3A_10 = arith.constant 0 : index
    %get3A_11 = arith.constant 0 : index
    %get3A_12 = arith.constant 0 : index
    %get3A_13 = vector.load %arg4[%get3A_10, %get3A_11, %get3A_12] : memref<1x1x128xi32, #tpu.memory_space<vmem>>, vector<1x1x128xi32>
    %get3A_14 = vector.shape_cast %get3A_13 : vector<1x1x128xi32> to vector<1x128xi32>
    %get3A_15 = arith.constant 0 : index
    %get3A_16 = arith.constant 0 : index
    %get3A_17 = arith.constant 0 : index
    %get3A_18 = vector.load %arg5[%get3A_15, %get3A_16, %get3A_17] : memref<1x1x128xi32, #tpu.memory_space<vmem>>, vector<1x1x128xi32>
    %get3A_19 = vector.shape_cast %get3A_18 : vector<1x1x128xi32> to vector<1x128xi32>
    %reduce_sum3A = arith.constant dense<0.000000e+00> : vector<128xf32>
    %reduce_sum3A_20 = vector.multi_reduction <add>, %get3A_4, %reduce_sum3A [0] : vector<4096x128xf32> to vector<128xf32>
    %broadcast_in_dim3A = vector.shape_cast %reduce_sum3A_20 : vector<128xf32> to vector<1x128xf32>
    %ge3A = arith.constant 2.048000e+03 : f32
    %ge3A_21 = vector.broadcast %ge3A : f32 to vector<1x128xf32>
    %ge3A_22 = arith.cmpf oge, %broadcast_in_dim3A, %ge3A_21 : vector<1x128xf32>
    %convert_element_type3A = arith.extui %ge3A_22 : vector<1x128xi1> to vector<1x128xi32>
    %convert_element_type3A_23 = arith.sitofp %convert_element_type3A : vector<1x128xi32> to vector<1x128xf32>
    %eq3A = vector.broadcast %convert_element_type3A_23 : vector<1x128xf32> to vector<4096x128xf32>
    %eq3A_24 = arith.cmpf oeq, %get3A_4, %eq3A : vector<4096x128xf32>
    %gt3A = arith.constant 5.000000e-01 : f32
    %gt3A_25 = vector.broadcast %gt3A : f32 to vector<1x128xf32>
    %gt3A_26 = arith.cmpf ogt, %convert_element_type3A_23, %gt3A_25 : vector<1x128xf32>
    %neg3A = arith.constant 0.000000e+00 : f32
    %neg3A_27 = vector.broadcast %neg3A : f32 to vector<4096x128xf32>
    %neg3A_28 = arith.subf %neg3A_27, %get3A_1 : vector<4096x128xf32>
    %broadcast_in_dim3A_29 = vector.shape_cast %gt3A_26 : vector<1x128xi1> to vector<1x128xi1>
    %broadcast_in_dim3A_30 = vector.broadcast %broadcast_in_dim3A_29 : vector<1x128xi1> to vector<4096x128xi1>
    %select_n3A = arith.select %broadcast_in_dim3A_30, %neg3A_28, %get3A_1 : vector<4096x128xi1>, vector<4096x128xf32>
    %bitcast_convert_type3A = tpu.bitcast %select_n3A : vector<4096x128xf32> -> vector<4096x128xi32>
    %shift_right_logical3A = arith.constant 31 : i32
    %shift_right_logical3A_31 = vector.broadcast %shift_right_logical3A : i32 to vector<4096x128xi32>
    %shift_right_logical3A_32 = arith.shrui %bitcast_convert_type3A, %shift_right_logical3A_31 : vector<4096x128xi32>
    %convert_element_type3A_33 = arith.constant 0 : i32
    %convert_element_type3A_34 = vector.broadcast %convert_element_type3A_33 : i32 to vector<4096x128xi32>
    %convert_element_type3A_35 = arith.cmpi ne, %shift_right_logical3A_32, %convert_element_type3A_34 : vector<4096x128xi32>
    %not3A = arith.constant dense<-1> : vector<4096x128xi32>
    %not3A_36 = arith.xori %bitcast_convert_type3A, %not3A : vector<4096x128xi32>
    %or3A = arith.constant -2147483648 : i32
    %or3A_37 = vector.broadcast %or3A : i32 to vector<4096x128xi32>
    %or3A_38 = arith.ori %bitcast_convert_type3A, %or3A_37 : vector<4096x128xi32>
    %select_n3A_39 = arith.select %convert_element_type3A_35, %not3A_36, %or3A_38 : vector<4096x128xi1>, vector<4096x128xi32>
    %jit3A = arith.constant 0 : i32
    %broadcast_in_dim3A_40 = vector.broadcast %jit3A : i32 to vector<4096x128xi32>
    %select_n3A_41 = arith.select %eq3A_24, %select_n3A_39, %broadcast_in_dim3A_40 : vector<4096x128xi1>, vector<4096x128xi32>
    %gt3A_42 = vector.broadcast %get3A_19 : vector<1x128xi32> to vector<4096x128xi32>
    %gt3A_43 = arith.cmpi ugt, %select_n3A_41, %gt3A_42 : vector<4096x128xi32>
    %jit3A_44 = arith.constant 1 : i32
    %jit3A_45 = arith.constant 0 : i32
    %broadcast_in_dim3A_46 = vector.broadcast %jit3A_44 : i32 to vector<4096x128xi32>
    %broadcast_in_dim3A_47 = vector.broadcast %jit3A_45 : i32 to vector<4096x128xi32>
    %select_n3A_48 = arith.select %gt3A_43, %broadcast_in_dim3A_46, %broadcast_in_dim3A_47 : vector<4096x128xi1>, vector<4096x128xi32>
    %reduce_sum3A_49 = arith.constant dense<0> : vector<128xi32>
    %reduce_sum3A_50 = vector.multi_reduction <add>, %select_n3A_48, %reduce_sum3A_49 [0] : vector<4096x128xi32> to vector<128xi32>
    %broadcast_in_dim3A_51 = vector.shape_cast %reduce_sum3A_50 : vector<128xi32> to vector<1x128xi32>
    %max3A = arith.constant 0.000000e+00 : f32
    %max3A_52 = vector.broadcast %max3A : f32 to vector<4096x128xf32>
    %max3A_53 = arith.maximumf %get3A_1, %max3A_52 : vector<4096x128xf32>
    %mul3A = arith.mulf %get3A_1, %get3A_4 : vector<4096x128xf32>
    %sub3A = arith.subf %max3A_53, %mul3A : vector<4096x128xf32>
    %abs3A = math.absf %get3A_1 : vector<4096x128xf32>
    %neg3A_54 = arith.constant 0.000000e+00 : f32
    %neg3A_55 = vector.broadcast %neg3A_54 : f32 to vector<4096x128xf32>
    %neg3A_56 = arith.subf %neg3A_55, %abs3A : vector<4096x128xf32>
    %exp3A = math.exp %neg3A_56 : vector<4096x128xf32>
    %log1p3A = math.log1p %exp3A : vector<4096x128xf32>
    %add3A = arith.addf %sub3A, %log1p3A : vector<4096x128xf32>
    %not3A_57 = arith.constant dense<true> : vector<4096x128xi1>
    %not3A_58 = arith.xori %eq3A_24, %not3A_57 : vector<4096x128xi1>
    %or3A_59 = arith.ori %gt3A_43, %not3A_58 : vector<4096x128xi1>
    %jit3A_60 = arith.constant 0.000000e+00 : f32
    %broadcast_in_dim3A_61 = vector.broadcast %jit3A_60 : f32 to vector<4096x128xf32>
    %select_n3A_62 = arith.select %or3A_59, %add3A, %broadcast_in_dim3A_61 : vector<4096x128xi1>, vector<4096x128xf32>
    %reduce_sum3A_63 = arith.constant dense<0.000000e+00> : vector<128xf32>
    %reduce_sum3A_64 = vector.multi_reduction <add>, %select_n3A_62, %reduce_sum3A_63 [0] : vector<4096x128xf32> to vector<128xf32>
    %broadcast_in_dim3A_65 = vector.shape_cast %reduce_sum3A_64 : vector<128xf32> to vector<1x128xf32>
    %ge3A_66 = arith.constant -2147483648 : i32
    %ge3A_67 = vector.broadcast %ge3A_66 : i32 to vector<1x128xi32>
    %ge3A_68 = arith.cmpi uge, %get3A_19, %ge3A_67 : vector<1x128xi32>
    %xor3A = arith.constant -2147483648 : i32
    %xor3A_69 = vector.broadcast %xor3A : i32 to vector<1x128xi32>
    %xor3A_70 = arith.xori %get3A_19, %xor3A_69 : vector<1x128xi32>
    %not3A_71 = arith.constant dense<-1> : vector<1x128xi32>
    %not3A_72 = arith.xori %get3A_19, %not3A_71 : vector<1x128xi32>
    %select_n3A_73 = arith.select %ge3A_68, %xor3A_70, %not3A_72 : vector<1x128xi1>, vector<1x128xi32>
    %bitcast_convert_type3A_74 = tpu.bitcast %select_n3A_73 : vector<1x128xi32> -> vector<1x128xf32>
    %gt3A_75 = arith.constant 5.000000e-01 : f32
    %gt3A_76 = vector.broadcast %gt3A_75 : f32 to vector<1x128xf32>
    %gt3A_77 = arith.cmpf ogt, %get3A_9, %gt3A_76 : vector<1x128xf32>
    %neg3A_78 = arith.constant 0.000000e+00 : f32
    %neg3A_79 = vector.broadcast %neg3A_78 : f32 to vector<1x128xf32>
    %neg3A_80 = arith.subf %neg3A_79, %bitcast_convert_type3A_74 : vector<1x128xf32>
    %select_n3A_81 = arith.select %gt3A_77, %neg3A_80, %bitcast_convert_type3A_74 : vector<1x128xi1>, vector<1x128xf32>
    %max3A_82 = arith.constant 0.000000e+00 : f32
    %max3A_83 = vector.broadcast %max3A_82 : f32 to vector<1x128xf32>
    %max3A_84 = arith.maximumf %select_n3A_81, %max3A_83 : vector<1x128xf32>
    %mul3A_85 = arith.mulf %select_n3A_81, %get3A_9 : vector<1x128xf32>
    %sub3A_86 = arith.subf %max3A_84, %mul3A_85 : vector<1x128xf32>
    %abs3A_87 = math.absf %select_n3A_81 : vector<1x128xf32>
    %neg3A_88 = arith.constant 0.000000e+00 : f32
    %neg3A_89 = vector.broadcast %neg3A_88 : f32 to vector<1x128xf32>
    %neg3A_90 = arith.subf %neg3A_89, %abs3A_87 : vector<1x128xf32>
    %exp3A_91 = math.exp %neg3A_90 : vector<1x128xf32>
    %log1p3A_92 = math.log1p %exp3A_91 : vector<1x128xf32>
    %add3A_93 = arith.addf %sub3A_86, %log1p3A_92 : vector<1x128xf32>
    %sub3A_94 = arith.subi %get3A_14, %broadcast_in_dim3A_51 : vector<1x128xi32>
    %convert_element_type3A_95 = arith.sitofp %sub3A_94 : vector<1x128xi32> to vector<1x128xf32>
    %gt3A_96 = arith.constant 0 : i32
    %gt3A_97 = vector.broadcast %gt3A_96 : i32 to vector<1x128xi32>
    %gt3A_98 = arith.cmpi sgt, %get3A_14, %gt3A_97 : vector<1x128xi32>
    %mul3A_99 = arith.constant 128 : i32
    %mul3A_100 = arith.muli %arg0, %mul3A_99 : i32
    %iota3A = tpu.iota {dimensions = array<i32: 1>} : vector<1x128xi32>
    %add3A_101 = vector.broadcast %mul3A_100 : i32 to vector<1x128xi32>
    %add3A_102 = arith.addi %add3A_101, %iota3A : vector<1x128xi32>
    %lt3A = arith.constant 1000 : i32
    %lt3A_103 = vector.broadcast %lt3A : i32 to vector<1x128xi32>
    %lt3A_104 = arith.cmpi slt, %add3A_102, %lt3A_103 : vector<1x128xi32>
    %and3A = arith.andi %gt3A_98, %lt3A_104 : vector<1x128xi1>
    %mul3A_105 = arith.mulf %convert_element_type3A_95, %add3A_93 : vector<1x128xf32>
    %add3A_106 = arith.addf %broadcast_in_dim3A_65, %mul3A_105 : vector<1x128xf32>
    %jit3A_107 = arith.constant 0.000000e+00 : f32
    %broadcast_in_dim3A_108 = vector.broadcast %jit3A_107 : f32 to vector<1x128xf32>
    %select_n3A_109 = arith.select %and3A, %add3A_106, %broadcast_in_dim3A_108 : vector<1x128xi1>, vector<1x128xf32>
    %eq3A_110 = arith.constant 0 : i32
    %eq3A_111 = arith.cmpi eq, %arg0, %eq3A_110 : i32
    %convert_element_type3A_112 = arith.extui %eq3A_111 : i1 to i32
    %cond3A = arith.constant 0 : i32
    %cond3A_113 = arith.cmpi ne, %convert_element_type3A_112, %cond3A : i32
    scf.if %cond3A_113 {
      %swap3A_125 = arith.constant 0.000000e+00 : f32
      %swap3A_126 = arith.constant 0 : index
      %swap3A_127 = arith.constant 0 : index
      %swap3A_128 = memref.load %arg6[%swap3A_126, %swap3A_127] : memref<1x1xf32, #tpu.memory_space<smem>>
      memref.store %swap3A_125, %arg6[%swap3A_126, %swap3A_127] : memref<1x1xf32, #tpu.memory_space<smem>>
    } else {
    }
    %get3A_114 = arith.constant 0 : index
    %get3A_115 = arith.constant 0 : index
    %get3A_116 = memref.load %arg6[%get3A_114, %get3A_115] : memref<1x1xf32, #tpu.memory_space<smem>>
    %reduce_sum3A_117 = vector.shape_cast %select_n3A_109 : vector<1x128xf32> to vector<1x1x128xf32>
    %reduce_sum3A_118 = arith.constant dense<0.000000e+00> : vector<1xf32>
    %reduce_sum3A_119 = vector.multi_reduction <add>, %reduce_sum3A_117, %reduce_sum3A_118 [1, 2] : vector<1x1x128xf32> to vector<1xf32>
    %reduce_sum3A_120 = vector.shape_cast %reduce_sum3A_119 : vector<1xf32> to vector<1x1x1xf32>
    %reduce_sum3A_121 = vector.extract %reduce_sum3A_120[0, 0, 0] : f32 from vector<1x1x1xf32>
    %add3A_122 = arith.addf %get3A_116, %reduce_sum3A_121 : f32
    %swap3A = arith.constant 0 : index
    %swap3A_123 = arith.constant 0 : index
    %swap3A_124 = memref.load %arg6[%swap3A, %swap3A_123] : memref<1x1xf32, #tpu.memory_space<smem>>
    memref.store %add3A_122, %arg6[%swap3A, %swap3A_123] : memref<1x1xf32, #tpu.memory_space<smem>>
    return
  }
  func.func @transform_0(%arg0: i32) -> (i32, i32) {
    %c0_i32 = arith.constant 0 : i32
    %c0_i32_0 = arith.constant 0 : i32
    return %c0_i32, %arg0 : i32, i32
  }
  func.func @transform_1(%arg0: i32) -> (i32, i32) {
    %c0_i32 = arith.constant 0 : i32
    %c0_i32_0 = arith.constant 0 : i32
    return %c0_i32, %arg0 : i32, i32
  }
  func.func @transform_2(%arg0: i32) -> (i32, i32, i32) {
    %c0_i32 = arith.constant 0 : i32
    %c0_i32_0 = arith.constant 0 : i32
    %c0_i32_1 = arith.constant 0 : i32
    return %arg0, %c0_i32, %c0_i32_0 : i32, i32, i32
  }
  func.func @transform_3(%arg0: i32) -> (i32, i32, i32) {
    %c0_i32 = arith.constant 0 : i32
    %c0_i32_0 = arith.constant 0 : i32
    %c0_i32_1 = arith.constant 0 : i32
    return %arg0, %c0_i32, %c0_i32_0 : i32, i32, i32
  }
  func.func @transform_4(%arg0: i32) -> (i32, i32, i32) {
    %c0_i32 = arith.constant 0 : i32
    %c0_i32_0 = arith.constant 0 : i32
    %c0_i32_1 = arith.constant 0 : i32
    return %arg0, %c0_i32, %c0_i32_0 : i32, i32, i32
  }
  func.func @transform_5(%arg0: i32) -> (i32, i32) {
    %c0_i32 = arith.constant 0 : i32
    %c0_i32_0 = arith.constant 0 : i32
    %c0_i32_1 = arith.constant 0 : i32
    return %c0_i32, %c0_i32_0 : i32, i32
  }
}

module attributes {stable_mosaic.version = 14 : i64} {
  func.func @_stage1_kernel(%arg0: i32, %arg1: memref<4096x128xf32, #tpu.memory_space<vmem>>, %arg2: memref<4096x128xf32, #tpu.memory_space<vmem>>, %arg3: memref<128x4096xi32, #tpu.memory_space<vmem>>, %arg4: memref<1x1x128xi32, #tpu.memory_space<vmem>>, %arg5: memref<1x1x128xf32, #tpu.memory_space<vmem>>) attributes {dimension_semantics = [#tpu.dimension_semantics<arbitrary>], iteration_bounds = array<i64: 8>, scalar_prefetch = 0 : i64, scratch_operands = 0 : i64, tpu.core_type = #tpu.core_type<tc>, window_params = [{transform_indices = @transform_0, window_bounds = array<i64: 4096, 128>}, {transform_indices = @transform_1, window_bounds = array<i64: 4096, 128>}, {transform_indices = @transform_2, window_bounds = array<i64: 128, 4096>}, {transform_indices = @transform_3, window_bounds = array<i64: 1, 1, 128>}, {transform_indices = @transform_4, window_bounds = array<i64: 1, 1, 128>}]} {
    %get3A = arith.constant 0 : index
    %get3A_0 = arith.constant 0 : index
    %get3A_1 = vector.load %arg1[%get3A, %get3A_0] : memref<4096x128xf32, #tpu.memory_space<vmem>>, vector<4096x128xf32>
    %get3A_2 = arith.constant 0 : index
    %get3A_3 = arith.constant 0 : index
    %get3A_4 = vector.load %arg2[%get3A_2, %get3A_3] : memref<4096x128xf32, #tpu.memory_space<vmem>>, vector<4096x128xf32>
    %reduce_sum3A = arith.constant dense<0.000000e+00> : vector<128xf32>
    %reduce_sum3A_5 = vector.multi_reduction <add>, %get3A_4, %reduce_sum3A [0] : vector<4096x128xf32> to vector<128xf32>
    %broadcast_in_dim3A = vector.shape_cast %reduce_sum3A_5 : vector<128xf32> to vector<1x128xf32>
    %ge3A = arith.constant 2.048000e+03 : f32
    %ge3A_6 = vector.broadcast %ge3A : f32 to vector<1x128xf32>
    %ge3A_7 = arith.cmpf oge, %broadcast_in_dim3A, %ge3A_6 : vector<1x128xf32>
    %convert_element_type3A = arith.extui %ge3A_7 : vector<1x128xi1> to vector<1x128xi32>
    %convert_element_type3A_8 = arith.sitofp %convert_element_type3A : vector<1x128xi32> to vector<1x128xf32>
    %eq3A = vector.broadcast %convert_element_type3A_8 : vector<1x128xf32> to vector<4096x128xf32>
    %eq3A_9 = arith.cmpf oeq, %get3A_4, %eq3A : vector<4096x128xf32>
    %gt3A = arith.constant 5.000000e-01 : f32
    %gt3A_10 = vector.broadcast %gt3A : f32 to vector<1x128xf32>
    %gt3A_11 = arith.cmpf ogt, %convert_element_type3A_8, %gt3A_10 : vector<1x128xf32>
    %neg3A = arith.constant 0.000000e+00 : f32
    %neg3A_12 = vector.broadcast %neg3A : f32 to vector<4096x128xf32>
    %neg3A_13 = arith.subf %neg3A_12, %get3A_1 : vector<4096x128xf32>
    %broadcast_in_dim3A_14 = vector.shape_cast %gt3A_11 : vector<1x128xi1> to vector<1x128xi1>
    %broadcast_in_dim3A_15 = vector.broadcast %broadcast_in_dim3A_14 : vector<1x128xi1> to vector<4096x128xi1>
    %select_n3A = arith.select %broadcast_in_dim3A_15, %neg3A_13, %get3A_1 : vector<4096x128xi1>, vector<4096x128xf32>
    %bitcast_convert_type3A = tpu.bitcast %select_n3A : vector<4096x128xf32> -> vector<4096x128xi32>
    %shift_right_logical3A = arith.constant 31 : i32
    %shift_right_logical3A_16 = vector.broadcast %shift_right_logical3A : i32 to vector<4096x128xi32>
    %shift_right_logical3A_17 = arith.shrui %bitcast_convert_type3A, %shift_right_logical3A_16 : vector<4096x128xi32>
    %convert_element_type3A_18 = arith.constant 0 : i32
    %convert_element_type3A_19 = vector.broadcast %convert_element_type3A_18 : i32 to vector<4096x128xi32>
    %convert_element_type3A_20 = arith.cmpi ne, %shift_right_logical3A_17, %convert_element_type3A_19 : vector<4096x128xi32>
    %not3A = arith.constant dense<-1> : vector<4096x128xi32>
    %not3A_21 = arith.xori %bitcast_convert_type3A, %not3A : vector<4096x128xi32>
    %or3A = arith.constant -2147483648 : i32
    %or3A_22 = vector.broadcast %or3A : i32 to vector<4096x128xi32>
    %or3A_23 = arith.ori %bitcast_convert_type3A, %or3A_22 : vector<4096x128xi32>
    %select_n3A_24 = arith.select %convert_element_type3A_20, %not3A_21, %or3A_23 : vector<4096x128xi1>, vector<4096x128xi32>
    %jit3A = arith.constant 0 : i32
    %broadcast_in_dim3A_25 = vector.broadcast %jit3A : i32 to vector<4096x128xi32>
    %select_n3A_26 = arith.select %eq3A_9, %select_n3A_24, %broadcast_in_dim3A_25 : vector<4096x128xi1>, vector<4096x128xi32>
    %jit3A_27 = arith.constant 0 : i32
    %jit3A_28 = arith.constant 1 : i32
    %broadcast_in_dim3A_29 = vector.broadcast %jit3A_27 : i32 to vector<4096x128xi32>
    %broadcast_in_dim3A_30 = vector.broadcast %jit3A_28 : i32 to vector<4096x128xi32>
    %select_n3A_31 = arith.select %eq3A_9, %broadcast_in_dim3A_29, %broadcast_in_dim3A_30 : vector<4096x128xi1>, vector<4096x128xi32>
    %reduce_sum3A_32 = arith.constant dense<0> : vector<128xi32>
    %reduce_sum3A_33 = vector.multi_reduction <add>, %select_n3A_31, %reduce_sum3A_32 [0] : vector<4096x128xi32> to vector<128xi32>
    %broadcast_in_dim3A_34 = vector.shape_cast %reduce_sum3A_33 : vector<128xi32> to vector<1x128xi32>
    %mul3A = arith.constant 128 : i32
    %mul3A_35 = arith.muli %arg0, %mul3A : i32
    %iota3A = tpu.iota {dimensions = array<i32: 1>} : vector<1x128xi32>
    %add3A = vector.broadcast %mul3A_35 : i32 to vector<1x128xi32>
    %add3A_36 = arith.addi %add3A, %iota3A : vector<1x128xi32>
    %lt3A = arith.constant 1000 : i32
    %lt3A_37 = vector.broadcast %lt3A : i32 to vector<1x128xi32>
    %lt3A_38 = arith.cmpi slt, %add3A_36, %lt3A_37 : vector<1x128xi32>
    %jit3A_39 = arith.constant 0 : i32
    %broadcast_in_dim3A_40 = vector.broadcast %jit3A_39 : i32 to vector<1x128xi32>
    %select_n3A_41 = arith.select %lt3A_38, %broadcast_in_dim3A_34, %broadcast_in_dim3A_40 : vector<1x128xi1>, vector<1x128xi32>
    %transpose3A = tpu.transpose %select_n3A_26, [1, 0] : vector<4096x128xi32> -> vector<128x4096xi32>
    %swap3A = arith.constant 0 : index
    %swap3A_42 = arith.constant 0 : index
    %swap3A_43 = vector.load %arg3[%swap3A, %swap3A_42] : memref<128x4096xi32, #tpu.memory_space<vmem>>, vector<128x4096xi32>
    tpu.vector_store %arg3[%swap3A, %swap3A_42], %transpose3A {strides = array<i32>} : memref<128x4096xi32, #tpu.memory_space<vmem>>, vector<128x4096xi32>,
    %reshape3A = vector.shape_cast %select_n3A_41 : vector<1x128xi32> to vector<1x1x128xi32>
    %swap3A_44 = arith.constant 0 : index
    %swap3A_45 = arith.constant 0 : index
    %swap3A_46 = arith.constant 0 : index
    %swap3A_47 = vector.load %arg4[%swap3A_44, %swap3A_45, %swap3A_46] : memref<1x1x128xi32, #tpu.memory_space<vmem>>, vector<1x1x128xi32>
    tpu.vector_store %arg4[%swap3A_44, %swap3A_45, %swap3A_46], %reshape3A {strides = array<i32>} : memref<1x1x128xi32, #tpu.memory_space<vmem>>, vector<1x1x128xi32>,
    %reshape3A_48 = vector.shape_cast %convert_element_type3A_8 : vector<1x128xf32> to vector<1x1x128xf32>
    %swap3A_49 = arith.constant 0 : index
    %swap3A_50 = arith.constant 0 : index
    %swap3A_51 = arith.constant 0 : index
    %swap3A_52 = vector.load %arg5[%swap3A_49, %swap3A_50, %swap3A_51] : memref<1x1x128xf32, #tpu.memory_space<vmem>>, vector<1x1x128xf32>
    tpu.vector_store %arg5[%swap3A_49, %swap3A_50, %swap3A_51], %reshape3A_48 {strides = array<i32>} : memref<1x1x128xf32, #tpu.memory_space<vmem>>, vector<1x1x128xf32>,
    return
  }
  func.func @transform_0(%arg0: i32) -> (i32, i32) {
    %c0_i32 = arith.constant 0 : i32
    %c0_i32_0 = arith.constant 0 : i32
    return %c0_i32, %arg0 : i32, i32
  }
  func.func @transform_1(%arg0: i32) -> (i32, i32) {
    %c0_i32 = arith.constant 0 : i32
    %c0_i32_0 = arith.constant 0 : i32
    return %c0_i32, %arg0 : i32, i32
  }
  func.func @transform_2(%arg0: i32) -> (i32, i32) {
    %c0_i32 = arith.constant 0 : i32
    %c0_i32_0 = arith.constant 0 : i32
    return %arg0, %c0_i32 : i32, i32
  }
  func.func @transform_3(%arg0: i32) -> (i32, i32, i32) {
    %c0_i32 = arith.constant 0 : i32
    %c0_i32_0 = arith.constant 0 : i32
    %c0_i32_1 = arith.constant 0 : i32
    return %arg0, %c0_i32, %c0_i32_0 : i32, i32, i32
  }
  func.func @transform_4(%arg0: i32) -> (i32, i32, i32) {
    %c0_i32 = arith.constant 0 : i32
    %c0_i32_0 = arith.constant 0 : i32
    %c0_i32_1 = arith.constant 0 : i32
    return %arg0, %c0_i32, %c0_i32_0 : i32, i32, i32
  }
}

</mosaic_0001>

<sc_bundles>
// kernel: kernel.5.cloned.1.call-start
scs
__scs_entry_jumppad:
0x0: {  	(pc) =	sbr.rel $0x88, $3  }
0x1: {  	(tag) =	ssettag $0x0;
	lr =	simm.s32 $0x1  }
0x2: {  	[smem:$0x3F9F] =	sst lr;
	_ =	strace $0xD0000000  }
0x3: {  	_ = 	snop  }
0x4: {  	_ = 	snop  }
0x5: {  	_ = 	snop  }
0x6: {  	_ = 	snop  }
0x7: {  	_ = 	snop  }
__scs_overlays_trampoline_lowered:
0x8: {  	[smem:$0x3FAE] =	sst s0  }
0x9: {  	[smem:$0x3FAF] =	sst s1  }
0xa: {  	[smem:$0x3FB0] =	sst s2  }
0xb: {  	[smem:$0x3FB1] =	sst s3  }
0xc: {  	[smem:$0x3FB2] =	sst s4  }
0xd: {  	[smem:$0x3FB3] =	sst s5  }
0xe: {  	[smem:$0x3FB4] =	sst s6  }
0xf: {  	[smem:$0x3FB5] =	sst s7  }
0x10: {  	[smem:$0x3FB6] =	sst s8  }
0x11: {  	[smem:$0x3FB7] =	sst s9;
	s0 =	simm.s32 @!p0 $0x0  }
0x12: {  	s1 =	sld [smem:$0x3F9D];
	s0 =	simm.s32 @p0 $0x1  }
0x13: {  	[smem:$0x3FB8] =	sst s0;
	s0 =	simm.s32 @!p1 $0x0  }
0x14: {  	s2 =	sld [smem:$0x3F9C];
	s0 =	simm.s32 @p1 $0x1  }
0x15: {  	[smem:$0x3FB9] =	sst s0;
	s0 =	simm.s32 @!p2 $0x0  }
0x16: {  	s3 =	sld [smem:$0x3FDB];
	s0 =	simm.s32 @p2 $0x1  }
0x17: {  	s4 =	simm.s32 $0x1BF5;
	[smem:$0x3FBB] =	sst s0  }
0x18: {  	s0 =	sld [smem:$0x3F9E];
	_ =	swait.ge [sflag:s4], $0x0  }
0x19: {  	s7 =	sld [smem:$0x3F9F]  }
0x1a: {  	s8 =	sadd.s32 $0xFFFFE003, lr  }
0x1b: {  	s9 =	sadd.s32 $0xFFFFFEF7, lr;
	s5 =	simm.s32 $0xFFFFFFFF;
	p2 =	slt.u32 s8, $0xFFFFF086  }
0x1c: {  	p1 =	slt.u32 s9, $0xF7A;
	s5 =	simm.s32 @!p2 $0x0  }
0x1d: {  	s5 =	simm.s32 @p1 $0x1;
	p0 =	seq.s32 s7, s2  }
0x1e: {  	s7 =	smul.u32 @!p0 $0xF7A, s2;
	p2 =	seq.s32 @!p0 s5, $0x0  }
0x1f: {  	s9 =	smul.u32 $0xF7A, s1;
	s8 =	simm.s32 @!p0 $0x1BF5;
	p2 =	por !p2, p0  }
0x20: {  	[sflag:s8] =	ssyncset.s32 @!p0 $0xFFFFF086;
	s6 =	sadd.s32 @!p0 s3, s7;
	s7 =	simm.s32 @!p0 $0x108  }
0x21: {  	s3 =	sadd.s32 s3, s9;
	s6 =	sadd.s32 @!p0 $0x88, s6;
	s7 =	simm.s32 @p2 $0x1082  }
0x22: {  	[simem:s7], [sflag:s8] =	dma.local @!p0 [hbm:s6], $0xF7A  }
0x23: {  	s9 =	sor.u32 $0xD0000000, s2;
	s6 =	simm.s32 $0x108;
	_ =	swait.ge @!p0 [sflag:s8], $0x0  }
0x24: {  	s3 =	sadd.s32 $0x88, s3;
	s6 =	simm.s32 @!p1 $0x1082;
	[sflag:s4] =	ssyncset.s32 $0xFFFFF086  }
0x25: {  	[simem:s6], [sflag:s4] =	dma.local [hbm:s3], $0xF7A  }
0x26: {  	[smem:$0x3F9F] =	sst s1;
	(tag) =	ssettag s2;
	_ =	strace s9  }
0x27: {  	s1 =	sld [smem:$0x3FAF]  }
0x28: {  	s2 =	sld [smem:$0x3FB0]  }
0x29: {  	s4 =	sld [smem:$0x3FB2]  }
0x2a: {  	p0 =	seq.s32 s5, $0x0;
	s5 =	sld [smem:$0x3FB3]  }
0x2b: {  	s6 =	sld [smem:$0x3FB4]  }
0x2c: {  	s7 =	sld [smem:$0x3FB5]  }
0x2d: {  	s3 =	simm.s32 $0x108;
	s8 =	sld [smem:$0x3FB6]  }
0x2e: {  	s3 =	simm.s32 @!p0 $0x1082;
	s9 =	sld [smem:$0x3FB7]  }
0x2f: {  	lr =	sadd.s32 s0, s3;
	s0 =	sld [smem:$0x3FAE]  }
0x30: {  	s3 =	sld [smem:$0x3FB1]  }
0x31: {  	[smem:$0x3FBA] =	sst s10  }
0x32: {  	s10 =	sld [smem:$0x3FB8];
	_ =	sdelay $0x3  }
0x33: {  	p0 =	seq.s32 s10, $0x1;
	s10 =	sld [smem:$0x3FBA];
	_ =	sdelay $0x3  }
0x34: {  	[smem:$0x3FBA] =	sst s10  }
0x35: {  	s10 =	sld [smem:$0x3FB9];
	_ =	sdelay $0x3  }
0x36: {  	p1 =	seq.s32 s10, $0x1;
	s10 =	sld [smem:$0x3FBA];
	_ =	sdelay $0x3  }
0x37: {  	[smem:$0x3FBA] =	sst s10  }
0x38: {  	s10 =	sld [smem:$0x3FBB]  }
0x39: {  	_ = 	snop;
	(pc) =	sbr.ind lr, $3  }
0x3a: {  	_ = 	snop  }
0x3b: {  	_ = 	snop  }
0x3c: {  	p2 =	seq.s32 s10, $0x1;
	s10 =	sld [smem:$0x3FBA]  }
0x3d: {  	_ =	shalt  }
0x3e: {  	_ =	shalt  }
0x3f: {  	_ =	shalt  }
0x40: {  	_ =	shalt  }
0x41: {  	_ =	shalt  }
0x42: {  	_ =	shalt  }
0x43: {  	_ =	shalt  }
0x44: {  	_ =	shalt  }
0x45: {  	_ =	shalt  }
0x46: {  	_ =	shalt  }
0x47: {  	_ =	shalt  }
0x48: {  	_ =	shalt  }
0x49: {  	_ =	shalt  }
0x4a: {  	_ =	shalt  }
0x4b: {  	_ =	shalt  }
0x4c: {  	_ =	shalt  }
0x4d: {  	_ =	shalt  }
0x4e: {  	_ =	shalt  }
0x4f: {  	_ =	shalt  }
0x50: {  	_ =	shalt  }
0x51: {  	_ =	shalt  }
0x52: {  	_ =	shalt  }
0x53: {  	_ =	shalt  }
0x54: {  	_ =	shalt  }
0x55: {  	_ =	shalt  }
0x56: {  	_ =	shalt  }
0x57: {  	_ =	shalt  }
0x58: {  	_ =	shalt  }
0x59: {  	_ =	shalt  }
0x5a: {  	_ =	shalt  }
0x5b: {  	_ =	shalt  }
0x5c: {  	_ =	shalt  }
0x5d: {  	_ =	shalt  }
0x5e: {  	_ =	shalt  }
0x5f: {  	_ =	shalt  }
0x60: {  	_ =	shalt  }
0x61: {  	_ =	shalt  }
0x62: {  	_ =	shalt  }
0x63: {  	_ =	shalt  }
0x64: {  	_ =	shalt  }
0x65: {  	_ =	shalt  }
0x66: {  	_ =	shalt  }
0x67: {  	_ =	shalt  }
0x68: {  	_ =	shalt  }
0x69: {  	_ =	shalt  }
0x6a: {  	_ =	shalt  }
0x6b: {  	_ =	shalt  }
0x6c: {  	_ =	shalt  }
0x6d: {  	_ =	shalt  }
0x6e: {  	_ =	shalt  }
0x6f: {  	_ =	shalt  }
0x70: {  	_ =	shalt  }
0x71: {  	_ =	shalt  }
0x72: {  	_ =	shalt  }
0x73: {  	_ =	shalt  }
0x74: {  	_ =	shalt  }
0x75: {  	_ =	shalt  }
0x76: {  	_ =	shalt  }
0x77: {  	_ =	shalt  }
0x78: {  	_ =	shalt  }
0x79: {  	_ =	shalt  }
0x7a: {  	_ =	shalt  }
0x7b: {  	_ =	shalt  }
0x7c: {  	_ =	shalt  }
0x7d: {  	_ =	shalt  }
0x7e: {  	_ =	shalt  }
0x7f: {  	_ =	shalt  }
0x80: {  	_ =	shalt  }
0x81: {  	_ =	shalt  }
0x82: {  	_ =	shalt  }
0x83: {  	_ =	shalt  }
0x84: {  	_ =	shalt  }
0x85: {  	_ =	shalt  }
0x86: {  	_ =	shalt  }
0x87: {  	_ =	shalt  }
.Lfunc_end0:
.L_simem_size_0:
called_computation_lowered:
.L_overlay_start_0:
0x88: {  	s2 =	sld [smem:$0x3FD9]  }
0x89: {  	s3 =	sld [smem:$0x3FFE];
	_ =	sdelay $0x1  }
0x8a: {  	s1 =	srdreg.scid  }
0x8b: {  	s0 =	sand.u32 $0x1, s1  }
0x8c: {  	s16 =	sshll.u32 s0, $0xA;
	s2 =	sadd.s32 s3, s2  }
0x8d: {  	s2 =	sadd.s32 s2, s16  }
0x8e: {  	[smem:$0x3FC6] =	sst s2  }
0x8f: {  	_ = 	snop  }
0x90: {  	(tm) =	ssettm $0x1  }
0x91: {  	s17 =	sld [smem:$0x3FFB];
	_ =	sdelay $0x3  }
0x92: {  	_ =	strace s17  }
0x93: {  	s2 =	sld [smem:$0x3FFC];
	_ =	sdelay $0x3  }
0x94: {  	_ =	strace s2  }
0x95: {  	s2 =	sld [smem:$0x3FFD];
	_ =	sdelay $0x3  }
0x96: {  	_ =	strace s2  }
0x97: {  	_ =	strace $0x8FFFFFFF  }
0x98: {  	s18 =	sld [smem:$0x3FDB];
	_ =	sdelay $0x1  }
0x99: {  	s19 =	simm.s32 $_scs_section_size  }
0x9a: {  	s4 =	simm.s32 $_size__tile_overlayer_lowered;
	s5 =	simm.s32 $_tile_overlayer_lowered  }
0x9b: {  	s22 =	simm.s32 $0x1BFF;
	s21 =	sshll.u32 s5, $0x1;
	s2 =	sadd.s32 s19, s18  }
0x9c: {  	s6 =	simm.s32 $0x0;
	s20 =	sshll.u32 s4, $0x1;
	s4 =	sadd.s32 s21, s2  }
0x9d: {  	[timem:s6], [sflag:s22] =	dma.local [hbm:s4], s20  }
0x9e: {  	_ =	swait.ge [sflag:s22], s20  }
0x9f: {  	s3 =	ssub.s32 $0x0, s20;
	[sflag:s22] =	ssyncset.done $0x0  }
0xa0: {  	[sflag:s22] =	ssyncadd.s32 s3;
	_ =	sdelay $0x1  }
0xa1: {  	s23 =	simm.s32 $0x1B8B  }
0xa2: {  	_ =	swait.ge [sflag:s23], $0x1  }
0xa3: {  	[sflag:s23] =	ssyncset.done $0x0  }
0xa4: {  	s25 =	simm.s32 $0x1B8E;
	s24 =	sld [smem:$0x3FFE];
	[sflag:s23] =	ssyncadd.s32 $0xFFFFFFFF  }
0xa5: {  	s26 =	simm.s32 $execute0_lowered;
	[smem:$0x3FD2] =	sst s25  }
0xa6: {  	s4 =	sshll.u32 s26, $0x1;
	_ =	strace $0x80000046;
	[dreg:$0x1] =	wrdreg $0xFFFFFFFF  }
0xa7: {  	s28 =	simm.s32 $_size_execute0_lowered;
	s2 =	sadd.s32 s2, s4;
	[dreg:$0x0] =	wrdreg $0x0  }
0xa8: {  	s4 =	sshll.u32 s28, $0x1;
	[dreg:$0x2] =	wrdreg s2  }
0xa9: {  	[dreg:$0x3] =	wrdreg s4  }
0xaa: {  	[dreg:$0x4] =	wrdreg $0xC0  }
0xab: {  	_ =	task [dreg:s6], $0x5FFFF  }
0xac: {  	[dreg:$0x1] =	wrdreg $0xFFFFFFFF  }
0xad: {  	[dreg:$0x0] =	wrdreg $0x60  }
0xae: {  	[dreg:$0x2] =	wrdreg s24  }
0xaf: {  	[dreg:$0x3] =	wrdreg $0x9  }
0xb0: {  	_ =	task.clear_ibuf [dreg:s6], $0x4FFFF;
	_ =	strace $0x90000046  }
0xb1: {  	s29 =	simm.s32 $0x9;
	_ =	strace $0x80000048  }
0xb2: {  	_ =	swait.ge [sflag:s29], $0x1  }
0xb3: {  	[sflag:s29] =	ssyncadd.s32 $0xFFFFFFFF  }
0xb4: {  	_ =	strace $0x90000048  }
0xb5: {  	_ =	sfence  }
0xb6: {  	s30 =	sld [smem:$0x0];
	_ =	sdelay $0x2  }
0xb7: {  	s31 =	sshll.u32 s1, $0xD;
	s1 =	sshrl.u32 s1, $0x2  }
0xb8: {  	s3 =	sand.u32 $0x4000, s31;
	s1 =	sadd.s32 s1, s30  }
0xb9: {  	s0 =	sor.u32 s3, s0;
	s1 =	sshll.u32 s1, $0x11  }
0xba: {  	s0 =	sor.u32 s1, s0  }
0xbb: {  	s0 =	sadd.s32 $0x8F2B, s0  }
0xbc: {  	[sflag:s0] =	ssyncadd.remote.s32 $0x1  }
0xbd: {  	_ =	sfence.sel $0xFFFF  }
0xbe: {  	[dreg:$0x0] =	wrdreg $0xFFFFFFFF;
	(pc) =	sbr.abs _section_cstart, $3  }
0xbf: {  	[dreg:$0x1] =	wrdreg $0xFFFFFFFF  }
0xc0: {  	_ =	task.clear_ibuf [dreg:s6], $0x2FFFF;
	_ =	strace $0x9FFFFFFF  }
0xc1: {  	(tm) =	ssettm $0x7FFFFFFF  }
tec
execute0_lowered:
.L_overlay_start_1:
0x0: {  	(tag) =	ssettag $0x1  }
0x1: {  	s0 =	rddreg [dreg:$0x0];
	s1 =	srdreg.scid  }
0x2: {  	s2 =	simm.s32 $0x0;
	s3 =	stileid.u32;
	s1 =	sand.u32 $0x1, s1  }
0x3: {  	s11 =	simm.s32 $0x3;
	s3 =	sshll.u32 s3, $0x6;
	s4 =	sshll.u32 s1, $0x5  }
0x4: {  	s12 =	simm.s32 $0x1;
	s14 =	simm.s32 $0x2;
	s3 =	sor.u32 s4, s3  }
0x5: {  	s16 =	simm.s32 $0x0;
	s4 =	sshll.u32 s3, $0x9;
	s3 =	sshrl.u32 s3, $0x3  }
0x6: {  	[smem:$0x7FF] =	sst s2;
	s4 =	sadd.s32 s4, s0;
	s0 =	sadd.s32 s3, s0  }
0x7: {  	vm1 =	vcmask $0x704;
	vm2 =	vcmask $0xB08;
	_ =	strace $0x80000047;
	s1 =	ssub.s32 $0x2, s1;
	s28 =	sadd.s32 $0x182000, s0  }
0x8: {  	vm3 =	vcmask $0xF0C;
	vm4 =	vcmask $0x1310;
	vm5 =	vcmask $0x1714;
	s26 =	sshrl.u32 s1, $0x1;
	s29 =	sadd.s32 $0x102000, s4;
	[dreg:$0x2] =	wrdreg s28  }
0x9: {  	vm6 =	vcmask $0x1B18;
	vm7 =	vcmask $0x1F1C;
	vm8 =	vcmask $0x2320;
	s1 =	ssub.s32 s1, s26;
	s30 =	sadd.s32 $0x103000, s4;
	[dreg:$0x3] =	wrdreg s29  }
0xa: {  	vm9 =	vcmask $0x2724;
	vm10 =	vcmask $0x2B28;
	vm11 =	vcmask $0x2F2C;
	s9 =	smax.u32 s1, $0x1;
	s31 =	sadd.s32 $0x104000, s4;
	[dreg:$0x4] =	wrdreg s30  }
0xb: {  	vm12 =	vcmask $0x3330;
	vm13 =	vcmask $0x3734;
	vm14 =	vcmask $0x3B38;
	s7 =	sadd.s32 $0x105000, s4;
	s8 =	sadd.s32 $0x182200, s0;
	[dreg:$0x5] =	wrdreg s31  }
.LBB2_1:
0xc: {  	s0 =	rddreg [dreg:$0x2];
	s1 =	simm.s32 $0x10000  }
0xd: {  	[tilespmem:s1], [sflag:$0x3] =	stream.linear.gather [hbm4b:s0+s2], $0x20, $0x38;
	[tilespmem:$0x10100] =	vst v63  }
0xe: {  	_ =	swait.ge [sflag:s11], $0x20  }
0xf: {  	[sflag:s11] =	ssyncset.done $0x0  }
0x10: {  	s29 =	rddreg [dreg:$0x3];
	[sflag:s11] =	ssyncadd.s32 $0xFFFFFFE0  }
0x11: {  	[tilespmem:s2], [sflag:$0x1] =	stream.linear.gather [hbm4b:s29+s2], $0x8000, $0x38;
	[tilespmem:$0x10100] =	vst v63  }
0x12: {  	v0 =	vld [tilespmem:$0x10000];
	_ =	sdelay $0x3  }
0x13: {  	_ =	swait.ge [sflag:s12], $0x8000  }
0x14: {  	(v2sf) =	vpush v0, $0x0;
	_ =	sdelay $0xb  }
0x15: {  	s31 =	simm.s32 $0x8000;
	[sflag:s12] =	ssyncset.done $0x0  }
0x16: {  	s13 =	simm.s32 $0x0;
	s30 =	rddreg [dreg:$0x4];
	[sflag:s12] =	ssyncadd.s32 $0xFFFF8000  }
0x17: {  	[tilespmem:s31], [sflag:$0x2] =	stream.linear.gather [hbm4b:s30+s2], $0x8000, $0x38;
	[tilespmem:$0x10100] =	vst v63  }
0x18: {  	s10 =	simm.s32 $0x0;
	s1 =	simm.s32 $0xFF800000;
	s0 =	spop (v2sf)  }
.LBB2_2:
0x19: {  	s5 =	simm.s32 $0x0  }
0x1a: {  	s3 =	ssub.s32 s1, s13;
	v2 =	vld [tilespmem:s5+$0x0]  }
0x1b: {  	s3 =	sadd.s32 $0x1, s3;
	v3 =	vld [tilespmem:s5+$0x10]  }
0x1c: {  	v5 =	vld [tilespmem:s5+$0x20];
	s3 =	sshrl.u32 s3, $0x1  }
0x1d: {  	v6 =	vld [tilespmem:s5+$0x30];
	s17 =	sadd.s32 s13, s3  }
0x1e: {  	v4 =	vld [tilespmem:s5+$0x40];
	v1 =	vmov s17  }
0x1f: {  	vm15 =	vge.u32 v2, v1;
	v2 =	vld [tilespmem:s5+$0x50]  }
0x20: {  	v7 =	vmpcnt.ones.xlane vm15;
	vm15 =	vge.u32 v3, v1;
	v3 =	vld [tilespmem:s5+$0x60]  }
0x21: {  	v9 =	vimm.s32 $0x0;
	s4 =	simm.s32 $0x2000;
	s3 =	simm.s32 $0x400;
	v8 =	vmpcnt.ones.xlane vm15;
	vm15 =	vge.u32 v5, v1;
	v5 =	vld [tilespmem:s5+$0x70]  }
.LBB2_3:
0x22: {  	p0 =	sne.s32 s4, $0x1F000;
	v10 =	vld [tilespmem:s3+$0x0];
	v7 =	vadd.s32 v9, v7;
	v9 =	vmpcnt.ones.xlane vm15;
	vm15 =	vge.u32 v6, v1  }
0x23: {  	v11 =	vld [tilespmem:s3+$0x10];
	v6 =	vadd.s32 v8, v7;
	v7 =	vmpcnt.ones.xlane vm15;
	vm15 =	vge.u32 v4, v1  }
0x24: {  	v12 =	vld [tilespmem:s3+$0x20];
	v4 =	vadd.s32 v9, v6;
	v8 =	vmpcnt.ones.xlane vm15;
	vm15 =	vge.u32 v2, v1  }
.Ltmp0:
0x25: {  	v6 =	vld [tilespmem:s3+$0x30];
	v2 =	vadd.s32 v7, v4;
	v7 =	vmpcnt.ones.xlane vm15;
	vm15 =	vge.u32 v3, v1;
	(pc) =	sbr.rel @p0 .LBB2_3-.Ltmp0, $4  }
0x26: {  	v4 =	vld [tilespmem:s3+$0x40];
	v3 =	vadd.s32 v8, v2;
	v8 =	vmpcnt.ones.xlane vm15;
	vm15 =	vge.u32 v5, v1  }
0x27: {  	vm0 =	vge.u32 v10, v1;
	v2 =	vld [tilespmem:s3+$0x50];
	v5 =	vadd.s32 v7, v3;
	v9 =	vmpcnt.ones.xlane vm15  }
0x28: {  	v7 =	vmpcnt.ones.xlane vm0;
	vm0 =	vge.u32 v11, v1;
	v3 =	vld [tilespmem:s3+$0x60];
	v10 =	vadd.s32 v8, v5  }
0x29: {  	v8 =	vmpcnt.ones.xlane vm0;
	vm15 =	vge.u32 v12, v1;
	v5 =	vld [tilespmem:s3+$0x70];
	s3 =	sshra.s32 s4, $0x2;
	s4 =	sadd.s32 $0x1000, s4;
	v9 =	vadd.s32 v9, v10  }
0x2a: {  	v10 =	vld [tilespmem:s3+$0x0];
	v7 =	vadd.s32 v9, v7;
	v50 =	vmpcnt.ones.xlane vm15;
	vm0 =	vge.u32 v6, v1  }
0x2b: {  	v51 =	vld [tilespmem:s3+$0x10];
	v7 =	vadd.s32 v8, v7;
	v52 =	vmpcnt.ones.xlane vm0;
	vm0 =	vge.u32 v4, v1  }
0x2c: {  	v53 =	vld [tilespmem:s3+$0x20];
	v7 =	vadd.s32 v50, v7;
	v54 =	vmpcnt.ones.xlane vm0;
	vm0 =	vge.u32 v2, v1  }
0x2d: {  	v2 =	vld [tilespmem:s3+$0x30];
	v7 =	vadd.s32 v52, v7;
	v55 =	vmpcnt.ones.xlane vm0;
	vm0 =	vge.u32 v3, v1  }
0x2e: {  	v3 =	vld [tilespmem:s3+$0x40];
	v7 =	vadd.s32 v54, v7;
	v56 =	vmpcnt.ones.xlane vm0;
	vm0 =	vge.u32 v5, v1  }
0x2f: {  	v57 =	vld [tilespmem:s3+$0x50];
	vm15 =	vge.u32 v10, v1;
	v7 =	vadd.s32 v55, v7;
	v58 =	vmpcnt.ones.xlane vm0  }
0x30: {  	v59 =	vld [tilespmem:s3+$0x60];
	vm0 =	vge.u32 v51, v1;
	v10 =	vmpcnt.ones.xlane vm15;
	v7 =	vadd.s32 v56, v7  }
0x31: {  	v61 =	vld [tilespmem:s3+$0x70];
	v60 =	vmpcnt.ones.xlane vm0;
	vm0 =	vge.u32 v53, v1;
	v7 =	vadd.s32 v58, v7  }
0x32: {  	v62 =	vmpcnt.ones.xlane vm0;
	vm0 =	vge.u32 v2, v1;
	v7 =	vadd.s32 v7, v10  }
0x33: {  	v63 =	vmpcnt.ones.xlane vm0;
	vm0 =	vge.u32 v3, v1;
	v2 =	vadd.s32 v60, v7  }
0x34: {  	v3 =	vmpcnt.ones.xlane vm0;
	vm0 =	vge.u32 v57, v1;
	v2 =	vadd.s32 v62, v2  }
0x35: {  	v5 =	vmpcnt.ones.xlane vm0;
	vm0 =	vge.u32 v59, v1;
	v2 =	vadd.s32 v63, v2  }
0x36: {  	v2 =	vadd.s32 v3, v2;
	v3 =	vmpcnt.ones.xlane vm0;
	vm0 =	vge.u32 v61, v1  }
0x37: {  	v1 =	vadd.s32 v5, v2;
	v2 =	vmpcnt.ones.xlane vm0  }
0x38: {  	v1 =	vadd.s32 v3, v1  }
0x39: {  	v1 =	vadd.s32 v2, v1  }
0x3a: {  	(v2sf) =	vpush v1, $0x0;
	_ =	sdelay $0xb  }
0x3b: {  	s10 =	sadd.s32 $0x1, s10  }
0x3c: {  	p1 =	sne.s32 s10, $0x20  }
.Ltmp1:
0x3d: {  	_ = 	snop;
	(pc) =	sbr.rel @p1 .LBB2_2-.Ltmp1, $4  }
0x3e: {  	s31 =	spop (v2sf)  }
0x3f: {  	p0 =	slt.s32 s31, s0  }
0x40: {  	s3 =	sadd.s32 $0xFFFFFFFF, s17;
	s17 =	smov.u32 @p0 s13  }
0x41: {  	s1 =	smov.u32 @p0 s3;
	s13 =	smov.u32 s17  }
0x42: {  	(v2sf) =	vpush v0, $0x1;
	_ =	sdelay $0xd  }
0x43: {  	s15 =	simm.s32 $0x0  }
0x44: {  	s1 =	simm.s32 $0xFF800000;
	s10 =	simm.s32 $0x0;
	s0 =	spop (v2sf)  }
.LBB2_6:
0x45: {  	s5 =	simm.s32 $0x0  }
0x46: {  	s3 =	ssub.s32 s1, s15;
	v2 =	vld [tilespmem:s5+$0x80]  }
0x47: {  	s3 =	sadd.s32 $0x1, s3;
	v3 =	vld [tilespmem:s5+$0x90]  }
0x48: {  	v5 =	vld [tilespmem:s5+$0xA0];
	s3 =	sshrl.u32 s3, $0x1  }
0x49: {  	v6 =	vld [tilespmem:s5+$0xB0];
	s18 =	sadd.s32 s15, s3  }
0x4a: {  	v4 =	vld [tilespmem:s5+$0xC0];
	v1 =	vmov s18  }
0x4b: {  	vm0 =	vge.u32 v2, v1;
	v2 =	vld [tilespmem:s5+$0xD0]  }
0x4c: {  	v7 =	vmpcnt.ones.xlane vm0;
	vm0 =	vge.u32 v3, v1;
	v3 =	vld [tilespmem:s5+$0xE0]  }
0x4d: {  	v9 =	vimm.s32 $0x0;
	s4 =	simm.s32 $0x2000;
	s3 =	simm.s32 $0x400;
	vm15 =	vge.u32 v5, v1;
	v5 =	vld [tilespmem:s5+$0xF0];
	v8 =	vmpcnt.ones.xlane vm0  }
.LBB2_7:
0x4e: {  	p0 =	sne.s32 s4, $0x1F000;
	v10 =	vld [tilespmem:s3+$0x80];
	v7 =	vadd.s32 v9, v7;
	v9 =	vmpcnt.ones.xlane vm15;
	vm0 =	vge.u32 v6, v1  }
0x4f: {  	v11 =	vld [tilespmem:s3+$0x90];
	v6 =	vadd.s32 v8, v7;
	v7 =	vmpcnt.ones.xlane vm0;
	vm0 =	vge.u32 v4, v1  }
0x50: {  	v12 =	vld [tilespmem:s3+$0xA0];
	v4 =	vadd.s32 v9, v6;
	v8 =	vmpcnt.ones.xlane vm0;
	vm0 =	vge.u32 v2, v1  }
.Ltmp2:
0x51: {  	v6 =	vld [tilespmem:s3+$0xB0];
	v2 =	vadd.s32 v7, v4;
	v7 =	vmpcnt.ones.xlane vm0;
	vm0 =	vge.u32 v3, v1;
	(pc) =	sbr.rel @p0 .LBB2_7-.Ltmp2, $4  }
0x52: {  	v4 =	vld [tilespmem:s3+$0xC0];
	v3 =	vadd.s32 v8, v2;
	v8 =	vmpcnt.ones.xlane vm0;
	vm0 =	vge.u32 v5, v1  }
0x53: {  	vm15 =	vge.u32 v10, v1;
	v2 =	vld [tilespmem:s3+$0xD0];
	v5 =	vadd.s32 v7, v3;
	v9 =	vmpcnt.ones.xlane vm0  }
0x54: {  	v7 =	vmpcnt.ones.xlane vm15;
	vm0 =	vge.u32 v11, v1;
	v3 =	vld [tilespmem:s3+$0xE0];
	v10 =	vadd.s32 v8, v5  }
0x55: {  	v8 =	vmpcnt.ones.xlane vm0;
	vm15 =	vge.u32 v12, v1;
	v5 =	vld [tilespmem:s3+$0xF0];
	s3 =	sshra.s32 s4, $0x2;
	s4 =	sadd.s32 $0x1000, s4;
	v9 =	vadd.s32 v9, v10  }
0x56: {  	v10 =	vld [tilespmem:s3+$0x80];
	v7 =	vadd.s32 v9, v7;
	v50 =	vmpcnt.ones.xlane vm15;
	vm0 =	vge.u32 v6, v1  }
0x57: {  	v51 =	vld [tilespmem:s3+$0x90];
	v7 =	vadd.s32 v8, v7;
	v52 =	vmpcnt.ones.xlane vm0;
	vm0 =	vge.u32 v4, v1  }
0x58: {  	v53 =	vld [tilespmem:s3+$0xA0];
	v7 =	vadd.s32 v50, v7;
	v54 =	vmpcnt.ones.xlane vm0;
	vm0 =	vge.u32 v2, v1  }
0x59: {  	v2 =	vld [tilespmem:s3+$0xB0];
	v7 =	vadd.s32 v52, v7;
	v55 =	vmpcnt.ones.xlane vm0;
	vm0 =	vge.u32 v3, v1  }
0x5a: {  	v3 =	vld [tilespmem:s3+$0xC0];
	v7 =	vadd.s32 v54, v7;
	v56 =	vmpcnt.ones.xlane vm0;
	vm0 =	vge.u32 v5, v1  }
0x5b: {  	v57 =	vld [tilespmem:s3+$0xD0];
	vm15 =	vge.u32 v10, v1;
	v7 =	vadd.s32 v55, v7;
	v58 =	vmpcnt.ones.xlane vm0  }
0x5c: {  	v59 =	vld [tilespmem:s3+$0xE0];
	vm0 =	vge.u32 v51, v1;
	v10 =	vmpcnt.ones.xlane vm15;
	v7 =	vadd.s32 v56, v7  }
0x5d: {  	v61 =	vld [tilespmem:s3+$0xF0];
	v60 =	vmpcnt.ones.xlane vm0;
	vm0 =	vge.u32 v53, v1;
	v7 =	vadd.s32 v58, v7  }
0x5e: {  	v62 =	vmpcnt.ones.xlane vm0;
	vm0 =	vge.u32 v2, v1;
	v7 =	vadd.s32 v7, v10  }
0x5f: {  	v63 =	vmpcnt.ones.xlane vm0;
	vm0 =	vge.u32 v3, v1;
	v2 =	vadd.s32 v60, v7  }
0x60: {  	v3 =	vmpcnt.ones.xlane vm0;
	vm0 =	vge.u32 v57, v1;
	v2 =	vadd.s32 v62, v2  }
0x61: {  	v5 =	vmpcnt.ones.xlane vm0;
	vm0 =	vge.u32 v59, v1;
	v2 =	vadd.s32 v63, v2  }
0x62: {  	v2 =	vadd.s32 v3, v2;
	v3 =	vmpcnt.ones.xlane vm0;
	vm0 =	vge.u32 v61, v1  }
0x63: {  	v1 =	vadd.s32 v5, v2;
	v2 =	vmpcnt.ones.xlane vm0  }
0x64: {  	v1 =	vadd.s32 v3, v1  }
0x65: {  	v1 =	vadd.s32 v2, v1  }
0x66: {  	(v2sf) =	vpush v1, $0x0;
	_ =	sdelay $0xb  }
0x67: {  	s10 =	sadd.s32 $0x1, s10  }
0x68: {  	p1 =	sne.s32 s10, $0x20  }
.Ltmp3:
0x69: {  	_ = 	snop;
	(pc) =	sbr.rel @p1 .LBB2_6-.Ltmp3, $4  }
0x6a: {  	s31 =	spop (v2sf)  }
0x6b: {  	p0 =	slt.s32 s31, s0  }
0x6c: {  	s3 =	sadd.s32 $0xFFFFFFFF, s18;
	s18 =	smov.u32 @p0 s15  }
0x6d: {  	s1 =	smov.u32 @p0 s3;
	s15 =	smov.u32 s18  }
0x6e: {  	(v2sf) =	vpush v0, $0x2;
	_ =	sdelay $0xd  }
0x6f: {  	s15 =	simm.s32 $0x0  }
0x70: {  	s1 =	simm.s32 $0xFF800000;
	s10 =	simm.s32 $0x0;
	s0 =	spop (v2sf)  }
.LBB2_10:
0x71: {  	s5 =	simm.s32 $0x0  }
0x72: {  	s3 =	ssub.s32 s1, s15;
	v2 =	vld [tilespmem:s5+$0x100]  }
0x73: {  	s3 =	sadd.s32 $0x1, s3;
	v3 =	vld [tilespmem:s5+$0x110]  }
0x74: {  	v5 =	vld [tilespmem:s5+$0x120];
	s3 =	sshrl.u32 s3, $0x1  }
0x75: {  	v6 =	vld [tilespmem:s5+$0x130];
	s19 =	sadd.s32 s15, s3  }
0x76: {  	v4 =	vld [tilespmem:s5+$0x140];
	v1 =	vmov s19  }
0x77: {  	vm0 =	vge.u32 v2, v1;
	v2 =	vld [tilespmem:s5+$0x150]  }
0x78: {  	v7 =	vmpcnt.ones.xlane vm0;
	vm0 =	vge.u32 v3, v1;
	v3 =	vld [tilespmem:s5+$0x160]  }
0x79: {  	v9 =	vimm.s32 $0x0;
	s4 =	simm.s32 $0x2000;
	s3 =	simm.s32 $0x400;
	vm15 =	vge.u32 v5, v1;
	v5 =	vld [tilespmem:s5+$0x170];
	v8 =	vmpcnt.ones.xlane vm0  }
.LBB2_11:
0x7a: {  	p0 =	sne.s32 s4, $0x1F000;
	v10 =	vld [tilespmem:s3+$0x100];
	v7 =	vadd.s32 v9, v7;
	v9 =	vmpcnt.ones.xlane vm15;
	vm0 =	vge.u32 v6, v1  }
0x7b: {  	v11 =	vld [tilespmem:s3+$0x110];
	v6 =	vadd.s32 v8, v7;
	v7 =	vmpcnt.ones.xlane vm0;
	vm0 =	vge.u32 v4, v1  }
0x7c: {  	v12 =	vld [tilespmem:s3+$0x120];
	v4 =	vadd.s32 v9, v6;
	v8 =	vmpcnt.ones.xlane vm0;
	vm0 =	vge.u32 v2, v1  }
.Ltmp4:
0x7d: {  	v6 =	vld [tilespmem:s3+$0x130];
	v2 =	vadd.s32 v7, v4;
	v7 =	vmpcnt.ones.xlane vm0;
	vm0 =	vge.u32 v3, v1;
	(pc) =	sbr.rel @p0 .LBB2_11-.Ltmp4, $4  }
0x7e: {  	v4 =	vld [tilespmem:s3+$0x140];
	v3 =	vadd.s32 v8, v2;
	v8 =	vmpcnt.ones.xlane vm0;
	vm0 =	vge.u32 v5, v1  }
0x7f: {  	vm15 =	vge.u32 v10, v1;
	v2 =	vld [tilespmem:s3+$0x150];
	v5 =	vadd.s32 v7, v3;
	v9 =	vmpcnt.ones.xlane vm0  }
0x80: {  	v7 =	vmpcnt.ones.xlane vm15;
	vm0 =	vge.u32 v11, v1;
	v3 =	vld [tilespmem:s3+$0x160];
	v10 =	vadd.s32 v8, v5  }
0x81: {  	v8 =	vmpcnt.ones.xlane vm0;
	vm15 =	vge.u32 v12, v1;
	v5 =	vld [tilespmem:s3+$0x170];
	s3 =	sshra.s32 s4, $0x2;
	s4 =	sadd.s32 $0x1000, s4;
	v9 =	vadd.s32 v9, v10  }
0x82: {  	v10 =	vld [tilespmem:s3+$0x100];
	v7 =	vadd.s32 v9, v7;
	v50 =	vmpcnt.ones.xlane vm15;
	vm0 =	vge.u32 v6, v1  }
0x83: {  	v51 =	vld [tilespmem:s3+$0x110];
	v7 =	vadd.s32 v8, v7;
	v52 =	vmpcnt.ones.xlane vm0;
	vm0 =	vge.u32 v4, v1  }
0x84: {  	v53 =	vld [tilespmem:s3+$0x120];
	v7 =	vadd.s32 v50, v7;
	v54 =	vmpcnt.ones.xlane vm0;
	vm0 =	vge.u32 v2, v1  }
0x85: {  	v2 =	vld [tilespmem:s3+$0x130];
	v7 =	vadd.s32 v52, v7;
	v55 =	vmpcnt.ones.xlane vm0;
	vm0 =	vge.u32 v3, v1  }
0x86: {  	v3 =	vld [tilespmem:s3+$0x140];
	v7 =	vadd.s32 v54, v7;
	v56 =	vmpcnt.ones.xlane vm0;
	vm0 =	vge.u32 v5, v1  }
0x87: {  	v57 =	vld [tilespmem:s3+$0x150];
	vm15 =	vge.u32 v10, v1;
	v7 =	vadd.s32 v55, v7;
	v58 =	vmpcnt.ones.xlane vm0  }
0x88: {  	v59 =	vld [tilespmem:s3+$0x160];
	vm0 =	vge.u32 v51, v1;
	v10 =	vmpcnt.ones.xlane vm15;
	v7 =	vadd.s32 v56, v7  }
0x89: {  	v61 =	vld [tilespmem:s3+$0x170];
	v60 =	vmpcnt.ones.xlane vm0;
	vm0 =	vge.u32 v53, v1;
	v7 =	vadd.s32 v58, v7  }
0x8a: {  	v62 =	vmpcnt.ones.xlane vm0;
	vm0 =	vge.u32 v2, v1;
	v7 =	vadd.s32 v7, v10  }
0x8b: {  	v63 =	vmpcnt.ones.xlane vm0;
	vm0 =	vge.u32 v3, v1;
	v2 =	vadd.s32 v60, v7  }
0x8c: {  	v3 =	vmpcnt.ones.xlane vm0;
	vm0 =	vge.u32 v57, v1;
	v2 =	vadd.s32 v62, v2  }
0x8d: {  	v5 =	vmpcnt.ones.xlane vm0;
	vm0 =	vge.u32 v59, v1;
	v2 =	vadd.s32 v63, v2  }
0x8e: {  	v2 =	vadd.s32 v3, v2;
	v3 =	vmpcnt.ones.xlane vm0;
	vm0 =	vge.u32 v61, v1  }
0x8f: {  	v1 =	vadd.s32 v5, v2;
	v2 =	vmpcnt.ones.xlane vm0  }
0x90: {  	v1 =	vadd.s32 v3, v1  }
0x91: {  	v1 =	vadd.s32 v2, v1  }
0x92: {  	(v2sf) =	vpush v1, $0x0;
	_ =	sdelay $0xb  }
0x93: {  	s10 =	sadd.s32 $0x1, s10  }
0x94: {  	p1 =	sne.s32 s10, $0x20  }
.Ltmp5:
0x95: {  	_ = 	snop;
	(pc) =	sbr.rel @p1 .LBB2_10-.Ltmp5, $4  }
0x96: {  	s31 =	spop (v2sf)  }
0x97: {  	p0 =	slt.s32 s31, s0  }
0x98: {  	s3 =	sadd.s32 $0xFFFFFFFF, s19;
	s19 =	smov.u32 @p0 s15  }
0x99: {  	s1 =	smov.u32 @p0 s3;
	s15 =	smov.u32 s19  }
0x9a: {  	(v2sf) =	vpush v0, $0x3;
	_ =	sdelay $0xd  }
0x9b: {  	s15 =	simm.s32 $0x0  }
0x9c: {  	s1 =	simm.s32 $0xFF800000;
	s10 =	simm.s32 $0x0;
	s0 =	spop (v2sf)  }
.LBB2_14:
0x9d: {  	s5 =	simm.s32 $0x0  }
0x9e: {  	s3 =	ssub.s32 s1, s15;
	v2 =	vld [tilespmem:s5+$0x180]  }
0x9f: {  	s3 =	sadd.s32 $0x1, s3;
	v3 =	vld [tilespmem:s5+$0x190]  }
0xa0: {  	v5 =	vld [tilespmem:s5+$0x1A0];
	s3 =	sshrl.u32 s3, $0x1  }
0xa1: {  	v6 =	vld [tilespmem:s5+$0x1B0];
	s20 =	sadd.s32 s15, s3  }
0xa2: {  	v4 =	vld [tilespmem:s5+$0x1C0];
	v1 =	vmov s20  }
0xa3: {  	vm0 =	vge.u32 v2, v1;
	v2 =	vld [tilespmem:s5+$0x1D0]  }
0xa4: {  	v7 =	vmpcnt.ones.xlane vm0;
	vm0 =	vge.u32 v3, v1;
	v3 =	vld [tilespmem:s5+$0x1E0]  }
0xa5: {  	v9 =	vimm.s32 $0x0;
	s4 =	simm.s32 $0x2000;
	s3 =	simm.s32 $0x400;
	vm15 =	vge.u32 v5, v1;
	v5 =	vld [tilespmem:s5+$0x1F0];
	v8 =	vmpcnt.ones.xlane vm0  }
.LBB2_15:
0xa6: {  	p0 =	sne.s32 s4, $0x1F000;
	v10 =	vld [tilespmem:s3+$0x180];
	v7 =	vadd.s32 v9, v7;
	v9 =	vmpcnt.ones.xlane vm15;
	vm0 =	vge.u32 v6, v1  }
0xa7: {  	v11 =	vld [tilespmem:s3+$0x190];
	v6 =	vadd.s32 v8, v7;
	v7 =	vmpcnt.ones.xlane vm0;
	vm0 =	vge.u32 v4, v1  }
0xa8: {  	v12 =	vld [tilespmem:s3+$0x1A0];
	v4 =	vadd.s32 v9, v6;
	v8 =	vmpcnt.ones.xlane vm0;
	vm0 =	vge.u32 v2, v1  }
.Ltmp6:
0xa9: {  	v6 =	vld [tilespmem:s3+$0x1B0];
	v2 =	vadd.s32 v7, v4;
	v7 =	vmpcnt.ones.xlane vm0;
	vm0 =	vge.u32 v3, v1;
	(pc) =	sbr.rel @p0 .LBB2_15-.Ltmp6, $4  }
0xaa: {  	v4 =	vld [tilespmem:s3+$0x1C0];
	v3 =	vadd.s32 v8, v2;
	v8 =	vmpcnt.ones.xlane vm0;
	vm0 =	vge.u32 v5, v1  }
0xab: {  	vm15 =	vge.u32 v10, v1;
	v2 =	vld [tilespmem:s3+$0x1D0];
	v5 =	vadd.s32 v7, v3;
	v9 =	vmpcnt.ones.xlane vm0  }
0xac: {  	v7 =	vmpcnt.ones.xlane vm15;
	vm0 =	vge.u32 v11, v1;
	v3 =	vld [tilespmem:s3+$0x1E0];
	v10 =	vadd.s32 v8, v5  }
0xad: {  	v8 =	vmpcnt.ones.xlane vm0;
	vm15 =	vge.u32 v12, v1;
	v5 =	vld [tilespmem:s3+$0x1F0];
	s3 =	sshra.s32 s4, $0x2;
	s4 =	sadd.s32 $0x1000, s4;
	v9 =	vadd.s32 v9, v10  }
0xae: {  	v10 =	vld [tilespmem:s3+$0x180];
	v7 =	vadd.s32 v9, v7;
	v50 =	vmpcnt.ones.xlane vm15;
	vm0 =	vge.u32 v6, v1  }
0xaf: {  	v51 =	vld [tilespmem:s3+$0x190];
	v7 =	vadd.s32 v8, v7;
	v52 =	vmpcnt.ones.xlane vm0;
	vm0 =	vge.u32 v4, v1  }
0xb0: {  	v53 =	vld [tilespmem:s3+$0x1A0];
	v7 =	vadd.s32 v50, v7;
	v54 =	vmpcnt.ones.xlane vm0;
	vm0 =	vge.u32 v2, v1  }
0xb1: {  	v2 =	vld [tilespmem:s3+$0x1B0];
	v7 =	vadd.s32 v52, v7;
	v55 =	vmpcnt.ones.xlane vm0;
	vm0 =	vge.u32 v3, v1  }
0xb2: {  	v3 =	vld [tilespmem:s3+$0x1C0];
	v7 =	vadd.s32 v54, v7;
	v56 =	vmpcnt.ones.xlane vm0;
	vm0 =	vge.u32 v5, v1  }
0xb3: {  	v57 =	vld [tilespmem:s3+$0x1D0];
	vm15 =	vge.u32 v10, v1;
	v7 =	vadd.s32 v55, v7;
	v58 =	vmpcnt.ones.xlane vm0  }
0xb4: {  	v59 =	vld [tilespmem:s3+$0x1E0];
	vm0 =	vge.u32 v51, v1;
	v10 =	vmpcnt.ones.xlane vm15;
	v7 =	vadd.s32 v56, v7  }
0xb5: {  	v61 =	vld [tilespmem:s3+$0x1F0];
	v60 =	vmpcnt.ones.xlane vm0;
	vm0 =	vge.u32 v53, v1;
	v7 =	vadd.s32 v58, v7  }
0xb6: {  	v62 =	vmpcnt.ones.xlane vm0;
	vm0 =	vge.u32 v2, v1;
	v7 =	vadd.s32 v7, v10  }
0xb7: {  	v63 =	vmpcnt.ones.xlane vm0;
	vm0 =	vge.u32 v3, v1;
	v2 =	vadd.s32 v60, v7  }
0xb8: {  	v3 =	vmpcnt.ones.xlane vm0;
	vm0 =	vge.u32 v57, v1;
	v2 =	vadd.s32 v62, v2  }
0xb9: {  	v5 =	vmpcnt.ones.xlane vm0;
	vm0 =	vge.u32 v59, v1;
	v2 =	vadd.s32 v63, v2  }
0xba: {  	v2 =	vadd.s32 v3, v2;
	v3 =	vmpcnt.ones.xlane vm0;
	vm0 =	vge.u32 v61, v1  }
0xbb: {  	v1 =	vadd.s32 v5, v2;
	v2 =	vmpcnt.ones.xlane vm0  }
0xbc: {  	v1 =	vadd.s32 v3, v1  }
0xbd: {  	v1 =	vadd.s32 v2, v1  }
0xbe: {  	(v2sf) =	vpush v1, $0x0;
	_ =	sdelay $0xb  }
0xbf: {  	s10 =	sadd.s32 $0x1, s10  }
0xc0: {  	p1 =	sne.s32 s10, $0x20  }
.Ltmp7:
0xc1: {  	_ = 	snop;
	(pc) =	sbr.rel @p1 .LBB2_14-.Ltmp7, $4  }
0xc2: {  	s31 =	spop (v2sf)  }
0xc3: {  	p0 =	slt.s32 s31, s0  }
0xc4: {  	s3 =	sadd.s32 $0xFFFFFFFF, s20;
	s20 =	smov.u32 @p0 s15  }
0xc5: {  	s1 =	smov.u32 @p0 s3;
	s15 =	smov.u32 s20  }
0xc6: {  	(v2sf) =	vpush v0, $0x4;
	_ =	sdelay $0xd  }
0xc7: {  	s15 =	simm.s32 $0x0  }
0xc8: {  	s1 =	simm.s32 $0xFF800000;
	s10 =	simm.s32 $0x0;
	s0 =	spop (v2sf)  }
.LBB2_18:
0xc9: {  	s5 =	simm.s32 $0x0  }
0xca: {  	s3 =	ssub.s32 s1, s15;
	v2 =	vld [tilespmem:s5+$0x200]  }
0xcb: {  	s3 =	sadd.s32 $0x1, s3;
	v3 =	vld [tilespmem:s5+$0x210]  }
0xcc: {  	v5 =	vld [tilespmem:s5+$0x220];
	s3 =	sshrl.u32 s3, $0x1  }
0xcd: {  	v6 =	vld [tilespmem:s5+$0x230];
	s21 =	sadd.s32 s15, s3  }
0xce: {  	v4 =	vld [tilespmem:s5+$0x240];
	v1 =	vmov s21  }
0xcf: {  	vm0 =	vge.u32 v2, v1;
	v2 =	vld [tilespmem:s5+$0x250]  }
0xd0: {  	v7 =	vmpcnt.ones.xlane vm0;
	vm0 =	vge.u32 v3, v1;
	v3 =	vld [tilespmem:s5+$0x260]  }
0xd1: {  	v9 =	vimm.s32 $0x0;
	s4 =	simm.s32 $0x2000;
	s3 =	simm.s32 $0x400;
	vm15 =	vge.u32 v5, v1;
	v5 =	vld [tilespmem:s5+$0x270];
	v8 =	vmpcnt.ones.xlane vm0  }
.LBB2_19:
0xd2: {  	p0 =	sne.s32 s4, $0x1F000;
	v10 =	vld [tilespmem:s3+$0x200];
	v7 =	vadd.s32 v9, v7;
	v9 =	vmpcnt.ones.xlane vm15;
	vm0 =	vge.u32 v6, v1  }
0xd3: {  	v11 =	vld [tilespmem:s3+$0x210];
	v6 =	vadd.s32 v8, v7;
	v7 =	vmpcnt.ones.xlane vm0;
	vm0 =	vge.u32 v4, v1  }
0xd4: {  	v12 =	vld [tilespmem:s3+$0x220];
	v4 =	vadd.s32 v9, v6;
	v8 =	vmpcnt.ones.xlane vm0;
	vm0 =	vge.u32 v2, v1  }
.Ltmp8:
0xd5: {  	v6 =	vld [tilespmem:s3+$0x230];
	v2 =	vadd.s32 v7, v4;
	v7 =	vmpcnt.ones.xlane vm0;
	vm0 =	vge.u32 v3, v1;
	(pc) =	sbr.rel @p0 .LBB2_19-.Ltmp8, $4  }
0xd6: {  	v4 =	vld [tilespmem:s3+$0x240];
	v3 =	vadd.s32 v8, v2;
	v8 =	vmpcnt.ones.xlane vm0;
	vm0 =	vge.u32 v5, v1  }
0xd7: {  	vm15 =	vge.u32 v10, v1;
	v2 =	vld [tilespmem:s3+$0x250];
	v5 =	vadd.s32 v7, v3;
	v9 =	vmpcnt.ones.xlane vm0  }
0xd8: {  	v7 =	vmpcnt.ones.xlane vm15;
	vm0 =	vge.u32 v11, v1;
	v3 =	vld [tilespmem:s3+$0x260];
	v10 =	vadd.s32 v8, v5  }
0xd9: {  	v8 =	vmpcnt.ones.xlane vm0;
	vm15 =	vge.u32 v12, v1;
	v5 =	vld [tilespmem:s3+$0x270];
	s3 =	sshra.s32 s4, $0x2;
	s4 =	sadd.s32 $0x1000, s4;
	v9 =	vadd.s32 v9, v10  }
0xda: {  	v10 =	vld [tilespmem:s3+$0x200];
	v7 =	vadd.s32 v9, v7;
	v50 =	vmpcnt.ones.xlane vm15;
	vm0 =	vge.u32 v6, v1  }
0xdb: {  	v51 =	vld [tilespmem:s3+$0x210];
	v7 =	vadd.s32 v8, v7;
	v52 =	vmpcnt.ones.xlane vm0;
	vm0 =	vge.u32 v4, v1  }
0xdc: {  	v53 =	vld [tilespmem:s3+$0x220];
	v7 =	vadd.s32 v50, v7;
	v54 =	vmpcnt.ones.xlane vm0;
	vm0 =	vge.u32 v2, v1  }
0xdd: {  	v2 =	vld [tilespmem:s3+$0x230];
	v7 =	vadd.s32 v52, v7;
	v55 =	vmpcnt.ones.xlane vm0;
	vm0 =	vge.u32 v3, v1  }
0xde: {  	v3 =	vld [tilespmem:s3+$0x240];
	v7 =	vadd.s32 v54, v7;
	v56 =	vmpcnt.ones.xlane vm0;
	vm0 =	vge.u32 v5, v1  }
0xdf: {  	v57 =	vld [tilespmem:s3+$0x250];
	vm15 =	vge.u32 v10, v1;
	v7 =	vadd.s32 v55, v7;
	v58 =	vmpcnt.ones.xlane vm0  }
0xe0: {  	v59 =	vld [tilespmem:s3+$0x260];
	vm0 =	vge.u32 v51, v1;
	v10 =	vmpcnt.ones.xlane vm15;
	v7 =	vadd.s32 v56, v7  }
0xe1: {  	v61 =	vld [tilespmem:s3+$0x270];
	v60 =	vmpcnt.ones.xlane vm0;
	vm0 =	vge.u32 v53, v1;
	v7 =	vadd.s32 v58, v7  }
0xe2: {  	v62 =	vmpcnt.ones.xlane vm0;
	vm0 =	vge.u32 v2, v1;
	v7 =	vadd.s32 v7, v10  }
0xe3: {  	v63 =	vmpcnt.ones.xlane vm0;
	vm0 =	vge.u32 v3, v1;
	v2 =	vadd.s32 v60, v7  }
0xe4: {  	v3 =	vmpcnt.ones.xlane vm0;
	vm0 =	vge.u32 v57, v1;
	v2 =	vadd.s32 v62, v2  }
0xe5: {  	v5 =	vmpcnt.ones.xlane vm0;
	vm0 =	vge.u32 v59, v1;
	v2 =	vadd.s32 v63, v2  }
0xe6: {  	v2 =	vadd.s32 v3, v2;
	v3 =	vmpcnt.ones.xlane vm0;
	vm0 =	vge.u32 v61, v1  }
0xe7: {  	v1 =	vadd.s32 v5, v2;
	v2 =	vmpcnt.ones.xlane vm0  }
0xe8: {  	v1 =	vadd.s32 v3, v1  }
0xe9: {  	v1 =	vadd.s32 v2, v1  }
0xea: {  	(v2sf) =	vpush v1, $0x0;
	_ =	sdelay $0xb  }
0xeb: {  	s10 =	sadd.s32 $0x1, s10  }
0xec: {  	p1 =	sne.s32 s10, $0x20  }
.Ltmp9:
0xed: {  	_ = 	snop;
	(pc) =	sbr.rel @p1 .LBB2_18-.Ltmp9, $4  }
0xee: {  	s31 =	spop (v2sf)  }
0xef: {  	p0 =	slt.s32 s31, s0  }
0xf0: {  	s3 =	sadd.s32 $0xFFFFFFFF, s21;
	s21 =	smov.u32 @p0 s15  }
0xf1: {  	s1 =	smov.u32 @p0 s3;
	s15 =	smov.u32 s21  }
0xf2: {  	(v2sf) =	vpush v0, $0x5;
	_ =	sdelay $0xd  }
0xf3: {  	s15 =	simm.s32 $0x0  }
0xf4: {  	s1 =	simm.s32 $0xFF800000;
	s10 =	simm.s32 $0x0;
	s0 =	spop (v2sf)  }
.LBB2_22:
0xf5: {  	s5 =	simm.s32 $0x0  }
0xf6: {  	s3 =	ssub.s32 s1, s15;
	v2 =	vld [tilespmem:s5+$0x280]  }
0xf7: {  	s3 =	sadd.s32 $0x1, s3;
	v3 =	vld [tilespmem:s5+$0x290]  }
0xf8: {  	v5 =	vld [tilespmem:s5+$0x2A0];
	s3 =	sshrl.u32 s3, $0x1  }
0xf9: {  	v6 =	vld [tilespmem:s5+$0x2B0];
	s22 =	sadd.s32 s15, s3  }
0xfa: {  	v4 =	vld [tilespmem:s5+$0x2C0];
	v1 =	vmov s22  }
0xfb: {  	vm0 =	vge.u32 v2, v1;
	v2 =	vld [tilespmem:s5+$0x2D0]  }
0xfc: {  	v7 =	vmpcnt.ones.xlane vm0;
	vm0 =	vge.u32 v3, v1;
	v3 =	vld [tilespmem:s5+$0x2E0]  }
0xfd: {  	v9 =	vimm.s32 $0x0;
	s4 =	simm.s32 $0x2000;
	s3 =	simm.s32 $0x400;
	vm15 =	vge.u32 v5, v1;
	v5 =	vld [tilespmem:s5+$0x2F0];
	v8 =	vmpcnt.ones.xlane vm0  }
.LBB2_23:
0xfe: {  	p0 =	sne.s32 s4, $0x1F000;
	v10 =	vld [tilespmem:s3+$0x280];
	v7 =	vadd.s32 v9, v7;
	v9 =	vmpcnt.ones.xlane vm15;
	vm0 =	vge.u32 v6, v1  }
0xff: {  	v11 =	vld [tilespmem:s3+$0x290];
	v6 =	vadd.s32 v8, v7;
	v7 =	vmpcnt.ones.xlane vm0;
	vm0 =	vge.u32 v4, v1  }
0x100: {  	v12 =	vld [tilespmem:s3+$0x2A0];
	v4 =	vadd.s32 v9, v6;
	v8 =	vmpcnt.ones.xlane vm0;
	vm0 =	vge.u32 v2, v1  }
.Ltmp10:
0x101: {  	v6 =	vld [tilespmem:s3+$0x2B0];
	v2 =	vadd.s32 v7, v4;
	v7 =	vmpcnt.ones.xlane vm0;
	vm0 =	vge.u32 v3, v1;
	(pc) =	sbr.rel @p0 .LBB2_23-.Ltmp10, $4  }
0x102: {  	v4 =	vld [tilespmem:s3+$0x2C0];
	v3 =	vadd.s32 v8, v2;
	v8 =	vmpcnt.ones.xlane vm0;
	vm0 =	vge.u32 v5, v1  }
0x103: {  	vm15 =	vge.u32 v10, v1;
	v2 =	vld [tilespmem:s3+$0x2D0];
	v5 =	vadd.s32 v7, v3;
	v9 =	vmpcnt.ones.xlane vm0  }
0x104: {  	v7 =	vmpcnt.ones.xlane vm15;
	vm0 =	vge.u32 v11, v1;
	v3 =	vld [tilespmem:s3+$0x2E0];
	v10 =	vadd.s32 v8, v5  }
0x105: {  	v8 =	vmpcnt.ones.xlane vm0;
	vm15 =	vge.u32 v12, v1;
	v5 =	vld [tilespmem:s3+$0x2F0];
	s3 =	sshra.s32 s4, $0x2;
	s4 =	sadd.s32 $0x1000, s4;
	v9 =	vadd.s32 v9, v10  }
0x106: {  	v10 =	vld [tilespmem:s3+$0x280];
	v7 =	vadd.s32 v9, v7;
	v50 =	vmpcnt.ones.xlane vm15;
	vm0 =	vge.u32 v6, v1  }
0x107: {  	v51 =	vld [tilespmem:s3+$0x290];
	v7 =	vadd.s32 v8, v7;
	v52 =	vmpcnt.ones.xlane vm0;
	vm0 =	vge.u32 v4, v1  }
0x108: {  	v53 =	vld [tilespmem:s3+$0x2A0];
	v7 =	vadd.s32 v50, v7;
	v54 =	vmpcnt.ones.xlane vm0;
	vm0 =	vge.u32 v2, v1  }
0x109: {  	v2 =	vld [tilespmem:s3+$0x2B0];
	v7 =	vadd.s32 v52, v7;
	v55 =	vmpcnt.ones.xlane vm0;
	vm0 =	vge.u32 v3, v1  }
0x10a: {  	v3 =	vld [tilespmem:s3+$0x2C0];
	v7 =	vadd.s32 v54, v7;
	v56 =	vmpcnt.ones.xlane vm0;
	vm0 =	vge.u32 v5, v1  }
0x10b: {  	v57 =	vld [tilespmem:s3+$0x2D0];
	vm15 =	vge.u32 v10, v1;
	v7 =	vadd.s32 v55, v7;
	v58 =	vmpcnt.ones.xlane vm0  }
0x10c: {  	v59 =	vld [tilespmem:s3+$0x2E0];
	vm0 =	vge.u32 v51, v1;
	v10 =	vmpcnt.ones.xlane vm15;
	v7 =	vadd.s32 v56, v7  }
0x10d: {  	v61 =	vld [tilespmem:s3+$0x2F0];
	v60 =	vmpcnt.ones.xlane vm0;
	vm0 =	vge.u32 v53, v1;
	v7 =	vadd.s32 v58, v7  }
0x10e: {  	v62 =	vmpcnt.ones.xlane vm0;
	vm0 =	vge.u32 v2, v1;
	v7 =	vadd.s32 v7, v10  }
0x10f: {  	v63 =	vmpcnt.ones.xlane vm0;
	vm0 =	vge.u32 v3, v1;
	v2 =	vadd.s32 v60, v7  }
0x110: {  	v3 =	vmpcnt.ones.xlane vm0;
	vm0 =	vge.u32 v57, v1;
	v2 =	vadd.s32 v62, v2  }
0x111: {  	v5 =	vmpcnt.ones.xlane vm0;
	vm0 =	vge.u32 v59, v1;
	v2 =	vadd.s32 v63, v2  }
0x112: {  	v2 =	vadd.s32 v3, v2;
	v3 =	vmpcnt.ones.xlane vm0;
	vm0 =	vge.u32 v61, v1  }
0x113: {  	v1 =	vadd.s32 v5, v2;
	v2 =	vmpcnt.ones.xlane vm0  }
0x114: {  	v1 =	vadd.s32 v3, v1  }
0x115: {  	v1 =	vadd.s32 v2, v1  }
0x116: {  	(v2sf) =	vpush v1, $0x0;
	_ =	sdelay $0xb  }
0x117: {  	s10 =	sadd.s32 $0x1, s10  }
0x118: {  	p1 =	sne.s32 s10, $0x20  }
.Ltmp11:
0x119: {  	_ = 	snop;
	(pc) =	sbr.rel @p1 .LBB2_22-.Ltmp11, $4  }
0x11a: {  	s31 =	spop (v2sf)  }
0x11b: {  	p0 =	slt.s32 s31, s0  }
0x11c: {  	s3 =	sadd.s32 $0xFFFFFFFF, s22;
	s22 =	smov.u32 @p0 s15  }
0x11d: {  	s1 =	smov.u32 @p0 s3;
	s15 =	smov.u32 s22  }
0x11e: {  	(v2sf) =	vpush v0, $0x6;
	_ =	sdelay $0xd  }
0x11f: {  	s15 =	simm.s32 $0x0  }
0x120: {  	s1 =	simm.s32 $0xFF800000;
	s10 =	simm.s32 $0x0;
	s0 =	spop (v2sf)  }
.LBB2_26:
0x121: {  	s5 =	simm.s32 $0x0  }
0x122: {  	s3 =	ssub.s32 s1, s15;
	v2 =	vld [tilespmem:s5+$0x300]  }
0x123: {  	s3 =	sadd.s32 $0x1, s3;
	v3 =	vld [tilespmem:s5+$0x310]  }
0x124: {  	v5 =	vld [tilespmem:s5+$0x320];
	s3 =	sshrl.u32 s3, $0x1  }
0x125: {  	v6 =	vld [tilespmem:s5+$0x330];
	s23 =	sadd.s32 s15, s3  }
0x126: {  	v4 =	vld [tilespmem:s5+$0x340];
	v1 =	vmov s23  }
0x127: {  	vm0 =	vge.u32 v2, v1;
	v2 =	vld [tilespmem:s5+$0x350]  }
0x128: {  	v7 =	vmpcnt.ones.xlane vm0;
	vm0 =	vge.u32 v3, v1;
	v3 =	vld [tilespmem:s5+$0x360]  }
0x129: {  	v9 =	vimm.s32 $0x0;
	s4 =	simm.s32 $0x2000;
	s3 =	simm.s32 $0x400;
	vm15 =	vge.u32 v5, v1;
	v5 =	vld [tilespmem:s5+$0x370];
	v8 =	vmpcnt.ones.xlane vm0  }
.LBB2_27:
0x12a: {  	p0 =	sne.s32 s4, $0x1F000;
	v10 =	vld [tilespmem:s3+$0x300];
	v7 =	vadd.s32 v9, v7;
	v9 =	vmpcnt.ones.xlane vm15;
	vm0 =	vge.u32 v6, v1  }
0x12b: {  	v11 =	vld [tilespmem:s3+$0x310];
	v6 =	vadd.s32 v8, v7;
	v7 =	vmpcnt.ones.xlane vm0;
	vm0 =	vge.u32 v4, v1  }
0x12c: {  	v12 =	vld [tilespmem:s3+$0x320];
	v4 =	vadd.s32 v9, v6;
	v8 =	vmpcnt.ones.xlane vm0;
	vm0 =	vge.u32 v2, v1  }
.Ltmp12:
0x12d: {  	v6 =	vld [tilespmem:s3+$0x330];
	v2 =	vadd.s32 v7, v4;
	v7 =	vmpcnt.ones.xlane vm0;
	vm0 =	vge.u32 v3, v1;
	(pc) =	sbr.rel @p0 .LBB2_27-.Ltmp12, $4  }
0x12e: {  	v4 =	vld [tilespmem:s3+$0x340];
	v3 =	vadd.s32 v8, v2;
	v8 =	vmpcnt.ones.xlane vm0;
	vm0 =	vge.u32 v5, v1  }
0x12f: {  	vm15 =	vge.u32 v10, v1;
	v2 =	vld [tilespmem:s3+$0x350];
	v5 =	vadd.s32 v7, v3;
	v9 =	vmpcnt.ones.xlane vm0  }
0x130: {  	v7 =	vmpcnt.ones.xlane vm15;
	vm0 =	vge.u32 v11, v1;
	v3 =	vld [tilespmem:s3+$0x360];
	v10 =	vadd.s32 v8, v5  }
0x131: {  	v8 =	vmpcnt.ones.xlane vm0;
	vm15 =	vge.u32 v12, v1;
	v5 =	vld [tilespmem:s3+$0x370];
	s3 =	sshra.s32 s4, $0x2;
	s4 =	sadd.s32 $0x1000, s4;
	v9 =	vadd.s32 v9, v10  }
0x132: {  	v10 =	vld [tilespmem:s3+$0x300];
	v7 =	vadd.s32 v9, v7;
	v50 =	vmpcnt.ones.xlane vm15;
	vm0 =	vge.u32 v6, v1  }
0x133: {  	v51 =	vld [tilespmem:s3+$0x310];
	v7 =	vadd.s32 v8, v7;
	v52 =	vmpcnt.ones.xlane vm0;
	vm0 =	vge.u32 v4, v1  }
0x134: {  	v53 =	vld [tilespmem:s3+$0x320];
	v7 =	vadd.s32 v50, v7;
	v54 =	vmpcnt.ones.xlane vm0;
	vm0 =	vge.u32 v2, v1  }
0x135: {  	v2 =	vld [tilespmem:s3+$0x330];
	v7 =	vadd.s32 v52, v7;
	v55 =	vmpcnt.ones.xlane vm0;
	vm0 =	vge.u32 v3, v1  }
0x136: {  	v3 =	vld [tilespmem:s3+$0x340];
	v7 =	vadd.s32 v54, v7;
	v56 =	vmpcnt.ones.xlane vm0;
	vm0 =	vge.u32 v5, v1  }
0x137: {  	v57 =	vld [tilespmem:s3+$0x350];
	vm15 =	vge.u32 v10, v1;
	v7 =	vadd.s32 v55, v7;
	v58 =	vmpcnt.ones.xlane vm0  }
0x138: {  	v59 =	vld [tilespmem:s3+$0x360];
	vm0 =	vge.u32 v51, v1;
	v10 =	vmpcnt.ones.xlane vm15;
	v7 =	vadd.s32 v56, v7  }
0x139: {  	v61 =	vld [tilespmem:s3+$0x370];
	v60 =	vmpcnt.ones.xlane vm0;
	vm0 =	vge.u32 v53, v1;
	v7 =	vadd.s32 v58, v7  }
0x13a: {  	v62 =	vmpcnt.ones.xlane vm0;
	vm0 =	vge.u32 v2, v1;
	v7 =	vadd.s32 v7, v10  }
0x13b: {  	v63 =	vmpcnt.ones.xlane vm0;
	vm0 =	vge.u32 v3, v1;
	v2 =	vadd.s32 v60, v7  }
0x13c: {  	v3 =	vmpcnt.ones.xlane vm0;
	vm0 =	vge.u32 v57, v1;
	v2 =	vadd.s32 v62, v2  }
0x13d: {  	v5 =	vmpcnt.ones.xlane vm0;
	vm0 =	vge.u32 v59, v1;
	v2 =	vadd.s32 v63, v2  }
0x13e: {  	v2 =	vadd.s32 v3, v2;
	v3 =	vmpcnt.ones.xlane vm0;
	vm0 =	vge.u32 v61, v1  }
0x13f: {  	v1 =	vadd.s32 v5, v2;
	v2 =	vmpcnt.ones.xlane vm0  }
0x140: {  	v1 =	vadd.s32 v3, v1  }
0x141: {  	v1 =	vadd.s32 v2, v1  }
0x142: {  	(v2sf) =	vpush v1, $0x0;
	_ =	sdelay $0xb  }
0x143: {  	s10 =	sadd.s32 $0x1, s10  }
0x144: {  	p1 =	sne.s32 s10, $0x20  }
.Ltmp13:
0x145: {  	_ = 	snop;
	(pc) =	sbr.rel @p1 .LBB2_26-.Ltmp13, $4  }
0x146: {  	s31 =	spop (v2sf)  }
0x147: {  	p0 =	slt.s32 s31, s0  }
0x148: {  	s3 =	sadd.s32 $0xFFFFFFFF, s23;
	s23 =	smov.u32 @p0 s15  }
0x149: {  	s1 =	smov.u32 @p0 s3;
	s15 =	smov.u32 s23  }
0x14a: {  	(v2sf) =	vpush v0, $0x7;
	_ =	sdelay $0xd  }
0x14b: {  	s15 =	simm.s32 $0x0  }
0x14c: {  	s1 =	simm.s32 $0xFF800000;
	s10 =	simm.s32 $0x0;
	s0 =	spop (v2sf)  }
.LBB2_30:
0x14d: {  	s5 =	simm.s32 $0x0  }
0x14e: {  	s3 =	ssub.s32 s1, s15;
	v2 =	vld [tilespmem:s5+$0x380]  }
0x14f: {  	s3 =	sadd.s32 $0x1, s3;
	v3 =	vld [tilespmem:s5+$0x390]  }
0x150: {  	v5 =	vld [tilespmem:s5+$0x3A0];
	s3 =	sshrl.u32 s3, $0x1  }
0x151: {  	v6 =	vld [tilespmem:s5+$0x3B0];
	s24 =	sadd.s32 s15, s3  }
0x152: {  	v4 =	vld [tilespmem:s5+$0x3C0];
	v1 =	vmov s24  }
0x153: {  	vm0 =	vge.u32 v2, v1;
	v2 =	vld [tilespmem:s5+$0x3D0]  }
0x154: {  	v7 =	vmpcnt.ones.xlane vm0;
	vm0 =	vge.u32 v3, v1;
	v3 =	vld [tilespmem:s5+$0x3E0]  }
0x155: {  	v9 =	vimm.s32 $0x0;
	s4 =	simm.s32 $0x2000;
	s3 =	simm.s32 $0x400;
	vm15 =	vge.u32 v5, v1;
	v5 =	vld [tilespmem:s5+$0x3F0];
	v8 =	vmpcnt.ones.xlane vm0  }
.LBB2_31:
0x156: {  	p0 =	sne.s32 s4, $0x1F000;
	v10 =	vld [tilespmem:s3+$0x380];
	v7 =	vadd.s32 v9, v7;
	v9 =	vmpcnt.ones.xlane vm15;
	vm0 =	vge.u32 v6, v1  }
0x157: {  	v11 =	vld [tilespmem:s3+$0x390];
	v6 =	vadd.s32 v8, v7;
	v7 =	vmpcnt.ones.xlane vm0;
	vm0 =	vge.u32 v4, v1  }
0x158: {  	v12 =	vld [tilespmem:s3+$0x3A0];
	v4 =	vadd.s32 v9, v6;
	v8 =	vmpcnt.ones.xlane vm0;
	vm0 =	vge.u32 v2, v1  }
.Ltmp14:
0x159: {  	v6 =	vld [tilespmem:s3+$0x3B0];
	v2 =	vadd.s32 v7, v4;
	v7 =	vmpcnt.ones.xlane vm0;
	vm0 =	vge.u32 v3, v1;
	(pc) =	sbr.rel @p0 .LBB2_31-.Ltmp14, $4  }
0x15a: {  	v4 =	vld [tilespmem:s3+$0x3C0];
	v3 =	vadd.s32 v8, v2;
	v8 =	vmpcnt.ones.xlane vm0;
	vm0 =	vge.u32 v5, v1  }
0x15b: {  	vm15 =	vge.u32 v10, v1;
	v2 =	vld [tilespmem:s3+$0x3D0];
	v5 =	vadd.s32 v7, v3;
	v9 =	vmpcnt.ones.xlane vm0  }
0x15c: {  	v7 =	vmpcnt.ones.xlane vm15;
	vm0 =	vge.u32 v11, v1;
	v3 =	vld [tilespmem:s3+$0x3E0];
	v10 =	vadd.s32 v8, v5  }
0x15d: {  	v8 =	vmpcnt.ones.xlane vm0;
	vm15 =	vge.u32 v12, v1;
	v5 =	vld [tilespmem:s3+$0x3F0];
	s3 =	sshra.s32 s4, $0x2;
	s4 =	sadd.s32 $0x1000, s4;
	v9 =	vadd.s32 v9, v10  }
0x15e: {  	v10 =	vld [tilespmem:s3+$0x380];
	v7 =	vadd.s32 v9, v7;
	v50 =	vmpcnt.ones.xlane vm15;
	vm0 =	vge.u32 v6, v1  }
0x15f: {  	v51 =	vld [tilespmem:s3+$0x390];
	v7 =	vadd.s32 v8, v7;
	v52 =	vmpcnt.ones.xlane vm0;
	vm0 =	vge.u32 v4, v1  }
0x160: {  	v53 =	vld [tilespmem:s3+$0x3A0];
	v7 =	vadd.s32 v50, v7;
	v54 =	vmpcnt.ones.xlane vm0;
	vm0 =	vge.u32 v2, v1  }
0x161: {  	v2 =	vld [tilespmem:s3+$0x3B0];
	v7 =	vadd.s32 v52, v7;
	v55 =	vmpcnt.ones.xlane vm0;
	vm0 =	vge.u32 v3, v1  }
0x162: {  	v3 =	vld [tilespmem:s3+$0x3C0];
	v7 =	vadd.s32 v54, v7;
	v56 =	vmpcnt.ones.xlane vm0;
	vm0 =	vge.u32 v5, v1  }
0x163: {  	v57 =	vld [tilespmem:s3+$0x3D0];
	vm15 =	vge.u32 v10, v1;
	v7 =	vadd.s32 v55, v7;
	v58 =	vmpcnt.ones.xlane vm0  }
0x164: {  	v59 =	vld [tilespmem:s3+$0x3E0];
	vm0 =	vge.u32 v51, v1;
	v10 =	vmpcnt.ones.xlane vm15;
	v7 =	vadd.s32 v56, v7  }
0x165: {  	v61 =	vld [tilespmem:s3+$0x3F0];
	v60 =	vmpcnt.ones.xlane vm0;
	vm0 =	vge.u32 v53, v1;
	v7 =	vadd.s32 v58, v7  }
0x166: {  	v62 =	vmpcnt.ones.xlane vm0;
	vm0 =	vge.u32 v2, v1;
	v7 =	vadd.s32 v7, v10  }
0x167: {  	v63 =	vmpcnt.ones.xlane vm0;
	vm0 =	vge.u32 v3, v1;
	v2 =	vadd.s32 v60, v7  }
0x168: {  	v3 =	vmpcnt.ones.xlane vm0;
	vm0 =	vge.u32 v57, v1;
	v2 =	vadd.s32 v62, v2  }
0x169: {  	v5 =	vmpcnt.ones.xlane vm0;
	vm0 =	vge.u32 v59, v1;
	v2 =	vadd.s32 v63, v2  }
0x16a: {  	v2 =	vadd.s32 v3, v2;
	v3 =	vmpcnt.ones.xlane vm0;
	vm0 =	vge.u32 v61, v1  }
0x16b: {  	v1 =	vadd.s32 v5, v2;
	v2 =	vmpcnt.ones.xlane vm0  }
0x16c: {  	v1 =	vadd.s32 v3, v1  }
0x16d: {  	v1 =	vadd.s32 v2, v1  }
0x16e: {  	(v2sf) =	vpush v1, $0x0;
	_ =	sdelay $0xb  }
0x16f: {  	s10 =	sadd.s32 $0x1, s10  }
0x170: {  	p1 =	sne.s32 s10, $0x20  }
.Ltmp15:
0x171: {  	_ = 	snop;
	(pc) =	sbr.rel @p1 .LBB2_30-.Ltmp15, $4  }
0x172: {  	s31 =	spop (v2sf)  }
0x173: {  	p0 =	slt.s32 s31, s0  }
0x174: {  	s3 =	sadd.s32 $0xFFFFFFFF, s24;
	s24 =	smov.u32 @p0 s15  }
0x175: {  	s1 =	smov.u32 @p0 s3;
	s15 =	smov.u32 s24  }
0x176: {  	_ =	swait.ge [sflag:s14], $0x8000  }
0x177: {  	(v2sf) =	vpush v0, $0x8;
	_ =	sdelay $0xb  }
0x178: {  	[sflag:s14] =	ssyncset.done $0x0  }
0x179: {  	s26 =	simm.s32 $0x0;
	s0 =	rddreg [dreg:$0x5];
	[sflag:s14] =	ssyncadd.s32 $0xFFFF8000  }
0x17a: {  	[tilespmem:s26], [sflag:$0x1] =	stream.linear.gather [hbm4b:s0+s26], $0x8000, $0x38;
	[tilespmem:$0x10100] =	vst v63  }
0x17b: {  	s1 =	simm.s32 $0xFF800000;
	s10 =	simm.s32 $0x0;
	s0 =	spop (v2sf)  }
.LBB2_34:
0x17c: {  	s5 =	simm.s32 $0x0  }
0x17d: {  	s3 =	ssub.s32 s1, s26;
	v2 =	vld [tilespmem:s5+$0x8000]  }
0x17e: {  	s3 =	sadd.s32 $0x1, s3;
	v3 =	vld [tilespmem:s5+$0x8010]  }
0x17f: {  	v5 =	vld [tilespmem:s5+$0x8020];
	s3 =	sshrl.u32 s3, $0x1  }
0x180: {  	v6 =	vld [tilespmem:s5+$0x8030];
	s25 =	sadd.s32 s26, s3  }
0x181: {  	v4 =	vld [tilespmem:s5+$0x8040];
	v1 =	vmov s25  }
0x182: {  	vm0 =	vge.u32 v2, v1;
	v2 =	vld [tilespmem:s5+$0x8050]  }
0x183: {  	v7 =	vmpcnt.ones.xlane vm0;
	vm0 =	vge.u32 v3, v1;
	v3 =	vld [tilespmem:s5+$0x8060]  }
0x184: {  	v9 =	vimm.s32 $0x0;
	s4 =	simm.s32 $0x2000;
	s3 =	simm.s32 $0x400;
	vm15 =	vge.u32 v5, v1;
	v5 =	vld [tilespmem:s5+$0x8070];
	v8 =	vmpcnt.ones.xlane vm0  }
.LBB2_35:
0x185: {  	p0 =	sne.s32 s4, $0x1F000;
	v10 =	vld [tilespmem:s3+$0x8000];
	v7 =	vadd.s32 v9, v7;
	v9 =	vmpcnt.ones.xlane vm15;
	vm0 =	vge.u32 v6, v1  }
0x186: {  	v11 =	vld [tilespmem:s3+$0x8010];
	v6 =	vadd.s32 v8, v7;
	v7 =	vmpcnt.ones.xlane vm0;
	vm0 =	vge.u32 v4, v1  }
0x187: {  	v12 =	vld [tilespmem:s3+$0x8020];
	v4 =	vadd.s32 v9, v6;
	v8 =	vmpcnt.ones.xlane vm0;
	vm0 =	vge.u32 v2, v1  }
.Ltmp16:
0x188: {  	v6 =	vld [tilespmem:s3+$0x8030];
	v2 =	vadd.s32 v7, v4;
	v7 =	vmpcnt.ones.xlane vm0;
	vm0 =	vge.u32 v3, v1;
	(pc) =	sbr.rel @p0 .LBB2_35-.Ltmp16, $4  }
0x189: {  	v4 =	vld [tilespmem:s3+$0x8040];
	v3 =	vadd.s32 v8, v2;
	v8 =	vmpcnt.ones.xlane vm0;
	vm0 =	vge.u32 v5, v1  }
0x18a: {  	vm15 =	vge.u32 v10, v1;
	v2 =	vld [tilespmem:s3+$0x8050];
	v5 =	vadd.s32 v7, v3;
	v9 =	vmpcnt.ones.xlane vm0  }
0x18b: {  	v7 =	vmpcnt.ones.xlane vm15;
	vm0 =	vge.u32 v11, v1;
	v3 =	vld [tilespmem:s3+$0x8060];
	v10 =	vadd.s32 v8, v5  }
0x18c: {  	v8 =	vmpcnt.ones.xlane vm0;
	vm15 =	vge.u32 v12, v1;
	v5 =	vld [tilespmem:s3+$0x8070];
	s3 =	sshra.s32 s4, $0x2;
	s4 =	sadd.s32 $0x1000, s4;
	v9 =	vadd.s32 v9, v10  }
0x18d: {  	v10 =	vld [tilespmem:s3+$0x8000];
	v7 =	vadd.s32 v9, v7;
	v50 =	vmpcnt.ones.xlane vm15;
	vm0 =	vge.u32 v6, v1  }
0x18e: {  	v51 =	vld [tilespmem:s3+$0x8010];
	v7 =	vadd.s32 v8, v7;
	v52 =	vmpcnt.ones.xlane vm0;
	vm0 =	vge.u32 v4, v1  }
0x18f: {  	v53 =	vld [tilespmem:s3+$0x8020];
	v7 =	vadd.s32 v50, v7;
	v54 =	vmpcnt.ones.xlane vm0;
	vm0 =	vge.u32 v2, v1  }
0x190: {  	v2 =	vld [tilespmem:s3+$0x8030];
	v7 =	vadd.s32 v52, v7;
	v55 =	vmpcnt.ones.xlane vm0;
	vm0 =	vge.u32 v3, v1  }
0x191: {  	v3 =	vld [tilespmem:s3+$0x8040];
	v7 =	vadd.s32 v54, v7;
	v56 =	vmpcnt.ones.xlane vm0;
	vm0 =	vge.u32 v5, v1  }
0x192: {  	v57 =	vld [tilespmem:s3+$0x8050];
	vm15 =	vge.u32 v10, v1;
	v7 =	vadd.s32 v55, v7;
	v58 =	vmpcnt.ones.xlane vm0  }
0x193: {  	v59 =	vld [tilespmem:s3+$0x8060];
	vm0 =	vge.u32 v51, v1;
	v10 =	vmpcnt.ones.xlane vm15;
	v7 =	vadd.s32 v56, v7  }
0x194: {  	v61 =	vld [tilespmem:s3+$0x8070];
	v60 =	vmpcnt.ones.xlane vm0;
	vm0 =	vge.u32 v53, v1;
	v7 =	vadd.s32 v58, v7  }
0x195: {  	v62 =	vmpcnt.ones.xlane vm0;
	vm0 =	vge.u32 v2, v1;
	v7 =	vadd.s32 v7, v10  }
0x196: {  	v63 =	vmpcnt.ones.xlane vm0;
	vm0 =	vge.u32 v3, v1;
	v2 =	vadd.s32 v60, v7  }
0x197: {  	v3 =	vmpcnt.ones.xlane vm0;
	vm0 =	vge.u32 v57, v1;
	v2 =	vadd.s32 v62, v2  }
0x198: {  	v5 =	vmpcnt.ones.xlane vm0;
	vm0 =	vge.u32 v59, v1;
	v2 =	vadd.s32 v63, v2  }
0x199: {  	v2 =	vadd.s32 v3, v2;
	v3 =	vmpcnt.ones.xlane vm0;
	vm0 =	vge.u32 v61, v1  }
0x19a: {  	v1 =	vadd.s32 v5, v2;
	v2 =	vmpcnt.ones.xlane vm0  }
0x19b: {  	v1 =	vadd.s32 v3, v1  }
0x19c: {  	v1 =	vadd.s32 v2, v1  }
0x19d: {  	(v2sf) =	vpush v1, $0x0;
	_ =	sdelay $0xb  }
0x19e: {  	s10 =	sadd.s32 $0x1, s10  }
0x19f: {  	p1 =	sne.s32 s10, $0x20  }
.Ltmp17:
0x1a0: {  	_ = 	snop;
	(pc) =	sbr.rel @p1 .LBB2_34-.Ltmp17, $4  }
0x1a1: {  	s31 =	spop (v2sf)  }
0x1a2: {  	p0 =	slt.s32 s31, s0  }
0x1a3: {  	s3 =	sadd.s32 $0xFFFFFFFF, s25;
	s25 =	smov.u32 @p0 s26  }
0x1a4: {  	s1 =	smov.u32 @p0 s3;
	s26 =	smov.u32 s25  }
0x1a5: {  	(v2sf) =	vpush v0, $0x9;
	_ =	sdelay $0xd  }
0x1a6: {  	s15 =	simm.s32 $0x0  }
0x1a7: {  	s1 =	simm.s32 $0xFF800000;
	s10 =	simm.s32 $0x0;
	s0 =	spop (v2sf)  }
.LBB2_38:
0x1a8: {  	s5 =	simm.s32 $0x0  }
0x1a9: {  	s3 =	ssub.s32 s1, s15;
	v2 =	vld [tilespmem:s5+$0x8080]  }
0x1aa: {  	s3 =	sadd.s32 $0x1, s3;
	v3 =	vld [tilespmem:s5+$0x8090]  }
0x1ab: {  	v5 =	vld [tilespmem:s5+$0x80A0];
	s3 =	sshrl.u32 s3, $0x1  }
0x1ac: {  	v6 =	vld [tilespmem:s5+$0x80B0];
	s26 =	sadd.s32 s15, s3  }
0x1ad: {  	v4 =	vld [tilespmem:s5+$0x80C0];
	v1 =	vmov s26  }
0x1ae: {  	vm0 =	vge.u32 v2, v1;
	v2 =	vld [tilespmem:s5+$0x80D0]  }
0x1af: {  	v7 =	vmpcnt.ones.xlane vm0;
	vm0 =	vge.u32 v3, v1;
	v3 =	vld [tilespmem:s5+$0x80E0]  }
0x1b0: {  	v9 =	vimm.s32 $0x0;
	s4 =	simm.s32 $0x2000;
	s3 =	simm.s32 $0x400;
	vm15 =	vge.u32 v5, v1;
	v5 =	vld [tilespmem:s5+$0x80F0];
	v8 =	vmpcnt.ones.xlane vm0  }
.LBB2_39:
0x1b1: {  	p0 =	sne.s32 s4, $0x1F000;
	v10 =	vld [tilespmem:s3+$0x8080];
	v7 =	vadd.s32 v9, v7;
	v9 =	vmpcnt.ones.xlane vm15;
	vm0 =	vge.u32 v6, v1  }
0x1b2: {  	v11 =	vld [tilespmem:s3+$0x8090];
	v6 =	vadd.s32 v8, v7;
	v7 =	vmpcnt.ones.xlane vm0;
	vm0 =	vge.u32 v4, v1  }
0x1b3: {  	v12 =	vld [tilespmem:s3+$0x80A0];
	v4 =	vadd.s32 v9, v6;
	v8 =	vmpcnt.ones.xlane vm0;
	vm0 =	vge.u32 v2, v1  }
.Ltmp18:
0x1b4: {  	v6 =	vld [tilespmem:s3+$0x80B0];
	v2 =	vadd.s32 v7, v4;
	v7 =	vmpcnt.ones.xlane vm0;
	vm0 =	vge.u32 v3, v1;
	(pc) =	sbr.rel @p0 .LBB2_39-.Ltmp18, $4  }
0x1b5: {  	v4 =	vld [tilespmem:s3+$0x80C0];
	v3 =	vadd.s32 v8, v2;
	v8 =	vmpcnt.ones.xlane vm0;
	vm0 =	vge.u32 v5, v1  }
0x1b6: {  	vm15 =	vge.u32 v10, v1;
	v2 =	vld [tilespmem:s3+$0x80D0];
	v5 =	vadd.s32 v7, v3;
	v9 =	vmpcnt.ones.xlane vm0  }
0x1b7: {  	v7 =	vmpcnt.ones.xlane vm15;
	vm0 =	vge.u32 v11, v1;
	v3 =	vld [tilespmem:s3+$0x80E0];
	v10 =	vadd.s32 v8, v5  }
0x1b8: {  	v8 =	vmpcnt.ones.xlane vm0;
	vm15 =	vge.u32 v12, v1;
	v5 =	vld [tilespmem:s3+$0x80F0];
	s3 =	sshra.s32 s4, $0x2;
	s4 =	sadd.s32 $0x1000, s4;
	v9 =	vadd.s32 v9, v10  }
0x1b9: {  	v10 =	vld [tilespmem:s3+$0x8080];
	v7 =	vadd.s32 v9, v7;
	v50 =	vmpcnt.ones.xlane vm15;
	vm0 =	vge.u32 v6, v1  }
0x1ba: {  	v51 =	vld [tilespmem:s3+$0x8090];
	v7 =	vadd.s32 v8, v7;
	v52 =	vmpcnt.ones.xlane vm0;
	vm0 =	vge.u32 v4, v1  }
0x1bb: {  	v53 =	vld [tilespmem:s3+$0x80A0];
	v7 =	vadd.s32 v50, v7;
	v54 =	vmpcnt.ones.xlane vm0;
	vm0 =	vge.u32 v2, v1  }
0x1bc: {  	v2 =	vld [tilespmem:s3+$0x80B0];
	v7 =	vadd.s32 v52, v7;
	v55 =	vmpcnt.ones.xlane vm0;
	vm0 =	vge.u32 v3, v1  }
0x1bd: {  	v3 =	vld [tilespmem:s3+$0x80C0];
	v7 =	vadd.s32 v54, v7;
	v56 =	vmpcnt.ones.xlane vm0;
	vm0 =	vge.u32 v5, v1  }
0x1be: {  	v57 =	vld [tilespmem:s3+$0x80D0];
	vm15 =	vge.u32 v10, v1;
	v7 =	vadd.s32 v55, v7;
	v58 =	vmpcnt.ones.xlane vm0  }
0x1bf: {  	v59 =	vld [tilespmem:s3+$0x80E0];
	vm0 =	vge.u32 v51, v1;
	v10 =	vmpcnt.ones.xlane vm15;
	v7 =	vadd.s32 v56, v7  }
0x1c0: {  	v61 =	vld [tilespmem:s3+$0x80F0];
	v60 =	vmpcnt.ones.xlane vm0;
	vm0 =	vge.u32 v53, v1;
	v7 =	vadd.s32 v58, v7  }
0x1c1: {  	v62 =	vmpcnt.ones.xlane vm0;
	vm0 =	vge.u32 v2, v1;
	v7 =	vadd.s32 v7, v10  }
0x1c2: {  	v63 =	vmpcnt.ones.xlane vm0;
	vm0 =	vge.u32 v3, v1;
	v2 =	vadd.s32 v60, v7  }
0x1c3: {  	v3 =	vmpcnt.ones.xlane vm0;
	vm0 =	vge.u32 v57, v1;
	v2 =	vadd.s32 v62, v2  }
0x1c4: {  	v5 =	vmpcnt.ones.xlane vm0;
	vm0 =	vge.u32 v59, v1;
	v2 =	vadd.s32 v63, v2  }
0x1c5: {  	v2 =	vadd.s32 v3, v2;
	v3 =	vmpcnt.ones.xlane vm0;
	vm0 =	vge.u32 v61, v1  }
0x1c6: {  	v1 =	vadd.s32 v5, v2;
	v2 =	vmpcnt.ones.xlane vm0  }
0x1c7: {  	v1 =	vadd.s32 v3, v1  }
0x1c8: {  	v1 =	vadd.s32 v2, v1  }
0x1c9: {  	(v2sf) =	vpush v1, $0x0;
	_ =	sdelay $0xb  }
0x1ca: {  	s10 =	sadd.s32 $0x1, s10  }
0x1cb: {  	p1 =	sne.s32 s10, $0x20  }
.Ltmp19:
0x1cc: {  	_ = 	snop;
	(pc) =	sbr.rel @p1 .LBB2_38-.Ltmp19, $4  }
0x1cd: {  	s31 =	spop (v2sf)  }
0x1ce: {  	p0 =	slt.s32 s31, s0  }
0x1cf: {  	s3 =	sadd.s32 $0xFFFFFFFF, s26;
	s26 =	smov.u32 @p0 s15  }
0x1d0: {  	s1 =	smov.u32 @p0 s3;
	s15 =	smov.u32 s26  }
0x1d1: {  	(v2sf) =	vpush v0, $0xA;
	_ =	sdelay $0xd  }
0x1d2: {  	s15 =	simm.s32 $0x0  }
0x1d3: {  	s1 =	simm.s32 $0xFF800000;
	s10 =	simm.s32 $0x0;
	s0 =	spop (v2sf)  }
.LBB2_42:
0x1d4: {  	s5 =	simm.s32 $0x0  }
0x1d5: {  	s3 =	ssub.s32 s1, s15;
	v2 =	vld [tilespmem:s5+$0x8100]  }
0x1d6: {  	s3 =	sadd.s32 $0x1, s3;
	v3 =	vld [tilespmem:s5+$0x8110]  }
0x1d7: {  	v5 =	vld [tilespmem:s5+$0x8120];
	s3 =	sshrl.u32 s3, $0x1  }
0x1d8: {  	v6 =	vld [tilespmem:s5+$0x8130];
	s28 =	sadd.s32 s15, s3  }
0x1d9: {  	v4 =	vld [tilespmem:s5+$0x8140];
	v1 =	vmov s28  }
0x1da: {  	vm0 =	vge.u32 v2, v1;
	v2 =	vld [tilespmem:s5+$0x8150]  }
0x1db: {  	v7 =	vmpcnt.ones.xlane vm0;
	vm0 =	vge.u32 v3, v1;
	v3 =	vld [tilespmem:s5+$0x8160]  }
0x1dc: {  	v9 =	vimm.s32 $0x0;
	s4 =	simm.s32 $0x2000;
	s3 =	simm.s32 $0x400;
	vm15 =	vge.u32 v5, v1;
	v5 =	vld [tilespmem:s5+$0x8170];
	v8 =	vmpcnt.ones.xlane vm0  }
.LBB2_43:
0x1dd: {  	p0 =	sne.s32 s4, $0x1F000;
	v10 =	vld [tilespmem:s3+$0x8100];
	v7 =	vadd.s32 v9, v7;
	v9 =	vmpcnt.ones.xlane vm15;
	vm0 =	vge.u32 v6, v1  }
0x1de: {  	v11 =	vld [tilespmem:s3+$0x8110];
	v6 =	vadd.s32 v8, v7;
	v7 =	vmpcnt.ones.xlane vm0;
	vm0 =	vge.u32 v4, v1  }
0x1df: {  	v12 =	vld [tilespmem:s3+$0x8120];
	v4 =	vadd.s32 v9, v6;
	v8 =	vmpcnt.ones.xlane vm0;
	vm0 =	vge.u32 v2, v1  }
.Ltmp20:
0x1e0: {  	v6 =	vld [tilespmem:s3+$0x8130];
	v2 =	vadd.s32 v7, v4;
	v7 =	vmpcnt.ones.xlane vm0;
	vm0 =	vge.u32 v3, v1;
	(pc) =	sbr.rel @p0 .LBB2_43-.Ltmp20, $4  }
0x1e1: {  	v4 =	vld [tilespmem:s3+$0x8140];
	v3 =	vadd.s32 v8, v2;
	v8 =	vmpcnt.ones.xlane vm0;
	vm0 =	vge.u32 v5, v1  }
0x1e2: {  	vm15 =	vge.u32 v10, v1;
	v2 =	vld [tilespmem:s3+$0x8150];
	v5 =	vadd.s32 v7, v3;
	v9 =	vmpcnt.ones.xlane vm0  }
0x1e3: {  	v7 =	vmpcnt.ones.xlane vm15;
	vm0 =	vge.u32 v11, v1;
	v3 =	vld [tilespmem:s3+$0x8160];
	v10 =	vadd.s32 v8, v5  }
0x1e4: {  	v8 =	vmpcnt.ones.xlane vm0;
	vm15 =	vge.u32 v12, v1;
	v5 =	vld [tilespmem:s3+$0x8170];
	s3 =	sshra.s32 s4, $0x2;
	s4 =	sadd.s32 $0x1000, s4;
	v9 =	vadd.s32 v9, v10  }
0x1e5: {  	v10 =	vld [tilespmem:s3+$0x8100];
	v7 =	vadd.s32 v9, v7;
	v50 =	vmpcnt.ones.xlane vm15;
	vm0 =	vge.u32 v6, v1  }
0x1e6: {  	v51 =	vld [tilespmem:s3+$0x8110];
	v7 =	vadd.s32 v8, v7;
	v52 =	vmpcnt.ones.xlane vm0;
	vm0 =	vge.u32 v4, v1  }
0x1e7: {  	v53 =	vld [tilespmem:s3+$0x8120];
	v7 =	vadd.s32 v50, v7;
	v54 =	vmpcnt.ones.xlane vm0;
	vm0 =	vge.u32 v2, v1  }
0x1e8: {  	v2 =	vld [tilespmem:s3+$0x8130];
	v7 =	vadd.s32 v52, v7;
	v55 =	vmpcnt.ones.xlane vm0;
	vm0 =	vge.u32 v3, v1  }
0x1e9: {  	v3 =	vld [tilespmem:s3+$0x8140];
	v7 =	vadd.s32 v54, v7;
	v56 =	vmpcnt.ones.xlane vm0;
	vm0 =	vge.u32 v5, v1  }
0x1ea: {  	v57 =	vld [tilespmem:s3+$0x8150];
	vm15 =	vge.u32 v10, v1;
	v7 =	vadd.s32 v55, v7;
	v58 =	vmpcnt.ones.xlane vm0  }
0x1eb: {  	v59 =	vld [tilespmem:s3+$0x8160];
	vm0 =	vge.u32 v51, v1;
	v10 =	vmpcnt.ones.xlane vm15;
	v7 =	vadd.s32 v56, v7  }
0x1ec: {  	v61 =	vld [tilespmem:s3+$0x8170];
	v60 =	vmpcnt.ones.xlane vm0;
	vm0 =	vge.u32 v53, v1;
	v7 =	vadd.s32 v58, v7  }
0x1ed: {  	v62 =	vmpcnt.ones.xlane vm0;
	vm0 =	vge.u32 v2, v1;
	v7 =	vadd.s32 v7, v10  }
0x1ee: {  	v63 =	vmpcnt.ones.xlane vm0;
	vm0 =	vge.u32 v3, v1;
	v2 =	vadd.s32 v60, v7  }
0x1ef: {  	v3 =	vmpcnt.ones.xlane vm0;
	vm0 =	vge.u32 v57, v1;
	v2 =	vadd.s32 v62, v2  }
0x1f0: {  	v5 =	vmpcnt.ones.xlane vm0;
	vm0 =	vge.u32 v59, v1;
	v2 =	vadd.s32 v63, v2  }
0x1f1: {  	v2 =	vadd.s32 v3, v2;
	v3 =	vmpcnt.ones.xlane vm0;
	vm0 =	vge.u32 v61, v1  }
0x1f2: {  	v1 =	vadd.s32 v5, v2;
	v2 =	vmpcnt.ones.xlane vm0  }
0x1f3: {  	v1 =	vadd.s32 v3, v1  }
0x1f4: {  	v1 =	vadd.s32 v2, v1  }
0x1f5: {  	(v2sf) =	vpush v1, $0x0;
	_ =	sdelay $0xb  }
0x1f6: {  	s10 =	sadd.s32 $0x1, s10  }
0x1f7: {  	p1 =	sne.s32 s10, $0x20  }
.Ltmp21:
0x1f8: {  	_ = 	snop;
	(pc) =	sbr.rel @p1 .LBB2_42-.Ltmp21, $4  }
0x1f9: {  	s31 =	spop (v2sf)  }
0x1fa: {  	p0 =	slt.s32 s31, s0  }
0x1fb: {  	s3 =	sadd.s32 $0xFFFFFFFF, s28;
	s28 =	smov.u32 @p0 s15  }
0x1fc: {  	s1 =	smov.u32 @p0 s3;
	s15 =	smov.u32 s28  }
0x1fd: {  	(v2sf) =	vpush v0, $0xB;
	_ =	sdelay $0xd  }
0x1fe: {  	s15 =	simm.s32 $0x0  }
0x1ff: {  	s1 =	simm.s32 $0xFF800000;
	s10 =	simm.s32 $0x0;
	s0 =	spop (v2sf)  }
.LBB2_46:
0x200: {  	s5 =	simm.s32 $0x0  }
0x201: {  	s3 =	ssub.s32 s1, s15;
	v2 =	vld [tilespmem:s5+$0x8180]  }
0x202: {  	s3 =	sadd.s32 $0x1, s3;
	v3 =	vld [tilespmem:s5+$0x8190]  }
0x203: {  	v5 =	vld [tilespmem:s5+$0x81A0];
	s3 =	sshrl.u32 s3, $0x1  }
0x204: {  	v6 =	vld [tilespmem:s5+$0x81B0];
	s29 =	sadd.s32 s15, s3  }
0x205: {  	v4 =	vld [tilespmem:s5+$0x81C0];
	v1 =	vmov s29  }
0x206: {  	vm0 =	vge.u32 v2, v1;
	v2 =	vld [tilespmem:s5+$0x81D0]  }
0x207: {  	v7 =	vmpcnt.ones.xlane vm0;
	vm0 =	vge.u32 v3, v1;
	v3 =	vld [tilespmem:s5+$0x81E0]  }
0x208: {  	v9 =	vimm.s32 $0x0;
	s4 =	simm.s32 $0x2000;
	s3 =	simm.s32 $0x400;
	vm15 =	vge.u32 v5, v1;
	v5 =	vld [tilespmem:s5+$0x81F0];
	v8 =	vmpcnt.ones.xlane vm0  }
.LBB2_47:
0x209: {  	p0 =	sne.s32 s4, $0x1F000;
	v10 =	vld [tilespmem:s3+$0x8180];
	v7 =	vadd.s32 v9, v7;
	v9 =	vmpcnt.ones.xlane vm15;
	vm0 =	vge.u32 v6, v1  }
0x20a: {  	v11 =	vld [tilespmem:s3+$0x8190];
	v6 =	vadd.s32 v8, v7;
	v7 =	vmpcnt.ones.xlane vm0;
	vm0 =	vge.u32 v4, v1  }
0x20b: {  	v12 =	vld [tilespmem:s3+$0x81A0];
	v4 =	vadd.s32 v9, v6;
	v8 =	vmpcnt.ones.xlane vm0;
	vm0 =	vge.u32 v2, v1  }
.Ltmp22:
0x20c: {  	v6 =	vld [tilespmem:s3+$0x81B0];
	v2 =	vadd.s32 v7, v4;
	v7 =	vmpcnt.ones.xlane vm0;
	vm0 =	vge.u32 v3, v1;
	(pc) =	sbr.rel @p0 .LBB2_47-.Ltmp22, $4  }
0x20d: {  	v4 =	vld [tilespmem:s3+$0x81C0];
	v3 =	vadd.s32 v8, v2;
	v8 =	vmpcnt.ones.xlane vm0;
	vm0 =	vge.u32 v5, v1  }
0x20e: {  	vm15 =	vge.u32 v10, v1;
	v2 =	vld [tilespmem:s3+$0x81D0];
	v5 =	vadd.s32 v7, v3;
	v9 =	vmpcnt.ones.xlane vm0  }
0x20f: {  	v7 =	vmpcnt.ones.xlane vm15;
	vm0 =	vge.u32 v11, v1;
	v3 =	vld [tilespmem:s3+$0x81E0];
	v10 =	vadd.s32 v8, v5  }
0x210: {  	v8 =	vmpcnt.ones.xlane vm0;
	vm15 =	vge.u32 v12, v1;
	v5 =	vld [tilespmem:s3+$0x81F0];
	s3 =	sshra.s32 s4, $0x2;
	s4 =	sadd.s32 $0x1000, s4;
	v9 =	vadd.s32 v9, v10  }
0x211: {  	v10 =	vld [tilespmem:s3+$0x8180];
	v7 =	vadd.s32 v9, v7;
	v50 =	vmpcnt.ones.xlane vm15;
	vm0 =	vge.u32 v6, v1  }
0x212: {  	v51 =	vld [tilespmem:s3+$0x8190];
	v7 =	vadd.s32 v8, v7;
	v52 =	vmpcnt.ones.xlane vm0;
	vm0 =	vge.u32 v4, v1  }
0x213: {  	v53 =	vld [tilespmem:s3+$0x81A0];
	v7 =	vadd.s32 v50, v7;
	v54 =	vmpcnt.ones.xlane vm0;
	vm0 =	vge.u32 v2, v1  }
0x214: {  	v2 =	vld [tilespmem:s3+$0x81B0];
	v7 =	vadd.s32 v52, v7;
	v55 =	vmpcnt.ones.xlane vm0;
	vm0 =	vge.u32 v3, v1  }
0x215: {  	v3 =	vld [tilespmem:s3+$0x81C0];
	v7 =	vadd.s32 v54, v7;
	v56 =	vmpcnt.ones.xlane vm0;
	vm0 =	vge.u32 v5, v1  }
0x216: {  	v57 =	vld [tilespmem:s3+$0x81D0];
	vm15 =	vge.u32 v10, v1;
	v7 =	vadd.s32 v55, v7;
	v58 =	vmpcnt.ones.xlane vm0  }
0x217: {  	v59 =	vld [tilespmem:s3+$0x81E0];
	vm0 =	vge.u32 v51, v1;
	v10 =	vmpcnt.ones.xlane vm15;
	v7 =	vadd.s32 v56, v7  }
0x218: {  	v61 =	vld [tilespmem:s3+$0x81F0];
	v60 =	vmpcnt.ones.xlane vm0;
	vm0 =	vge.u32 v53, v1;
	v7 =	vadd.s32 v58, v7  }
0x219: {  	v62 =	vmpcnt.ones.xlane vm0;
	vm0 =	vge.u32 v2, v1;
	v7 =	vadd.s32 v7, v10  }
0x21a: {  	v63 =	vmpcnt.ones.xlane vm0;
	vm0 =	vge.u32 v3, v1;
	v2 =	vadd.s32 v60, v7  }
0x21b: {  	v3 =	vmpcnt.ones.xlane vm0;
	vm0 =	vge.u32 v57, v1;
	v2 =	vadd.s32 v62, v2  }
0x21c: {  	v5 =	vmpcnt.ones.xlane vm0;
	vm0 =	vge.u32 v59, v1;
	v2 =	vadd.s32 v63, v2  }
0x21d: {  	v2 =	vadd.s32 v3, v2;
	v3 =	vmpcnt.ones.xlane vm0;
	vm0 =	vge.u32 v61, v1  }
0x21e: {  	v1 =	vadd.s32 v5, v2;
	v2 =	vmpcnt.ones.xlane vm0  }
0x21f: {  	v1 =	vadd.s32 v3, v1  }
0x220: {  	v1 =	vadd.s32 v2, v1  }
0x221: {  	(v2sf) =	vpush v1, $0x0;
	_ =	sdelay $0xb  }
0x222: {  	s10 =	sadd.s32 $0x1, s10  }
0x223: {  	p1 =	sne.s32 s10, $0x20  }
.Ltmp23:
0x224: {  	_ = 	snop;
	(pc) =	sbr.rel @p1 .LBB2_46-.Ltmp23, $4  }
0x225: {  	s31 =	spop (v2sf)  }
0x226: {  	p0 =	slt.s32 s31, s0  }
0x227: {  	s3 =	sadd.s32 $0xFFFFFFFF, s29;
	s29 =	smov.u32 @p0 s15  }
0x228: {  	s1 =	smov.u32 @p0 s3;
	s15 =	smov.u32 s29  }
0x229: {  	(v2sf) =	vpush v0, $0xC;
	_ =	sdelay $0xd  }
0x22a: {  	s15 =	simm.s32 $0x0  }
0x22b: {  	s1 =	simm.s32 $0xFF800000;
	s10 =	simm.s32 $0x0;
	s0 =	spop (v2sf)  }
.LBB2_50:
0x22c: {  	s5 =	simm.s32 $0x0  }
0x22d: {  	s3 =	ssub.s32 s1, s15;
	v2 =	vld [tilespmem:s5+$0x8200]  }
0x22e: {  	s3 =	sadd.s32 $0x1, s3;
	v3 =	vld [tilespmem:s5+$0x8210]  }
0x22f: {  	v5 =	vld [tilespmem:s5+$0x8220];
	s3 =	sshrl.u32 s3, $0x1  }
0x230: {  	v6 =	vld [tilespmem:s5+$0x8230];
	s30 =	sadd.s32 s15, s3  }
0x231: {  	v4 =	vld [tilespmem:s5+$0x8240];
	v1 =	vmov s30  }
0x232: {  	vm0 =	vge.u32 v2, v1;
	v2 =	vld [tilespmem:s5+$0x8250]  }
0x233: {  	v7 =	vmpcnt.ones.xlane vm0;
	vm0 =	vge.u32 v3, v1;
	v3 =	vld [tilespmem:s5+$0x8260]  }
0x234: {  	v9 =	vimm.s32 $0x0;
	s4 =	simm.s32 $0x2000;
	s3 =	simm.s32 $0x400;
	vm15 =	vge.u32 v5, v1;
	v5 =	vld [tilespmem:s5+$0x8270];
	v8 =	vmpcnt.ones.xlane vm0  }
.LBB2_51:
0x235: {  	p0 =	sne.s32 s4, $0x1F000;
	v10 =	vld [tilespmem:s3+$0x8200];
	v7 =	vadd.s32 v9, v7;
	v9 =	vmpcnt.ones.xlane vm15;
	vm0 =	vge.u32 v6, v1  }
0x236: {  	v11 =	vld [tilespmem:s3+$0x8210];
	v6 =	vadd.s32 v8, v7;
	v7 =	vmpcnt.ones.xlane vm0;
	vm0 =	vge.u32 v4, v1  }
0x237: {  	v12 =	vld [tilespmem:s3+$0x8220];
	v4 =	vadd.s32 v9, v6;
	v8 =	vmpcnt.ones.xlane vm0;
	vm0 =	vge.u32 v2, v1  }
.Ltmp24:
0x238: {  	v6 =	vld [tilespmem:s3+$0x8230];
	v2 =	vadd.s32 v7, v4;
	v7 =	vmpcnt.ones.xlane vm0;
	vm0 =	vge.u32 v3, v1;
	(pc) =	sbr.rel @p0 .LBB2_51-.Ltmp24, $4  }
0x239: {  	v4 =	vld [tilespmem:s3+$0x8240];
	v3 =	vadd.s32 v8, v2;
	v8 =	vmpcnt.ones.xlane vm0;
	vm0 =	vge.u32 v5, v1  }
0x23a: {  	vm15 =	vge.u32 v10, v1;
	v2 =	vld [tilespmem:s3+$0x8250];
	v5 =	vadd.s32 v7, v3;
	v9 =	vmpcnt.ones.xlane vm0  }
0x23b: {  	v7 =	vmpcnt.ones.xlane vm15;
	vm0 =	vge.u32 v11, v1;
	v3 =	vld [tilespmem:s3+$0x8260];
	v10 =	vadd.s32 v8, v5  }
0x23c: {  	v8 =	vmpcnt.ones.xlane vm0;
	vm15 =	vge.u32 v12, v1;
	v5 =	vld [tilespmem:s3+$0x8270];
	s3 =	sshra.s32 s4, $0x2;
	s4 =	sadd.s32 $0x1000, s4;
	v9 =	vadd.s32 v9, v10  }
0x23d: {  	v10 =	vld [tilespmem:s3+$0x8200];
	v7 =	vadd.s32 v9, v7;
	v50 =	vmpcnt.ones.xlane vm15;
	vm0 =	vge.u32 v6, v1  }
0x23e: {  	v51 =	vld [tilespmem:s3+$0x8210];
	v7 =	vadd.s32 v8, v7;
	v52 =	vmpcnt.ones.xlane vm0;
	vm0 =	vge.u32 v4, v1  }
0x23f: {  	v53 =	vld [tilespmem:s3+$0x8220];
	v7 =	vadd.s32 v50, v7;
	v54 =	vmpcnt.ones.xlane vm0;
	vm0 =	vge.u32 v2, v1  }
0x240: {  	v2 =	vld [tilespmem:s3+$0x8230];
	v7 =	vadd.s32 v52, v7;
	v55 =	vmpcnt.ones.xlane vm0;
	vm0 =	vge.u32 v3, v1  }
0x241: {  	v3 =	vld [tilespmem:s3+$0x8240];
	v7 =	vadd.s32 v54, v7;
	v56 =	vmpcnt.ones.xlane vm0;
	vm0 =	vge.u32 v5, v1  }
0x242: {  	v57 =	vld [tilespmem:s3+$0x8250];
	vm15 =	vge.u32 v10, v1;
	v7 =	vadd.s32 v55, v7;
	v58 =	vmpcnt.ones.xlane vm0  }
0x243: {  	v59 =	vld [tilespmem:s3+$0x8260];
	vm0 =	vge.u32 v51, v1;
	v10 =	vmpcnt.ones.xlane vm15;
	v7 =	vadd.s32 v56, v7  }
0x244: {  	v61 =	vld [tilespmem:s3+$0x8270];
	v60 =	vmpcnt.ones.xlane vm0;
	vm0 =	vge.u32 v53, v1;
	v7 =	vadd.s32 v58, v7  }
0x245: {  	v62 =	vmpcnt.ones.xlane vm0;
	vm0 =	vge.u32 v2, v1;
	v7 =	vadd.s32 v7, v10  }
0x246: {  	v63 =	vmpcnt.ones.xlane vm0;
	vm0 =	vge.u32 v3, v1;
	v2 =	vadd.s32 v60, v7  }
0x247: {  	v3 =	vmpcnt.ones.xlane vm0;
	vm0 =	vge.u32 v57, v1;
	v2 =	vadd.s32 v62, v2  }
0x248: {  	v5 =	vmpcnt.ones.xlane vm0;
	vm0 =	vge.u32 v59, v1;
	v2 =	vadd.s32 v63, v2  }
0x249: {  	v2 =	vadd.s32 v3, v2;
	v3 =	vmpcnt.ones.xlane vm0;
	vm0 =	vge.u32 v61, v1  }
0x24a: {  	v1 =	vadd.s32 v5, v2;
	v2 =	vmpcnt.ones.xlane vm0  }
0x24b: {  	v1 =	vadd.s32 v3, v1  }
0x24c: {  	v1 =	vadd.s32 v2, v1  }
0x24d: {  	(v2sf) =	vpush v1, $0x0;
	_ =	sdelay $0xb  }
0x24e: {  	s10 =	sadd.s32 $0x1, s10  }
0x24f: {  	p1 =	sne.s32 s10, $0x20  }
.Ltmp25:
0x250: {  	_ = 	snop;
	(pc) =	sbr.rel @p1 .LBB2_50-.Ltmp25, $4  }
0x251: {  	s31 =	spop (v2sf)  }
0x252: {  	p0 =	slt.s32 s31, s0  }
0x253: {  	s3 =	sadd.s32 $0xFFFFFFFF, s30;
	s30 =	smov.u32 @p0 s15  }
0x254: {  	s1 =	smov.u32 @p0 s3;
	s15 =	smov.u32 s30  }
0x255: {  	(v2sf) =	vpush v0, $0xD;
	_ =	sdelay $0xd  }
0x256: {  	s15 =	simm.s32 $0x0  }
0x257: {  	s1 =	simm.s32 $0xFF800000;
	s10 =	simm.s32 $0x0;
	s0 =	spop (v2sf)  }
.LBB2_54:
0x258: {  	s5 =	simm.s32 $0x0  }
0x259: {  	s3 =	ssub.s32 s1, s15;
	v2 =	vld [tilespmem:s5+$0x8280]  }
0x25a: {  	s3 =	sadd.s32 $0x1, s3;
	v3 =	vld [tilespmem:s5+$0x8290]  }
0x25b: {  	v5 =	vld [tilespmem:s5+$0x82A0];
	s3 =	sshrl.u32 s3, $0x1  }
0x25c: {  	v6 =	vld [tilespmem:s5+$0x82B0];
	s31 =	sadd.s32 s15, s3  }
0x25d: {  	v4 =	vld [tilespmem:s5+$0x82C0];
	v1 =	vmov s31  }
0x25e: {  	vm0 =	vge.u32 v2, v1;
	v2 =	vld [tilespmem:s5+$0x82D0]  }
0x25f: {  	v7 =	vmpcnt.ones.xlane vm0;
	vm0 =	vge.u32 v3, v1;
	v3 =	vld [tilespmem:s5+$0x82E0]  }
0x260: {  	v9 =	vimm.s32 $0x0;
	s4 =	simm.s32 $0x2000;
	s3 =	simm.s32 $0x400;
	vm15 =	vge.u32 v5, v1;
	v5 =	vld [tilespmem:s5+$0x82F0];
	v8 =	vmpcnt.ones.xlane vm0  }
.LBB2_55:
0x261: {  	p0 =	sne.s32 s4, $0x1F000;
	v10 =	vld [tilespmem:s3+$0x8280];
	v7 =	vadd.s32 v9, v7;
	v9 =	vmpcnt.ones.xlane vm15;
	vm0 =	vge.u32 v6, v1  }
0x262: {  	v11 =	vld [tilespmem:s3+$0x8290];
	v6 =	vadd.s32 v8, v7;
	v7 =	vmpcnt.ones.xlane vm0;
	vm0 =	vge.u32 v4, v1  }
0x263: {  	v12 =	vld [tilespmem:s3+$0x82A0];
	v4 =	vadd.s32 v9, v6;
	v8 =	vmpcnt.ones.xlane vm0;
	vm0 =	vge.u32 v2, v1  }
.Ltmp26:
0x264: {  	v6 =	vld [tilespmem:s3+$0x82B0];
	v2 =	vadd.s32 v7, v4;
	v7 =	vmpcnt.ones.xlane vm0;
	vm0 =	vge.u32 v3, v1;
	(pc) =	sbr.rel @p0 .LBB2_55-.Ltmp26, $4  }
0x265: {  	v4 =	vld [tilespmem:s3+$0x82C0];
	v3 =	vadd.s32 v8, v2;
	v8 =	vmpcnt.ones.xlane vm0;
	vm0 =	vge.u32 v5, v1  }
0x266: {  	vm15 =	vge.u32 v10, v1;
	v2 =	vld [tilespmem:s3+$0x82D0];
	v5 =	vadd.s32 v7, v3;
	v9 =	vmpcnt.ones.xlane vm0  }
0x267: {  	v7 =	vmpcnt.ones.xlane vm15;
	vm0 =	vge.u32 v11, v1;
	v3 =	vld [tilespmem:s3+$0x82E0];
	v10 =	vadd.s32 v8, v5  }
0x268: {  	v8 =	vmpcnt.ones.xlane vm0;
	vm15 =	vge.u32 v12, v1;
	v5 =	vld [tilespmem:s3+$0x82F0];
	s3 =	sshra.s32 s4, $0x2;
	s4 =	sadd.s32 $0x1000, s4;
	v9 =	vadd.s32 v9, v10  }
0x269: {  	v10 =	vld [tilespmem:s3+$0x8280];
	v7 =	vadd.s32 v9, v7;
	v50 =	vmpcnt.ones.xlane vm15;
	vm0 =	vge.u32 v6, v1  }
0x26a: {  	v51 =	vld [tilespmem:s3+$0x8290];
	v7 =	vadd.s32 v8, v7;
	v52 =	vmpcnt.ones.xlane vm0;
	vm0 =	vge.u32 v4, v1  }
0x26b: {  	v53 =	vld [tilespmem:s3+$0x82A0];
	v7 =	vadd.s32 v50, v7;
	v54 =	vmpcnt.ones.xlane vm0;
	vm0 =	vge.u32 v2, v1  }
0x26c: {  	v2 =	vld [tilespmem:s3+$0x82B0];
	v7 =	vadd.s32 v52, v7;
	v55 =	vmpcnt.ones.xlane vm0;
	vm0 =	vge.u32 v3, v1  }
0x26d: {  	v3 =	vld [tilespmem:s3+$0x82C0];
	v7 =	vadd.s32 v54, v7;
	v56 =	vmpcnt.ones.xlane vm0;
	vm0 =	vge.u32 v5, v1  }
0x26e: {  	v57 =	vld [tilespmem:s3+$0x82D0];
	vm15 =	vge.u32 v10, v1;
	v7 =	vadd.s32 v55, v7;
	v58 =	vmpcnt.ones.xlane vm0  }
0x26f: {  	v59 =	vld [tilespmem:s3+$0x82E0];
	vm0 =	vge.u32 v51, v1;
	v10 =	vmpcnt.ones.xlane vm15;
	v7 =	vadd.s32 v56, v7  }
0x270: {  	v61 =	vld [tilespmem:s3+$0x82F0];
	v60 =	vmpcnt.ones.xlane vm0;
	vm0 =	vge.u32 v53, v1;
	v7 =	vadd.s32 v58, v7  }
0x271: {  	v62 =	vmpcnt.ones.xlane vm0;
	vm0 =	vge.u32 v2, v1;
	v7 =	vadd.s32 v7, v10  }
0x272: {  	v63 =	vmpcnt.ones.xlane vm0;
	vm0 =	vge.u32 v3, v1;
	v2 =	vadd.s32 v60, v7  }
0x273: {  	v3 =	vmpcnt.ones.xlane vm0;
	vm0 =	vge.u32 v57, v1;
	v2 =	vadd.s32 v62, v2  }
0x274: {  	v5 =	vmpcnt.ones.xlane vm0;
	vm0 =	vge.u32 v59, v1;
	v2 =	vadd.s32 v63, v2  }
0x275: {  	v2 =	vadd.s32 v3, v2;
	v3 =	vmpcnt.ones.xlane vm0;
	vm0 =	vge.u32 v61, v1  }
0x276: {  	v1 =	vadd.s32 v5, v2;
	v2 =	vmpcnt.ones.xlane vm0  }
0x277: {  	v1 =	vadd.s32 v3, v1  }
0x278: {  	v1 =	vadd.s32 v2, v1  }
0x279: {  	(v2sf) =	vpush v1, $0x0;
	_ =	sdelay $0xb  }
0x27a: {  	s10 =	sadd.s32 $0x1, s10  }
0x27b: {  	p1 =	sne.s32 s10, $0x20  }
.Ltmp27:
0x27c: {  	_ = 	snop;
	(pc) =	sbr.rel @p1 .LBB2_54-.Ltmp27, $4  }
0x27d: {  	s13 =	spop (v2sf)  }
0x27e: {  	p0 =	slt.s32 s13, s0  }
0x27f: {  	s3 =	sadd.s32 $0xFFFFFFFF, s31;
	s31 =	smov.u32 @p0 s15  }
0x280: {  	s1 =	smov.u32 @p0 s3;
	s15 =	smov.u32 s31  }
0x281: {  	(v2sf) =	vpush v0, $0xE;
	_ =	sdelay $0xd  }
0x282: {  	s0 =	simm.s32 $0x0  }
0x283: {  	s10 =	simm.s32 $0xFF800000;
	s15 =	simm.s32 $0x0;
	s1 =	spop (v2sf)  }
.LBB2_58:
0x284: {  	s5 =	simm.s32 $0x0  }
0x285: {  	s3 =	ssub.s32 s10, s0;
	v2 =	vld [tilespmem:s5+$0x8300]  }
0x286: {  	s3 =	sadd.s32 $0x1, s3;
	v3 =	vld [tilespmem:s5+$0x8310]  }
0x287: {  	v5 =	vld [tilespmem:s5+$0x8320];
	s3 =	sshrl.u32 s3, $0x1  }
0x288: {  	v6 =	vld [tilespmem:s5+$0x8330];
	s13 =	sadd.s32 s0, s3  }
0x289: {  	v4 =	vld [tilespmem:s5+$0x8340];
	v1 =	vmov s13  }
0x28a: {  	vm0 =	vge.u32 v2, v1;
	v2 =	vld [tilespmem:s5+$0x8350]  }
0x28b: {  	v7 =	vmpcnt.ones.xlane vm0;
	vm0 =	vge.u32 v3, v1;
	v3 =	vld [tilespmem:s5+$0x8360]  }
0x28c: {  	v9 =	vimm.s32 $0x0;
	s4 =	simm.s32 $0x2000;
	s3 =	simm.s32 $0x400;
	vm15 =	vge.u32 v5, v1;
	v5 =	vld [tilespmem:s5+$0x8370];
	v8 =	vmpcnt.ones.xlane vm0  }
.LBB2_59:
0x28d: {  	p0 =	sne.s32 s4, $0x1F000;
	v10 =	vld [tilespmem:s3+$0x8300];
	v7 =	vadd.s32 v9, v7;
	v9 =	vmpcnt.ones.xlane vm15;
	vm0 =	vge.u32 v6, v1  }
0x28e: {  	v11 =	vld [tilespmem:s3+$0x8310];
	v6 =	vadd.s32 v8, v7;
	v7 =	vmpcnt.ones.xlane vm0;
	vm0 =	vge.u32 v4, v1  }
0x28f: {  	v12 =	vld [tilespmem:s3+$0x8320];
	v4 =	vadd.s32 v9, v6;
	v8 =	vmpcnt.ones.xlane vm0;
	vm0 =	vge.u32 v2, v1  }
.Ltmp28:
0x290: {  	v6 =	vld [tilespmem:s3+$0x8330];
	v2 =	vadd.s32 v7, v4;
	v7 =	vmpcnt.ones.xlane vm0;
	vm0 =	vge.u32 v3, v1;
	(pc) =	sbr.rel @p0 .LBB2_59-.Ltmp28, $4  }
0x291: {  	v4 =	vld [tilespmem:s3+$0x8340];
	v3 =	vadd.s32 v8, v2;
	v8 =	vmpcnt.ones.xlane vm0;
	vm0 =	vge.u32 v5, v1  }
0x292: {  	vm15 =	vge.u32 v10, v1;
	v2 =	vld [tilespmem:s3+$0x8350];
	v5 =	vadd.s32 v7, v3;
	v9 =	vmpcnt.ones.xlane vm0  }
0x293: {  	v7 =	vmpcnt.ones.xlane vm15;
	vm0 =	vge.u32 v11, v1;
	v3 =	vld [tilespmem:s3+$0x8360];
	v10 =	vadd.s32 v8, v5  }
0x294: {  	v8 =	vmpcnt.ones.xlane vm0;
	vm15 =	vge.u32 v12, v1;
	v5 =	vld [tilespmem:s3+$0x8370];
	s3 =	sshra.s32 s4, $0x2;
	s4 =	sadd.s32 $0x1000, s4;
	v9 =	vadd.s32 v9, v10  }
0x295: {  	v10 =	vld [tilespmem:s3+$0x8300];
	v7 =	vadd.s32 v9, v7;
	v50 =	vmpcnt.ones.xlane vm15;
	vm0 =	vge.u32 v6, v1  }
0x296: {  	v51 =	vld [tilespmem:s3+$0x8310];
	v7 =	vadd.s32 v8, v7;
	v52 =	vmpcnt.ones.xlane vm0;
	vm0 =	vge.u32 v4, v1  }
0x297: {  	v53 =	vld [tilespmem:s3+$0x8320];
	v7 =	vadd.s32 v50, v7;
	v54 =	vmpcnt.ones.xlane vm0;
	vm0 =	vge.u32 v2, v1  }
0x298: {  	v2 =	vld [tilespmem:s3+$0x8330];
	v7 =	vadd.s32 v52, v7;
	v55 =	vmpcnt.ones.xlane vm0;
	vm0 =	vge.u32 v3, v1  }
0x299: {  	v3 =	vld [tilespmem:s3+$0x8340];
	v7 =	vadd.s32 v54, v7;
	v56 =	vmpcnt.ones.xlane vm0;
	vm0 =	vge.u32 v5, v1  }
0x29a: {  	v57 =	vld [tilespmem:s3+$0x8350];
	vm15 =	vge.u32 v10, v1;
	v7 =	vadd.s32 v55, v7;
	v58 =	vmpcnt.ones.xlane vm0  }
0x29b: {  	v59 =	vld [tilespmem:s3+$0x8360];
	vm0 =	vge.u32 v51, v1;
	v10 =	vmpcnt.ones.xlane vm15;
	v7 =	vadd.s32 v56, v7  }
0x29c: {  	v61 =	vld [tilespmem:s3+$0x8370];
	v60 =	vmpcnt.ones.xlane vm0;
	vm0 =	vge.u32 v53, v1;
	v7 =	vadd.s32 v58, v7  }
0x29d: {  	v62 =	vmpcnt.ones.xlane vm0;
	vm0 =	vge.u32 v2, v1;
	v7 =	vadd.s32 v7, v10  }
0x29e: {  	v63 =	vmpcnt.ones.xlane vm0;
	vm0 =	vge.u32 v3, v1;
	v2 =	vadd.s32 v60, v7  }
0x29f: {  	v3 =	vmpcnt.ones.xlane vm0;
	vm0 =	vge.u32 v57, v1;
	v2 =	vadd.s32 v62, v2  }
0x2a0: {  	v5 =	vmpcnt.ones.xlane vm0;
	vm0 =	vge.u32 v59, v1;
	v2 =	vadd.s32 v63, v2  }
0x2a1: {  	v2 =	vadd.s32 v3, v2;
	v3 =	vmpcnt.ones.xlane vm0;
	vm0 =	vge.u32 v61, v1  }
0x2a2: {  	v1 =	vadd.s32 v5, v2;
	v2 =	vmpcnt.ones.xlane vm0  }
0x2a3: {  	v1 =	vadd.s32 v3, v1  }
0x2a4: {  	v1 =	vadd.s32 v2, v1  }
0x2a5: {  	(v2sf) =	vpush v1, $0x0;
	_ =	sdelay $0xb  }
0x2a6: {  	s15 =	sadd.s32 $0x1, s15  }
0x2a7: {  	p1 =	sne.s32 s15, $0x20  }
.Ltmp29:
0x2a8: {  	_ = 	snop;
	(pc) =	sbr.rel @p1 .LBB2_58-.Ltmp29, $4  }
0x2a9: {  	s6 =	spop (v2sf)  }
0x2aa: {  	p0 =	slt.s32 s6, s1  }
0x2ab: {  	s3 =	sadd.s32 $0xFFFFFFFF, s13;
	s13 =	smov.u32 @p0 s0  }
0x2ac: {  	s10 =	smov.u32 @p0 s3;
	s0 =	smov.u32 s13  }
0x2ad: {  	(v2sf) =	vpush v0, $0xF;
	_ =	sdelay $0xd  }
0x2ae: {  	s3 =	simm.s32 $0x0  }
0x2af: {  	s10 =	simm.s32 $0xFF800000;
	s15 =	simm.s32 $0x0;
	s1 =	spop (v2sf)  }
.LBB2_62:
0x2b0: {  	s6 =	simm.s32 $0x0  }
0x2b1: {  	s0 =	ssub.s32 s10, s3;
	v1 =	vld [tilespmem:s6+$0x8380]  }
0x2b2: {  	s0 =	sadd.s32 $0x1, s0;
	v2 =	vld [tilespmem:s6+$0x8390]  }
0x2b3: {  	v4 =	vld [tilespmem:s6+$0x83A0];
	s0 =	sshrl.u32 s0, $0x1  }
0x2b4: {  	v5 =	vld [tilespmem:s6+$0x83B0];
	s0 =	sadd.s32 s3, s0  }
0x2b5: {  	v3 =	vld [tilespmem:s6+$0x83C0];
	v0 =	vmov s0  }
0x2b6: {  	vm0 =	vge.u32 v1, v0;
	v1 =	vld [tilespmem:s6+$0x83D0]  }
0x2b7: {  	v6 =	vmpcnt.ones.xlane vm0;
	vm0 =	vge.u32 v2, v0;
	v2 =	vld [tilespmem:s6+$0x83E0]  }
0x2b8: {  	v8 =	vimm.s32 $0x0;
	s4 =	simm.s32 $0x400;
	s5 =	simm.s32 $0x2000;
	vm15 =	vge.u32 v4, v0;
	v4 =	vld [tilespmem:s6+$0x83F0];
	v7 =	vmpcnt.ones.xlane vm0  }
.LBB2_63:
0x2b9: {  	p0 =	sne.s32 s5, $0x1F000;
	v9 =	vld [tilespmem:s4+$0x8380];
	v6 =	vadd.s32 v8, v6;
	v8 =	vmpcnt.ones.xlane vm15;
	vm0 =	vge.u32 v5, v0  }
0x2ba: {  	v10 =	vld [tilespmem:s4+$0x8390];
	v5 =	vadd.s32 v7, v6;
	v6 =	vmpcnt.ones.xlane vm0;
	vm0 =	vge.u32 v3, v0  }
0x2bb: {  	v11 =	vld [tilespmem:s4+$0x83A0];
	v3 =	vadd.s32 v8, v5;
	v7 =	vmpcnt.ones.xlane vm0;
	vm0 =	vge.u32 v1, v0  }
.Ltmp30:
0x2bc: {  	v5 =	vld [tilespmem:s4+$0x83B0];
	v1 =	vadd.s32 v6, v3;
	v6 =	vmpcnt.ones.xlane vm0;
	vm0 =	vge.u32 v2, v0;
	(pc) =	sbr.rel @p0 .LBB2_63-.Ltmp30, $4  }
0x2bd: {  	v3 =	vld [tilespmem:s4+$0x83C0];
	v2 =	vadd.s32 v7, v1;
	v7 =	vmpcnt.ones.xlane vm0;
	vm0 =	vge.u32 v4, v0  }
0x2be: {  	vm15 =	vge.u32 v9, v0;
	v1 =	vld [tilespmem:s4+$0x83D0];
	v4 =	vadd.s32 v6, v2;
	v8 =	vmpcnt.ones.xlane vm0  }
0x2bf: {  	v6 =	vmpcnt.ones.xlane vm15;
	vm0 =	vge.u32 v10, v0;
	v2 =	vld [tilespmem:s4+$0x83E0];
	v9 =	vadd.s32 v7, v4  }
0x2c0: {  	v7 =	vmpcnt.ones.xlane vm0;
	vm15 =	vge.u32 v11, v0;
	v4 =	vld [tilespmem:s4+$0x83F0];
	s4 =	sshra.s32 s5, $0x2;
	s5 =	sadd.s32 $0x1000, s5;
	v8 =	vadd.s32 v8, v9  }
0x2c1: {  	v9 =	vld [tilespmem:s4+$0x8380];
	v6 =	vadd.s32 v8, v6;
	v44 =	vmpcnt.ones.xlane vm15;
	vm0 =	vge.u32 v5, v0  }
0x2c2: {  	v45 =	vld [tilespmem:s4+$0x8390];
	v6 =	vadd.s32 v7, v6;
	v46 =	vmpcnt.ones.xlane vm0;
	vm0 =	vge.u32 v3, v0  }
0x2c3: {  	v47 =	vld [tilespmem:s4+$0x83A0];
	v6 =	vadd.s32 v44, v6;
	v48 =	vmpcnt.ones.xlane vm0;
	vm0 =	vge.u32 v1, v0  }
0x2c4: {  	v49 =	vld [tilespmem:s4+$0x83B0];
	v6 =	vadd.s32 v46, v6;
	v50 =	vmpcnt.ones.xlane vm0;
	vm0 =	vge.u32 v2, v0  }
0x2c5: {  	v51 =	vld [tilespmem:s4+$0x83C0];
	v6 =	vadd.s32 v48, v6;
	v52 =	vmpcnt.ones.xlane vm0;
	vm0 =	vge.u32 v4, v0  }
0x2c6: {  	v53 =	vld [tilespmem:s4+$0x83D0];
	vm15 =	vge.u32 v9, v0;
	v6 =	vadd.s32 v50, v6;
	v54 =	vmpcnt.ones.xlane vm0  }
0x2c7: {  	v55 =	vld [tilespmem:s4+$0x83E0];
	vm0 =	vge.u32 v45, v0;
	v9 =	vmpcnt.ones.xlane vm15;
	v6 =	vadd.s32 v52, v6  }
0x2c8: {  	v57 =	vld [tilespmem:s4+$0x83F0];
	v56 =	vmpcnt.ones.xlane vm0;
	vm0 =	vge.u32 v47, v0;
	v6 =	vadd.s32 v54, v6  }
0x2c9: {  	v58 =	vmpcnt.ones.xlane vm0;
	vm0 =	vge.u32 v49, v0;
	v6 =	vadd.s32 v6, v9  }
0x2ca: {  	v60 =	vmpcnt.ones.xlane vm0;
	vm0 =	vge.u32 v51, v0;
	v59 =	vadd.s32 v56, v6  }
0x2cb: {  	v2 =	vmpcnt.ones.xlane vm0;
	vm0 =	vge.u32 v53, v0;
	v1 =	vadd.s32 v58, v59  }
0x2cc: {  	v4 =	vmpcnt.ones.xlane vm0;
	vm0 =	vge.u32 v55, v0;
	v1 =	vadd.s32 v60, v1  }
0x2cd: {  	v61 =	vmpcnt.ones.xlane vm0;
	vm0 =	vge.u32 v57, v0;
	v1 =	vadd.s32 v2, v1  }
0x2ce: {  	v63 =	vmpcnt.ones.xlane vm0;
	v62 =	vadd.s32 v4, v1  }
0x2cf: {  	v0 =	vadd.s32 v61, v62  }
0x2d0: {  	v0 =	vadd.s32 v63, v0  }
0x2d1: {  	(v2sf) =	vpush v0, $0x0;
	_ =	sdelay $0xb  }
0x2d2: {  	s15 =	sadd.s32 $0x1, s15  }
0x2d3: {  	p1 =	sne.s32 s15, $0x20  }
.Ltmp31:
0x2d4: {  	_ = 	snop;
	(pc) =	sbr.rel @p1 .LBB2_62-.Ltmp31, $4  }
0x2d5: {  	s6 =	spop (v2sf)  }
0x2d6: {  	p0 =	slt.s32 s6, s1  }
0x2d7: {  	s4 =	sadd.s32 $0xFFFFFFFF, s0;
	s0 =	smov.u32 @p0 s3  }
0x2d8: {  	s10 =	smov.u32 @p0 s4;
	s3 =	smov.u32 s0  }
0x2d9: {  	v0 =	vmov s0;
	vm0 =	vcmask $0x300  }
0x2da: {  	v0 =	vsel vm0, s17, v0  }
0x2db: {  	v0 =	vsel vm1, s18, v0  }
0x2dc: {  	v0 =	vsel vm2, s19, v0  }
0x2dd: {  	v0 =	vsel vm3, s20, v0  }
0x2de: {  	v0 =	vsel vm4, s21, v0  }
0x2df: {  	v0 =	vsel vm5, s22, v0  }
0x2e0: {  	v0 =	vsel vm6, s23, v0  }
0x2e1: {  	v0 =	vsel vm7, s24, v0  }
0x2e2: {  	v0 =	vsel vm8, s25, v0  }
0x2e3: {  	v0 =	vsel vm9, s26, v0  }
0x2e4: {  	v0 =	vsel vm10, s28, v0  }
0x2e5: {  	v0 =	vsel vm11, s29, v0  }
0x2e6: {  	v1 =	vsel vm12, s30, v0;
	v0 =	vld [tilespmem:$0x10010]  }
0x2e7: {  	v1 =	vsel vm13, s31, v1  }
0x2e8: {  	v1 =	vsel vm14, s13, v1  }
0x2e9: {  	[tilespmem:$0x10080] =	vst v1  }
0x2ea: {  	_ =	swait.ge [sflag:s12], $0x8000  }
0x2eb: {  	(v2sf) =	vpush v0, $0x0;
	_ =	sdelay $0xb  }
0x2ec: {  	[sflag:s12] =	ssyncset.done $0x0  }
0x2ed: {  	s10 =	simm.s32 $0x0;
	s31 =	simm.s32 $0x8000;
	[sflag:s12] =	ssyncadd.s32 $0xFFFF8000  }
0x2ee: {  	[tilespmem:s31], [sflag:$0x2] =	stream.linear.gather [hbm4b:s7+s10], $0x8000, $0x38;
	[tilespmem:$0x10100] =	vst v63  }
0x2ef: {  	s1 =	simm.s32 $0xFF800000;
	s15 =	simm.s32 $0x0;
	s0 =	spop (v2sf)  }
.LBB2_66:
0x2f0: {  	s5 =	simm.s32 $0x0  }
0x2f1: {  	s3 =	ssub.s32 s1, s10;
	v2 =	vld [tilespmem:s5+$0x0]  }
0x2f2: {  	s3 =	sadd.s32 $0x1, s3;
	v3 =	vld [tilespmem:s5+$0x10]  }
0x2f3: {  	v5 =	vld [tilespmem:s5+$0x20];
	s3 =	sshrl.u32 s3, $0x1  }
0x2f4: {  	v6 =	vld [tilespmem:s5+$0x30];
	s17 =	sadd.s32 s10, s3  }
0x2f5: {  	v4 =	vld [tilespmem:s5+$0x40];
	v1 =	vmov s17  }
0x2f6: {  	vm0 =	vge.u32 v2, v1;
	v2 =	vld [tilespmem:s5+$0x50]  }
0x2f7: {  	v7 =	vmpcnt.ones.xlane vm0;
	vm0 =	vge.u32 v3, v1;
	v3 =	vld [tilespmem:s5+$0x60]  }
0x2f8: {  	v9 =	vimm.s32 $0x0;
	s4 =	simm.s32 $0x2000;
	s3 =	simm.s32 $0x400;
	vm15 =	vge.u32 v5, v1;
	v5 =	vld [tilespmem:s5+$0x70];
	v8 =	vmpcnt.ones.xlane vm0  }
.LBB2_67:
0x2f9: {  	p0 =	sne.s32 s4, $0x1F000;
	v10 =	vld [tilespmem:s3+$0x0];
	v7 =	vadd.s32 v9, v7;
	v9 =	vmpcnt.ones.xlane vm15;
	vm0 =	vge.u32 v6, v1  }
0x2fa: {  	v11 =	vld [tilespmem:s3+$0x10];
	v6 =	vadd.s32 v8, v7;
	v7 =	vmpcnt.ones.xlane vm0;
	vm0 =	vge.u32 v4, v1  }
0x2fb: {  	v12 =	vld [tilespmem:s3+$0x20];
	v4 =	vadd.s32 v9, v6;
	v8 =	vmpcnt.ones.xlane vm0;
	vm0 =	vge.u32 v2, v1  }
.Ltmp32:
0x2fc: {  	v6 =	vld [tilespmem:s3+$0x30];
	v2 =	vadd.s32 v7, v4;
	v7 =	vmpcnt.ones.xlane vm0;
	vm0 =	vge.u32 v3, v1;
	(pc) =	sbr.rel @p0 .LBB2_67-.Ltmp32, $4  }
0x2fd: {  	v4 =	vld [tilespmem:s3+$0x40];
	v3 =	vadd.s32 v8, v2;
	v8 =	vmpcnt.ones.xlane vm0;
	vm0 =	vge.u32 v5, v1  }
0x2fe: {  	vm15 =	vge.u32 v10, v1;
	v2 =	vld [tilespmem:s3+$0x50];
	v5 =	vadd.s32 v7, v3;
	v9 =	vmpcnt.ones.xlane vm0  }
0x2ff: {  	v7 =	vmpcnt.ones.xlane vm15;
	vm0 =	vge.u32 v11, v1;
	v3 =	vld [tilespmem:s3+$0x60];
	v10 =	vadd.s32 v8, v5  }
0x300: {  	v8 =	vmpcnt.ones.xlane vm0;
	vm15 =	vge.u32 v12, v1;
	v5 =	vld [tilespmem:s3+$0x70];
	s3 =	sshra.s32 s4, $0x2;
	s4 =	sadd.s32 $0x1000, s4;
	v9 =	vadd.s32 v9, v10  }
0x301: {  	v10 =	vld [tilespmem:s3+$0x0];
	v7 =	vadd.s32 v9, v7;
	v50 =	vmpcnt.ones.xlane vm15;
	vm0 =	vge.u32 v6, v1  }
0x302: {  	v51 =	vld [tilespmem:s3+$0x10];
	v7 =	vadd.s32 v8, v7;
	v52 =	vmpcnt.ones.xlane vm0;
	vm0 =	vge.u32 v4, v1  }
0x303: {  	v53 =	vld [tilespmem:s3+$0x20];
	v7 =	vadd.s32 v50, v7;
	v54 =	vmpcnt.ones.xlane vm0;
	vm0 =	vge.u32 v2, v1  }
0x304: {  	v2 =	vld [tilespmem:s3+$0x30];
	v7 =	vadd.s32 v52, v7;
	v55 =	vmpcnt.ones.xlane vm0;
	vm0 =	vge.u32 v3, v1  }
0x305: {  	v3 =	vld [tilespmem:s3+$0x40];
	v7 =	vadd.s32 v54, v7;
	v56 =	vmpcnt.ones.xlane vm0;
	vm0 =	vge.u32 v5, v1  }
0x306: {  	v57 =	vld [tilespmem:s3+$0x50];
	vm15 =	vge.u32 v10, v1;
	v7 =	vadd.s32 v55, v7;
	v58 =	vmpcnt.ones.xlane vm0  }
0x307: {  	v59 =	vld [tilespmem:s3+$0x60];
	vm0 =	vge.u32 v51, v1;
	v10 =	vmpcnt.ones.xlane vm15;
	v7 =	vadd.s32 v56, v7  }
0x308: {  	v61 =	vld [tilespmem:s3+$0x70];
	v60 =	vmpcnt.ones.xlane vm0;
	vm0 =	vge.u32 v53, v1;
	v7 =	vadd.s32 v58, v7  }
0x309: {  	v62 =	vmpcnt.ones.xlane vm0;
	vm0 =	vge.u32 v2, v1;
	v7 =	vadd.s32 v7, v10  }
0x30a: {  	v63 =	vmpcnt.ones.xlane vm0;
	vm0 =	vge.u32 v3, v1;
	v2 =	vadd.s32 v60, v7  }
0x30b: {  	v3 =	vmpcnt.ones.xlane vm0;
	vm0 =	vge.u32 v57, v1;
	v2 =	vadd.s32 v62, v2  }
0x30c: {  	v5 =	vmpcnt.ones.xlane vm0;
	vm0 =	vge.u32 v59, v1;
	v2 =	vadd.s32 v63, v2  }
0x30d: {  	v2 =	vadd.s32 v3, v2;
	v3 =	vmpcnt.ones.xlane vm0;
	vm0 =	vge.u32 v61, v1  }
0x30e: {  	v1 =	vadd.s32 v5, v2;
	v2 =	vmpcnt.ones.xlane vm0  }
0x30f: {  	v1 =	vadd.s32 v3, v1  }
0x310: {  	v1 =	vadd.s32 v2, v1  }
0x311: {  	(v2sf) =	vpush v1, $0x0;
	_ =	sdelay $0xb  }
0x312: {  	s15 =	sadd.s32 $0x1, s15  }
0x313: {  	p1 =	sne.s32 s15, $0x20  }
.Ltmp33:
0x314: {  	_ = 	snop;
	(pc) =	sbr.rel @p1 .LBB2_66-.Ltmp33, $4  }
0x315: {  	s31 =	spop (v2sf)  }
0x316: {  	p0 =	slt.s32 s31, s0  }
0x317: {  	s3 =	sadd.s32 $0xFFFFFFFF, s17;
	s17 =	smov.u32 @p0 s10  }
0x318: {  	s1 =	smov.u32 @p0 s3;
	s10 =	smov.u32 s17  }
0x319: {  	(v2sf) =	vpush v0, $0x1;
	_ =	sdelay $0xd  }
0x31a: {  	s13 =	simm.s32 $0x0  }
0x31b: {  	s1 =	simm.s32 $0xFF800000;
	s10 =	simm.s32 $0x0;
	s0 =	spop (v2sf)  }
.LBB2_70:
0x31c: {  	s5 =	simm.s32 $0x0  }
0x31d: {  	s3 =	ssub.s32 s1, s13;
	v2 =	vld [tilespmem:s5+$0x80]  }
0x31e: {  	s3 =	sadd.s32 $0x1, s3;
	v3 =	vld [tilespmem:s5+$0x90]  }
0x31f: {  	v5 =	vld [tilespmem:s5+$0xA0];
	s3 =	sshrl.u32 s3, $0x1  }
0x320: {  	v6 =	vld [tilespmem:s5+$0xB0];
	s18 =	sadd.s32 s13, s3  }
0x321: {  	v4 =	vld [tilespmem:s5+$0xC0];
	v1 =	vmov s18  }
0x322: {  	vm0 =	vge.u32 v2, v1;
	v2 =	vld [tilespmem:s5+$0xD0]  }
0x323: {  	v7 =	vmpcnt.ones.xlane vm0;
	vm0 =	vge.u32 v3, v1;
	v3 =	vld [tilespmem:s5+$0xE0]  }
0x324: {  	v9 =	vimm.s32 $0x0;
	s4 =	simm.s32 $0x2000;
	s3 =	simm.s32 $0x400;
	vm15 =	vge.u32 v5, v1;
	v5 =	vld [tilespmem:s5+$0xF0];
	v8 =	vmpcnt.ones.xlane vm0  }
.LBB2_71:
0x325: {  	p0 =	sne.s32 s4, $0x1F000;
	v10 =	vld [tilespmem:s3+$0x80];
	v7 =	vadd.s32 v9, v7;
	v9 =	vmpcnt.ones.xlane vm15;
	vm0 =	vge.u32 v6, v1  }
0x326: {  	v11 =	vld [tilespmem:s3+$0x90];
	v6 =	vadd.s32 v8, v7;
	v7 =	vmpcnt.ones.xlane vm0;
	vm0 =	vge.u32 v4, v1  }
0x327: {  	v12 =	vld [tilespmem:s3+$0xA0];
	v4 =	vadd.s32 v9, v6;
	v8 =	vmpcnt.ones.xlane vm0;
	vm0 =	vge.u32 v2, v1  }
.Ltmp34:
0x328: {  	v6 =	vld [tilespmem:s3+$0xB0];
	v2 =	vadd.s32 v7, v4;
	v7 =	vmpcnt.ones.xlane vm0;
	vm0 =	vge.u32 v3, v1;
	(pc) =	sbr.rel @p0 .LBB2_71-.Ltmp34, $4  }
0x329: {  	v4 =	vld [tilespmem:s3+$0xC0];
	v3 =	vadd.s32 v8, v2;
	v8 =	vmpcnt.ones.xlane vm0;
	vm0 =	vge.u32 v5, v1  }
0x32a: {  	vm15 =	vge.u32 v10, v1;
	v2 =	vld [tilespmem:s3+$0xD0];
	v5 =	vadd.s32 v7, v3;
	v9 =	vmpcnt.ones.xlane vm0  }
0x32b: {  	v7 =	vmpcnt.ones.xlane vm15;
	vm0 =	vge.u32 v11, v1;
	v3 =	vld [tilespmem:s3+$0xE0];
	v10 =	vadd.s32 v8, v5  }
0x32c: {  	v8 =	vmpcnt.ones.xlane vm0;
	vm15 =	vge.u32 v12, v1;
	v5 =	vld [tilespmem:s3+$0xF0];
	s3 =	sshra.s32 s4, $0x2;
	s4 =	sadd.s32 $0x1000, s4;
	v9 =	vadd.s32 v9, v10  }
0x32d: {  	v10 =	vld [tilespmem:s3+$0x80];
	v7 =	vadd.s32 v9, v7;
	v50 =	vmpcnt.ones.xlane vm15;
	vm0 =	vge.u32 v6, v1  }
0x32e: {  	v51 =	vld [tilespmem:s3+$0x90];
	v7 =	vadd.s32 v8, v7;
	v52 =	vmpcnt.ones.xlane vm0;
	vm0 =	vge.u32 v4, v1  }
0x32f: {  	v53 =	vld [tilespmem:s3+$0xA0];
	v7 =	vadd.s32 v50, v7;
	v54 =	vmpcnt.ones.xlane vm0;
	vm0 =	vge.u32 v2, v1  }
0x330: {  	v2 =	vld [tilespmem:s3+$0xB0];
	v7 =	vadd.s32 v52, v7;
	v55 =	vmpcnt.ones.xlane vm0;
	vm0 =	vge.u32 v3, v1  }
0x331: {  	v3 =	vld [tilespmem:s3+$0xC0];
	v7 =	vadd.s32 v54, v7;
	v56 =	vmpcnt.ones.xlane vm0;
	vm0 =	vge.u32 v5, v1  }
0x332: {  	v57 =	vld [tilespmem:s3+$0xD0];
	vm15 =	vge.u32 v10, v1;
	v7 =	vadd.s32 v55, v7;
	v58 =	vmpcnt.ones.xlane vm0  }
0x333: {  	v59 =	vld [tilespmem:s3+$0xE0];
	vm0 =	vge.u32 v51, v1;
	v10 =	vmpcnt.ones.xlane vm15;
	v7 =	vadd.s32 v56, v7  }
0x334: {  	v61 =	vld [tilespmem:s3+$0xF0];
	v60 =	vmpcnt.ones.xlane vm0;
	vm0 =	vge.u32 v53, v1;
	v7 =	vadd.s32 v58, v7  }
0x335: {  	v62 =	vmpcnt.ones.xlane vm0;
	vm0 =	vge.u32 v2, v1;
	v7 =	vadd.s32 v7, v10  }
0x336: {  	v63 =	vmpcnt.ones.xlane vm0;
	vm0 =	vge.u32 v3, v1;
	v2 =	vadd.s32 v60, v7  }
0x337: {  	v3 =	vmpcnt.ones.xlane vm0;
	vm0 =	vge.u32 v57, v1;
	v2 =	vadd.s32 v62, v2  }
0x338: {  	v5 =	vmpcnt.ones.xlane vm0;
	vm0 =	vge.u32 v59, v1;
	v2 =	vadd.s32 v63, v2  }
0x339: {  	v2 =	vadd.s32 v3, v2;
	v3 =	vmpcnt.ones.xlane vm0;
	vm0 =	vge.u32 v61, v1  }
0x33a: {  	v1 =	vadd.s32 v5, v2;
	v2 =	vmpcnt.ones.xlane vm0  }
0x33b: {  	v1 =	vadd.s32 v3, v1  }
0x33c: {  	v1 =	vadd.s32 v2, v1  }
0x33d: {  	(v2sf) =	vpush v1, $0x0;
	_ =	sdelay $0xb  }
0x33e: {  	s10 =	sadd.s32 $0x1, s10  }
0x33f: {  	p1 =	sne.s32 s10, $0x20  }
.Ltmp35:
0x340: {  	_ = 	snop;
	(pc) =	sbr.rel @p1 .LBB2_70-.Ltmp35, $4  }
0x341: {  	s31 =	spop (v2sf)  }
0x342: {  	p0 =	slt.s32 s31, s0  }
0x343: {  	s3 =	sadd.s32 $0xFFFFFFFF, s18;
	s18 =	smov.u32 @p0 s13  }
0x344: {  	s1 =	smov.u32 @p0 s3;
	s13 =	smov.u32 s18  }
0x345: {  	(v2sf) =	vpush v0, $0x2;
	_ =	sdelay $0xd  }
0x346: {  	s13 =	simm.s32 $0x0  }
0x347: {  	s1 =	simm.s32 $0xFF800000;
	s10 =	simm.s32 $0x0;
	s0 =	spop (v2sf)  }
.LBB2_74:
0x348: {  	s5 =	simm.s32 $0x0  }
0x349: {  	s3 =	ssub.s32 s1, s13;
	v2 =	vld [tilespmem:s5+$0x100]  }
0x34a: {  	s3 =	sadd.s32 $0x1, s3;
	v3 =	vld [tilespmem:s5+$0x110]  }
0x34b: {  	v5 =	vld [tilespmem:s5+$0x120];
	s3 =	sshrl.u32 s3, $0x1  }
0x34c: {  	v6 =	vld [tilespmem:s5+$0x130];
	s19 =	sadd.s32 s13, s3  }
0x34d: {  	v4 =	vld [tilespmem:s5+$0x140];
	v1 =	vmov s19  }
0x34e: {  	vm0 =	vge.u32 v2, v1;
	v2 =	vld [tilespmem:s5+$0x150]  }
0x34f: {  	v7 =	vmpcnt.ones.xlane vm0;
	vm0 =	vge.u32 v3, v1;
	v3 =	vld [tilespmem:s5+$0x160]  }
0x350: {  	v9 =	vimm.s32 $0x0;
	s4 =	simm.s32 $0x2000;
	s3 =	simm.s32 $0x400;
	vm15 =	vge.u32 v5, v1;
	v5 =	vld [tilespmem:s5+$0x170];
	v8 =	vmpcnt.ones.xlane vm0  }
.LBB2_75:
0x351: {  	p0 =	sne.s32 s4, $0x1F000;
	v10 =	vld [tilespmem:s3+$0x100];
	v7 =	vadd.s32 v9, v7;
	v9 =	vmpcnt.ones.xlane vm15;
	vm0 =	vge.u32 v6, v1  }
0x352: {  	v11 =	vld [tilespmem:s3+$0x110];
	v6 =	vadd.s32 v8, v7;
	v7 =	vmpcnt.ones.xlane vm0;
	vm0 =	vge.u32 v4, v1  }
0x353: {  	v12 =	vld [tilespmem:s3+$0x120];
	v4 =	vadd.s32 v9, v6;
	v8 =	vmpcnt.ones.xlane vm0;
	vm0 =	vge.u32 v2, v1  }
.Ltmp36:
0x354: {  	v6 =	vld [tilespmem:s3+$0x130];
	v2 =	vadd.s32 v7, v4;
	v7 =	vmpcnt.ones.xlane vm0;
	vm0 =	vge.u32 v3, v1;
	(pc) =	sbr.rel @p0 .LBB2_75-.Ltmp36, $4  }
0x355: {  	v4 =	vld [tilespmem:s3+$0x140];
	v3 =	vadd.s32 v8, v2;
	v8 =	vmpcnt.ones.xlane vm0;
	vm0 =	vge.u32 v5, v1  }
0x356: {  	vm15 =	vge.u32 v10, v1;
	v2 =	vld [tilespmem:s3+$0x150];
	v5 =	vadd.s32 v7, v3;
	v9 =	vmpcnt.ones.xlane vm0  }
0x357: {  	v7 =	vmpcnt.ones.xlane vm15;
	vm0 =	vge.u32 v11, v1;
	v3 =	vld [tilespmem:s3+$0x160];
	v10 =	vadd.s32 v8, v5  }
0x358: {  	v8 =	vmpcnt.ones.xlane vm0;
	vm15 =	vge.u32 v12, v1;
	v5 =	vld [tilespmem:s3+$0x170];
	s3 =	sshra.s32 s4, $0x2;
	s4 =	sadd.s32 $0x1000, s4;
	v9 =	vadd.s32 v9, v10  }
0x359: {  	v10 =	vld [tilespmem:s3+$0x100];
	v7 =	vadd.s32 v9, v7;
	v50 =	vmpcnt.ones.xlane vm15;
	vm0 =	vge.u32 v6, v1  }
0x35a: {  	v51 =	vld [tilespmem:s3+$0x110];
	v7 =	vadd.s32 v8, v7;
	v52 =	vmpcnt.ones.xlane vm0;
	vm0 =	vge.u32 v4, v1  }
0x35b: {  	v53 =	vld [tilespmem:s3+$0x120];
	v7 =	vadd.s32 v50, v7;
	v54 =	vmpcnt.ones.xlane vm0;
	vm0 =	vge.u32 v2, v1  }
0x35c: {  	v2 =	vld [tilespmem:s3+$0x130];
	v7 =	vadd.s32 v52, v7;
	v55 =	vmpcnt.ones.xlane vm0;
	vm0 =	vge.u32 v3, v1  }
0x35d: {  	v3 =	vld [tilespmem:s3+$0x140];
	v7 =	vadd.s32 v54, v7;
	v56 =	vmpcnt.ones.xlane vm0;
	vm0 =	vge.u32 v5, v1  }
0x35e: {  	v57 =	vld [tilespmem:s3+$0x150];
	vm15 =	vge.u32 v10, v1;
	v7 =	vadd.s32 v55, v7;
	v58 =	vmpcnt.ones.xlane vm0  }
0x35f: {  	v59 =	vld [tilespmem:s3+$0x160];
	vm0 =	vge.u32 v51, v1;
	v10 =	vmpcnt.ones.xlane vm15;
	v7 =	vadd.s32 v56, v7  }
0x360: {  	v61 =	vld [tilespmem:s3+$0x170];
	v60 =	vmpcnt.ones.xlane vm0;
	vm0 =	vge.u32 v53, v1;
	v7 =	vadd.s32 v58, v7  }
0x361: {  	v62 =	vmpcnt.ones.xlane vm0;
	vm0 =	vge.u32 v2, v1;
	v7 =	vadd.s32 v7, v10  }
0x362: {  	v63 =	vmpcnt.ones.xlane vm0;
	vm0 =	vge.u32 v3, v1;
	v2 =	vadd.s32 v60, v7  }
0x363: {  	v3 =	vmpcnt.ones.xlane vm0;
	vm0 =	vge.u32 v57, v1;
	v2 =	vadd.s32 v62, v2  }
0x364: {  	v5 =	vmpcnt.ones.xlane vm0;
	vm0 =	vge.u32 v59, v1;
	v2 =	vadd.s32 v63, v2  }
0x365: {  	v2 =	vadd.s32 v3, v2;
	v3 =	vmpcnt.ones.xlane vm0;
	vm0 =	vge.u32 v61, v1  }
0x366: {  	v1 =	vadd.s32 v5, v2;
	v2 =	vmpcnt.ones.xlane vm0  }
0x367: {  	v1 =	vadd.s32 v3, v1  }
0x368: {  	v1 =	vadd.s32 v2, v1  }
0x369: {  	(v2sf) =	vpush v1, $0x0;
	_ =	sdelay $0xb  }
0x36a: {  	s10 =	sadd.s32 $0x1, s10  }
0x36b: {  	p1 =	sne.s32 s10, $0x20  }
.Ltmp37:
0x36c: {  	_ = 	snop;
	(pc) =	sbr.rel @p1 .LBB2_74-.Ltmp37, $4  }
0x36d: {  	s31 =	spop (v2sf)  }
0x36e: {  	p0 =	slt.s32 s31, s0  }
0x36f: {  	s3 =	sadd.s32 $0xFFFFFFFF, s19;
	s19 =	smov.u32 @p0 s13  }
0x370: {  	s1 =	smov.u32 @p0 s3;
	s13 =	smov.u32 s19  }
0x371: {  	(v2sf) =	vpush v0, $0x3;
	_ =	sdelay $0xd  }
0x372: {  	s13 =	simm.s32 $0x0  }
0x373: {  	s1 =	simm.s32 $0xFF800000;
	s10 =	simm.s32 $0x0;
	s0 =	spop (v2sf)  }
.LBB2_78:
0x374: {  	s5 =	simm.s32 $0x0  }
0x375: {  	s3 =	ssub.s32 s1, s13;
	v2 =	vld [tilespmem:s5+$0x180]  }
0x376: {  	s3 =	sadd.s32 $0x1, s3;
	v3 =	vld [tilespmem:s5+$0x190]  }
0x377: {  	v5 =	vld [tilespmem:s5+$0x1A0];
	s3 =	sshrl.u32 s3, $0x1  }
0x378: {  	v6 =	vld [tilespmem:s5+$0x1B0];
	s20 =	sadd.s32 s13, s3  }
0x379: {  	v4 =	vld [tilespmem:s5+$0x1C0];
	v1 =	vmov s20  }
0x37a: {  	vm0 =	vge.u32 v2, v1;
	v2 =	vld [tilespmem:s5+$0x1D0]  }
0x37b: {  	v7 =	vmpcnt.ones.xlane vm0;
	vm0 =	vge.u32 v3, v1;
	v3 =	vld [tilespmem:s5+$0x1E0]  }
0x37c: {  	v9 =	vimm.s32 $0x0;
	s4 =	simm.s32 $0x2000;
	s3 =	simm.s32 $0x400;
	vm15 =	vge.u32 v5, v1;
	v5 =	vld [tilespmem:s5+$0x1F0];
	v8 =	vmpcnt.ones.xlane vm0  }
.LBB2_79:
0x37d: {  	p0 =	sne.s32 s4, $0x1F000;
	v10 =	vld [tilespmem:s3+$0x180];
	v7 =	vadd.s32 v9, v7;
	v9 =	vmpcnt.ones.xlane vm15;
	vm0 =	vge.u32 v6, v1  }
0x37e: {  	v11 =	vld [tilespmem:s3+$0x190];
	v6 =	vadd.s32 v8, v7;
	v7 =	vmpcnt.ones.xlane vm0;
	vm0 =	vge.u32 v4, v1  }
0x37f: {  	v12 =	vld [tilespmem:s3+$0x1A0];
	v4 =	vadd.s32 v9, v6;
	v8 =	vmpcnt.ones.xlane vm0;
	vm0 =	vge.u32 v2, v1  }
.Ltmp38:
0x380: {  	v6 =	vld [tilespmem:s3+$0x1B0];
	v2 =	vadd.s32 v7, v4;
	v7 =	vmpcnt.ones.xlane vm0;
	vm0 =	vge.u32 v3, v1;
	(pc) =	sbr.rel @p0 .LBB2_79-.Ltmp38, $4  }
0x381: {  	v4 =	vld [tilespmem:s3+$0x1C0];
	v3 =	vadd.s32 v8, v2;
	v8 =	vmpcnt.ones.xlane vm0;
	vm0 =	vge.u32 v5, v1  }
0x382: {  	vm15 =	vge.u32 v10, v1;
	v2 =	vld [tilespmem:s3+$0x1D0];
	v5 =	vadd.s32 v7, v3;
	v9 =	vmpcnt.ones.xlane vm0  }
0x383: {  	v7 =	vmpcnt.ones.xlane vm15;
	vm0 =	vge.u32 v11, v1;
	v3 =	vld [tilespmem:s3+$0x1E0];
	v10 =	vadd.s32 v8, v5  }
0x384: {  	v8 =	vmpcnt.ones.xlane vm0;
	vm15 =	vge.u32 v12, v1;
	v5 =	vld [tilespmem:s3+$0x1F0];
	s3 =	sshra.s32 s4, $0x2;
	s4 =	sadd.s32 $0x1000, s4;
	v9 =	vadd.s32 v9, v10  }
0x385: {  	v10 =	vld [tilespmem:s3+$0x180];
	v7 =	vadd.s32 v9, v7;
	v50 =	vmpcnt.ones.xlane vm15;
	vm0 =	vge.u32 v6, v1  }
0x386: {  	v51 =	vld [tilespmem:s3+$0x190];
	v7 =	vadd.s32 v8, v7;
	v52 =	vmpcnt.ones.xlane vm0;
	vm0 =	vge.u32 v4, v1  }
0x387: {  	v53 =	vld [tilespmem:s3+$0x1A0];
	v7 =	vadd.s32 v50, v7;
	v54 =	vmpcnt.ones.xlane vm0;
	vm0 =	vge.u32 v2, v1  }
0x388: {  	v2 =	vld [tilespmem:s3+$0x1B0];
	v7 =	vadd.s32 v52, v7;
	v55 =	vmpcnt.ones.xlane vm0;
	vm0 =	vge.u32 v3, v1  }
0x389: {  	v3 =	vld [tilespmem:s3+$0x1C0];
	v7 =	vadd.s32 v54, v7;
	v56 =	vmpcnt.ones.xlane vm0;
	vm0 =	vge.u32 v5, v1  }
0x38a: {  	v57 =	vld [tilespmem:s3+$0x1D0];
	vm15 =	vge.u32 v10, v1;
	v7 =	vadd.s32 v55, v7;
	v58 =	vmpcnt.ones.xlane vm0  }
0x38b: {  	v59 =	vld [tilespmem:s3+$0x1E0];
	vm0 =	vge.u32 v51, v1;
	v10 =	vmpcnt.ones.xlane vm15;
	v7 =	vadd.s32 v56, v7  }
0x38c: {  	v61 =	vld [tilespmem:s3+$0x1F0];
	v60 =	vmpcnt.ones.xlane vm0;
	vm0 =	vge.u32 v53, v1;
	v7 =	vadd.s32 v58, v7  }
0x38d: {  	v62 =	vmpcnt.ones.xlane vm0;
	vm0 =	vge.u32 v2, v1;
	v7 =	vadd.s32 v7, v10  }
0x38e: {  	v63 =	vmpcnt.ones.xlane vm0;
	vm0 =	vge.u32 v3, v1;
	v2 =	vadd.s32 v60, v7  }
0x38f: {  	v3 =	vmpcnt.ones.xlane vm0;
	vm0 =	vge.u32 v57, v1;
	v2 =	vadd.s32 v62, v2  }
0x390: {  	v5 =	vmpcnt.ones.xlane vm0;
	vm0 =	vge.u32 v59, v1;
	v2 =	vadd.s32 v63, v2  }
0x391: {  	v2 =	vadd.s32 v3, v2;
	v3 =	vmpcnt.ones.xlane vm0;
	vm0 =	vge.u32 v61, v1  }
0x392: {  	v1 =	vadd.s32 v5, v2;
	v2 =	vmpcnt.ones.xlane vm0  }
0x393: {  	v1 =	vadd.s32 v3, v1  }
0x394: {  	v1 =	vadd.s32 v2, v1  }
0x395: {  	(v2sf) =	vpush v1, $0x0;
	_ =	sdelay $0xb  }
0x396: {  	s10 =	sadd.s32 $0x1, s10  }
0x397: {  	p1 =	sne.s32 s10, $0x20  }
.Ltmp39:
0x398: {  	_ = 	snop;
	(pc) =	sbr.rel @p1 .LBB2_78-.Ltmp39, $4  }
0x399: {  	s31 =	spop (v2sf)  }
0x39a: {  	p0 =	slt.s32 s31, s0  }
0x39b: {  	s3 =	sadd.s32 $0xFFFFFFFF, s20;
	s20 =	smov.u32 @p0 s13  }
0x39c: {  	s1 =	smov.u32 @p0 s3;
	s13 =	smov.u32 s20  }
0x39d: {  	(v2sf) =	vpush v0, $0x4;
	_ =	sdelay $0xd  }
0x39e: {  	s13 =	simm.s32 $0x0  }
0x39f: {  	s1 =	simm.s32 $0xFF800000;
	s10 =	simm.s32 $0x0;
	s0 =	spop (v2sf)  }
.LBB2_82:
0x3a0: {  	s5 =	simm.s32 $0x0  }
0x3a1: {  	s3 =	ssub.s32 s1, s13;
	v2 =	vld [tilespmem:s5+$0x200]  }
0x3a2: {  	s3 =	sadd.s32 $0x1, s3;
	v3 =	vld [tilespmem:s5+$0x210]  }
0x3a3: {  	v5 =	vld [tilespmem:s5+$0x220];
	s3 =	sshrl.u32 s3, $0x1  }
0x3a4: {  	v6 =	vld [tilespmem:s5+$0x230];
	s21 =	sadd.s32 s13, s3  }
0x3a5: {  	v4 =	vld [tilespmem:s5+$0x240];
	v1 =	vmov s21  }
0x3a6: {  	vm0 =	vge.u32 v2, v1;
	v2 =	vld [tilespmem:s5+$0x250]  }
0x3a7: {  	v7 =	vmpcnt.ones.xlane vm0;
	vm0 =	vge.u32 v3, v1;
	v3 =	vld [tilespmem:s5+$0x260]  }
0x3a8: {  	v9 =	vimm.s32 $0x0;
	s4 =	simm.s32 $0x2000;
	s3 =	simm.s32 $0x400;
	vm15 =	vge.u32 v5, v1;
	v5 =	vld [tilespmem:s5+$0x270];
	v8 =	vmpcnt.ones.xlane vm0  }
.LBB2_83:
0x3a9: {  	p0 =	sne.s32 s4, $0x1F000;
	v10 =	vld [tilespmem:s3+$0x200];
	v7 =	vadd.s32 v9, v7;
	v9 =	vmpcnt.ones.xlane vm15;
	vm0 =	vge.u32 v6, v1  }
0x3aa: {  	v11 =	vld [tilespmem:s3+$0x210];
	v6 =	vadd.s32 v8, v7;
	v7 =	vmpcnt.ones.xlane vm0;
	vm0 =	vge.u32 v4, v1  }
0x3ab: {  	v12 =	vld [tilespmem:s3+$0x220];
	v4 =	vadd.s32 v9, v6;
	v8 =	vmpcnt.ones.xlane vm0;
	vm0 =	vge.u32 v2, v1  }
.Ltmp40:
0x3ac: {  	v6 =	vld [tilespmem:s3+$0x230];
	v2 =	vadd.s32 v7, v4;
	v7 =	vmpcnt.ones.xlane vm0;
	vm0 =	vge.u32 v3, v1;
	(pc) =	sbr.rel @p0 .LBB2_83-.Ltmp40, $4  }
0x3ad: {  	v4 =	vld [tilespmem:s3+$0x240];
	v3 =	vadd.s32 v8, v2;
	v8 =	vmpcnt.ones.xlane vm0;
	vm0 =	vge.u32 v5, v1  }
0x3ae: {  	vm15 =	vge.u32 v10, v1;
	v2 =	vld [tilespmem:s3+$0x250];
	v5 =	vadd.s32 v7, v3;
	v9 =	vmpcnt.ones.xlane vm0  }
0x3af: {  	v7 =	vmpcnt.ones.xlane vm15;
	vm0 =	vge.u32 v11, v1;
	v3 =	vld [tilespmem:s3+$0x260];
	v10 =	vadd.s32 v8, v5  }
0x3b0: {  	v8 =	vmpcnt.ones.xlane vm0;
	vm15 =	vge.u32 v12, v1;
	v5 =	vld [tilespmem:s3+$0x270];
	s3 =	sshra.s32 s4, $0x2;
	s4 =	sadd.s32 $0x1000, s4;
	v9 =	vadd.s32 v9, v10  }
0x3b1: {  	v10 =	vld [tilespmem:s3+$0x200];
	v7 =	vadd.s32 v9, v7;
	v50 =	vmpcnt.ones.xlane vm15;
	vm0 =	vge.u32 v6, v1  }
0x3b2: {  	v51 =	vld [tilespmem:s3+$0x210];
	v7 =	vadd.s32 v8, v7;
	v52 =	vmpcnt.ones.xlane vm0;
	vm0 =	vge.u32 v4, v1  }
0x3b3: {  	v53 =	vld [tilespmem:s3+$0x220];
	v7 =	vadd.s32 v50, v7;
	v54 =	vmpcnt.ones.xlane vm0;
	vm0 =	vge.u32 v2, v1  }
0x3b4: {  	v2 =	vld [tilespmem:s3+$0x230];
	v7 =	vadd.s32 v52, v7;
	v55 =	vmpcnt.ones.xlane vm0;
	vm0 =	vge.u32 v3, v1  }
0x3b5: {  	v3 =	vld [tilespmem:s3+$0x240];
	v7 =	vadd.s32 v54, v7;
	v56 =	vmpcnt.ones.xlane vm0;
	vm0 =	vge.u32 v5, v1  }
0x3b6: {  	v57 =	vld [tilespmem:s3+$0x250];
	vm15 =	vge.u32 v10, v1;
	v7 =	vadd.s32 v55, v7;
	v58 =	vmpcnt.ones.xlane vm0  }
0x3b7: {  	v59 =	vld [tilespmem:s3+$0x260];
	vm0 =	vge.u32 v51, v1;
	v10 =	vmpcnt.ones.xlane vm15;
	v7 =	vadd.s32 v56, v7  }
0x3b8: {  	v61 =	vld [tilespmem:s3+$0x270];
	v60 =	vmpcnt.ones.xlane vm0;
	vm0 =	vge.u32 v53, v1;
	v7 =	vadd.s32 v58, v7  }
0x3b9: {  	v62 =	vmpcnt.ones.xlane vm0;
	vm0 =	vge.u32 v2, v1;
	v7 =	vadd.s32 v7, v10  }
0x3ba: {  	v63 =	vmpcnt.ones.xlane vm0;
	vm0 =	vge.u32 v3, v1;
	v2 =	vadd.s32 v60, v7  }
0x3bb: {  	v3 =	vmpcnt.ones.xlane vm0;
	vm0 =	vge.u32 v57, v1;
	v2 =	vadd.s32 v62, v2  }
0x3bc: {  	v5 =	vmpcnt.ones.xlane vm0;
	vm0 =	vge.u32 v59, v1;
	v2 =	vadd.s32 v63, v2  }
0x3bd: {  	v2 =	vadd.s32 v3, v2;
	v3 =	vmpcnt.ones.xlane vm0;
	vm0 =	vge.u32 v61, v1  }
0x3be: {  	v1 =	vadd.s32 v5, v2;
	v2 =	vmpcnt.ones.xlane vm0  }
0x3bf: {  	v1 =	vadd.s32 v3, v1  }
0x3c0: {  	v1 =	vadd.s32 v2, v1  }
0x3c1: {  	(v2sf) =	vpush v1, $0x0;
	_ =	sdelay $0xb  }
0x3c2: {  	s10 =	sadd.s32 $0x1, s10  }
0x3c3: {  	p1 =	sne.s32 s10, $0x20  }
.Ltmp41:
0x3c4: {  	_ = 	snop;
	(pc) =	sbr.rel @p1 .LBB2_82-.Ltmp41, $4  }
0x3c5: {  	s31 =	spop (v2sf)  }
0x3c6: {  	p0 =	slt.s32 s31, s0  }
0x3c7: {  	s3 =	sadd.s32 $0xFFFFFFFF, s21;
	s21 =	smov.u32 @p0 s13  }
0x3c8: {  	s1 =	smov.u32 @p0 s3;
	s13 =	smov.u32 s21  }
0x3c9: {  	(v2sf) =	vpush v0, $0x5;
	_ =	sdelay $0xd  }
0x3ca: {  	s13 =	simm.s32 $0x0  }
0x3cb: {  	s1 =	simm.s32 $0xFF800000;
	s10 =	simm.s32 $0x0;
	s0 =	spop (v2sf)  }
.LBB2_86:
0x3cc: {  	s5 =	simm.s32 $0x0  }
0x3cd: {  	s3 =	ssub.s32 s1, s13;
	v2 =	vld [tilespmem:s5+$0x280]  }
0x3ce: {  	s3 =	sadd.s32 $0x1, s3;
	v3 =	vld [tilespmem:s5+$0x290]  }
0x3cf: {  	v5 =	vld [tilespmem:s5+$0x2A0];
	s3 =	sshrl.u32 s3, $0x1  }
0x3d0: {  	v6 =	vld [tilespmem:s5+$0x2B0];
	s22 =	sadd.s32 s13, s3  }
0x3d1: {  	v4 =	vld [tilespmem:s5+$0x2C0];
	v1 =	vmov s22  }
0x3d2: {  	vm0 =	vge.u32 v2, v1;
	v2 =	vld [tilespmem:s5+$0x2D0]  }
0x3d3: {  	v7 =	vmpcnt.ones.xlane vm0;
	vm0 =	vge.u32 v3, v1;
	v3 =	vld [tilespmem:s5+$0x2E0]  }
0x3d4: {  	v9 =	vimm.s32 $0x0;
	s4 =	simm.s32 $0x2000;
	s3 =	simm.s32 $0x400;
	vm15 =	vge.u32 v5, v1;
	v5 =	vld [tilespmem:s5+$0x2F0];
	v8 =	vmpcnt.ones.xlane vm0  }
.LBB2_87:
0x3d5: {  	p0 =	sne.s32 s4, $0x1F000;
	v10 =	vld [tilespmem:s3+$0x280];
	v7 =	vadd.s32 v9, v7;
	v9 =	vmpcnt.ones.xlane vm15;
	vm0 =	vge.u32 v6, v1  }
0x3d6: {  	v11 =	vld [tilespmem:s3+$0x290];
	v6 =	vadd.s32 v8, v7;
	v7 =	vmpcnt.ones.xlane vm0;
	vm0 =	vge.u32 v4, v1  }
0x3d7: {  	v12 =	vld [tilespmem:s3+$0x2A0];
	v4 =	vadd.s32 v9, v6;
	v8 =	vmpcnt.ones.xlane vm0;
	vm0 =	vge.u32 v2, v1  }
.Ltmp42:
0x3d8: {  	v6 =	vld [tilespmem:s3+$0x2B0];
	v2 =	vadd.s32 v7, v4;
	v7 =	vmpcnt.ones.xlane vm0;
	vm0 =	vge.u32 v3, v1;
	(pc) =	sbr.rel @p0 .LBB2_87-.Ltmp42, $4  }
0x3d9: {  	v4 =	vld [tilespmem:s3+$0x2C0];
	v3 =	vadd.s32 v8, v2;
	v8 =	vmpcnt.ones.xlane vm0;
	vm0 =	vge.u32 v5, v1  }
0x3da: {  	vm15 =	vge.u32 v10, v1;
	v2 =	vld [tilespmem:s3+$0x2D0];
	v5 =	vadd.s32 v7, v3;
	v9 =	vmpcnt.ones.xlane vm0  }
0x3db: {  	v7 =	vmpcnt.ones.xlane vm15;
	vm0 =	vge.u32 v11, v1;
	v3 =	vld [tilespmem:s3+$0x2E0];
	v10 =	vadd.s32 v8, v5  }
0x3dc: {  	v8 =	vmpcnt.ones.xlane vm0;
	vm15 =	vge.u32 v12, v1;
	v5 =	vld [tilespmem:s3+$0x2F0];
	s3 =	sshra.s32 s4, $0x2;
	s4 =	sadd.s32 $0x1000, s4;
	v9 =	vadd.s32 v9, v10  }
0x3dd: {  	v10 =	vld [tilespmem:s3+$0x280];
	v7 =	vadd.s32 v9, v7;
	v50 =	vmpcnt.ones.xlane vm15;
	vm0 =	vge.u32 v6, v1  }
0x3de: {  	v51 =	vld [tilespmem:s3+$0x290];
	v7 =	vadd.s32 v8, v7;
	v52 =	vmpcnt.ones.xlane vm0;
	vm0 =	vge.u32 v4, v1  }
0x3df: {  	v53 =	vld [tilespmem:s3+$0x2A0];
	v7 =	vadd.s32 v50, v7;
	v54 =	vmpcnt.ones.xlane vm0;
	vm0 =	vge.u32 v2, v1  }
0x3e0: {  	v2 =	vld [tilespmem:s3+$0x2B0];
	v7 =	vadd.s32 v52, v7;
	v55 =	vmpcnt.ones.xlane vm0;
	vm0 =	vge.u32 v3, v1  }
0x3e1: {  	v3 =	vld [tilespmem:s3+$0x2C0];
	v7 =	vadd.s32 v54, v7;
	v56 =	vmpcnt.ones.xlane vm0;
	vm0 =	vge.u32 v5, v1  }
0x3e2: {  	v57 =	vld [tilespmem:s3+$0x2D0];
	vm15 =	vge.u32 v10, v1;
	v7 =	vadd.s32 v55, v7;
	v58 =	vmpcnt.ones.xlane vm0  }
0x3e3: {  	v59 =	vld [tilespmem:s3+$0x2E0];
	vm0 =	vge.u32 v51, v1;
	v10 =	vmpcnt.ones.xlane vm15;
	v7 =	vadd.s32 v56, v7  }
0x3e4: {  	v61 =	vld [tilespmem:s3+$0x2F0];
	v60 =	vmpcnt.ones.xlane vm0;
	vm0 =	vge.u32 v53, v1;
	v7 =	vadd.s32 v58, v7  }
0x3e5: {  	v62 =	vmpcnt.ones.xlane vm0;
	vm0 =	vge.u32 v2, v1;
	v7 =	vadd.s32 v7, v10  }
0x3e6: {  	v63 =	vmpcnt.ones.xlane vm0;
	vm0 =	vge.u32 v3, v1;
	v2 =	vadd.s32 v60, v7  }
0x3e7: {  	v3 =	vmpcnt.ones.xlane vm0;
	vm0 =	vge.u32 v57, v1;
	v2 =	vadd.s32 v62, v2  }
0x3e8: {  	v5 =	vmpcnt.ones.xlane vm0;
	vm0 =	vge.u32 v59, v1;
	v2 =	vadd.s32 v63, v2  }
0x3e9: {  	v2 =	vadd.s32 v3, v2;
	v3 =	vmpcnt.ones.xlane vm0;
	vm0 =	vge.u32 v61, v1  }
0x3ea: {  	v1 =	vadd.s32 v5, v2;
	v2 =	vmpcnt.ones.xlane vm0  }
0x3eb: {  	v1 =	vadd.s32 v3, v1  }
0x3ec: {  	v1 =	vadd.s32 v2, v1  }
0x3ed: {  	(v2sf) =	vpush v1, $0x0;
	_ =	sdelay $0xb  }
0x3ee: {  	s10 =	sadd.s32 $0x1, s10  }
0x3ef: {  	p1 =	sne.s32 s10, $0x20  }
.Ltmp43:
0x3f0: {  	_ = 	snop;
	(pc) =	sbr.rel @p1 .LBB2_86-.Ltmp43, $4  }
0x3f1: {  	s31 =	spop (v2sf)  }
0x3f2: {  	p0 =	slt.s32 s31, s0  }
0x3f3: {  	s3 =	sadd.s32 $0xFFFFFFFF, s22;
	s22 =	smov.u32 @p0 s13  }
0x3f4: {  	s1 =	smov.u32 @p0 s3;
	s13 =	smov.u32 s22  }
0x3f5: {  	(v2sf) =	vpush v0, $0x6;
	_ =	sdelay $0xd  }
0x3f6: {  	s13 =	simm.s32 $0x0  }
0x3f7: {  	s1 =	simm.s32 $0xFF800000;
	s10 =	simm.s32 $0x0;
	s0 =	spop (v2sf)  }
.LBB2_90:
0x3f8: {  	s5 =	simm.s32 $0x0  }
0x3f9: {  	s3 =	ssub.s32 s1, s13;
	v2 =	vld [tilespmem:s5+$0x300]  }
0x3fa: {  	s3 =	sadd.s32 $0x1, s3;
	v3 =	vld [tilespmem:s5+$0x310]  }
0x3fb: {  	v5 =	vld [tilespmem:s5+$0x320];
	s3 =	sshrl.u32 s3, $0x1  }
0x3fc: {  	v6 =	vld [tilespmem:s5+$0x330];
	s23 =	sadd.s32 s13, s3  }
0x3fd: {  	v4 =	vld [tilespmem:s5+$0x340];
	v1 =	vmov s23  }
0x3fe: {  	vm0 =	vge.u32 v2, v1;
	v2 =	vld [tilespmem:s5+$0x350]  }
0x3ff: {  	v7 =	vmpcnt.ones.xlane vm0;
	vm0 =	vge.u32 v3, v1;
	v3 =	vld [tilespmem:s5+$0x360]  }
0x400: {  	v9 =	vimm.s32 $0x0;
	s4 =	simm.s32 $0x2000;
	s3 =	simm.s32 $0x400;
	vm15 =	vge.u32 v5, v1;
	v5 =	vld [tilespmem:s5+$0x370];
	v8 =	vmpcnt.ones.xlane vm0  }
.LBB2_91:
0x401: {  	p0 =	sne.s32 s4, $0x1F000;
	v10 =	vld [tilespmem:s3+$0x300];
	v7 =	vadd.s32 v9, v7;
	v9 =	vmpcnt.ones.xlane vm15;
	vm0 =	vge.u32 v6, v1  }
0x402: {  	v11 =	vld [tilespmem:s3+$0x310];
	v6 =	vadd.s32 v8, v7;
	v7 =	vmpcnt.ones.xlane vm0;
	vm0 =	vge.u32 v4, v1  }
0x403: {  	v12 =	vld [tilespmem:s3+$0x320];
	v4 =	vadd.s32 v9, v6;
	v8 =	vmpcnt.ones.xlane vm0;
	vm0 =	vge.u32 v2, v1  }
.Ltmp44:
0x404: {  	v6 =	vld [tilespmem:s3+$0x330];
	v2 =	vadd.s32 v7, v4;
	v7 =	vmpcnt.ones.xlane vm0;
	vm0 =	vge.u32 v3, v1;
	(pc) =	sbr.rel @p0 .LBB2_91-.Ltmp44, $4  }
0x405: {  	v4 =	vld [tilespmem:s3+$0x340];
	v3 =	vadd.s32 v8, v2;
	v8 =	vmpcnt.ones.xlane vm0;
	vm0 =	vge.u32 v5, v1  }
0x406: {  	vm15 =	vge.u32 v10, v1;
	v2 =	vld [tilespmem:s3+$0x350];
	v5 =	vadd.s32 v7, v3;
	v9 =	vmpcnt.ones.xlane vm0  }
0x407: {  	v7 =	vmpcnt.ones.xlane vm15;
	vm0 =	vge.u32 v11, v1;
	v3 =	vld [tilespmem:s3+$0x360];
	v10 =	vadd.s32 v8, v5  }
0x408: {  	v8 =	vmpcnt.ones.xlane vm0;
	vm15 =	vge.u32 v12, v1;
	v5 =	vld [tilespmem:s3+$0x370];
	s3 =	sshra.s32 s4, $0x2;
	s4 =	sadd.s32 $0x1000, s4;
	v9 =	vadd.s32 v9, v10  }
0x409: {  	v10 =	vld [tilespmem:s3+$0x300];
	v7 =	vadd.s32 v9, v7;
	v50 =	vmpcnt.ones.xlane vm15;
	vm0 =	vge.u32 v6, v1  }
0x40a: {  	v51 =	vld [tilespmem:s3+$0x310];
	v7 =	vadd.s32 v8, v7;
	v52 =	vmpcnt.ones.xlane vm0;
	vm0 =	vge.u32 v4, v1  }
0x40b: {  	v53 =	vld [tilespmem:s3+$0x320];
	v7 =	vadd.s32 v50, v7;
	v54 =	vmpcnt.ones.xlane vm0;
	vm0 =	vge.u32 v2, v1  }
0x40c: {  	v2 =	vld [tilespmem:s3+$0x330];
	v7 =	vadd.s32 v52, v7;
	v55 =	vmpcnt.ones.xlane vm0;
	vm0 =	vge.u32 v3, v1  }
0x40d: {  	v3 =	vld [tilespmem:s3+$0x340];
	v7 =	vadd.s32 v54, v7;
	v56 =	vmpcnt.ones.xlane vm0;
	vm0 =	vge.u32 v5, v1  }
0x40e: {  	v57 =	vld [tilespmem:s3+$0x350];
	vm15 =	vge.u32 v10, v1;
	v7 =	vadd.s32 v55, v7;
	v58 =	vmpcnt.ones.xlane vm0  }
0x40f: {  	v59 =	vld [tilespmem:s3+$0x360];
	vm0 =	vge.u32 v51, v1;
	v10 =	vmpcnt.ones.xlane vm15;
	v7 =	vadd.s32 v56, v7  }
0x410: {  	v61 =	vld [tilespmem:s3+$0x370];
	v60 =	vmpcnt.ones.xlane vm0;
	vm0 =	vge.u32 v53, v1;
	v7 =	vadd.s32 v58, v7  }
0x411: {  	v62 =	vmpcnt.ones.xlane vm0;
	vm0 =	vge.u32 v2, v1;
	v7 =	vadd.s32 v7, v10  }
0x412: {  	v63 =	vmpcnt.ones.xlane vm0;
	vm0 =	vge.u32 v3, v1;
	v2 =	vadd.s32 v60, v7  }
0x413: {  	v3 =	vmpcnt.ones.xlane vm0;
	vm0 =	vge.u32 v57, v1;
	v2 =	vadd.s32 v62, v2  }
0x414: {  	v5 =	vmpcnt.ones.xlane vm0;
	vm0 =	vge.u32 v59, v1;
	v2 =	vadd.s32 v63, v2  }
0x415: {  	v2 =	vadd.s32 v3, v2;
	v3 =	vmpcnt.ones.xlane vm0;
	vm0 =	vge.u32 v61, v1  }
0x416: {  	v1 =	vadd.s32 v5, v2;
	v2 =	vmpcnt.ones.xlane vm0  }
0x417: {  	v1 =	vadd.s32 v3, v1  }
0x418: {  	v1 =	vadd.s32 v2, v1  }
0x419: {  	(v2sf) =	vpush v1, $0x0;
	_ =	sdelay $0xb  }
0x41a: {  	s10 =	sadd.s32 $0x1, s10  }
0x41b: {  	p1 =	sne.s32 s10, $0x20  }
.Ltmp45:
0x41c: {  	_ = 	snop;
	(pc) =	sbr.rel @p1 .LBB2_90-.Ltmp45, $4  }
0x41d: {  	s31 =	spop (v2sf)  }
0x41e: {  	p0 =	slt.s32 s31, s0  }
0x41f: {  	s3 =	sadd.s32 $0xFFFFFFFF, s23;
	s23 =	smov.u32 @p0 s13  }
0x420: {  	s1 =	smov.u32 @p0 s3;
	s13 =	smov.u32 s23  }
0x421: {  	(v2sf) =	vpush v0, $0x7;
	_ =	sdelay $0xd  }
0x422: {  	s13 =	simm.s32 $0x0  }
0x423: {  	s1 =	simm.s32 $0xFF800000;
	s10 =	simm.s32 $0x0;
	s0 =	spop (v2sf)  }
.LBB2_94:
0x424: {  	s5 =	simm.s32 $0x0  }
0x425: {  	s3 =	ssub.s32 s1, s13;
	v2 =	vld [tilespmem:s5+$0x380]  }
0x426: {  	s3 =	sadd.s32 $0x1, s3;
	v3 =	vld [tilespmem:s5+$0x390]  }
0x427: {  	v5 =	vld [tilespmem:s5+$0x3A0];
	s3 =	sshrl.u32 s3, $0x1  }
0x428: {  	v6 =	vld [tilespmem:s5+$0x3B0];
	s24 =	sadd.s32 s13, s3  }
0x429: {  	v4 =	vld [tilespmem:s5+$0x3C0];
	v1 =	vmov s24  }
0x42a: {  	vm0 =	vge.u32 v2, v1;
	v2 =	vld [tilespmem:s5+$0x3D0]  }
0x42b: {  	v7 =	vmpcnt.ones.xlane vm0;
	vm0 =	vge.u32 v3, v1;
	v3 =	vld [tilespmem:s5+$0x3E0]  }
0x42c: {  	v9 =	vimm.s32 $0x0;
	s4 =	simm.s32 $0x2000;
	s3 =	simm.s32 $0x400;
	vm15 =	vge.u32 v5, v1;
	v5 =	vld [tilespmem:s5+$0x3F0];
	v8 =	vmpcnt.ones.xlane vm0  }
.LBB2_95:
0x42d: {  	p0 =	sne.s32 s4, $0x1F000;
	v10 =	vld [tilespmem:s3+$0x380];
	v7 =	vadd.s32 v9, v7;
	v9 =	vmpcnt.ones.xlane vm15;
	vm0 =	vge.u32 v6, v1  }
0x42e: {  	v11 =	vld [tilespmem:s3+$0x390];
	v6 =	vadd.s32 v8, v7;
	v7 =	vmpcnt.ones.xlane vm0;
	vm0 =	vge.u32 v4, v1  }
0x42f: {  	v12 =	vld [tilespmem:s3+$0x3A0];
	v4 =	vadd.s32 v9, v6;
	v8 =	vmpcnt.ones.xlane vm0;
	vm0 =	vge.u32 v2, v1  }
.Ltmp46:
0x430: {  	v6 =	vld [tilespmem:s3+$0x3B0];
	v2 =	vadd.s32 v7, v4;
	v7 =	vmpcnt.ones.xlane vm0;
	vm0 =	vge.u32 v3, v1;
	(pc) =	sbr.rel @p0 .LBB2_95-.Ltmp46, $4  }
0x431: {  	v4 =	vld [tilespmem:s3+$0x3C0];
	v3 =	vadd.s32 v8, v2;
	v8 =	vmpcnt.ones.xlane vm0;
	vm0 =	vge.u32 v5, v1  }
0x432: {  	vm15 =	vge.u32 v10, v1;
	v2 =	vld [tilespmem:s3+$0x3D0];
	v5 =	vadd.s32 v7, v3;
	v9 =	vmpcnt.ones.xlane vm0  }
0x433: {  	v7 =	vmpcnt.ones.xlane vm15;
	vm0 =	vge.u32 v11, v1;
	v3 =	vld [tilespmem:s3+$0x3E0];
	v10 =	vadd.s32 v8, v5  }
0x434: {  	v8 =	vmpcnt.ones.xlane vm0;
	vm15 =	vge.u32 v12, v1;
	v5 =	vld [tilespmem:s3+$0x3F0];
	s3 =	sshra.s32 s4, $0x2;
	s4 =	sadd.s32 $0x1000, s4;
	v9 =	vadd.s32 v9, v10  }
0x435: {  	v10 =	vld [tilespmem:s3+$0x380];
	v7 =	vadd.s32 v9, v7;
	v50 =	vmpcnt.ones.xlane vm15;
	vm0 =	vge.u32 v6, v1  }
0x436: {  	v51 =	vld [tilespmem:s3+$0x390];
	v7 =	vadd.s32 v8, v7;
	v52 =	vmpcnt.ones.xlane vm0;
	vm0 =	vge.u32 v4, v1  }
0x437: {  	v53 =	vld [tilespmem:s3+$0x3A0];
	v7 =	vadd.s32 v50, v7;
	v54 =	vmpcnt.ones.xlane vm0;
	vm0 =	vge.u32 v2, v1  }
0x438: {  	v2 =	vld [tilespmem:s3+$0x3B0];
	v7 =	vadd.s32 v52, v7;
	v55 =	vmpcnt.ones.xlane vm0;
	vm0 =	vge.u32 v3, v1  }
0x439: {  	v3 =	vld [tilespmem:s3+$0x3C0];
	v7 =	vadd.s32 v54, v7;
	v56 =	vmpcnt.ones.xlane vm0;
	vm0 =	vge.u32 v5, v1  }
0x43a: {  	v57 =	vld [tilespmem:s3+$0x3D0];
	vm15 =	vge.u32 v10, v1;
	v7 =	vadd.s32 v55, v7;
	v58 =	vmpcnt.ones.xlane vm0  }
0x43b: {  	v59 =	vld [tilespmem:s3+$0x3E0];
	vm0 =	vge.u32 v51, v1;
	v10 =	vmpcnt.ones.xlane vm15;
	v7 =	vadd.s32 v56, v7  }
0x43c: {  	v61 =	vld [tilespmem:s3+$0x3F0];
	v60 =	vmpcnt.ones.xlane vm0;
	vm0 =	vge.u32 v53, v1;
	v7 =	vadd.s32 v58, v7  }
0x43d: {  	v62 =	vmpcnt.ones.xlane vm0;
	vm0 =	vge.u32 v2, v1;
	v7 =	vadd.s32 v7, v10  }
0x43e: {  	v63 =	vmpcnt.ones.xlane vm0;
	vm0 =	vge.u32 v3, v1;
	v2 =	vadd.s32 v60, v7  }
0x43f: {  	v3 =	vmpcnt.ones.xlane vm0;
	vm0 =	vge.u32 v57, v1;
	v2 =	vadd.s32 v62, v2  }
0x440: {  	v5 =	vmpcnt.ones.xlane vm0;
	vm0 =	vge.u32 v59, v1;
	v2 =	vadd.s32 v63, v2  }
0x441: {  	v2 =	vadd.s32 v3, v2;
	v3 =	vmpcnt.ones.xlane vm0;
	vm0 =	vge.u32 v61, v1  }
0x442: {  	v1 =	vadd.s32 v5, v2;
	v2 =	vmpcnt.ones.xlane vm0  }
0x443: {  	v1 =	vadd.s32 v3, v1  }
0x444: {  	v1 =	vadd.s32 v2, v1  }
0x445: {  	(v2sf) =	vpush v1, $0x0;
	_ =	sdelay $0xb  }
0x446: {  	s10 =	sadd.s32 $0x1, s10  }
0x447: {  	p1 =	sne.s32 s10, $0x20  }
.Ltmp47:
0x448: {  	_ = 	snop;
	(pc) =	sbr.rel @p1 .LBB2_94-.Ltmp47, $4  }
0x449: {  	s31 =	spop (v2sf)  }
0x44a: {  	p0 =	slt.s32 s31, s0  }
0x44b: {  	s3 =	sadd.s32 $0xFFFFFFFF, s24;
	s24 =	smov.u32 @p0 s13  }
0x44c: {  	s1 =	smov.u32 @p0 s3;
	s13 =	smov.u32 s24  }
0x44d: {  	_ =	swait.ge [sflag:s14], $0x8000  }
0x44e: {  	(v2sf) =	vpush v0, $0x8;
	_ =	sdelay $0xd  }
0x44f: {  	s13 =	simm.s32 $0x0;
	s1 =	simm.s32 $0xFF800000;
	[sflag:s14] =	ssyncset.done $0x0  }
0x450: {  	s10 =	simm.s32 $0x0;
	[sflag:s14] =	ssyncadd.s32 $0xFFFF8000;
	s0 =	spop (v2sf)  }
.LBB2_98:
0x451: {  	s5 =	simm.s32 $0x0  }
0x452: {  	s3 =	ssub.s32 s1, s13;
	v2 =	vld [tilespmem:s5+$0x8000]  }
0x453: {  	s3 =	sadd.s32 $0x1, s3;
	v3 =	vld [tilespmem:s5+$0x8010]  }
0x454: {  	v5 =	vld [tilespmem:s5+$0x8020];
	s3 =	sshrl.u32 s3, $0x1  }
0x455: {  	v6 =	vld [tilespmem:s5+$0x8030];
	s25 =	sadd.s32 s13, s3  }
0x456: {  	v4 =	vld [tilespmem:s5+$0x8040];
	v1 =	vmov s25  }
0x457: {  	vm0 =	vge.u32 v2, v1;
	v2 =	vld [tilespmem:s5+$0x8050]  }
0x458: {  	v7 =	vmpcnt.ones.xlane vm0;
	vm0 =	vge.u32 v3, v1;
	v3 =	vld [tilespmem:s5+$0x8060]  }
0x459: {  	v9 =	vimm.s32 $0x0;
	s4 =	simm.s32 $0x2000;
	s3 =	simm.s32 $0x400;
	vm15 =	vge.u32 v5, v1;
	v5 =	vld [tilespmem:s5+$0x8070];
	v8 =	vmpcnt.ones.xlane vm0  }
.LBB2_99:
0x45a: {  	p0 =	sne.s32 s4, $0x1F000;
	v10 =	vld [tilespmem:s3+$0x8000];
	v7 =	vadd.s32 v9, v7;
	v9 =	vmpcnt.ones.xlane vm15;
	vm0 =	vge.u32 v6, v1  }
0x45b: {  	v11 =	vld [tilespmem:s3+$0x8010];
	v6 =	vadd.s32 v8, v7;
	v7 =	vmpcnt.ones.xlane vm0;
	vm0 =	vge.u32 v4, v1  }
0x45c: {  	v12 =	vld [tilespmem:s3+$0x8020];
	v4 =	vadd.s32 v9, v6;
	v8 =	vmpcnt.ones.xlane vm0;
	vm0 =	vge.u32 v2, v1  }
.Ltmp48:
0x45d: {  	v6 =	vld [tilespmem:s3+$0x8030];
	v2 =	vadd.s32 v7, v4;
	v7 =	vmpcnt.ones.xlane vm0;
	vm0 =	vge.u32 v3, v1;
	(pc) =	sbr.rel @p0 .LBB2_99-.Ltmp48, $4  }
0x45e: {  	v4 =	vld [tilespmem:s3+$0x8040];
	v3 =	vadd.s32 v8, v2;
	v8 =	vmpcnt.ones.xlane vm0;
	vm0 =	vge.u32 v5, v1  }
0x45f: {  	vm15 =	vge.u32 v10, v1;
	v2 =	vld [tilespmem:s3+$0x8050];
	v5 =	vadd.s32 v7, v3;
	v9 =	vmpcnt.ones.xlane vm0  }
0x460: {  	v7 =	vmpcnt.ones.xlane vm15;
	vm0 =	vge.u32 v11, v1;
	v3 =	vld [tilespmem:s3+$0x8060];
	v10 =	vadd.s32 v8, v5  }
0x461: {  	v8 =	vmpcnt.ones.xlane vm0;
	vm15 =	vge.u32 v12, v1;
	v5 =	vld [tilespmem:s3+$0x8070];
	s3 =	sshra.s32 s4, $0x2;
	s4 =	sadd.s32 $0x1000, s4;
	v9 =	vadd.s32 v9, v10  }
0x462: {  	v10 =	vld [tilespmem:s3+$0x8000];
	v7 =	vadd.s32 v9, v7;
	v50 =	vmpcnt.ones.xlane vm15;
	vm0 =	vge.u32 v6, v1  }
0x463: {  	v51 =	vld [tilespmem:s3+$0x8010];
	v7 =	vadd.s32 v8, v7;
	v52 =	vmpcnt.ones.xlane vm0;
	vm0 =	vge.u32 v4, v1  }
0x464: {  	v53 =	vld [tilespmem:s3+$0x8020];
	v7 =	vadd.s32 v50, v7;
	v54 =	vmpcnt.ones.xlane vm0;
	vm0 =	vge.u32 v2, v1  }
0x465: {  	v2 =	vld [tilespmem:s3+$0x8030];
	v7 =	vadd.s32 v52, v7;
	v55 =	vmpcnt.ones.xlane vm0;
	vm0 =	vge.u32 v3, v1  }
0x466: {  	v3 =	vld [tilespmem:s3+$0x8040];
	v7 =	vadd.s32 v54, v7;
	v56 =	vmpcnt.ones.xlane vm0;
	vm0 =	vge.u32 v5, v1  }
0x467: {  	v57 =	vld [tilespmem:s3+$0x8050];
	vm15 =	vge.u32 v10, v1;
	v7 =	vadd.s32 v55, v7;
	v58 =	vmpcnt.ones.xlane vm0  }
0x468: {  	v59 =	vld [tilespmem:s3+$0x8060];
	vm0 =	vge.u32 v51, v1;
	v10 =	vmpcnt.ones.xlane vm15;
	v7 =	vadd.s32 v56, v7  }
0x469: {  	v61 =	vld [tilespmem:s3+$0x8070];
	v60 =	vmpcnt.ones.xlane vm0;
	vm0 =	vge.u32 v53, v1;
	v7 =	vadd.s32 v58, v7  }
0x46a: {  	v62 =	vmpcnt.ones.xlane vm0;
	vm0 =	vge.u32 v2, v1;
	v7 =	vadd.s32 v7, v10  }
0x46b: {  	v63 =	vmpcnt.ones.xlane vm0;
	vm0 =	vge.u32 v3, v1;
	v2 =	vadd.s32 v60, v7  }
0x46c: {  	v3 =	vmpcnt.ones.xlane vm0;
	vm0 =	vge.u32 v57, v1;
	v2 =	vadd.s32 v62, v2  }
0x46d: {  	v5 =	vmpcnt.ones.xlane vm0;
	vm0 =	vge.u32 v59, v1;
	v2 =	vadd.s32 v63, v2  }
0x46e: {  	v2 =	vadd.s32 v3, v2;
	v3 =	vmpcnt.ones.xlane vm0;
	vm0 =	vge.u32 v61, v1  }
0x46f: {  	v1 =	vadd.s32 v5, v2;
	v2 =	vmpcnt.ones.xlane vm0  }
0x470: {  	v1 =	vadd.s32 v3, v1  }
0x471: {  	v1 =	vadd.s32 v2, v1  }
0x472: {  	(v2sf) =	vpush v1, $0x0;
	_ =	sdelay $0xb  }
0x473: {  	s10 =	sadd.s32 $0x1, s10  }
0x474: {  	p1 =	sne.s32 s10, $0x20  }
.Ltmp49:
0x475: {  	_ = 	snop;
	(pc) =	sbr.rel @p1 .LBB2_98-.Ltmp49, $4  }
0x476: {  	s31 =	spop (v2sf)  }
0x477: {  	p0 =	slt.s32 s31, s0  }
0x478: {  	s3 =	sadd.s32 $0xFFFFFFFF, s25;
	s25 =	smov.u32 @p0 s13  }
0x479: {  	s1 =	smov.u32 @p0 s3;
	s13 =	smov.u32 s25  }
0x47a: {  	(v2sf) =	vpush v0, $0x9;
	_ =	sdelay $0xd  }
0x47b: {  	s13 =	simm.s32 $0x0  }
0x47c: {  	s1 =	simm.s32 $0xFF800000;
	s10 =	simm.s32 $0x0;
	s0 =	spop (v2sf)  }
.LBB2_102:
0x47d: {  	s5 =	simm.s32 $0x0  }
0x47e: {  	s3 =	ssub.s32 s1, s13;
	v2 =	vld [tilespmem:s5+$0x8080]  }
0x47f: {  	s3 =	sadd.s32 $0x1, s3;
	v3 =	vld [tilespmem:s5+$0x8090]  }
0x480: {  	v5 =	vld [tilespmem:s5+$0x80A0];
	s3 =	sshrl.u32 s3, $0x1  }
0x481: {  	v6 =	vld [tilespmem:s5+$0x80B0];
	s26 =	sadd.s32 s13, s3  }
0x482: {  	v4 =	vld [tilespmem:s5+$0x80C0];
	v1 =	vmov s26  }
0x483: {  	vm0 =	vge.u32 v2, v1;
	v2 =	vld [tilespmem:s5+$0x80D0]  }
0x484: {  	v7 =	vmpcnt.ones.xlane vm0;
	vm0 =	vge.u32 v3, v1;
	v3 =	vld [tilespmem:s5+$0x80E0]  }
0x485: {  	v9 =	vimm.s32 $0x0;
	s4 =	simm.s32 $0x2000;
	s3 =	simm.s32 $0x400;
	vm15 =	vge.u32 v5, v1;
	v5 =	vld [tilespmem:s5+$0x80F0];
	v8 =	vmpcnt.ones.xlane vm0  }
.LBB2_103:
0x486: {  	p0 =	sne.s32 s4, $0x1F000;
	v10 =	vld [tilespmem:s3+$0x8080];
	v7 =	vadd.s32 v9, v7;
	v9 =	vmpcnt.ones.xlane vm15;
	vm0 =	vge.u32 v6, v1  }
0x487: {  	v11 =	vld [tilespmem:s3+$0x8090];
	v6 =	vadd.s32 v8, v7;
	v7 =	vmpcnt.ones.xlane vm0;
	vm0 =	vge.u32 v4, v1  }
0x488: {  	v12 =	vld [tilespmem:s3+$0x80A0];
	v4 =	vadd.s32 v9, v6;
	v8 =	vmpcnt.ones.xlane vm0;
	vm0 =	vge.u32 v2, v1  }
.Ltmp50:
0x489: {  	v6 =	vld [tilespmem:s3+$0x80B0];
	v2 =	vadd.s32 v7, v4;
	v7 =	vmpcnt.ones.xlane vm0;
	vm0 =	vge.u32 v3, v1;
	(pc) =	sbr.rel @p0 .LBB2_103-.Ltmp50, $4  }
0x48a: {  	v4 =	vld [tilespmem:s3+$0x80C0];
	v3 =	vadd.s32 v8, v2;
	v8 =	vmpcnt.ones.xlane vm0;
	vm0 =	vge.u32 v5, v1  }
0x48b: {  	vm15 =	vge.u32 v10, v1;
	v2 =	vld [tilespmem:s3+$0x80D0];
	v5 =	vadd.s32 v7, v3;
	v9 =	vmpcnt.ones.xlane vm0  }
0x48c: {  	v7 =	vmpcnt.ones.xlane vm15;
	vm0 =	vge.u32 v11, v1;
	v3 =	vld [tilespmem:s3+$0x80E0];
	v10 =	vadd.s32 v8, v5  }
0x48d: {  	v8 =	vmpcnt.ones.xlane vm0;
	vm15 =	vge.u32 v12, v1;
	v5 =	vld [tilespmem:s3+$0x80F0];
	s3 =	sshra.s32 s4, $0x2;
	s4 =	sadd.s32 $0x1000, s4;
	v9 =	vadd.s32 v9, v10  }
0x48e: {  	v10 =	vld [tilespmem:s3+$0x8080];
	v7 =	vadd.s32 v9, v7;
	v50 =	vmpcnt.ones.xlane vm15;
	vm0 =	vge.u32 v6, v1  }
0x48f: {  	v51 =	vld [tilespmem:s3+$0x8090];
	v7 =	vadd.s32 v8, v7;
	v52 =	vmpcnt.ones.xlane vm0;
	vm0 =	vge.u32 v4, v1  }
0x490: {  	v53 =	vld [tilespmem:s3+$0x80A0];
	v7 =	vadd.s32 v50, v7;
	v54 =	vmpcnt.ones.xlane vm0;
	vm0 =	vge.u32 v2, v1  }
0x491: {  	v2 =	vld [tilespmem:s3+$0x80B0];
	v7 =	vadd.s32 v52, v7;
	v55 =	vmpcnt.ones.xlane vm0;
	vm0 =	vge.u32 v3, v1  }
0x492: {  	v3 =	vld [tilespmem:s3+$0x80C0];
	v7 =	vadd.s32 v54, v7;
	v56 =	vmpcnt.ones.xlane vm0;
	vm0 =	vge.u32 v5, v1  }
0x493: {  	v57 =	vld [tilespmem:s3+$0x80D0];
	vm15 =	vge.u32 v10, v1;
	v7 =	vadd.s32 v55, v7;
	v58 =	vmpcnt.ones.xlane vm0  }
0x494: {  	v59 =	vld [tilespmem:s3+$0x80E0];
	vm0 =	vge.u32 v51, v1;
	v10 =	vmpcnt.ones.xlane vm15;
	v7 =	vadd.s32 v56, v7  }
0x495: {  	v61 =	vld [tilespmem:s3+$0x80F0];
	v60 =	vmpcnt.ones.xlane vm0;
	vm0 =	vge.u32 v53, v1;
	v7 =	vadd.s32 v58, v7  }
0x496: {  	v62 =	vmpcnt.ones.xlane vm0;
	vm0 =	vge.u32 v2, v1;
	v7 =	vadd.s32 v7, v10  }
0x497: {  	v63 =	vmpcnt.ones.xlane vm0;
	vm0 =	vge.u32 v3, v1;
	v2 =	vadd.s32 v60, v7  }
0x498: {  	v3 =	vmpcnt.ones.xlane vm0;
	vm0 =	vge.u32 v57, v1;
	v2 =	vadd.s32 v62, v2  }
0x499: {  	v5 =	vmpcnt.ones.xlane vm0;
	vm0 =	vge.u32 v59, v1;
	v2 =	vadd.s32 v63, v2  }
0x49a: {  	v2 =	vadd.s32 v3, v2;
	v3 =	vmpcnt.ones.xlane vm0;
	vm0 =	vge.u32 v61, v1  }
0x49b: {  	v1 =	vadd.s32 v5, v2;
	v2 =	vmpcnt.ones.xlane vm0  }
0x49c: {  	v1 =	vadd.s32 v3, v1  }
0x49d: {  	v1 =	vadd.s32 v2, v1  }
0x49e: {  	(v2sf) =	vpush v1, $0x0;
	_ =	sdelay $0xb  }
0x49f: {  	s10 =	sadd.s32 $0x1, s10  }
0x4a0: {  	p1 =	sne.s32 s10, $0x20  }
.Ltmp51:
0x4a1: {  	_ = 	snop;
	(pc) =	sbr.rel @p1 .LBB2_102-.Ltmp51, $4  }
0x4a2: {  	s31 =	spop (v2sf)  }
0x4a3: {  	p0 =	slt.s32 s31, s0  }
0x4a4: {  	s3 =	sadd.s32 $0xFFFFFFFF, s26;
	s26 =	smov.u32 @p0 s13  }
0x4a5: {  	s1 =	smov.u32 @p0 s3;
	s13 =	smov.u32 s26  }
0x4a6: {  	(v2sf) =	vpush v0, $0xA;
	_ =	sdelay $0xd  }
0x4a7: {  	s13 =	simm.s32 $0x0  }
0x4a8: {  	s1 =	simm.s32 $0xFF800000;
	s10 =	simm.s32 $0x0;
	s0 =	spop (v2sf)  }
.LBB2_106:
0x4a9: {  	s5 =	simm.s32 $0x0  }
0x4aa: {  	s3 =	ssub.s32 s1, s13;
	v2 =	vld [tilespmem:s5+$0x8100]  }
0x4ab: {  	s3 =	sadd.s32 $0x1, s3;
	v3 =	vld [tilespmem:s5+$0x8110]  }
0x4ac: {  	v5 =	vld [tilespmem:s5+$0x8120];
	s3 =	sshrl.u32 s3, $0x1  }
0x4ad: {  	v6 =	vld [tilespmem:s5+$0x8130];
	s28 =	sadd.s32 s13, s3  }
0x4ae: {  	v4 =	vld [tilespmem:s5+$0x8140];
	v1 =	vmov s28  }
0x4af: {  	vm0 =	vge.u32 v2, v1;
	v2 =	vld [tilespmem:s5+$0x8150]  }
0x4b0: {  	v7 =	vmpcnt.ones.xlane vm0;
	vm0 =	vge.u32 v3, v1;
	v3 =	vld [tilespmem:s5+$0x8160]  }
0x4b1: {  	v9 =	vimm.s32 $0x0;
	s4 =	simm.s32 $0x2000;
	s3 =	simm.s32 $0x400;
	vm15 =	vge.u32 v5, v1;
	v5 =	vld [tilespmem:s5+$0x8170];
	v8 =	vmpcnt.ones.xlane vm0  }
.LBB2_107:
0x4b2: {  	p0 =	sne.s32 s4, $0x1F000;
	v10 =	vld [tilespmem:s3+$0x8100];
	v7 =	vadd.s32 v9, v7;
	v9 =	vmpcnt.ones.xlane vm15;
	vm0 =	vge.u32 v6, v1  }
0x4b3: {  	v11 =	vld [tilespmem:s3+$0x8110];
	v6 =	vadd.s32 v8, v7;
	v7 =	vmpcnt.ones.xlane vm0;
	vm0 =	vge.u32 v4, v1  }
0x4b4: {  	v12 =	vld [tilespmem:s3+$0x8120];
	v4 =	vadd.s32 v9, v6;
	v8 =	vmpcnt.ones.xlane vm0;
	vm0 =	vge.u32 v2, v1  }
.Ltmp52:
0x4b5: {  	v6 =	vld [tilespmem:s3+$0x8130];
	v2 =	vadd.s32 v7, v4;
	v7 =	vmpcnt.ones.xlane vm0;
	vm0 =	vge.u32 v3, v1;
	(pc) =	sbr.rel @p0 .LBB2_107-.Ltmp52, $4  }
0x4b6: {  	v4 =	vld [tilespmem:s3+$0x8140];
	v3 =	vadd.s32 v8, v2;
	v8 =	vmpcnt.ones.xlane vm0;
	vm0 =	vge.u32 v5, v1  }
0x4b7: {  	vm15 =	vge.u32 v10, v1;
	v2 =	vld [tilespmem:s3+$0x8150];
	v5 =	vadd.s32 v7, v3;
	v9 =	vmpcnt.ones.xlane vm0  }
0x4b8: {  	v7 =	vmpcnt.ones.xlane vm15;
	vm0 =	vge.u32 v11, v1;
	v3 =	vld [tilespmem:s3+$0x8160];
	v10 =	vadd.s32 v8, v5  }
0x4b9: {  	v8 =	vmpcnt.ones.xlane vm0;
	vm15 =	vge.u32 v12, v1;
	v5 =	vld [tilespmem:s3+$0x8170];
	s3 =	sshra.s32 s4, $0x2;
	s4 =	sadd.s32 $0x1000, s4;
	v9 =	vadd.s32 v9, v10  }
0x4ba: {  	v10 =	vld [tilespmem:s3+$0x8100];
	v7 =	vadd.s32 v9, v7;
	v50 =	vmpcnt.ones.xlane vm15;
	vm0 =	vge.u32 v6, v1  }
0x4bb: {  	v51 =	vld [tilespmem:s3+$0x8110];
	v7 =	vadd.s32 v8, v7;
	v52 =	vmpcnt.ones.xlane vm0;
	vm0 =	vge.u32 v4, v1  }
0x4bc: {  	v53 =	vld [tilespmem:s3+$0x8120];
	v7 =	vadd.s32 v50, v7;
	v54 =	vmpcnt.ones.xlane vm0;
	vm0 =	vge.u32 v2, v1  }
0x4bd: {  	v2 =	vld [tilespmem:s3+$0x8130];
	v7 =	vadd.s32 v52, v7;
	v55 =	vmpcnt.ones.xlane vm0;
	vm0 =	vge.u32 v3, v1  }
0x4be: {  	v3 =	vld [tilespmem:s3+$0x8140];
	v7 =	vadd.s32 v54, v7;
	v56 =	vmpcnt.ones.xlane vm0;
	vm0 =	vge.u32 v5, v1  }
0x4bf: {  	v57 =	vld [tilespmem:s3+$0x8150];
	vm15 =	vge.u32 v10, v1;
	v7 =	vadd.s32 v55, v7;
	v58 =	vmpcnt.ones.xlane vm0  }
0x4c0: {  	v59 =	vld [tilespmem:s3+$0x8160];
	vm0 =	vge.u32 v51, v1;
	v10 =	vmpcnt.ones.xlane vm15;
	v7 =	vadd.s32 v56, v7  }
0x4c1: {  	v61 =	vld [tilespmem:s3+$0x8170];
	v60 =	vmpcnt.ones.xlane vm0;
	vm0 =	vge.u32 v53, v1;
	v7 =	vadd.s32 v58, v7  }
0x4c2: {  	v62 =	vmpcnt.ones.xlane vm0;
	vm0 =	vge.u32 v2, v1;
	v7 =	vadd.s32 v7, v10  }
0x4c3: {  	v63 =	vmpcnt.ones.xlane vm0;
	vm0 =	vge.u32 v3, v1;
	v2 =	vadd.s32 v60, v7  }
0x4c4: {  	v3 =	vmpcnt.ones.xlane vm0;
	vm0 =	vge.u32 v57, v1;
	v2 =	vadd.s32 v62, v2  }
0x4c5: {  	v5 =	vmpcnt.ones.xlane vm0;
	vm0 =	vge.u32 v59, v1;
	v2 =	vadd.s32 v63, v2  }
0x4c6: {  	v2 =	vadd.s32 v3, v2;
	v3 =	vmpcnt.ones.xlane vm0;
	vm0 =	vge.u32 v61, v1  }
0x4c7: {  	v1 =	vadd.s32 v5, v2;
	v2 =	vmpcnt.ones.xlane vm0  }
0x4c8: {  	v1 =	vadd.s32 v3, v1  }
0x4c9: {  	v1 =	vadd.s32 v2, v1  }
0x4ca: {  	(v2sf) =	vpush v1, $0x0;
	_ =	sdelay $0xb  }
0x4cb: {  	s10 =	sadd.s32 $0x1, s10  }
0x4cc: {  	p1 =	sne.s32 s10, $0x20  }
.Ltmp53:
0x4cd: {  	_ = 	snop;
	(pc) =	sbr.rel @p1 .LBB2_106-.Ltmp53, $4  }
0x4ce: {  	s31 =	spop (v2sf)  }
0x4cf: {  	p0 =	slt.s32 s31, s0  }
0x4d0: {  	s3 =	sadd.s32 $0xFFFFFFFF, s28;
	s28 =	smov.u32 @p0 s13  }
0x4d1: {  	s1 =	smov.u32 @p0 s3;
	s13 =	smov.u32 s28  }
0x4d2: {  	(v2sf) =	vpush v0, $0xB;
	_ =	sdelay $0xd  }
0x4d3: {  	s13 =	simm.s32 $0x0  }
0x4d4: {  	s1 =	simm.s32 $0xFF800000;
	s10 =	simm.s32 $0x0;
	s0 =	spop (v2sf)  }
.LBB2_110:
0x4d5: {  	s5 =	simm.s32 $0x0  }
0x4d6: {  	s3 =	ssub.s32 s1, s13;
	v2 =	vld [tilespmem:s5+$0x8180]  }
0x4d7: {  	s3 =	sadd.s32 $0x1, s3;
	v3 =	vld [tilespmem:s5+$0x8190]  }
0x4d8: {  	v5 =	vld [tilespmem:s5+$0x81A0];
	s3 =	sshrl.u32 s3, $0x1  }
0x4d9: {  	v6 =	vld [tilespmem:s5+$0x81B0];
	s29 =	sadd.s32 s13, s3  }
0x4da: {  	v4 =	vld [tilespmem:s5+$0x81C0];
	v1 =	vmov s29  }
0x4db: {  	vm0 =	vge.u32 v2, v1;
	v2 =	vld [tilespmem:s5+$0x81D0]  }
0x4dc: {  	v7 =	vmpcnt.ones.xlane vm0;
	vm0 =	vge.u32 v3, v1;
	v3 =	vld [tilespmem:s5+$0x81E0]  }
0x4dd: {  	v9 =	vimm.s32 $0x0;
	s4 =	simm.s32 $0x2000;
	s3 =	simm.s32 $0x400;
	vm15 =	vge.u32 v5, v1;
	v5 =	vld [tilespmem:s5+$0x81F0];
	v8 =	vmpcnt.ones.xlane vm0  }
.LBB2_111:
0x4de: {  	p0 =	sne.s32 s4, $0x1F000;
	v10 =	vld [tilespmem:s3+$0x8180];
	v7 =	vadd.s32 v9, v7;
	v9 =	vmpcnt.ones.xlane vm15;
	vm0 =	vge.u32 v6, v1  }
0x4df: {  	v11 =	vld [tilespmem:s3+$0x8190];
	v6 =	vadd.s32 v8, v7;
	v7 =	vmpcnt.ones.xlane vm0;
	vm0 =	vge.u32 v4, v1  }
0x4e0: {  	v12 =	vld [tilespmem:s3+$0x81A0];
	v4 =	vadd.s32 v9, v6;
	v8 =	vmpcnt.ones.xlane vm0;
	vm0 =	vge.u32 v2, v1  }
.Ltmp54:
0x4e1: {  	v6 =	vld [tilespmem:s3+$0x81B0];
	v2 =	vadd.s32 v7, v4;
	v7 =	vmpcnt.ones.xlane vm0;
	vm0 =	vge.u32 v3, v1;
	(pc) =	sbr.rel @p0 .LBB2_111-.Ltmp54, $4  }
0x4e2: {  	v4 =	vld [tilespmem:s3+$0x81C0];
	v3 =	vadd.s32 v8, v2;
	v8 =	vmpcnt.ones.xlane vm0;
	vm0 =	vge.u32 v5, v1  }
0x4e3: {  	vm15 =	vge.u32 v10, v1;
	v2 =	vld [tilespmem:s3+$0x81D0];
	v5 =	vadd.s32 v7, v3;
	v9 =	vmpcnt.ones.xlane vm0  }
0x4e4: {  	v7 =	vmpcnt.ones.xlane vm15;
	vm0 =	vge.u32 v11, v1;
	v3 =	vld [tilespmem:s3+$0x81E0];
	v10 =	vadd.s32 v8, v5  }
0x4e5: {  	v8 =	vmpcnt.ones.xlane vm0;
	vm15 =	vge.u32 v12, v1;
	v5 =	vld [tilespmem:s3+$0x81F0];
	s3 =	sshra.s32 s4, $0x2;
	s4 =	sadd.s32 $0x1000, s4;
	v9 =	vadd.s32 v9, v10  }
0x4e6: {  	v10 =	vld [tilespmem:s3+$0x8180];
	v7 =	vadd.s32 v9, v7;
	v50 =	vmpcnt.ones.xlane vm15;
	vm0 =	vge.u32 v6, v1  }
0x4e7: {  	v51 =	vld [tilespmem:s3+$0x8190];
	v7 =	vadd.s32 v8, v7;
	v52 =	vmpcnt.ones.xlane vm0;
	vm0 =	vge.u32 v4, v1  }
0x4e8: {  	v53 =	vld [tilespmem:s3+$0x81A0];
	v7 =	vadd.s32 v50, v7;
	v54 =	vmpcnt.ones.xlane vm0;
	vm0 =	vge.u32 v2, v1  }
0x4e9: {  	v2 =	vld [tilespmem:s3+$0x81B0];
	v7 =	vadd.s32 v52, v7;
	v55 =	vmpcnt.ones.xlane vm0;
	vm0 =	vge.u32 v3, v1  }
0x4ea: {  	v3 =	vld [tilespmem:s3+$0x81C0];
	v7 =	vadd.s32 v54, v7;
	v56 =	vmpcnt.ones.xlane vm0;
	vm0 =	vge.u32 v5, v1  }
0x4eb: {  	v57 =	vld [tilespmem:s3+$0x81D0];
	vm15 =	vge.u32 v10, v1;
	v7 =	vadd.s32 v55, v7;
	v58 =	vmpcnt.ones.xlane vm0  }
0x4ec: {  	v59 =	vld [tilespmem:s3+$0x81E0];
	vm0 =	vge.u32 v51, v1;
	v10 =	vmpcnt.ones.xlane vm15;
	v7 =	vadd.s32 v56, v7  }
0x4ed: {  	v61 =	vld [tilespmem:s3+$0x81F0];
	v60 =	vmpcnt.ones.xlane vm0;
	vm0 =	vge.u32 v53, v1;
	v7 =	vadd.s32 v58, v7  }
0x4ee: {  	v62 =	vmpcnt.ones.xlane vm0;
	vm0 =	vge.u32 v2, v1;
	v7 =	vadd.s32 v7, v10  }
0x4ef: {  	v63 =	vmpcnt.ones.xlane vm0;
	vm0 =	vge.u32 v3, v1;
	v2 =	vadd.s32 v60, v7  }
0x4f0: {  	v3 =	vmpcnt.ones.xlane vm0;
	vm0 =	vge.u32 v57, v1;
	v2 =	vadd.s32 v62, v2  }
0x4f1: {  	v5 =	vmpcnt.ones.xlane vm0;
	vm0 =	vge.u32 v59, v1;
	v2 =	vadd.s32 v63, v2  }
0x4f2: {  	v2 =	vadd.s32 v3, v2;
	v3 =	vmpcnt.ones.xlane vm0;
	vm0 =	vge.u32 v61, v1  }
0x4f3: {  	v1 =	vadd.s32 v5, v2;
	v2 =	vmpcnt.ones.xlane vm0  }
0x4f4: {  	v1 =	vadd.s32 v3, v1  }
0x4f5: {  	v1 =	vadd.s32 v2, v1  }
0x4f6: {  	(v2sf) =	vpush v1, $0x0;
	_ =	sdelay $0xb  }
0x4f7: {  	s10 =	sadd.s32 $0x1, s10  }
0x4f8: {  	p1 =	sne.s32 s10, $0x20  }
.Ltmp55:
0x4f9: {  	_ = 	snop;
	(pc) =	sbr.rel @p1 .LBB2_110-.Ltmp55, $4  }
0x4fa: {  	s31 =	spop (v2sf)  }
0x4fb: {  	p0 =	slt.s32 s31, s0  }
0x4fc: {  	s3 =	sadd.s32 $0xFFFFFFFF, s29;
	s29 =	smov.u32 @p0 s13  }
0x4fd: {  	s1 =	smov.u32 @p0 s3;
	s13 =	smov.u32 s29  }
0x4fe: {  	(v2sf) =	vpush v0, $0xC;
	_ =	sdelay $0xd  }
0x4ff: {  	s13 =	simm.s32 $0x0  }
0x500: {  	s1 =	simm.s32 $0xFF800000;
	s10 =	simm.s32 $0x0;
	s0 =	spop (v2sf)  }
.LBB2_114:
0x501: {  	s5 =	simm.s32 $0x0  }
0x502: {  	s3 =	ssub.s32 s1, s13;
	v2 =	vld [tilespmem:s5+$0x8200]  }
0x503: {  	s3 =	sadd.s32 $0x1, s3;
	v3 =	vld [tilespmem:s5+$0x8210]  }
0x504: {  	v5 =	vld [tilespmem:s5+$0x8220];
	s3 =	sshrl.u32 s3, $0x1  }
0x505: {  	v6 =	vld [tilespmem:s5+$0x8230];
	s30 =	sadd.s32 s13, s3  }
0x506: {  	v4 =	vld [tilespmem:s5+$0x8240];
	v1 =	vmov s30  }
0x507: {  	vm0 =	vge.u32 v2, v1;
	v2 =	vld [tilespmem:s5+$0x8250]  }
0x508: {  	v7 =	vmpcnt.ones.xlane vm0;
	vm0 =	vge.u32 v3, v1;
	v3 =	vld [tilespmem:s5+$0x8260]  }
0x509: {  	v9 =	vimm.s32 $0x0;
	s4 =	simm.s32 $0x2000;
	s3 =	simm.s32 $0x400;
	vm15 =	vge.u32 v5, v1;
	v5 =	vld [tilespmem:s5+$0x8270];
	v8 =	vmpcnt.ones.xlane vm0  }
.LBB2_115:
0x50a: {  	p0 =	sne.s32 s4, $0x1F000;
	v10 =	vld [tilespmem:s3+$0x8200];
	v7 =	vadd.s32 v9, v7;
	v9 =	vmpcnt.ones.xlane vm15;
	vm0 =	vge.u32 v6, v1  }
0x50b: {  	v11 =	vld [tilespmem:s3+$0x8210];
	v6 =	vadd.s32 v8, v7;
	v7 =	vmpcnt.ones.xlane vm0;
	vm0 =	vge.u32 v4, v1  }
0x50c: {  	v12 =	vld [tilespmem:s3+$0x8220];
	v4 =	vadd.s32 v9, v6;
	v8 =	vmpcnt.ones.xlane vm0;
	vm0 =	vge.u32 v2, v1  }
.Ltmp56:
0x50d: {  	v6 =	vld [tilespmem:s3+$0x8230];
	v2 =	vadd.s32 v7, v4;
	v7 =	vmpcnt.ones.xlane vm0;
	vm0 =	vge.u32 v3, v1;
	(pc) =	sbr.rel @p0 .LBB2_115-.Ltmp56, $4  }
0x50e: {  	v4 =	vld [tilespmem:s3+$0x8240];
	v3 =	vadd.s32 v8, v2;
	v8 =	vmpcnt.ones.xlane vm0;
	vm0 =	vge.u32 v5, v1  }
0x50f: {  	vm15 =	vge.u32 v10, v1;
	v2 =	vld [tilespmem:s3+$0x8250];
	v5 =	vadd.s32 v7, v3;
	v9 =	vmpcnt.ones.xlane vm0  }
0x510: {  	v7 =	vmpcnt.ones.xlane vm15;
	vm0 =	vge.u32 v11, v1;
	v3 =	vld [tilespmem:s3+$0x8260];
	v10 =	vadd.s32 v8, v5  }
0x511: {  	v8 =	vmpcnt.ones.xlane vm0;
	vm15 =	vge.u32 v12, v1;
	v5 =	vld [tilespmem:s3+$0x8270];
	s3 =	sshra.s32 s4, $0x2;
	s4 =	sadd.s32 $0x1000, s4;
	v9 =	vadd.s32 v9, v10  }
0x512: {  	v10 =	vld [tilespmem:s3+$0x8200];
	v7 =	vadd.s32 v9, v7;
	v50 =	vmpcnt.ones.xlane vm15;
	vm0 =	vge.u32 v6, v1  }
0x513: {  	v51 =	vld [tilespmem:s3+$0x8210];
	v7 =	vadd.s32 v8, v7;
	v52 =	vmpcnt.ones.xlane vm0;
	vm0 =	vge.u32 v4, v1  }
0x514: {  	v53 =	vld [tilespmem:s3+$0x8220];
	v7 =	vadd.s32 v50, v7;
	v54 =	vmpcnt.ones.xlane vm0;
	vm0 =	vge.u32 v2, v1  }
0x515: {  	v2 =	vld [tilespmem:s3+$0x8230];
	v7 =	vadd.s32 v52, v7;
	v55 =	vmpcnt.ones.xlane vm0;
	vm0 =	vge.u32 v3, v1  }
0x516: {  	v3 =	vld [tilespmem:s3+$0x8240];
	v7 =	vadd.s32 v54, v7;
	v56 =	vmpcnt.ones.xlane vm0;
	vm0 =	vge.u32 v5, v1  }
0x517: {  	v57 =	vld [tilespmem:s3+$0x8250];
	vm15 =	vge.u32 v10, v1;
	v7 =	vadd.s32 v55, v7;
	v58 =	vmpcnt.ones.xlane vm0  }
0x518: {  	v59 =	vld [tilespmem:s3+$0x8260];
	vm0 =	vge.u32 v51, v1;
	v10 =	vmpcnt.ones.xlane vm15;
	v7 =	vadd.s32 v56, v7  }
0x519: {  	v61 =	vld [tilespmem:s3+$0x8270];
	v60 =	vmpcnt.ones.xlane vm0;
	vm0 =	vge.u32 v53, v1;
	v7 =	vadd.s32 v58, v7  }
0x51a: {  	v62 =	vmpcnt.ones.xlane vm0;
	vm0 =	vge.u32 v2, v1;
	v7 =	vadd.s32 v7, v10  }
0x51b: {  	v63 =	vmpcnt.ones.xlane vm0;
	vm0 =	vge.u32 v3, v1;
	v2 =	vadd.s32 v60, v7  }
0x51c: {  	v3 =	vmpcnt.ones.xlane vm0;
	vm0 =	vge.u32 v57, v1;
	v2 =	vadd.s32 v62, v2  }
0x51d: {  	v5 =	vmpcnt.ones.xlane vm0;
	vm0 =	vge.u32 v59, v1;
	v2 =	vadd.s32 v63, v2  }
0x51e: {  	v2 =	vadd.s32 v3, v2;
	v3 =	vmpcnt.ones.xlane vm0;
	vm0 =	vge.u32 v61, v1  }
0x51f: {  	v1 =	vadd.s32 v5, v2;
	v2 =	vmpcnt.ones.xlane vm0  }
0x520: {  	v1 =	vadd.s32 v3, v1  }
0x521: {  	v1 =	vadd.s32 v2, v1  }
0x522: {  	(v2sf) =	vpush v1, $0x0;
	_ =	sdelay $0xb  }
0x523: {  	s10 =	sadd.s32 $0x1, s10  }
0x524: {  	p1 =	sne.s32 s10, $0x20  }
.Ltmp57:
0x525: {  	_ = 	snop;
	(pc) =	sbr.rel @p1 .LBB2_114-.Ltmp57, $4  }
0x526: {  	s31 =	spop (v2sf)  }
0x527: {  	p0 =	slt.s32 s31, s0  }
0x528: {  	s3 =	sadd.s32 $0xFFFFFFFF, s30;
	s30 =	smov.u32 @p0 s13  }
0x529: {  	s1 =	smov.u32 @p0 s3;
	s13 =	smov.u32 s30  }
0x52a: {  	(v2sf) =	vpush v0, $0xD;
	_ =	sdelay $0xd  }
0x52b: {  	s13 =	simm.s32 $0x0  }
0x52c: {  	s1 =	simm.s32 $0xFF800000;
	s10 =	simm.s32 $0x0;
	s0 =	spop (v2sf)  }
.LBB2_118:
0x52d: {  	s5 =	simm.s32 $0x0  }
0x52e: {  	s3 =	ssub.s32 s1, s13;
	v2 =	vld [tilespmem:s5+$0x8280]  }
0x52f: {  	s3 =	sadd.s32 $0x1, s3;
	v3 =	vld [tilespmem:s5+$0x8290]  }
0x530: {  	v5 =	vld [tilespmem:s5+$0x82A0];
	s3 =	sshrl.u32 s3, $0x1  }
0x531: {  	v6 =	vld [tilespmem:s5+$0x82B0];
	s31 =	sadd.s32 s13, s3  }
0x532: {  	v4 =	vld [tilespmem:s5+$0x82C0];
	v1 =	vmov s31  }
0x533: {  	vm0 =	vge.u32 v2, v1;
	v2 =	vld [tilespmem:s5+$0x82D0]  }
0x534: {  	v7 =	vmpcnt.ones.xlane vm0;
	vm0 =	vge.u32 v3, v1;
	v3 =	vld [tilespmem:s5+$0x82E0]  }
0x535: {  	v9 =	vimm.s32 $0x0;
	s4 =	simm.s32 $0x2000;
	s3 =	simm.s32 $0x400;
	vm15 =	vge.u32 v5, v1;
	v5 =	vld [tilespmem:s5+$0x82F0];
	v8 =	vmpcnt.ones.xlane vm0  }
.LBB2_119:
0x536: {  	p0 =	sne.s32 s4, $0x1F000;
	v10 =	vld [tilespmem:s3+$0x8280];
	v7 =	vadd.s32 v9, v7;
	v9 =	vmpcnt.ones.xlane vm15;
	vm0 =	vge.u32 v6, v1  }
0x537: {  	v11 =	vld [tilespmem:s3+$0x8290];
	v6 =	vadd.s32 v8, v7;
	v7 =	vmpcnt.ones.xlane vm0;
	vm0 =	vge.u32 v4, v1  }
0x538: {  	v12 =	vld [tilespmem:s3+$0x82A0];
	v4 =	vadd.s32 v9, v6;
	v8 =	vmpcnt.ones.xlane vm0;
	vm0 =	vge.u32 v2, v1  }
.Ltmp58:
0x539: {  	v6 =	vld [tilespmem:s3+$0x82B0];
	v2 =	vadd.s32 v7, v4;
	v7 =	vmpcnt.ones.xlane vm0;
	vm0 =	vge.u32 v3, v1;
	(pc) =	sbr.rel @p0 .LBB2_119-.Ltmp58, $4  }
0x53a: {  	v4 =	vld [tilespmem:s3+$0x82C0];
	v3 =	vadd.s32 v8, v2;
	v8 =	vmpcnt.ones.xlane vm0;
	vm0 =	vge.u32 v5, v1  }
0x53b: {  	vm15 =	vge.u32 v10, v1;
	v2 =	vld [tilespmem:s3+$0x82D0];
	v5 =	vadd.s32 v7, v3;
	v9 =	vmpcnt.ones.xlane vm0  }
0x53c: {  	v7 =	vmpcnt.ones.xlane vm15;
	vm0 =	vge.u32 v11, v1;
	v3 =	vld [tilespmem:s3+$0x82E0];
	v10 =	vadd.s32 v8, v5  }
0x53d: {  	v8 =	vmpcnt.ones.xlane vm0;
	vm15 =	vge.u32 v12, v1;
	v5 =	vld [tilespmem:s3+$0x82F0];
	s3 =	sshra.s32 s4, $0x2;
	s4 =	sadd.s32 $0x1000, s4;
	v9 =	vadd.s32 v9, v10  }
0x53e: {  	v10 =	vld [tilespmem:s3+$0x8280];
	v7 =	vadd.s32 v9, v7;
	v50 =	vmpcnt.ones.xlane vm15;
	vm0 =	vge.u32 v6, v1  }
0x53f: {  	v51 =	vld [tilespmem:s3+$0x8290];
	v7 =	vadd.s32 v8, v7;
	v52 =	vmpcnt.ones.xlane vm0;
	vm0 =	vge.u32 v4, v1  }
0x540: {  	v53 =	vld [tilespmem:s3+$0x82A0];
	v7 =	vadd.s32 v50, v7;
	v54 =	vmpcnt.ones.xlane vm0;
	vm0 =	vge.u32 v2, v1  }
0x541: {  	v2 =	vld [tilespmem:s3+$0x82B0];
	v7 =	vadd.s32 v52, v7;
	v55 =	vmpcnt.ones.xlane vm0;
	vm0 =	vge.u32 v3, v1  }
0x542: {  	v3 =	vld [tilespmem:s3+$0x82C0];
	v7 =	vadd.s32 v54, v7;
	v56 =	vmpcnt.ones.xlane vm0;
	vm0 =	vge.u32 v5, v1  }
0x543: {  	v57 =	vld [tilespmem:s3+$0x82D0];
	vm15 =	vge.u32 v10, v1;
	v7 =	vadd.s32 v55, v7;
	v58 =	vmpcnt.ones.xlane vm0  }
0x544: {  	v59 =	vld [tilespmem:s3+$0x82E0];
	vm0 =	vge.u32 v51, v1;
	v10 =	vmpcnt.ones.xlane vm15;
	v7 =	vadd.s32 v56, v7  }
0x545: {  	v61 =	vld [tilespmem:s3+$0x82F0];
	v60 =	vmpcnt.ones.xlane vm0;
	vm0 =	vge.u32 v53, v1;
	v7 =	vadd.s32 v58, v7  }
0x546: {  	v62 =	vmpcnt.ones.xlane vm0;
	vm0 =	vge.u32 v2, v1;
	v7 =	vadd.s32 v7, v10  }
0x547: {  	v63 =	vmpcnt.ones.xlane vm0;
	vm0 =	vge.u32 v3, v1;
	v2 =	vadd.s32 v60, v7  }
0x548: {  	v3 =	vmpcnt.ones.xlane vm0;
	vm0 =	vge.u32 v57, v1;
	v2 =	vadd.s32 v62, v2  }
0x549: {  	v5 =	vmpcnt.ones.xlane vm0;
	vm0 =	vge.u32 v59, v1;
	v2 =	vadd.s32 v63, v2  }
0x54a: {  	v2 =	vadd.s32 v3, v2;
	v3 =	vmpcnt.ones.xlane vm0;
	vm0 =	vge.u32 v61, v1  }
0x54b: {  	v1 =	vadd.s32 v5, v2;
	v2 =	vmpcnt.ones.xlane vm0  }
0x54c: {  	v1 =	vadd.s32 v3, v1  }
0x54d: {  	v1 =	vadd.s32 v2, v1  }
0x54e: {  	(v2sf) =	vpush v1, $0x0;
	_ =	sdelay $0xb  }
0x54f: {  	s10 =	sadd.s32 $0x1, s10  }
0x550: {  	p1 =	sne.s32 s10, $0x20  }
.Ltmp59:
0x551: {  	_ = 	snop;
	(pc) =	sbr.rel @p1 .LBB2_118-.Ltmp59, $4  }
0x552: {  	s15 =	spop (v2sf)  }
0x553: {  	p0 =	slt.s32 s15, s0  }
0x554: {  	s3 =	sadd.s32 $0xFFFFFFFF, s31;
	s31 =	smov.u32 @p0 s13  }
0x555: {  	s1 =	smov.u32 @p0 s3;
	s13 =	smov.u32 s31  }
0x556: {  	(v2sf) =	vpush v0, $0xE;
	_ =	sdelay $0xd  }
0x557: {  	s13 =	simm.s32 $0x0  }
0x558: {  	s10 =	simm.s32 $0xFF800000;
	s15 =	simm.s32 $0x0;
	s1 =	spop (v2sf)  }
.LBB2_122:
0x559: {  	s5 =	simm.s32 $0x0  }
0x55a: {  	s0 =	ssub.s32 s10, s13;
	v2 =	vld [tilespmem:s5+$0x8300]  }
0x55b: {  	s0 =	sadd.s32 $0x1, s0;
	v3 =	vld [tilespmem:s5+$0x8310]  }
0x55c: {  	v5 =	vld [tilespmem:s5+$0x8320];
	s0 =	sshrl.u32 s0, $0x1  }
0x55d: {  	v6 =	vld [tilespmem:s5+$0x8330];
	s0 =	sadd.s32 s13, s0  }
0x55e: {  	v4 =	vld [tilespmem:s5+$0x8340];
	v1 =	vmov s0  }
0x55f: {  	vm0 =	vge.u32 v2, v1;
	v2 =	vld [tilespmem:s5+$0x8350]  }
0x560: {  	v7 =	vmpcnt.ones.xlane vm0;
	vm0 =	vge.u32 v3, v1;
	v3 =	vld [tilespmem:s5+$0x8360]  }
0x561: {  	v9 =	vimm.s32 $0x0;
	s3 =	simm.s32 $0x400;
	s4 =	simm.s32 $0x2000;
	vm15 =	vge.u32 v5, v1;
	v5 =	vld [tilespmem:s5+$0x8370];
	v8 =	vmpcnt.ones.xlane vm0  }
.LBB2_123:
0x562: {  	p0 =	sne.s32 s4, $0x1F000;
	v10 =	vld [tilespmem:s3+$0x8300];
	v7 =	vadd.s32 v9, v7;
	v9 =	vmpcnt.ones.xlane vm15;
	vm0 =	vge.u32 v6, v1  }
0x563: {  	v11 =	vld [tilespmem:s3+$0x8310];
	v6 =	vadd.s32 v8, v7;
	v7 =	vmpcnt.ones.xlane vm0;
	vm0 =	vge.u32 v4, v1  }
0x564: {  	v12 =	vld [tilespmem:s3+$0x8320];
	v4 =	vadd.s32 v9, v6;
	v8 =	vmpcnt.ones.xlane vm0;
	vm0 =	vge.u32 v2, v1  }
.Ltmp60:
0x565: {  	v6 =	vld [tilespmem:s3+$0x8330];
	v2 =	vadd.s32 v7, v4;
	v7 =	vmpcnt.ones.xlane vm0;
	vm0 =	vge.u32 v3, v1;
	(pc) =	sbr.rel @p0 .LBB2_123-.Ltmp60, $4  }
0x566: {  	v4 =	vld [tilespmem:s3+$0x8340];
	v3 =	vadd.s32 v8, v2;
	v8 =	vmpcnt.ones.xlane vm0;
	vm0 =	vge.u32 v5, v1  }
0x567: {  	vm15 =	vge.u32 v10, v1;
	v2 =	vld [tilespmem:s3+$0x8350];
	v5 =	vadd.s32 v7, v3;
	v9 =	vmpcnt.ones.xlane vm0  }
0x568: {  	v7 =	vmpcnt.ones.xlane vm15;
	vm0 =	vge.u32 v11, v1;
	v3 =	vld [tilespmem:s3+$0x8360];
	v10 =	vadd.s32 v8, v5  }
0x569: {  	v8 =	vmpcnt.ones.xlane vm0;
	vm15 =	vge.u32 v12, v1;
	v5 =	vld [tilespmem:s3+$0x8370];
	s3 =	sshra.s32 s4, $0x2;
	s4 =	sadd.s32 $0x1000, s4;
	v9 =	vadd.s32 v9, v10  }
0x56a: {  	v10 =	vld [tilespmem:s3+$0x8300];
	v7 =	vadd.s32 v9, v7;
	v50 =	vmpcnt.ones.xlane vm15;
	vm0 =	vge.u32 v6, v1  }
0x56b: {  	v51 =	vld [tilespmem:s3+$0x8310];
	v7 =	vadd.s32 v8, v7;
	v52 =	vmpcnt.ones.xlane vm0;
	vm0 =	vge.u32 v4, v1  }
0x56c: {  	v53 =	vld [tilespmem:s3+$0x8320];
	v7 =	vadd.s32 v50, v7;
	v54 =	vmpcnt.ones.xlane vm0;
	vm0 =	vge.u32 v2, v1  }
0x56d: {  	v2 =	vld [tilespmem:s3+$0x8330];
	v7 =	vadd.s32 v52, v7;
	v55 =	vmpcnt.ones.xlane vm0;
	vm0 =	vge.u32 v3, v1  }
0x56e: {  	v3 =	vld [tilespmem:s3+$0x8340];
	v7 =	vadd.s32 v54, v7;
	v56 =	vmpcnt.ones.xlane vm0;
	vm0 =	vge.u32 v5, v1  }
0x56f: {  	v57 =	vld [tilespmem:s3+$0x8350];
	vm15 =	vge.u32 v10, v1;
	v7 =	vadd.s32 v55, v7;
	v58 =	vmpcnt.ones.xlane vm0  }
0x570: {  	v59 =	vld [tilespmem:s3+$0x8360];
	vm0 =	vge.u32 v51, v1;
	v10 =	vmpcnt.ones.xlane vm15;
	v7 =	vadd.s32 v56, v7  }
0x571: {  	v61 =	vld [tilespmem:s3+$0x8370];
	v60 =	vmpcnt.ones.xlane vm0;
	vm0 =	vge.u32 v53, v1;
	v7 =	vadd.s32 v58, v7  }
0x572: {  	v62 =	vmpcnt.ones.xlane vm0;
	vm0 =	vge.u32 v2, v1;
	v7 =	vadd.s32 v7, v10  }
0x573: {  	v63 =	vmpcnt.ones.xlane vm0;
	vm0 =	vge.u32 v3, v1;
	v2 =	vadd.s32 v60, v7  }
0x574: {  	v3 =	vmpcnt.ones.xlane vm0;
	vm0 =	vge.u32 v57, v1;
	v2 =	vadd.s32 v62, v2  }
0x575: {  	v5 =	vmpcnt.ones.xlane vm0;
	vm0 =	vge.u32 v59, v1;
	v2 =	vadd.s32 v63, v2  }
0x576: {  	v2 =	vadd.s32 v3, v2;
	v3 =	vmpcnt.ones.xlane vm0;
	vm0 =	vge.u32 v61, v1  }
0x577: {  	v1 =	vadd.s32 v5, v2;
	v2 =	vmpcnt.ones.xlane vm0  }
0x578: {  	v1 =	vadd.s32 v3, v1  }
0x579: {  	v1 =	vadd.s32 v2, v1  }
0x57a: {  	(v2sf) =	vpush v1, $0x0;
	_ =	sdelay $0xb  }
0x57b: {  	s15 =	sadd.s32 $0x1, s15  }
0x57c: {  	p1 =	sne.s32 s15, $0x20  }
.Ltmp61:
0x57d: {  	_ = 	snop;
	(pc) =	sbr.rel @p1 .LBB2_122-.Ltmp61, $4  }
0x57e: {  	s6 =	spop (v2sf)  }
0x57f: {  	p0 =	slt.s32 s6, s1  }
0x580: {  	s3 =	sadd.s32 $0xFFFFFFFF, s0;
	s0 =	smov.u32 @p0 s13  }
0x581: {  	s10 =	smov.u32 @p0 s3;
	s13 =	smov.u32 s0  }
0x582: {  	(v2sf) =	vpush v0, $0xF;
	_ =	sdelay $0xd  }
0x583: {  	s13 =	simm.s32 $0x0  }
0x584: {  	s10 =	simm.s32 $0xFF800000;
	s15 =	simm.s32 $0x0;
	s1 =	spop (v2sf)  }
.LBB2_126:
0x585: {  	s6 =	simm.s32 $0x0  }
0x586: {  	s3 =	ssub.s32 s10, s13;
	v1 =	vld [tilespmem:s6+$0x8380]  }
0x587: {  	s3 =	sadd.s32 $0x1, s3;
	v2 =	vld [tilespmem:s6+$0x8390]  }
0x588: {  	v4 =	vld [tilespmem:s6+$0x83A0];
	s3 =	sshrl.u32 s3, $0x1  }
0x589: {  	v5 =	vld [tilespmem:s6+$0x83B0];
	s3 =	sadd.s32 s13, s3  }
0x58a: {  	v3 =	vld [tilespmem:s6+$0x83C0];
	v0 =	vmov s3  }
0x58b: {  	vm0 =	vge.u32 v1, v0;
	v1 =	vld [tilespmem:s6+$0x83D0]  }
0x58c: {  	v6 =	vmpcnt.ones.xlane vm0;
	vm0 =	vge.u32 v2, v0;
	v2 =	vld [tilespmem:s6+$0x83E0]  }
0x58d: {  	v8 =	vimm.s32 $0x0;
	s4 =	simm.s32 $0x400;
	s5 =	simm.s32 $0x2000;
	vm15 =	vge.u32 v4, v0;
	v4 =	vld [tilespmem:s6+$0x83F0];
	v7 =	vmpcnt.ones.xlane vm0  }
.LBB2_127:
0x58e: {  	p0 =	sne.s32 s5, $0x1F000;
	v9 =	vld [tilespmem:s4+$0x8380];
	v6 =	vadd.s32 v8, v6;
	v8 =	vmpcnt.ones.xlane vm15;
	vm0 =	vge.u32 v5, v0  }
0x58f: {  	v10 =	vld [tilespmem:s4+$0x8390];
	v5 =	vadd.s32 v7, v6;
	v6 =	vmpcnt.ones.xlane vm0;
	vm0 =	vge.u32 v3, v0  }
0x590: {  	v11 =	vld [tilespmem:s4+$0x83A0];
	v3 =	vadd.s32 v8, v5;
	v7 =	vmpcnt.ones.xlane vm0;
	vm0 =	vge.u32 v1, v0  }
.Ltmp62:
0x591: {  	v5 =	vld [tilespmem:s4+$0x83B0];
	v1 =	vadd.s32 v6, v3;
	v6 =	vmpcnt.ones.xlane vm0;
	vm0 =	vge.u32 v2, v0;
	(pc) =	sbr.rel @p0 .LBB2_127-.Ltmp62, $4  }
0x592: {  	v3 =	vld [tilespmem:s4+$0x83C0];
	v2 =	vadd.s32 v7, v1;
	v7 =	vmpcnt.ones.xlane vm0;
	vm0 =	vge.u32 v4, v0  }
0x593: {  	vm15 =	vge.u32 v9, v0;
	v1 =	vld [tilespmem:s4+$0x83D0];
	v4 =	vadd.s32 v6, v2;
	v8 =	vmpcnt.ones.xlane vm0  }
0x594: {  	v6 =	vmpcnt.ones.xlane vm15;
	vm0 =	vge.u32 v10, v0;
	v2 =	vld [tilespmem:s4+$0x83E0];
	v9 =	vadd.s32 v7, v4  }
0x595: {  	v7 =	vmpcnt.ones.xlane vm0;
	vm15 =	vge.u32 v11, v0;
	v4 =	vld [tilespmem:s4+$0x83F0];
	s4 =	sshra.s32 s5, $0x2;
	s5 =	sadd.s32 $0x1000, s5;
	v8 =	vadd.s32 v8, v9  }
0x596: {  	v9 =	vld [tilespmem:s4+$0x8380];
	v6 =	vadd.s32 v8, v6;
	v44 =	vmpcnt.ones.xlane vm15;
	vm0 =	vge.u32 v5, v0  }
0x597: {  	v45 =	vld [tilespmem:s4+$0x8390];
	v6 =	vadd.s32 v7, v6;
	v46 =	vmpcnt.ones.xlane vm0;
	vm0 =	vge.u32 v3, v0  }
0x598: {  	v47 =	vld [tilespmem:s4+$0x83A0];
	v6 =	vadd.s32 v44, v6;
	v48 =	vmpcnt.ones.xlane vm0;
	vm0 =	vge.u32 v1, v0  }
0x599: {  	v49 =	vld [tilespmem:s4+$0x83B0];
	v6 =	vadd.s32 v46, v6;
	v50 =	vmpcnt.ones.xlane vm0;
	vm0 =	vge.u32 v2, v0  }
0x59a: {  	v51 =	vld [tilespmem:s4+$0x83C0];
	v6 =	vadd.s32 v48, v6;
	v52 =	vmpcnt.ones.xlane vm0;
	vm0 =	vge.u32 v4, v0  }
0x59b: {  	v53 =	vld [tilespmem:s4+$0x83D0];
	vm15 =	vge.u32 v9, v0;
	v6 =	vadd.s32 v50, v6;
	v54 =	vmpcnt.ones.xlane vm0  }
0x59c: {  	v55 =	vld [tilespmem:s4+$0x83E0];
	vm0 =	vge.u32 v45, v0;
	v9 =	vmpcnt.ones.xlane vm15;
	v6 =	vadd.s32 v52, v6  }
0x59d: {  	v57 =	vld [tilespmem:s4+$0x83F0];
	v56 =	vmpcnt.ones.xlane vm0;
	vm0 =	vge.u32 v47, v0;
	v6 =	vadd.s32 v54, v6  }
0x59e: {  	v58 =	vmpcnt.ones.xlane vm0;
	vm0 =	vge.u32 v49, v0;
	v6 =	vadd.s32 v6, v9  }
0x59f: {  	v60 =	vmpcnt.ones.xlane vm0;
	vm0 =	vge.u32 v51, v0;
	v59 =	vadd.s32 v56, v6  }
0x5a0: {  	v2 =	vmpcnt.ones.xlane vm0;
	vm0 =	vge.u32 v53, v0;
	v1 =	vadd.s32 v58, v59  }
0x5a1: {  	v4 =	vmpcnt.ones.xlane vm0;
	vm0 =	vge.u32 v55, v0;
	v1 =	vadd.s32 v60, v1  }
0x5a2: {  	v61 =	vmpcnt.ones.xlane vm0;
	vm0 =	vge.u32 v57, v0;
	v1 =	vadd.s32 v2, v1  }
0x5a3: {  	v63 =	vmpcnt.ones.xlane vm0;
	v62 =	vadd.s32 v4, v1  }
0x5a4: {  	v0 =	vadd.s32 v61, v62  }
0x5a5: {  	v0 =	vadd.s32 v63, v0  }
0x5a6: {  	(v2sf) =	vpush v0, $0x0;
	_ =	sdelay $0xb  }
0x5a7: {  	s15 =	sadd.s32 $0x1, s15  }
0x5a8: {  	p1 =	sne.s32 s15, $0x20  }
.Ltmp63:
0x5a9: {  	_ = 	snop;
	(pc) =	sbr.rel @p1 .LBB2_126-.Ltmp63, $4  }
0x5aa: {  	s6 =	spop (v2sf)  }
0x5ab: {  	p0 =	slt.s32 s6, s1  }
0x5ac: {  	s4 =	sadd.s32 $0xFFFFFFFF, s3;
	s3 =	smov.u32 @p0 s13  }
0x5ad: {  	s10 =	smov.u32 @p0 s4;
	s13 =	smov.u32 s3  }
0x5ae: {  	v0 =	vmov s3;
	vm0 =	vcmask $0x300  }
0x5af: {  	v0 =	vsel vm0, s17, v0  }
0x5b0: {  	v0 =	vsel vm1, s18, v0  }
0x5b1: {  	v0 =	vsel vm2, s19, v0  }
0x5b2: {  	v0 =	vsel vm3, s20, v0  }
0x5b3: {  	v0 =	vsel vm4, s21, v0  }
0x5b4: {  	v0 =	vsel vm5, s22, v0  }
0x5b5: {  	v0 =	vsel vm6, s23, v0  }
0x5b6: {  	v0 =	vsel vm7, s24, v0  }
0x5b7: {  	v0 =	vsel vm8, s25, v0  }
0x5b8: {  	v0 =	vsel vm9, s26, v0  }
0x5b9: {  	v0 =	vsel vm10, s28, v0  }
0x5ba: {  	v0 =	vsel vm11, s29, v0  }
0x5bb: {  	v0 =	vsel vm12, s30, v0  }
0x5bc: {  	s16 =	sadd.s32 $0x1, s16;
	v0 =	vsel vm13, s31, v0  }
0x5bd: {  	p0 =	sne.s32 s16, s9;
	v0 =	vsel vm14, s0, v0  }
.Ltmp64:
0x5be: {  	s31 =	simm.s32 $0x10080;
	[tilespmem:$0x10090] =	vst v0;
	(pc) =	sbr.rel @p0 .LBB2_1-.Ltmp64, $4  }
0x5bf: {  	[hbm4b:s8+s2] =	stream.linear.scatter [tilespmem:s31], [sflag:$0x3], $0x20, $0x38;
	[tilespmem:$0x10100] =	vst v63  }
0x5c0: {  	_ =	swait.ge [sflag:s11], $0x20  }
0x5c1: {  	[sflag:s11] =	ssyncset.done $0x0  }
0x5c2: {  	[sflag:s11] =	ssyncadd.s32 $0xFFFFFFE0  }
0x5c3: {  	_ =	sfence.sel $0x180000  }
0x5c4: {  	[bflag:$0x0] =	sbarrier.arrive $0xFFFF  }
0x5c5: {  	_ =	strace $0x90000047  }
0x5c6: {  	s0 =	stileid.u32;
	[bflag:$0x2] =	sbarrier.arrive $0xFFFF  }
0x5c7: {  	p0 =	sne.s32 s0, $0x0;
	s0 =	rddreg [dreg:$0x1]  }
0x5c8: {  	s0 =	sadd.s32 @!p0 $0x100000, s0  }
0x5c9: {  	[sflag:s0] =	ssyncadd.tile.s32 @!p0 $0x1;
	_ =	shalt  }
.Lfunc_end2:
_tile_overlayer_lowered:
.L_overlay_start_2:
0x5ca: {  	(tag) =	ssettag $0x2  }
0x5cb: {  	s0 =	rddreg [dreg:$0x0];
	s2 =	stileid.u32  }
0x5cc: {  	s1 =	rddreg [dreg:$0x1];
	p0 =	sne.s32 s2, $0x0  }
0x5cd: {  	s3 =	rddreg [dreg:$0x2];
	[bflag:$0x3] =	sbarrier.arrive $0xFFFF;
	s2 =	simm.s32 @!p0 $0x1C03  }
0x5ce: {  	[timem:s3], [sflag:s2] =	dma.local @!p0 [hbm:s0], s1  }
0x5cf: {  	s0 =	simm.s32 @!p0 $0x3  }
0x5d0: {  	_ =	swait.ge @!p0 [sflag:s0], s1  }
0x5d1: {  	s1 =	ssub.s32 @!p0 $0x0, s1;
	[sflag:s0] =	ssyncset.done @!p0 $0x0  }
0x5d2: {  	[sflag:s0] =	ssyncadd.s32 @!p0 s1  }
0x5d3: {  	[bflag:$0x3] =	sbarrier.arrive $0xFFFF  }
0x5d4: {  	_ =	shalt  }

</sc_bundles>
